<compile_context>
chip_gen: v7x
topology: tpu7x:2x2x1
jax: 0.10.2.dev20260603
libtpu: 0.0.44.dev20260713+nightly
codegen_flags: <defaults>
</compile_context>

<pallas_src>
import jax
import jax.numpy as jnp
from jax import lax
from jax.experimental import pallas as pl
from jax.experimental.pallas import tpu as pltpu
from jax.experimental.pallas import tpu_sc as plsc

_VOCAB = 1000000
_T = 200
_EMB = 64
_B = 4096
_L = 200

_NTOK = _B * _L
_NW = 32
_TOK_PER_W = _NTOK // _NW
_PIECE = 128
_NP = 4
_CHUNK = _PIECE * _NP
_NCHUNK = _TOK_PER_W // _CHUNK
_NPAIR = _NCHUNK // 2
_BLK_PER_W = _TOK_PER_W // _PIECE
_NBLK = _NTOK // _PIECE
_NGRP = _CHUNK // 16


def _sc_body(idx_hbm, pos_hbm, msk_hbm, wtab_hbm, ptab_hbm, out_hbm,
             idx_s, pos_s, msk_s, buf, ptab, gsem, osem, ism):
    cid = lax.axis_index("c")
    sid = lax.axis_index("s")
    wid = sid * 2 + cid
    blk_base = wid * _BLK_PER_W

    pltpu.sync_copy(ptab_hbm, ptab)

    iota = lax.iota(jnp.int32, 16)
    coffs = [iota + q * 16 for q in range(4)]

    def idx_copies(g, par):
        blk0 = blk_base + g * _NP
        return [
            (idx_hbm.at[pl.ds(blk0, _NP)], idx_s[par]),
            (pos_hbm.at[pl.ds(blk0, _NP)], pos_s[par]),
            (msk_hbm.at[pl.ds(blk0, _NP)], msk_s[par]),
        ]

    def stage_idx(g, par):
        for src, dst in idx_copies(g, par):
            pltpu.async_copy(src, dst, ism[par])

    def wait_idx(g, par):
        for src, dst in idx_copies(g, par):
            pltpu.make_async_copy(src, dst, ism[par]).wait()

    def fire_gathers(g, par):
        for j in range(_NP):
            pltpu.async_copy(wtab_hbm.at[idx_s[par].at[j]],
                             buf[par].at[pl.ds(j * _PIECE, _PIECE)],
                             gsem[par])

    def wait_gathers(par):
        for j in range(_NP):
            pltpu.make_async_copy(wtab_hbm.at[idx_s[par].at[j]],
                                  buf[par].at[pl.ds(j * _PIECE, _PIECE)],
                                  gsem[par]).wait()

    def out_slice(g):
        return out_hbm.at[pl.ds((blk_base + g * _NP) * _PIECE, _CHUNK)]

    def fire_writeout(g, par):
        pltpu.async_copy(buf[par], out_slice(g), osem[par])

    def wait_writeout(g, par):
        pltpu.make_async_copy(buf[par], out_slice(g), osem[par]).wait()

    def splat(v, l):
        return jnp.take_along_axis(
            v, jnp.full((16,), l, jnp.int32), axis=0,
            mode="promise_in_bounds")

    def compute(par):
        def grp(gi, c2):
            j = gi // 8
            k = gi - j * 8
            idxv = idx_s[par][j, pl.ds(k * 16, 16)]
            posv = pos_s[par][j, pl.ds(k * 16, 16)]
            mv = msk_s[par][j, pl.ds(k * 16, 16)]
            nz = jnp.where(idxv == 2, 0.0, 1.0)
            sw = nz * mv
            pos64 = posv * 64
            all_one = jnp.min(jnp.where(sw == 1.0, 1.0, 0.0)) == 1.0
            tokbase = gi * 16

            @pl.when(all_one)
            def _fast():
                psp = splat(pos64, 0)
                prev = [plsc.load_gather(ptab, [psp + coffs[q]])
                        for q in range(4)]
                for l in range(1, 16):
                    psp = splat(pos64, l)
                    cur = []
                    for q in range(4):
                        cur.append(plsc.load_gather(ptab, [psp + coffs[q]]))
                        plsc.addupdate(
                            buf[par].at[tokbase + l - 1, pl.ds(q * 16, 16)],
                            prev[q])
                    prev = cur
                for q in range(4):
                    plsc.addupdate(
                        buf[par].at[tokbase + 15, pl.ds(q * 16, 16)], prev[q])

            @pl.when(jnp.logical_not(all_one))
            def _slow():
                for l in range(16):
                    psp = splat(pos64, l)
                    swsp = splat(sw, l)
                    msp = splat(mv, l)
                    tok = tokbase + l
                    for q in range(4):
                        w = buf[par][tok, pl.ds(q * 16, 16)]
                        p = plsc.load_gather(ptab, [psp + coffs[q]])
                        buf[par][tok, pl.ds(q * 16, 16)] = w * swsp + p * msp

            return c2

        lax.fori_loop(0, _NGRP, grp, 0)

    stage_idx(0, 0)
    wait_idx(0, 0)
    fire_gathers(0, 0)
    stage_idx(1, 1)

    def half(i, g, par):
        wait_gathers(par)
        compute(par)
        fire_writeout(g, par)

        @pl.when(g + 2 < _NCHUNK)
        def _():
            stage_idx(g + 2, par)

        @pl.when(g + 1 < _NCHUNK)
        def _():
            @pl.when(g > 0)
            def _():
                wait_writeout(g - 1, 1 - par)

            wait_idx(g + 1, 1 - par)
            fire_gathers(g + 1, 1 - par)

    def pair_body(i, carry):
        half(i, i * 2, 0)
        half(i, i * 2 + 1, 1)
        return carry

    lax.fori_loop(0, _NPAIR, pair_body, 0)
    wait_writeout(_NCHUNK - 2, 0)
    wait_writeout(_NCHUNK - 1, 1)


_mesh = plsc.VectorSubcoreMesh(core_axis_name="c", subcore_axis_name="s")

_sc_call = pl.kernel(
    _sc_body,
    out_type=jax.ShapeDtypeStruct((_NTOK, _EMB), jnp.float32),
    mesh=_mesh,
    scratch_types=[
        [pltpu.VMEM((_NP, _PIECE), jnp.int32) for _ in range(2)],
        [pltpu.VMEM((_NP, _PIECE), jnp.int32) for _ in range(2)],
        [pltpu.VMEM((_NP, _PIECE), jnp.float32) for _ in range(2)],
        [pltpu.VMEM((_CHUNK, _EMB), jnp.float32) for _ in range(2)],
        pltpu.VMEM((_T * _EMB,), jnp.float32),
        [pltpu.SemaphoreType.DMA for _ in range(2)],
        [pltpu.SemaphoreType.DMA for _ in range(2)],
        [pltpu.SemaphoreType.DMA for _ in range(2)],
    ],
    compiler_params=pltpu.CompilerParams(
        use_tc_tiling_on_sc=False, needs_layout_passes=False),
)


def kernel(inputs, mask, position, word_emb, position_emb):
    idx2d = inputs.reshape(_NBLK, _PIECE)
    pos2d = position.reshape(_NBLK, _PIECE)
    msk2d = mask.reshape(_NBLK, _PIECE)
    ptab_flat = position_emb.reshape(_T * _EMB)
    out = _sc_call(idx2d, pos2d, msk2d, word_emb, ptab_flat)
    return out.reshape(_B, _L, _EMB)

# --- scband reference (transcript-rebuilt; emitter-appended) ---
"""Pipeline reference for scband-input-embedding-58514634441357 (READ-ONLY COPY).

The authoritative reference and input builder live on the scoring server;
editing this copy changes nothing except your own understanding.
"""

import jax, jax.numpy as jnp
import numpy as np

VOCAB = 1000000
T = 200
EMB = 64
B = 4096
L = 200

def setup_inputs(seed: int = 0) -> dict:
    key = jax.random.key(seed)
    k1, k2, k3, k4 = jax.random.split(key, 4)
    inputs = jax.random.randint(k1, (B, L), 0, VOCAB, dtype=jnp.int64 if jax.config.read('jax_enable_x64') else jnp.int32).astype(jnp.int32)
    mask = jnp.ones((B, L, 1), dtype=jnp.float32)
    position = jax.random.randint(k2, (B, L), 0, T, dtype=jnp.int32)
    word_emb = jax.random.normal(k3, (VOCAB, EMB), dtype=jnp.float32)
    position_emb = jax.random.normal(k4, (T, EMB), dtype=jnp.float32)
    return {"inputs": inputs, "mask": mask, "position": position, "word_emb": word_emb, "position_emb": position_emb}

def reference(inputs, mask, position, word_emb, position_emb):
    # padding_idx=2 semantics: row 2 of word embedding is zero
    W = word_emb.at[2].set(0.0)
    out = jnp.take(W, inputs, axis=0) + jnp.take(position_emb, position, axis=0)
    out = out * mask.astype(jnp.float32)
    return out

if __name__ == "__main__":
    import jax
    _d = setup_inputs()
    print(jax.jit(kernel)(*tuple(_d.values())))

</pallas_src>

<mosaic_0001>
#map = affine_map<(d0, d1) -> (0, 0)>
#map1 = affine_map<(d0, d1) -> (0)>
module attributes {stable_mosaic.version = 14 : i64} {
  func.func @_sc_body(%arg0: i32, %arg1: i32, %arg2: memref<6400x128xi32, #tpu.memory_space<hbm>>, %arg3: memref<6400x128xi32, #tpu.memory_space<hbm>>, %arg4: memref<6400x128xf32, #tpu.memory_space<hbm>>, %arg5: memref<1000000x64xf32, #tpu.memory_space<hbm>>, %arg6: memref<12800xf32, #tpu.memory_space<hbm>>, %arg7: memref<819200x64xf32, #tpu.memory_space<hbm>>, %arg8: memref<4x128xi32, #tpu.memory_space<vmem>>, %arg9: memref<4x128xi32, #tpu.memory_space<vmem>>, %arg10: memref<4x128xi32, #tpu.memory_space<vmem>>, %arg11: memref<4x128xi32, #tpu.memory_space<vmem>>, %arg12: memref<4x128xf32, #tpu.memory_space<vmem>>, %arg13: memref<4x128xf32, #tpu.memory_space<vmem>>, %arg14: memref<512x64xf32, #tpu.memory_space<vmem>>, %arg15: memref<512x64xf32, #tpu.memory_space<vmem>>, %arg16: memref<12800xf32, #tpu.memory_space<vmem>>, %arg17: memref<!tpu.dma_semaphore, #tpu.memory_space<semaphore_mem>>, %arg18: memref<!tpu.dma_semaphore, #tpu.memory_space<semaphore_mem>>, %arg19: memref<!tpu.dma_semaphore, #tpu.memory_space<semaphore_mem>>, %arg20: memref<!tpu.dma_semaphore, #tpu.memory_space<semaphore_mem>>, %arg21: memref<!tpu.dma_semaphore, #tpu.memory_space<semaphore_mem>>, %arg22: memref<!tpu.dma_semaphore, #tpu.memory_space<semaphore_mem>>) attributes {dimension_semantics = [#tpu.dimension_semantics<core_parallel>, #tpu.dimension_semantics<subcore_parallel>], iteration_bounds = array<i64: 2, 16>, scalar_prefetch = 0 : i64, scratch_operands = 15 : i64, tpu.core_type = #tpu.core_type<sc_vector_subcore>, window_params = [{transform_indices = #map}, {transform_indices = #map}, {transform_indices = #map}, {transform_indices = #map}, {transform_indices = #map1}, {transform_indices = #map}]} {
    %mul3A = arith.constant 2 : i32
    %mul3A_0 = arith.muli %arg1, %mul3A : i32
    %add3A = arith.addi %mul3A_0, %arg0 : i32
    %mul3A_1 = arith.constant 200 : i32
    %mul3A_2 = arith.muli %add3A, %mul3A_1 : i32
    "tpu.region"() ({
      %run_scoped3A = tpu.sem_alloc : memref<!tpu.dma_semaphore, #tpu.memory_space<semaphore_mem>>
      tpu.enqueue_dma source(%arg6 : memref<12800xf32, #tpu.memory_space<hbm>>) target(%arg16 : memref<12800xf32, #tpu.memory_space<vmem>>) target_semaphore(%run_scoped3A : memref<!tpu.dma_semaphore, #tpu.memory_space<semaphore_mem>>)
      tpu.wait_dma2 semaphore(%run_scoped3A : memref<!tpu.dma_semaphore, #tpu.memory_space<semaphore_mem>>) src(%arg6 : memref<12800xf32, #tpu.memory_space<hbm>>) dst(%arg16 : memref<12800xf32, #tpu.memory_space<vmem>>)
      tpu.yield
    }) : () -> ()
    %iota3A = tpu.iota {dimensions = array<i32: 0>} : vector<16xi32>
    %add3A_3 = arith.constant 0 : i32
    %add3A_4 = vector.broadcast %add3A_3 : i32 to vector<16xi32>
    %add3A_5 = arith.addi %iota3A, %add3A_4 : vector<16xi32>
    %add3A_6 = arith.constant 16 : i32
    %add3A_7 = vector.broadcast %add3A_6 : i32 to vector<16xi32>
    %add3A_8 = arith.addi %iota3A, %add3A_7 : vector<16xi32>
    %add3A_9 = arith.constant 32 : i32
    %add3A_10 = vector.broadcast %add3A_9 : i32 to vector<16xi32>
    %add3A_11 = arith.addi %iota3A, %add3A_10 : vector<16xi32>
    %add3A_12 = arith.constant 48 : i32
    %add3A_13 = vector.broadcast %add3A_12 : i32 to vector<16xi32>
    %add3A_14 = arith.addi %iota3A, %add3A_13 : vector<16xi32>
    %add3A_15 = arith.constant 0 : i32
    %add3A_16 = arith.addi %mul3A_2, %add3A_15 : i32
    %dma_start3A = arith.constant 0 : i32
    %dma_start3A_17 = tpu.memref_slice %arg2[%add3A_16, %dma_start3A] : memref<6400x128xi32, #tpu.memory_space<hbm>> -> memref<4x128xi32, #tpu.memory_space<hbm>>
    %dma_start3A_18 = arith.constant 0 : i32
    %dma_start3A_19 = tpu.memref_slice %arg2[%add3A_16, %dma_start3A_18] : memref<6400x128xi32, #tpu.memory_space<hbm>> -> memref<4x128xi32, #tpu.memory_space<hbm>>
    tpu.enqueue_dma source(%dma_start3A_19 : memref<4x128xi32, #tpu.memory_space<hbm>>) target(%arg8 : memref<4x128xi32, #tpu.memory_space<vmem>>) target_semaphore(%arg21 : memref<!tpu.dma_semaphore, #tpu.memory_space<semaphore_mem>>)
    %dma_start3A_20 = arith.constant 0 : i32
    %dma_start3A_21 = tpu.memref_slice %arg3[%add3A_16, %dma_start3A_20] : memref<6400x128xi32, #tpu.memory_space<hbm>> -> memref<4x128xi32, #tpu.memory_space<hbm>>
    %dma_start3A_22 = arith.constant 0 : i32
    %dma_start3A_23 = tpu.memref_slice %arg3[%add3A_16, %dma_start3A_22] : memref<6400x128xi32, #tpu.memory_space<hbm>> -> memref<4x128xi32, #tpu.memory_space<hbm>>
    tpu.enqueue_dma source(%dma_start3A_23 : memref<4x128xi32, #tpu.memory_space<hbm>>) target(%arg10 : memref<4x128xi32, #tpu.memory_space<vmem>>) target_semaphore(%arg21 : memref<!tpu.dma_semaphore, #tpu.memory_space<semaphore_mem>>)
    %dma_start3A_24 = arith.constant 0 : i32
    %dma_start3A_25 = tpu.memref_slice %arg4[%add3A_16, %dma_start3A_24] : memref<6400x128xf32, #tpu.memory_space<hbm>> -> memref<4x128xf32, #tpu.memory_space<hbm>>
    %dma_start3A_26 = arith.constant 0 : i32
    %dma_start3A_27 = tpu.memref_slice %arg4[%add3A_16, %dma_start3A_26] : memref<6400x128xf32, #tpu.memory_space<hbm>> -> memref<4x128xf32, #tpu.memory_space<hbm>>
    tpu.enqueue_dma source(%dma_start3A_27 : memref<4x128xf32, #tpu.memory_space<hbm>>) target(%arg12 : memref<4x128xf32, #tpu.memory_space<vmem>>) target_semaphore(%arg21 : memref<!tpu.dma_semaphore, #tpu.memory_space<semaphore_mem>>)
    %add3A_28 = arith.constant 0 : i32
    %add3A_29 = arith.addi %mul3A_2, %add3A_28 : i32
    %dma_wait3A = arith.constant 0 : i32
    %dma_wait3A_30 = tpu.memref_slice %arg2[%add3A_29, %dma_wait3A] : memref<6400x128xi32, #tpu.memory_space<hbm>> -> memref<4x128xi32, #tpu.memory_space<hbm>>
    %dma_wait3A_31 = arith.constant 0 : i32
    %dma_wait3A_32 = tpu.memref_slice %arg2[%add3A_29, %dma_wait3A_31] : memref<6400x128xi32, #tpu.memory_space<hbm>> -> memref<4x128xi32, #tpu.memory_space<hbm>>
    tpu.wait_dma2 semaphore(%arg21 : memref<!tpu.dma_semaphore, #tpu.memory_space<semaphore_mem>>) src(%dma_wait3A_32 : memref<4x128xi32, #tpu.memory_space<hbm>>) dst(%arg8 : memref<4x128xi32, #tpu.memory_space<vmem>>)
    %dma_wait3A_33 = arith.constant 0 : i32
    %dma_wait3A_34 = tpu.memref_slice %arg3[%add3A_29, %dma_wait3A_33] : memref<6400x128xi32, #tpu.memory_space<hbm>> -> memref<4x128xi32, #tpu.memory_space<hbm>>
    %dma_wait3A_35 = arith.constant 0 : i32
    %dma_wait3A_36 = tpu.memref_slice %arg3[%add3A_29, %dma_wait3A_35] : memref<6400x128xi32, #tpu.memory_space<hbm>> -> memref<4x128xi32, #tpu.memory_space<hbm>>
    tpu.wait_dma2 semaphore(%arg21 : memref<!tpu.dma_semaphore, #tpu.memory_space<semaphore_mem>>) src(%dma_wait3A_36 : memref<4x128xi32, #tpu.memory_space<hbm>>) dst(%arg10 : memref<4x128xi32, #tpu.memory_space<vmem>>)
    %dma_wait3A_37 = arith.constant 0 : i32
    %dma_wait3A_38 = tpu.memref_slice %arg4[%add3A_29, %dma_wait3A_37] : memref<6400x128xf32, #tpu.memory_space<hbm>> -> memref<4x128xf32, #tpu.memory_space<hbm>>
    %dma_wait3A_39 = arith.constant 0 : i32
    %dma_wait3A_40 = tpu.memref_slice %arg4[%add3A_29, %dma_wait3A_39] : memref<6400x128xf32, #tpu.memory_space<hbm>> -> memref<4x128xf32, #tpu.memory_space<hbm>>
    tpu.wait_dma2 semaphore(%arg21 : memref<!tpu.dma_semaphore, #tpu.memory_space<semaphore_mem>>) src(%dma_wait3A_40 : memref<4x128xf32, #tpu.memory_space<hbm>>) dst(%arg12 : memref<4x128xf32, #tpu.memory_space<vmem>>)
    %dma_start3A_41 = arith.constant 0 : i32
    %dma_start3A_42 = arith.constant 0 : i32
    %dma_start3A_43 = arith.constant 0 : i32
    %dma_start3A_44 = tpu.memref_slice %arg14[%dma_start3A_42, %dma_start3A_43] : memref<512x64xf32, #tpu.memory_space<vmem>> -> memref<128x64xf32, #tpu.memory_space<vmem>>
    %dma_start3A_45 = arith.constant 0 : i32
    %dma_start3A_46 = tpu.memref_slice %arg8[%dma_start3A_41, %dma_start3A_45] : memref<4x128xi32, #tpu.memory_space<vmem>> -> memref<1x128xi32, #tpu.memory_space<vmem>>
    %dma_start3A_47 = tpu.memref_squeeze %dma_start3A_46 : memref<1x128xi32, #tpu.memory_space<vmem>> -> memref<128xi32, #tpu.memory_space<vmem>>
    %dma_start3A_48 = arith.constant 0 : i32
    %dma_start3A_49 = arith.constant 0 : i32
    %dma_start3A_50 = tpu.memref_slice %arg5[%dma_start3A_48, %dma_start3A_49] : memref<1000000x64xf32, #tpu.memory_space<hbm>> -> memref<1000000x64xf32, #tpu.memory_space<hbm>>
    tpu.enqueue_indirect_dma source(%dma_start3A_50 : memref<1000000x64xf32, #tpu.memory_space<hbm>>) target(%dma_start3A_44 : memref<128x64xf32, #tpu.memory_space<vmem>>) offsets(%dma_start3A_47 : memref<128xi32, #tpu.memory_space<vmem>>) semaphore(%arg17 : memref<!tpu.dma_semaphore, #tpu.memory_space<semaphore_mem>>)
    %dma_start3A_51 = arith.constant 1 : i32
    %dma_start3A_52 = arith.constant 128 : i32
    %dma_start3A_53 = arith.constant 0 : i32
    %dma_start3A_54 = tpu.memref_slice %arg14[%dma_start3A_52, %dma_start3A_53] : memref<512x64xf32, #tpu.memory_space<vmem>> -> memref<128x64xf32, #tpu.memory_space<vmem>>
    %dma_start3A_55 = arith.constant 0 : i32
    %dma_start3A_56 = tpu.memref_slice %arg8[%dma_start3A_51, %dma_start3A_55] : memref<4x128xi32, #tpu.memory_space<vmem>> -> memref<1x128xi32, #tpu.memory_space<vmem>>
    %dma_start3A_57 = tpu.memref_squeeze %dma_start3A_56 : memref<1x128xi32, #tpu.memory_space<vmem>> -> memref<128xi32, #tpu.memory_space<vmem>>
    %dma_start3A_58 = arith.constant 0 : i32
    %dma_start3A_59 = arith.constant 0 : i32
    %dma_start3A_60 = tpu.memref_slice %arg5[%dma_start3A_58, %dma_start3A_59] : memref<1000000x64xf32, #tpu.memory_space<hbm>> -> memref<1000000x64xf32, #tpu.memory_space<hbm>>
    tpu.enqueue_indirect_dma source(%dma_start3A_60 : memref<1000000x64xf32, #tpu.memory_space<hbm>>) target(%dma_start3A_54 : memref<128x64xf32, #tpu.memory_space<vmem>>) offsets(%dma_start3A_57 : memref<128xi32, #tpu.memory_space<vmem>>) semaphore(%arg17 : memref<!tpu.dma_semaphore, #tpu.memory_space<semaphore_mem>>)
    %dma_start3A_61 = arith.constant 2 : i32
    %dma_start3A_62 = arith.constant 256 : i32
    %dma_start3A_63 = arith.constant 0 : i32
    %dma_start3A_64 = tpu.memref_slice %arg14[%dma_start3A_62, %dma_start3A_63] : memref<512x64xf32, #tpu.memory_space<vmem>> -> memref<128x64xf32, #tpu.memory_space<vmem>>
    %dma_start3A_65 = arith.constant 0 : i32
    %dma_start3A_66 = tpu.memref_slice %arg8[%dma_start3A_61, %dma_start3A_65] : memref<4x128xi32, #tpu.memory_space<vmem>> -> memref<1x128xi32, #tpu.memory_space<vmem>>
    %dma_start3A_67 = tpu.memref_squeeze %dma_start3A_66 : memref<1x128xi32, #tpu.memory_space<vmem>> -> memref<128xi32, #tpu.memory_space<vmem>>
    %dma_start3A_68 = arith.constant 0 : i32
    %dma_start3A_69 = arith.constant 0 : i32
    %dma_start3A_70 = tpu.memref_slice %arg5[%dma_start3A_68, %dma_start3A_69] : memref<1000000x64xf32, #tpu.memory_space<hbm>> -> memref<1000000x64xf32, #tpu.memory_space<hbm>>
    tpu.enqueue_indirect_dma source(%dma_start3A_70 : memref<1000000x64xf32, #tpu.memory_space<hbm>>) target(%dma_start3A_64 : memref<128x64xf32, #tpu.memory_space<vmem>>) offsets(%dma_start3A_67 : memref<128xi32, #tpu.memory_space<vmem>>) semaphore(%arg17 : memref<!tpu.dma_semaphore, #tpu.memory_space<semaphore_mem>>)
    %dma_start3A_71 = arith.constant 3 : i32
    %dma_start3A_72 = arith.constant 384 : i32
    %dma_start3A_73 = arith.constant 0 : i32
    %dma_start3A_74 = tpu.memref_slice %arg14[%dma_start3A_72, %dma_start3A_73] : memref<512x64xf32, #tpu.memory_space<vmem>> -> memref<128x64xf32, #tpu.memory_space<vmem>>
    %dma_start3A_75 = arith.constant 0 : i32
    %dma_start3A_76 = tpu.memref_slice %arg8[%dma_start3A_71, %dma_start3A_75] : memref<4x128xi32, #tpu.memory_space<vmem>> -> memref<1x128xi32, #tpu.memory_space<vmem>>
    %dma_start3A_77 = tpu.memref_squeeze %dma_start3A_76 : memref<1x128xi32, #tpu.memory_space<vmem>> -> memref<128xi32, #tpu.memory_space<vmem>>
    %dma_start3A_78 = arith.constant 0 : i32
    %dma_start3A_79 = arith.constant 0 : i32
    %dma_start3A_80 = tpu.memref_slice %arg5[%dma_start3A_78, %dma_start3A_79] : memref<1000000x64xf32, #tpu.memory_space<hbm>> -> memref<1000000x64xf32, #tpu.memory_space<hbm>>
    tpu.enqueue_indirect_dma source(%dma_start3A_80 : memref<1000000x64xf32, #tpu.memory_space<hbm>>) target(%dma_start3A_74 : memref<128x64xf32, #tpu.memory_space<vmem>>) offsets(%dma_start3A_77 : memref<128xi32, #tpu.memory_space<vmem>>) semaphore(%arg17 : memref<!tpu.dma_semaphore, #tpu.memory_space<semaphore_mem>>)
    %add3A_81 = arith.constant 4 : i32
    %add3A_82 = arith.addi %mul3A_2, %add3A_81 : i32
    %dma_start3A_83 = arith.constant 0 : i32
    %dma_start3A_84 = tpu.memref_slice %arg2[%add3A_82, %dma_start3A_83] : memref<6400x128xi32, #tpu.memory_space<hbm>> -> memref<4x128xi32, #tpu.memory_space<hbm>>
    %dma_start3A_85 = arith.constant 0 : i32
    %dma_start3A_86 = tpu.memref_slice %arg2[%add3A_82, %dma_start3A_85] : memref<6400x128xi32, #tpu.memory_space<hbm>> -> memref<4x128xi32, #tpu.memory_space<hbm>>
    tpu.enqueue_dma source(%dma_start3A_86 : memref<4x128xi32, #tpu.memory_space<hbm>>) target(%arg9 : memref<4x128xi32, #tpu.memory_space<vmem>>) target_semaphore(%arg22 : memref<!tpu.dma_semaphore, #tpu.memory_space<semaphore_mem>>)
    %dma_start3A_87 = arith.constant 0 : i32
    %dma_start3A_88 = tpu.memref_slice %arg3[%add3A_82, %dma_start3A_87] : memref<6400x128xi32, #tpu.memory_space<hbm>> -> memref<4x128xi32, #tpu.memory_space<hbm>>
    %dma_start3A_89 = arith.constant 0 : i32
    %dma_start3A_90 = tpu.memref_slice %arg3[%add3A_82, %dma_start3A_89] : memref<6400x128xi32, #tpu.memory_space<hbm>> -> memref<4x128xi32, #tpu.memory_space<hbm>>
    tpu.enqueue_dma source(%dma_start3A_90 : memref<4x128xi32, #tpu.memory_space<hbm>>) target(%arg11 : memref<4x128xi32, #tpu.memory_space<vmem>>) target_semaphore(%arg22 : memref<!tpu.dma_semaphore, #tpu.memory_space<semaphore_mem>>)
    %dma_start3A_91 = arith.constant 0 : i32
    %dma_start3A_92 = tpu.memref_slice %arg4[%add3A_82, %dma_start3A_91] : memref<6400x128xf32, #tpu.memory_space<hbm>> -> memref<4x128xf32, #tpu.memory_space<hbm>>
    %dma_start3A_93 = arith.constant 0 : i32
    %dma_start3A_94 = tpu.memref_slice %arg4[%add3A_82, %dma_start3A_93] : memref<6400x128xf32, #tpu.memory_space<hbm>> -> memref<4x128xf32, #tpu.memory_space<hbm>>
    tpu.enqueue_dma source(%dma_start3A_94 : memref<4x128xf32, #tpu.memory_space<hbm>>) target(%arg13 : memref<4x128xf32, #tpu.memory_space<vmem>>) target_semaphore(%arg22 : memref<!tpu.dma_semaphore, #tpu.memory_space<semaphore_mem>>)
    %scan3A = arith.constant 0 : i32
    %scan3A_95 = arith.constant 0 : i32
    %scan3A_96 = arith.constant 25 : i32
    %scan3A_97 = arith.addi %scan3A_95, %scan3A_96 : i32
    %scan3A_98 = arith.constant 1 : i32
    scf.for %scan3A_116 = %scan3A_95 to %scan3A_97 step %scan3A_98  : i32 {
      %mul3A_117 = arith.constant 2 : i32
      %mul3A_118 = arith.muli %scan3A_116, %mul3A_117 : i32
      %dma_wait3A_119 = arith.constant 0 : i32
      %dma_wait3A_120 = arith.constant 0 : i32
      %dma_wait3A_121 = arith.constant 0 : i32
      %dma_wait3A_122 = tpu.memref_slice %arg14[%dma_wait3A_120, %dma_wait3A_121] : memref<512x64xf32, #tpu.memory_space<vmem>> -> memref<128x64xf32, #tpu.memory_space<vmem>>
      %dma_wait3A_123 = arith.constant 0 : i32
      %dma_wait3A_124 = tpu.memref_slice %arg8[%dma_wait3A_119, %dma_wait3A_123] : memref<4x128xi32, #tpu.memory_space<vmem>> -> memref<1x128xi32, #tpu.memory_space<vmem>>
      %dma_wait3A_125 = tpu.memref_squeeze %dma_wait3A_124 : memref<1x128xi32, #tpu.memory_space<vmem>> -> memref<128xi32, #tpu.memory_space<vmem>>
      %dma_wait3A_126 = arith.constant 0 : i32
      %dma_wait3A_127 = arith.constant 0 : i32
      %dma_wait3A_128 = tpu.memref_slice %arg5[%dma_wait3A_126, %dma_wait3A_127] : memref<1000000x64xf32, #tpu.memory_space<hbm>> -> memref<1000000x64xf32, #tpu.memory_space<hbm>>
      tpu.wait_indirect_dma semaphore(%arg17 : memref<!tpu.dma_semaphore, #tpu.memory_space<semaphore_mem>>) src(%dma_wait3A_128 : memref<1000000x64xf32, #tpu.memory_space<hbm>>) dst(%dma_wait3A_122 : memref<128x64xf32, #tpu.memory_space<vmem>>)
      %dma_wait3A_129 = arith.constant 1 : i32
      %dma_wait3A_130 = arith.constant 128 : i32
      %dma_wait3A_131 = arith.constant 0 : i32
      %dma_wait3A_132 = tpu.memref_slice %arg14[%dma_wait3A_130, %dma_wait3A_131] : memref<512x64xf32, #tpu.memory_space<vmem>> -> memref<128x64xf32, #tpu.memory_space<vmem>>
      %dma_wait3A_133 = arith.constant 0 : i32
      %dma_wait3A_134 = tpu.memref_slice %arg8[%dma_wait3A_129, %dma_wait3A_133] : memref<4x128xi32, #tpu.memory_space<vmem>> -> memref<1x128xi32, #tpu.memory_space<vmem>>
      %dma_wait3A_135 = tpu.memref_squeeze %dma_wait3A_134 : memref<1x128xi32, #tpu.memory_space<vmem>> -> memref<128xi32, #tpu.memory_space<vmem>>
      %dma_wait3A_136 = arith.constant 0 : i32
      %dma_wait3A_137 = arith.constant 0 : i32
      %dma_wait3A_138 = tpu.memref_slice %arg5[%dma_wait3A_136, %dma_wait3A_137] : memref<1000000x64xf32, #tpu.memory_space<hbm>> -> memref<1000000x64xf32, #tpu.memory_space<hbm>>
      tpu.wait_indirect_dma semaphore(%arg17 : memref<!tpu.dma_semaphore, #tpu.memory_space<semaphore_mem>>) src(%dma_wait3A_138 : memref<1000000x64xf32, #tpu.memory_space<hbm>>) dst(%dma_wait3A_132 : memref<128x64xf32, #tpu.memory_space<vmem>>)
      %dma_wait3A_139 = arith.constant 2 : i32
      %dma_wait3A_140 = arith.constant 256 : i32
      %dma_wait3A_141 = arith.constant 0 : i32
      %dma_wait3A_142 = tpu.memref_slice %arg14[%dma_wait3A_140, %dma_wait3A_141] : memref<512x64xf32, #tpu.memory_space<vmem>> -> memref<128x64xf32, #tpu.memory_space<vmem>>
      %dma_wait3A_143 = arith.constant 0 : i32
      %dma_wait3A_144 = tpu.memref_slice %arg8[%dma_wait3A_139, %dma_wait3A_143] : memref<4x128xi32, #tpu.memory_space<vmem>> -> memref<1x128xi32, #tpu.memory_space<vmem>>
      %dma_wait3A_145 = tpu.memref_squeeze %dma_wait3A_144 : memref<1x128xi32, #tpu.memory_space<vmem>> -> memref<128xi32, #tpu.memory_space<vmem>>
      %dma_wait3A_146 = arith.constant 0 : i32
      %dma_wait3A_147 = arith.constant 0 : i32
      %dma_wait3A_148 = tpu.memref_slice %arg5[%dma_wait3A_146, %dma_wait3A_147] : memref<1000000x64xf32, #tpu.memory_space<hbm>> -> memref<1000000x64xf32, #tpu.memory_space<hbm>>
      tpu.wait_indirect_dma semaphore(%arg17 : memref<!tpu.dma_semaphore, #tpu.memory_space<semaphore_mem>>) src(%dma_wait3A_148 : memref<1000000x64xf32, #tpu.memory_space<hbm>>) dst(%dma_wait3A_142 : memref<128x64xf32, #tpu.memory_space<vmem>>)
      %dma_wait3A_149 = arith.constant 3 : i32
      %dma_wait3A_150 = arith.constant 384 : i32
      %dma_wait3A_151 = arith.constant 0 : i32
      %dma_wait3A_152 = tpu.memref_slice %arg14[%dma_wait3A_150, %dma_wait3A_151] : memref<512x64xf32, #tpu.memory_space<vmem>> -> memref<128x64xf32, #tpu.memory_space<vmem>>
      %dma_wait3A_153 = arith.constant 0 : i32
      %dma_wait3A_154 = tpu.memref_slice %arg8[%dma_wait3A_149, %dma_wait3A_153] : memref<4x128xi32, #tpu.memory_space<vmem>> -> memref<1x128xi32, #tpu.memory_space<vmem>>
      %dma_wait3A_155 = tpu.memref_squeeze %dma_wait3A_154 : memref<1x128xi32, #tpu.memory_space<vmem>> -> memref<128xi32, #tpu.memory_space<vmem>>
      %dma_wait3A_156 = arith.constant 0 : i32
      %dma_wait3A_157 = arith.constant 0 : i32
      %dma_wait3A_158 = tpu.memref_slice %arg5[%dma_wait3A_156, %dma_wait3A_157] : memref<1000000x64xf32, #tpu.memory_space<hbm>> -> memref<1000000x64xf32, #tpu.memory_space<hbm>>
      tpu.wait_indirect_dma semaphore(%arg17 : memref<!tpu.dma_semaphore, #tpu.memory_space<semaphore_mem>>) src(%dma_wait3A_158 : memref<1000000x64xf32, #tpu.memory_space<hbm>>) dst(%dma_wait3A_152 : memref<128x64xf32, #tpu.memory_space<vmem>>)
      %scan3A_159 = arith.constant 0 : i32
      %scan3A_160 = arith.constant 0 : i32
      %scan3A_161 = arith.constant 32 : i32
      %scan3A_162 = arith.addi %scan3A_160, %scan3A_161 : i32
      %scan3A_163 = arith.constant 1 : i32
      scf.for %scan3A_258 = %scan3A_160 to %scan3A_162 step %scan3A_163  : i32 {
        %jit3A = arith.constant 8 : i32
        %div3A = arith.divsi %scan3A_258, %jit3A : i32
        %sign3A = arith.constant 0 : i32
        %sign3A_259 = arith.cmpi sgt, %scan3A_258, %sign3A : i32
        %sign3A_260 = arith.extui %sign3A_259 : i1 to i32
        %sign3A_261 = arith.constant 0 : i32
        %sign3A_262 = arith.cmpi slt, %scan3A_258, %sign3A_261 : i32
        %sign3A_263 = arith.extui %sign3A_262 : i1 to i32
        %sign3A_264 = arith.subi %sign3A_260, %sign3A_263 : i32
        %sign3A_265 = arith.constant 0 : i32
        %sign3A_266 = arith.cmpi sgt, %jit3A, %sign3A_265 : i32
        %sign3A_267 = arith.extui %sign3A_266 : i1 to i32
        %sign3A_268 = arith.constant 0 : i32
        %sign3A_269 = arith.cmpi slt, %jit3A, %sign3A_268 : i32
        %sign3A_270 = arith.extui %sign3A_269 : i1 to i32
        %sign3A_271 = arith.subi %sign3A_267, %sign3A_270 : i32
        %ne3A = arith.cmpi ne, %sign3A_264, %sign3A_271 : i32
        %rem3A = arith.remsi %scan3A_258, %jit3A : i32
        %ne3A_272 = arith.constant 0 : i32
        %ne3A_273 = arith.cmpi ne, %rem3A, %ne3A_272 : i32
        %and3A = arith.andi %ne3A, %ne3A_273 : i1
        %sub3A = arith.constant 1 : i32
        %sub3A_274 = arith.subi %div3A, %sub3A : i32
        %select_n3A = arith.select %and3A, %sub3A_274, %div3A : i32
        %mul3A_275 = arith.constant 8 : i32
        %mul3A_276 = arith.muli %select_n3A, %mul3A_275 : i32
        %sub3A_277 = arith.subi %scan3A_258, %mul3A_276 : i32
        %mul3A_278 = arith.constant 16 : i32
        %mul3A_279 = arith.muli %sub3A_277, %mul3A_278 : i32
        %get3A = arith.index_cast %select_n3A : i32 to index
        %get3A_280 = arith.index_cast %mul3A_279 : i32 to index
        %get3A_281 = tpu.vector_load %arg8[%get3A, %get3A_280] {strides = array<i32>} : memref<4x128xi32, #tpu.memory_space<vmem>>, vector<16xi32>,
        %mul3A_282 = arith.constant 16 : i32
        %mul3A_283 = arith.muli %sub3A_277, %mul3A_282 : i32
        %get3A_284 = arith.index_cast %select_n3A : i32 to index
        %get3A_285 = arith.index_cast %mul3A_283 : i32 to index
        %get3A_286 = tpu.vector_load %arg10[%get3A_284, %get3A_285] {strides = array<i32>} : memref<4x128xi32, #tpu.memory_space<vmem>>, vector<16xi32>,
        %mul3A_287 = arith.constant 16 : i32
        %mul3A_288 = arith.muli %sub3A_277, %mul3A_287 : i32
        %get3A_289 = arith.index_cast %select_n3A : i32 to index
        %get3A_290 = arith.index_cast %mul3A_288 : i32 to index
        %get3A_291 = tpu.vector_load %arg12[%get3A_289, %get3A_290] {strides = array<i32>} : memref<4x128xf32, #tpu.memory_space<vmem>>, vector<16xf32>,
        %eq3A = arith.constant 2 : i32
        %eq3A_292 = vector.broadcast %eq3A : i32 to vector<16xi32>
        %eq3A_293 = arith.cmpi eq, %get3A_281, %eq3A_292 : vector<16xi32>
        %jit3A_294 = arith.constant 0.000000e+00 : f32
        %jit3A_295 = arith.constant 1.000000e+00 : f32
        %broadcast_in_dim3A = vector.broadcast %jit3A_294 : f32 to vector<16xf32>
        %broadcast_in_dim3A_296 = vector.broadcast %jit3A_295 : f32 to vector<16xf32>
        %select_n3A_297 = arith.select %eq3A_293, %broadcast_in_dim3A, %broadcast_in_dim3A_296 : vector<16xi1>, vector<16xf32>
        %mul3A_298 = arith.mulf %select_n3A_297, %get3A_291 : vector<16xf32>
        %mul3A_299 = arith.constant 64 : i32
        %mul3A_300 = vector.broadcast %mul3A_299 : i32 to vector<16xi32>
        %mul3A_301 = arith.muli %get3A_286, %mul3A_300 : vector<16xi32>
        %eq3A_302 = arith.constant 1.000000e+00 : f32
        %eq3A_303 = vector.broadcast %eq3A_302 : f32 to vector<16xf32>
        %eq3A_304 = arith.cmpf oeq, %mul3A_298, %eq3A_303 : vector<16xf32>
        %jit3A_305 = arith.constant 1.000000e+00 : f32
        %jit3A_306 = arith.constant 0.000000e+00 : f32
        %broadcast_in_dim3A_307 = vector.broadcast %jit3A_305 : f32 to vector<16xf32>
        %broadcast_in_dim3A_308 = vector.broadcast %jit3A_306 : f32 to vector<16xf32>
        %select_n3A_309 = arith.select %eq3A_304, %broadcast_in_dim3A_307, %broadcast_in_dim3A_308 : vector<16xi1>, vector<16xf32>
        %reduce_min3A = arith.constant true
        %reduce_min3A_310 = vector.broadcast %reduce_min3A : i1 to vector<16xi1>
        %reduce_min3A_311 = tpu.scan <min>, %select_n3A_309 masked %reduce_min3A_310 : vector<16xf32>, vector<16xi1> -> vector<16xf32>
        %reduce_min3A_312 = vector.extract %reduce_min3A_311[15] : f32 from vector<16xf32>
        %eq3A_313 = arith.constant 1.000000e+00 : f32
        %eq3A_314 = arith.cmpf oeq, %reduce_min3A_312, %eq3A_313 : f32
        %mul3A_315 = arith.constant 16 : i32
        %mul3A_316 = arith.muli %scan3A_258, %mul3A_315 : i32
        %convert_element_type3A_317 = arith.extui %eq3A_314 : i1 to i32
        %cond3A_318 = arith.constant 0 : i32
        %cond3A_319 = arith.cmpi ne, %convert_element_type3A_317, %cond3A_318 : i32
        scf.if %cond3A_319 {
          %broadcast_in_dim3A_324 = arith.constant 0 : i32
          %broadcast_in_dim3A_325 = vector.broadcast %broadcast_in_dim3A_324 : i32 to vector<16xi32>
          %reshape3A = vector.shape_cast %broadcast_in_dim3A_325 : vector<16xi32> to vector<16x1xi32>
          %gather3A = vector.shape_cast %reshape3A : vector<16x1xi32> to vector<16xi32>
          %gather3A_326 = tpu.dynamic_gather %mul3A_301[%gather3A] in [0] : vector<16xi32>, vector<16xi32> -> vector<16xi32>
          %add3A_327 = arith.addi %gather3A_326, %add3A_5 : vector<16xi32>
          %gather3A_328 = tpu.vector_load_idx %arg16[%add3A_327] : memref<12800xf32, #tpu.memory_space<vmem>>[vector<16xi32>], vector<16xf32>,
          %add3A_329 = arith.addi %gather3A_326, %add3A_8 : vector<16xi32>
          %gather3A_330 = tpu.vector_load_idx %arg16[%add3A_329] : memref<12800xf32, #tpu.memory_space<vmem>>[vector<16xi32>], vector<16xf32>,
          %add3A_331 = arith.addi %gather3A_326, %add3A_11 : vector<16xi32>
          %gather3A_332 = tpu.vector_load_idx %arg16[%add3A_331] : memref<12800xf32, #tpu.memory_space<vmem>>[vector<16xi32>], vector<16xf32>,
          %add3A_333 = arith.addi %gather3A_326, %add3A_14 : vector<16xi32>
          %gather3A_334 = tpu.vector_load_idx %arg16[%add3A_333] : memref<12800xf32, #tpu.memory_space<vmem>>[vector<16xi32>], vector<16xf32>,
          %broadcast_in_dim3A_335 = arith.constant 1 : i32
          %broadcast_in_dim3A_336 = vector.broadcast %broadcast_in_dim3A_335 : i32 to vector<16xi32>
          %reshape3A_337 = vector.shape_cast %broadcast_in_dim3A_336 : vector<16xi32> to vector<16x1xi32>
          %gather3A_338 = vector.shape_cast %reshape3A_337 : vector<16x1xi32> to vector<16xi32>
          %gather3A_339 = tpu.dynamic_gather %mul3A_301[%gather3A_338] in [0] : vector<16xi32>, vector<16xi32> -> vector<16xi32>
          %add3A_340 = arith.addi %gather3A_339, %add3A_5 : vector<16xi32>
          %gather3A_341 = tpu.vector_load_idx %arg16[%add3A_340] : memref<12800xf32, #tpu.memory_space<vmem>>[vector<16xi32>], vector<16xf32>,
          %add3A_342 = arith.constant 1 : i32
          %add3A_343 = arith.addi %mul3A_316, %add3A_342 : i32
          %sub3A_344 = arith.constant 1 : i32
          %sub3A_345 = arith.subi %add3A_343, %sub3A_344 : i32
          %swap3A = arith.index_cast %sub3A_345 : i32 to index
          %swap3A_346 = arith.constant 0 : index
          %swap3A_347 = tpu.vector_load %arg14[%swap3A, %swap3A_346] {strides = array<i32>} : memref<512x64xf32, #tpu.memory_space<vmem>>, vector<16xf32>,
          tpu.vector_store %arg14[%swap3A, %swap3A_346], %gather3A_328 {add = true, strides = array<i32>} : memref<512x64xf32, #tpu.memory_space<vmem>>, vector<16xf32>,
          %add3A_348 = arith.addi %gather3A_339, %add3A_8 : vector<16xi32>
          %gather3A_349 = tpu.vector_load_idx %arg16[%add3A_348] : memref<12800xf32, #tpu.memory_space<vmem>>[vector<16xi32>], vector<16xf32>,
          %add3A_350 = arith.constant 1 : i32
          %add3A_351 = arith.addi %mul3A_316, %add3A_350 : i32
          %sub3A_352 = arith.constant 1 : i32
          %sub3A_353 = arith.subi %add3A_351, %sub3A_352 : i32
          %swap3A_354 = arith.index_cast %sub3A_353 : i32 to index
          %swap3A_355 = arith.constant 16 : index
          %swap3A_356 = tpu.vector_load %arg14[%swap3A_354, %swap3A_355] {strides = array<i32>} : memref<512x64xf32, #tpu.memory_space<vmem>>, vector<16xf32>,
          tpu.vector_store %arg14[%swap3A_354, %swap3A_355], %gather3A_330 {add = true, strides = array<i32>} : memref<512x64xf32, #tpu.memory_space<vmem>>, vector<16xf32>,
          %add3A_357 = arith.addi %gather3A_339, %add3A_11 : vector<16xi32>
          %gather3A_358 = tpu.vector_load_idx %arg16[%add3A_357] : memref<12800xf32, #tpu.memory_space<vmem>>[vector<16xi32>], vector<16xf32>,
          %add3A_359 = arith.constant 1 : i32
          %add3A_360 = arith.addi %mul3A_316, %add3A_359 : i32
          %sub3A_361 = arith.constant 1 : i32
          %sub3A_362 = arith.subi %add3A_360, %sub3A_361 : i32
          %swap3A_363 = arith.index_cast %sub3A_362 : i32 to index
          %swap3A_364 = arith.constant 32 : index
          %swap3A_365 = tpu.vector_load %arg14[%swap3A_363, %swap3A_364] {strides = array<i32>} : memref<512x64xf32, #tpu.memory_space<vmem>>, vector<16xf32>,
          tpu.vector_store %arg14[%swap3A_363, %swap3A_364], %gather3A_332 {add = true, strides = array<i32>} : memref<512x64xf32, #tpu.memory_space<vmem>>, vector<16xf32>,
          %add3A_366 = arith.addi %gather3A_339, %add3A_14 : vector<16xi32>
          %gather3A_367 = tpu.vector_load_idx %arg16[%add3A_366] : memref<12800xf32, #tpu.memory_space<vmem>>[vector<16xi32>], vector<16xf32>,
          %add3A_368 = arith.constant 1 : i32
          %add3A_369 = arith.addi %mul3A_316, %add3A_368 : i32
          %sub3A_370 = arith.constant 1 : i32
          %sub3A_371 = arith.subi %add3A_369, %sub3A_370 : i32
          %swap3A_372 = arith.index_cast %sub3A_371 : i32 to index
          %swap3A_373 = arith.constant 48 : index
          %swap3A_374 = tpu.vector_load %arg14[%swap3A_372, %swap3A_373] {strides = array<i32>} : memref<512x64xf32, #tpu.memory_space<vmem>>, vector<16xf32>,
          tpu.vector_store %arg14[%swap3A_372, %swap3A_373], %gather3A_334 {add = true, strides = array<i32>} : memref<512x64xf32, #tpu.memory_space<vmem>>, vector<16xf32>,
          %broadcast_in_dim3A_375 = arith.constant 2 : i32
          %broadcast_in_dim3A_376 = vector.broadcast %broadcast_in_dim3A_375 : i32 to vector<16xi32>
          %reshape3A_377 = vector.shape_cast %broadcast_in_dim3A_376 : vector<16xi32> to vector<16x1xi32>
          %gather3A_378 = vector.shape_cast %reshape3A_377 : vector<16x1xi32> to vector<16xi32>
          %gather3A_379 = tpu.dynamic_gather %mul3A_301[%gather3A_378] in [0] : vector<16xi32>, vector<16xi32> -> vector<16xi32>
          %add3A_380 = arith.addi %gather3A_379, %add3A_5 : vector<16xi32>
          %gather3A_381 = tpu.vector_load_idx %arg16[%add3A_380] : memref<12800xf32, #tpu.memory_space<vmem>>[vector<16xi32>], vector<16xf32>,
          %add3A_382 = arith.constant 2 : i32
          %add3A_383 = arith.addi %mul3A_316, %add3A_382 : i32
          %sub3A_384 = arith.constant 1 : i32
          %sub3A_385 = arith.subi %add3A_383, %sub3A_384 : i32
          %swap3A_386 = arith.index_cast %sub3A_385 : i32 to index
          %swap3A_387 = arith.constant 0 : index
          %swap3A_388 = tpu.vector_load %arg14[%swap3A_386, %swap3A_387] {strides = array<i32>} : memref<512x64xf32, #tpu.memory_space<vmem>>, vector<16xf32>,
          tpu.vector_store %arg14[%swap3A_386, %swap3A_387], %gather3A_341 {add = true, strides = array<i32>} : memref<512x64xf32, #tpu.memory_space<vmem>>, vector<16xf32>,
          %add3A_389 = arith.addi %gather3A_379, %add3A_8 : vector<16xi32>
          %gather3A_390 = tpu.vector_load_idx %arg16[%add3A_389] : memref<12800xf32, #tpu.memory_space<vmem>>[vector<16xi32>], vector<16xf32>,
          %add3A_391 = arith.constant 2 : i32
          %add3A_392 = arith.addi %mul3A_316, %add3A_391 : i32
          %sub3A_393 = arith.constant 1 : i32
          %sub3A_394 = arith.subi %add3A_392, %sub3A_393 : i32
          %swap3A_395 = arith.index_cast %sub3A_394 : i32 to index
          %swap3A_396 = arith.constant 16 : index
          %swap3A_397 = tpu.vector_load %arg14[%swap3A_395, %swap3A_396] {strides = array<i32>} : memref<512x64xf32, #tpu.memory_space<vmem>>, vector<16xf32>,
          tpu.vector_store %arg14[%swap3A_395, %swap3A_396], %gather3A_349 {add = true, strides = array<i32>} : memref<512x64xf32, #tpu.memory_space<vmem>>, vector<16xf32>,
          %add3A_398 = arith.addi %gather3A_379, %add3A_11 : vector<16xi32>
          %gather3A_399 = tpu.vector_load_idx %arg16[%add3A_398] : memref<12800xf32, #tpu.memory_space<vmem>>[vector<16xi32>], vector<16xf32>,
          %add3A_400 = arith.constant 2 : i32
          %add3A_401 = arith.addi %mul3A_316, %add3A_400 : i32
          %sub3A_402 = arith.constant 1 : i32
          %sub3A_403 = arith.subi %add3A_401, %sub3A_402 : i32
          %swap3A_404 = arith.index_cast %sub3A_403 : i32 to index
          %swap3A_405 = arith.constant 32 : index
          %swap3A_406 = tpu.vector_load %arg14[%swap3A_404, %swap3A_405] {strides = array<i32>} : memref<512x64xf32, #tpu.memory_space<vmem>>, vector<16xf32>,
          tpu.vector_store %arg14[%swap3A_404, %swap3A_405], %gather3A_358 {add = true, strides = array<i32>} : memref<512x64xf32, #tpu.memory_space<vmem>>, vector<16xf32>,
          %add3A_407 = arith.addi %gather3A_379, %add3A_14 : vector<16xi32>
          %gather3A_408 = tpu.vector_load_idx %arg16[%add3A_407] : memref<12800xf32, #tpu.memory_space<vmem>>[vector<16xi32>], vector<16xf32>,
          %add3A_409 = arith.constant 2 : i32
          %add3A_410 = arith.addi %mul3A_316, %add3A_409 : i32
          %sub3A_411 = arith.constant 1 : i32
          %sub3A_412 = arith.subi %add3A_410, %sub3A_411 : i32
          %swap3A_413 = arith.index_cast %sub3A_412 : i32 to index
          %swap3A_414 = arith.constant 48 : index
          %swap3A_415 = tpu.vector_load %arg14[%swap3A_413, %swap3A_414] {strides = array<i32>} : memref<512x64xf32, #tpu.memory_space<vmem>>, vector<16xf32>,
          tpu.vector_store %arg14[%swap3A_413, %swap3A_414], %gather3A_367 {add = true, strides = array<i32>} : memref<512x64xf32, #tpu.memory_space<vmem>>, vector<16xf32>,
          %broadcast_in_dim3A_416 = arith.constant 3 : i32
          %broadcast_in_dim3A_417 = vector.broadcast %broadcast_in_dim3A_416 : i32 to vector<16xi32>
          %reshape3A_418 = vector.shape_cast %broadcast_in_dim3A_417 : vector<16xi32> to vector<16x1xi32>
          %gather3A_419 = vector.shape_cast %reshape3A_418 : vector<16x1xi32> to vector<16xi32>
          %gather3A_420 = tpu.dynamic_gather %mul3A_301[%gather3A_419] in [0] : vector<16xi32>, vector<16xi32> -> vector<16xi32>
          %add3A_421 = arith.addi %gather3A_420, %add3A_5 : vector<16xi32>
          %gather3A_422 = tpu.vector_load_idx %arg16[%add3A_421] : memref<12800xf32, #tpu.memory_space<vmem>>[vector<16xi32>], vector<16xf32>,
          %add3A_423 = arith.constant 3 : i32
          %add3A_424 = arith.addi %mul3A_316, %add3A_423 : i32
          %sub3A_425 = arith.constant 1 : i32
          %sub3A_426 = arith.subi %add3A_424, %sub3A_425 : i32
          %swap3A_427 = arith.index_cast %sub3A_426 : i32 to index
          %swap3A_428 = arith.constant 0 : index
          %swap3A_429 = tpu.vector_load %arg14[%swap3A_427, %swap3A_428] {strides = array<i32>} : memref<512x64xf32, #tpu.memory_space<vmem>>, vector<16xf32>,
          tpu.vector_store %arg14[%swap3A_427, %swap3A_428], %gather3A_381 {add = true, strides = array<i32>} : memref<512x64xf32, #tpu.memory_space<vmem>>, vector<16xf32>,
          %add3A_430 = arith.addi %gather3A_420, %add3A_8 : vector<16xi32>
          %gather3A_431 = tpu.vector_load_idx %arg16[%add3A_430] : memref<12800xf32, #tpu.memory_space<vmem>>[vector<16xi32>], vector<16xf32>,
          %add3A_432 = arith.constant 3 : i32
          %add3A_433 = arith.addi %mul3A_316, %add3A_432 : i32
          %sub3A_434 = arith.constant 1 : i32
          %sub3A_435 = arith.subi %add3A_433, %sub3A_434 : i32
          %swap3A_436 = arith.index_cast %sub3A_435 : i32 to index
          %swap3A_437 = arith.constant 16 : index
          %swap3A_438 = tpu.vector_load %arg14[%swap3A_436, %swap3A_437] {strides = array<i32>} : memref<512x64xf32, #tpu.memory_space<vmem>>, vector<16xf32>,
          tpu.vector_store %arg14[%swap3A_436, %swap3A_437], %gather3A_390 {add = true, strides = array<i32>} : memref<512x64xf32, #tpu.memory_space<vmem>>, vector<16xf32>,
          %add3A_439 = arith.addi %gather3A_420, %add3A_11 : vector<16xi32>
          %gather3A_440 = tpu.vector_load_idx %arg16[%add3A_439] : memref<12800xf32, #tpu.memory_space<vmem>>[vector<16xi32>], vector<16xf32>,
          %add3A_441 = arith.constant 3 : i32
          %add3A_442 = arith.addi %mul3A_316, %add3A_441 : i32
          %sub3A_443 = arith.constant 1 : i32
          %sub3A_444 = arith.subi %add3A_442, %sub3A_443 : i32
          %swap3A_445 = arith.index_cast %sub3A_444 : i32 to index
          %swap3A_446 = arith.constant 32 : index
          %swap3A_447 = tpu.vector_load %arg14[%swap3A_445, %swap3A_446] {strides = array<i32>} : memref<512x64xf32, #tpu.memory_space<vmem>>, vector<16xf32>,
          tpu.vector_store %arg14[%swap3A_445, %swap3A_446], %gather3A_399 {add = true, strides = array<i32>} : memref<512x64xf32, #tpu.memory_space<vmem>>, vector<16xf32>,
          %add3A_448 = arith.addi %gather3A_420, %add3A_14 : vector<16xi32>
          %gather3A_449 = tpu.vector_load_idx %arg16[%add3A_448] : memref<12800xf32, #tpu.memory_space<vmem>>[vector<16xi32>], vector<16xf32>,
          %add3A_450 = arith.constant 3 : i32
          %add3A_451 = arith.addi %mul3A_316, %add3A_450 : i32
          %sub3A_452 = arith.constant 1 : i32
          %sub3A_453 = arith.subi %add3A_451, %sub3A_452 : i32
          %swap3A_454 = arith.index_cast %sub3A_453 : i32 to index
          %swap3A_455 = arith.constant 48 : index
          %swap3A_456 = tpu.vector_load %arg14[%swap3A_454, %swap3A_455] {strides = array<i32>} : memref<512x64xf32, #tpu.memory_space<vmem>>, vector<16xf32>,
          tpu.vector_store %arg14[%swap3A_454, %swap3A_455], %gather3A_408 {add = true, strides = array<i32>} : memref<512x64xf32, #tpu.memory_space<vmem>>, vector<16xf32>,
          %broadcast_in_dim3A_457 = arith.constant 4 : i32
          %broadcast_in_dim3A_458 = vector.broadcast %broadcast_in_dim3A_457 : i32 to vector<16xi32>
          %reshape3A_459 = vector.shape_cast %broadcast_in_dim3A_458 : vector<16xi32> to vector<16x1xi32>
          %gather3A_460 = vector.shape_cast %reshape3A_459 : vector<16x1xi32> to vector<16xi32>
          %gather3A_461 = tpu.dynamic_gather %mul3A_301[%gather3A_460] in [0] : vector<16xi32>, vector<16xi32> -> vector<16xi32>
          %add3A_462 = arith.addi %gather3A_461, %add3A_5 : vector<16xi32>
          %gather3A_463 = tpu.vector_load_idx %arg16[%add3A_462] : memref<12800xf32, #tpu.memory_space<vmem>>[vector<16xi32>], vector<16xf32>,
          %add3A_464 = arith.constant 4 : i32
          %add3A_465 = arith.addi %mul3A_316, %add3A_464 : i32
          %sub3A_466 = arith.constant 1 : i32
          %sub3A_467 = arith.subi %add3A_465, %sub3A_466 : i32
          %swap3A_468 = arith.index_cast %sub3A_467 : i32 to index
          %swap3A_469 = arith.constant 0 : index
          %swap3A_470 = tpu.vector_load %arg14[%swap3A_468, %swap3A_469] {strides = array<i32>} : memref<512x64xf32, #tpu.memory_space<vmem>>, vector<16xf32>,
          tpu.vector_store %arg14[%swap3A_468, %swap3A_469], %gather3A_422 {add = true, strides = array<i32>} : memref<512x64xf32, #tpu.memory_space<vmem>>, vector<16xf32>,
          %add3A_471 = arith.addi %gather3A_461, %add3A_8 : vector<16xi32>
          %gather3A_472 = tpu.vector_load_idx %arg16[%add3A_471] : memref<12800xf32, #tpu.memory_space<vmem>>[vector<16xi32>], vector<16xf32>,
          %add3A_473 = arith.constant 4 : i32
          %add3A_474 = arith.addi %mul3A_316, %add3A_473 : i32
          %sub3A_475 = arith.constant 1 : i32
          %sub3A_476 = arith.subi %add3A_474, %sub3A_475 : i32
          %swap3A_477 = arith.index_cast %sub3A_476 : i32 to index
          %swap3A_478 = arith.constant 16 : index
          %swap3A_479 = tpu.vector_load %arg14[%swap3A_477, %swap3A_478] {strides = array<i32>} : memref<512x64xf32, #tpu.memory_space<vmem>>, vector<16xf32>,
          tpu.vector_store %arg14[%swap3A_477, %swap3A_478], %gather3A_431 {add = true, strides = array<i32>} : memref<512x64xf32, #tpu.memory_space<vmem>>, vector<16xf32>,
          %add3A_480 = arith.addi %gather3A_461, %add3A_11 : vector<16xi32>
          %gather3A_481 = tpu.vector_load_idx %arg16[%add3A_480] : memref<12800xf32, #tpu.memory_space<vmem>>[vector<16xi32>], vector<16xf32>,
          %add3A_482 = arith.constant 4 : i32
          %add3A_483 = arith.addi %mul3A_316, %add3A_482 : i32
          %sub3A_484 = arith.constant 1 : i32
          %sub3A_485 = arith.subi %add3A_483, %sub3A_484 : i32
          %swap3A_486 = arith.index_cast %sub3A_485 : i32 to index
          %swap3A_487 = arith.constant 32 : index
          %swap3A_488 = tpu.vector_load %arg14[%swap3A_486, %swap3A_487] {strides = array<i32>} : memref<512x64xf32, #tpu.memory_space<vmem>>, vector<16xf32>,
          tpu.vector_store %arg14[%swap3A_486, %swap3A_487], %gather3A_440 {add = true, strides = array<i32>} : memref<512x64xf32, #tpu.memory_space<vmem>>, vector<16xf32>,
          %add3A_489 = arith.addi %gather3A_461, %add3A_14 : vector<16xi32>
          %gather3A_490 = tpu.vector_load_idx %arg16[%add3A_489] : memref<12800xf32, #tpu.memory_space<vmem>>[vector<16xi32>], vector<16xf32>,
          %add3A_491 = arith.constant 4 : i32
          %add3A_492 = arith.addi %mul3A_316, %add3A_491 : i32
          %sub3A_493 = arith.constant 1 : i32
          %sub3A_494 = arith.subi %add3A_492, %sub3A_493 : i32
          %swap3A_495 = arith.index_cast %sub3A_494 : i32 to index
          %swap3A_496 = arith.constant 48 : index
          %swap3A_497 = tpu.vector_load %arg14[%swap3A_495, %swap3A_496] {strides = array<i32>} : memref<512x64xf32, #tpu.memory_space<vmem>>, vector<16xf32>,
          tpu.vector_store %arg14[%swap3A_495, %swap3A_496], %gather3A_449 {add = true, strides = array<i32>} : memref<512x64xf32, #tpu.memory_space<vmem>>, vector<16xf32>,
          %broadcast_in_dim3A_498 = arith.constant 5 : i32
          %broadcast_in_dim3A_499 = vector.broadcast %broadcast_in_dim3A_498 : i32 to vector<16xi32>
          %reshape3A_500 = vector.shape_cast %broadcast_in_dim3A_499 : vector<16xi32> to vector<16x1xi32>
          %gather3A_501 = vector.shape_cast %reshape3A_500 : vector<16x1xi32> to vector<16xi32>
          %gather3A_502 = tpu.dynamic_gather %mul3A_301[%gather3A_501] in [0] : vector<16xi32>, vector<16xi32> -> vector<16xi32>
          %add3A_503 = arith.addi %gather3A_502, %add3A_5 : vector<16xi32>
          %gather3A_504 = tpu.vector_load_idx %arg16[%add3A_503] : memref<12800xf32, #tpu.memory_space<vmem>>[vector<16xi32>], vector<16xf32>,
          %add3A_505 = arith.constant 5 : i32
          %add3A_506 = arith.addi %mul3A_316, %add3A_505 : i32
          %sub3A_507 = arith.constant 1 : i32
          %sub3A_508 = arith.subi %add3A_506, %sub3A_507 : i32
          %swap3A_509 = arith.index_cast %sub3A_508 : i32 to index
          %swap3A_510 = arith.constant 0 : index
          %swap3A_511 = tpu.vector_load %arg14[%swap3A_509, %swap3A_510] {strides = array<i32>} : memref<512x64xf32, #tpu.memory_space<vmem>>, vector<16xf32>,
          tpu.vector_store %arg14[%swap3A_509, %swap3A_510], %gather3A_463 {add = true, strides = array<i32>} : memref<512x64xf32, #tpu.memory_space<vmem>>, vector<16xf32>,
          %add3A_512 = arith.addi %gather3A_502, %add3A_8 : vector<16xi32>
          %gather3A_513 = tpu.vector_load_idx %arg16[%add3A_512] : memref<12800xf32, #tpu.memory_space<vmem>>[vector<16xi32>], vector<16xf32>,
          %add3A_514 = arith.constant 5 : i32
          %add3A_515 = arith.addi %mul3A_316, %add3A_514 : i32
          %sub3A_516 = arith.constant 1 : i32
          %sub3A_517 = arith.subi %add3A_515, %sub3A_516 : i32
          %swap3A_518 = arith.index_cast %sub3A_517 : i32 to index
          %swap3A_519 = arith.constant 16 : index
          %swap3A_520 = tpu.vector_load %arg14[%swap3A_518, %swap3A_519] {strides = array<i32>} : memref<512x64xf32, #tpu.memory_space<vmem>>, vector<16xf32>,
          tpu.vector_store %arg14[%swap3A_518, %swap3A_519], %gather3A_472 {add = true, strides = array<i32>} : memref<512x64xf32, #tpu.memory_space<vmem>>, vector<16xf32>,
          %add3A_521 = arith.addi %gather3A_502, %add3A_11 : vector<16xi32>
          %gather3A_522 = tpu.vector_load_idx %arg16[%add3A_521] : memref<12800xf32, #tpu.memory_space<vmem>>[vector<16xi32>], vector<16xf32>,
          %add3A_523 = arith.constant 5 : i32
          %add3A_524 = arith.addi %mul3A_316, %add3A_523 : i32
          %sub3A_525 = arith.constant 1 : i32
          %sub3A_526 = arith.subi %add3A_524, %sub3A_525 : i32
          %swap3A_527 = arith.index_cast %sub3A_526 : i32 to index
          %swap3A_528 = arith.constant 32 : index
          %swap3A_529 = tpu.vector_load %arg14[%swap3A_527, %swap3A_528] {strides = array<i32>} : memref<512x64xf32, #tpu.memory_space<vmem>>, vector<16xf32>,
          tpu.vector_store %arg14[%swap3A_527, %swap3A_528], %gather3A_481 {add = true, strides = array<i32>} : memref<512x64xf32, #tpu.memory_space<vmem>>, vector<16xf32>,
          %add3A_530 = arith.addi %gather3A_502, %add3A_14 : vector<16xi32>
          %gather3A_531 = tpu.vector_load_idx %arg16[%add3A_530] : memref<12800xf32, #tpu.memory_space<vmem>>[vector<16xi32>], vector<16xf32>,
          %add3A_532 = arith.constant 5 : i32
          %add3A_533 = arith.addi %mul3A_316, %add3A_532 : i32
          %sub3A_534 = arith.constant 1 : i32
          %sub3A_535 = arith.subi %add3A_533, %sub3A_534 : i32
          %swap3A_536 = arith.index_cast %sub3A_535 : i32 to index
          %swap3A_537 = arith.constant 48 : index
          %swap3A_538 = tpu.vector_load %arg14[%swap3A_536, %swap3A_537] {strides = array<i32>} : memref<512x64xf32, #tpu.memory_space<vmem>>, vector<16xf32>,
          tpu.vector_store %arg14[%swap3A_536, %swap3A_537], %gather3A_490 {add = true, strides = array<i32>} : memref<512x64xf32, #tpu.memory_space<vmem>>, vector<16xf32>,
          %broadcast_in_dim3A_539 = arith.constant 6 : i32
          %broadcast_in_dim3A_540 = vector.broadcast %broadcast_in_dim3A_539 : i32 to vector<16xi32>
          %reshape3A_541 = vector.shape_cast %broadcast_in_dim3A_540 : vector<16xi32> to vector<16x1xi32>
          %gather3A_542 = vector.shape_cast %reshape3A_541 : vector<16x1xi32> to vector<16xi32>
          %gather3A_543 = tpu.dynamic_gather %mul3A_301[%gather3A_542] in [0] : vector<16xi32>, vector<16xi32> -> vector<16xi32>
          %add3A_544 = arith.addi %gather3A_543, %add3A_5 : vector<16xi32>
          %gather3A_545 = tpu.vector_load_idx %arg16[%add3A_544] : memref<12800xf32, #tpu.memory_space<vmem>>[vector<16xi32>], vector<16xf32>,
          %add3A_546 = arith.constant 6 : i32
          %add3A_547 = arith.addi %mul3A_316, %add3A_546 : i32
          %sub3A_548 = arith.constant 1 : i32
          %sub3A_549 = arith.subi %add3A_547, %sub3A_548 : i32
          %swap3A_550 = arith.index_cast %sub3A_549 : i32 to index
          %swap3A_551 = arith.constant 0 : index
          %swap3A_552 = tpu.vector_load %arg14[%swap3A_550, %swap3A_551] {strides = array<i32>} : memref<512x64xf32, #tpu.memory_space<vmem>>, vector<16xf32>,
          tpu.vector_store %arg14[%swap3A_550, %swap3A_551], %gather3A_504 {add = true, strides = array<i32>} : memref<512x64xf32, #tpu.memory_space<vmem>>, vector<16xf32>,
          %add3A_553 = arith.addi %gather3A_543, %add3A_8 : vector<16xi32>
          %gather3A_554 = tpu.vector_load_idx %arg16[%add3A_553] : memref<12800xf32, #tpu.memory_space<vmem>>[vector<16xi32>], vector<16xf32>,
          %add3A_555 = arith.constant 6 : i32
          %add3A_556 = arith.addi %mul3A_316, %add3A_555 : i32
          %sub3A_557 = arith.constant 1 : i32
          %sub3A_558 = arith.subi %add3A_556, %sub3A_557 : i32
          %swap3A_559 = arith.index_cast %sub3A_558 : i32 to index
          %swap3A_560 = arith.constant 16 : index
          %swap3A_561 = tpu.vector_load %arg14[%swap3A_559, %swap3A_560] {strides = array<i32>} : memref<512x64xf32, #tpu.memory_space<vmem>>, vector<16xf32>,
          tpu.vector_store %arg14[%swap3A_559, %swap3A_560], %gather3A_513 {add = true, strides = array<i32>} : memref<512x64xf32, #tpu.memory_space<vmem>>, vector<16xf32>,
          %add3A_562 = arith.addi %gather3A_543, %add3A_11 : vector<16xi32>
          %gather3A_563 = tpu.vector_load_idx %arg16[%add3A_562] : memref<12800xf32, #tpu.memory_space<vmem>>[vector<16xi32>], vector<16xf32>,
          %add3A_564 = arith.constant 6 : i32
          %add3A_565 = arith.addi %mul3A_316, %add3A_564 : i32
          %sub3A_566 = arith.constant 1 : i32
          %sub3A_567 = arith.subi %add3A_565, %sub3A_566 : i32
          %swap3A_568 = arith.index_cast %sub3A_567 : i32 to index
          %swap3A_569 = arith.constant 32 : index
          %swap3A_570 = tpu.vector_load %arg14[%swap3A_568, %swap3A_569] {strides = array<i32>} : memref<512x64xf32, #tpu.memory_space<vmem>>, vector<16xf32>,
          tpu.vector_store %arg14[%swap3A_568, %swap3A_569], %gather3A_522 {add = true, strides = array<i32>} : memref<512x64xf32, #tpu.memory_space<vmem>>, vector<16xf32>,
          %add3A_571 = arith.addi %gather3A_543, %add3A_14 : vector<16xi32>
          %gather3A_572 = tpu.vector_load_idx %arg16[%add3A_571] : memref<12800xf32, #tpu.memory_space<vmem>>[vector<16xi32>], vector<16xf32>,
          %add3A_573 = arith.constant 6 : i32
          %add3A_574 = arith.addi %mul3A_316, %add3A_573 : i32
          %sub3A_575 = arith.constant 1 : i32
          %sub3A_576 = arith.subi %add3A_574, %sub3A_575 : i32
          %swap3A_577 = arith.index_cast %sub3A_576 : i32 to index
          %swap3A_578 = arith.constant 48 : index
          %swap3A_579 = tpu.vector_load %arg14[%swap3A_577, %swap3A_578] {strides = array<i32>} : memref<512x64xf32, #tpu.memory_space<vmem>>, vector<16xf32>,
          tpu.vector_store %arg14[%swap3A_577, %swap3A_578], %gather3A_531 {add = true, strides = array<i32>} : memref<512x64xf32, #tpu.memory_space<vmem>>, vector<16xf32>,
          %broadcast_in_dim3A_580 = arith.constant 7 : i32
          %broadcast_in_dim3A_581 = vector.broadcast %broadcast_in_dim3A_580 : i32 to vector<16xi32>
          %reshape3A_582 = vector.shape_cast %broadcast_in_dim3A_581 : vector<16xi32> to vector<16x1xi32>
          %gather3A_583 = vector.shape_cast %reshape3A_582 : vector<16x1xi32> to vector<16xi32>
          %gather3A_584 = tpu.dynamic_gather %mul3A_301[%gather3A_583] in [0] : vector<16xi32>, vector<16xi32> -> vector<16xi32>
          %add3A_585 = arith.addi %gather3A_584, %add3A_5 : vector<16xi32>
          %gather3A_586 = tpu.vector_load_idx %arg16[%add3A_585] : memref<12800xf32, #tpu.memory_space<vmem>>[vector<16xi32>], vector<16xf32>,
          %add3A_587 = arith.constant 7 : i32
          %add3A_588 = arith.addi %mul3A_316, %add3A_587 : i32
          %sub3A_589 = arith.constant 1 : i32
          %sub3A_590 = arith.subi %add3A_588, %sub3A_589 : i32
          %swap3A_591 = arith.index_cast %sub3A_590 : i32 to index
          %swap3A_592 = arith.constant 0 : index
          %swap3A_593 = tpu.vector_load %arg14[%swap3A_591, %swap3A_592] {strides = array<i32>} : memref<512x64xf32, #tpu.memory_space<vmem>>, vector<16xf32>,
          tpu.vector_store %arg14[%swap3A_591, %swap3A_592], %gather3A_545 {add = true, strides = array<i32>} : memref<512x64xf32, #tpu.memory_space<vmem>>, vector<16xf32>,
          %add3A_594 = arith.addi %gather3A_584, %add3A_8 : vector<16xi32>
          %gather3A_595 = tpu.vector_load_idx %arg16[%add3A_594] : memref<12800xf32, #tpu.memory_space<vmem>>[vector<16xi32>], vector<16xf32>,
          %add3A_596 = arith.constant 7 : i32
          %add3A_597 = arith.addi %mul3A_316, %add3A_596 : i32
          %sub3A_598 = arith.constant 1 : i32
          %sub3A_599 = arith.subi %add3A_597, %sub3A_598 : i32
          %swap3A_600 = arith.index_cast %sub3A_599 : i32 to index
          %swap3A_601 = arith.constant 16 : index
          %swap3A_602 = tpu.vector_load %arg14[%swap3A_600, %swap3A_601] {strides = array<i32>} : memref<512x64xf32, #tpu.memory_space<vmem>>, vector<16xf32>,
          tpu.vector_store %arg14[%swap3A_600, %swap3A_601], %gather3A_554 {add = true, strides = array<i32>} : memref<512x64xf32, #tpu.memory_space<vmem>>, vector<16xf32>,
          %add3A_603 = arith.addi %gather3A_584, %add3A_11 : vector<16xi32>
          %gather3A_604 = tpu.vector_load_idx %arg16[%add3A_603] : memref<12800xf32, #tpu.memory_space<vmem>>[vector<16xi32>], vector<16xf32>,
          %add3A_605 = arith.constant 7 : i32
          %add3A_606 = arith.addi %mul3A_316, %add3A_605 : i32
          %sub3A_607 = arith.constant 1 : i32
          %sub3A_608 = arith.subi %add3A_606, %sub3A_607 : i32
          %swap3A_609 = arith.index_cast %sub3A_608 : i32 to index
          %swap3A_610 = arith.constant 32 : index
          %swap3A_611 = tpu.vector_load %arg14[%swap3A_609, %swap3A_610] {strides = array<i32>} : memref<512x64xf32, #tpu.memory_space<vmem>>, vector<16xf32>,
          tpu.vector_store %arg14[%swap3A_609, %swap3A_610], %gather3A_563 {add = true, strides = array<i32>} : memref<512x64xf32, #tpu.memory_space<vmem>>, vector<16xf32>,
          %add3A_612 = arith.addi %gather3A_584, %add3A_14 : vector<16xi32>
          %gather3A_613 = tpu.vector_load_idx %arg16[%add3A_612] : memref<12800xf32, #tpu.memory_space<vmem>>[vector<16xi32>], vector<16xf32>,
          %add3A_614 = arith.constant 7 : i32
          %add3A_615 = arith.addi %mul3A_316, %add3A_614 : i32
          %sub3A_616 = arith.constant 1 : i32
          %sub3A_617 = arith.subi %add3A_615, %sub3A_616 : i32
          %swap3A_618 = arith.index_cast %sub3A_617 : i32 to index
          %swap3A_619 = arith.constant 48 : index
          %swap3A_620 = tpu.vector_load %arg14[%swap3A_618, %swap3A_619] {strides = array<i32>} : memref<512x64xf32, #tpu.memory_space<vmem>>, vector<16xf32>,
          tpu.vector_store %arg14[%swap3A_618, %swap3A_619], %gather3A_572 {add = true, strides = array<i32>} : memref<512x64xf32, #tpu.memory_space<vmem>>, vector<16xf32>,
          %broadcast_in_dim3A_621 = arith.constant 8 : i32
          %broadcast_in_dim3A_622 = vector.broadcast %broadcast_in_dim3A_621 : i32 to vector<16xi32>
          %reshape3A_623 = vector.shape_cast %broadcast_in_dim3A_622 : vector<16xi32> to vector<16x1xi32>
          %gather3A_624 = vector.shape_cast %reshape3A_623 : vector<16x1xi32> to vector<16xi32>
          %gather3A_625 = tpu.dynamic_gather %mul3A_301[%gather3A_624] in [0] : vector<16xi32>, vector<16xi32> -> vector<16xi32>
          %add3A_626 = arith.addi %gather3A_625, %add3A_5 : vector<16xi32>
          %gather3A_627 = tpu.vector_load_idx %arg16[%add3A_626] : memref<12800xf32, #tpu.memory_space<vmem>>[vector<16xi32>], vector<16xf32>,
          %add3A_628 = arith.constant 8 : i32
          %add3A_629 = arith.addi %mul3A_316, %add3A_628 : i32
          %sub3A_630 = arith.constant 1 : i32
          %sub3A_631 = arith.subi %add3A_629, %sub3A_630 : i32
          %swap3A_632 = arith.index_cast %sub3A_631 : i32 to index
          %swap3A_633 = arith.constant 0 : index
          %swap3A_634 = tpu.vector_load %arg14[%swap3A_632, %swap3A_633] {strides = array<i32>} : memref<512x64xf32, #tpu.memory_space<vmem>>, vector<16xf32>,
          tpu.vector_store %arg14[%swap3A_632, %swap3A_633], %gather3A_586 {add = true, strides = array<i32>} : memref<512x64xf32, #tpu.memory_space<vmem>>, vector<16xf32>,
          %add3A_635 = arith.addi %gather3A_625, %add3A_8 : vector<16xi32>
          %gather3A_636 = tpu.vector_load_idx %arg16[%add3A_635] : memref<12800xf32, #tpu.memory_space<vmem>>[vector<16xi32>], vector<16xf32>,
          %add3A_637 = arith.constant 8 : i32
          %add3A_638 = arith.addi %mul3A_316, %add3A_637 : i32
          %sub3A_639 = arith.constant 1 : i32
          %sub3A_640 = arith.subi %add3A_638, %sub3A_639 : i32
          %swap3A_641 = arith.index_cast %sub3A_640 : i32 to index
          %swap3A_642 = arith.constant 16 : index
          %swap3A_643 = tpu.vector_load %arg14[%swap3A_641, %swap3A_642] {strides = array<i32>} : memref<512x64xf32, #tpu.memory_space<vmem>>, vector<16xf32>,
          tpu.vector_store %arg14[%swap3A_641, %swap3A_642], %gather3A_595 {add = true, strides = array<i32>} : memref<512x64xf32, #tpu.memory_space<vmem>>, vector<16xf32>,
          %add3A_644 = arith.addi %gather3A_625, %add3A_11 : vector<16xi32>
          %gather3A_645 = tpu.vector_load_idx %arg16[%add3A_644] : memref<12800xf32, #tpu.memory_space<vmem>>[vector<16xi32>], vector<16xf32>,
          %add3A_646 = arith.constant 8 : i32
          %add3A_647 = arith.addi %mul3A_316, %add3A_646 : i32
          %sub3A_648 = arith.constant 1 : i32
          %sub3A_649 = arith.subi %add3A_647, %sub3A_648 : i32
          %swap3A_650 = arith.index_cast %sub3A_649 : i32 to index
          %swap3A_651 = arith.constant 32 : index
          %swap3A_652 = tpu.vector_load %arg14[%swap3A_650, %swap3A_651] {strides = array<i32>} : memref<512x64xf32, #tpu.memory_space<vmem>>, vector<16xf32>,
          tpu.vector_store %arg14[%swap3A_650, %swap3A_651], %gather3A_604 {add = true, strides = array<i32>} : memref<512x64xf32, #tpu.memory_space<vmem>>, vector<16xf32>,
          %add3A_653 = arith.addi %gather3A_625, %add3A_14 : vector<16xi32>
          %gather3A_654 = tpu.vector_load_idx %arg16[%add3A_653] : memref<12800xf32, #tpu.memory_space<vmem>>[vector<16xi32>], vector<16xf32>,
          %add3A_655 = arith.constant 8 : i32
          %add3A_656 = arith.addi %mul3A_316, %add3A_655 : i32
          %sub3A_657 = arith.constant 1 : i32
          %sub3A_658 = arith.subi %add3A_656, %sub3A_657 : i32
          %swap3A_659 = arith.index_cast %sub3A_658 : i32 to index
          %swap3A_660 = arith.constant 48 : index
          %swap3A_661 = tpu.vector_load %arg14[%swap3A_659, %swap3A_660] {strides = array<i32>} : memref<512x64xf32, #tpu.memory_space<vmem>>, vector<16xf32>,
          tpu.vector_store %arg14[%swap3A_659, %swap3A_660], %gather3A_613 {add = true, strides = array<i32>} : memref<512x64xf32, #tpu.memory_space<vmem>>, vector<16xf32>,
          %broadcast_in_dim3A_662 = arith.constant 9 : i32
          %broadcast_in_dim3A_663 = vector.broadcast %broadcast_in_dim3A_662 : i32 to vector<16xi32>
          %reshape3A_664 = vector.shape_cast %broadcast_in_dim3A_663 : vector<16xi32> to vector<16x1xi32>
          %gather3A_665 = vector.shape_cast %reshape3A_664 : vector<16x1xi32> to vector<16xi32>
          %gather3A_666 = tpu.dynamic_gather %mul3A_301[%gather3A_665] in [0] : vector<16xi32>, vector<16xi32> -> vector<16xi32>
          %add3A_667 = arith.addi %gather3A_666, %add3A_5 : vector<16xi32>
          %gather3A_668 = tpu.vector_load_idx %arg16[%add3A_667] : memref<12800xf32, #tpu.memory_space<vmem>>[vector<16xi32>], vector<16xf32>,
          %add3A_669 = arith.constant 9 : i32
          %add3A_670 = arith.addi %mul3A_316, %add3A_669 : i32
          %sub3A_671 = arith.constant 1 : i32
          %sub3A_672 = arith.subi %add3A_670, %sub3A_671 : i32
          %swap3A_673 = arith.index_cast %sub3A_672 : i32 to index
          %swap3A_674 = arith.constant 0 : index
          %swap3A_675 = tpu.vector_load %arg14[%swap3A_673, %swap3A_674] {strides = array<i32>} : memref<512x64xf32, #tpu.memory_space<vmem>>, vector<16xf32>,
          tpu.vector_store %arg14[%swap3A_673, %swap3A_674], %gather3A_627 {add = true, strides = array<i32>} : memref<512x64xf32, #tpu.memory_space<vmem>>, vector<16xf32>,
          %add3A_676 = arith.addi %gather3A_666, %add3A_8 : vector<16xi32>
          %gather3A_677 = tpu.vector_load_idx %arg16[%add3A_676] : memref<12800xf32, #tpu.memory_space<vmem>>[vector<16xi32>], vector<16xf32>,
          %add3A_678 = arith.constant 9 : i32
          %add3A_679 = arith.addi %mul3A_316, %add3A_678 : i32
          %sub3A_680 = arith.constant 1 : i32
          %sub3A_681 = arith.subi %add3A_679, %sub3A_680 : i32
          %swap3A_682 = arith.index_cast %sub3A_681 : i32 to index
          %swap3A_683 = arith.constant 16 : index
          %swap3A_684 = tpu.vector_load %arg14[%swap3A_682, %swap3A_683] {strides = array<i32>} : memref<512x64xf32, #tpu.memory_space<vmem>>, vector<16xf32>,
          tpu.vector_store %arg14[%swap3A_682, %swap3A_683], %gather3A_636 {add = true, strides = array<i32>} : memref<512x64xf32, #tpu.memory_space<vmem>>, vector<16xf32>,
          %add3A_685 = arith.addi %gather3A_666, %add3A_11 : vector<16xi32>
          %gather3A_686 = tpu.vector_load_idx %arg16[%add3A_685] : memref<12800xf32, #tpu.memory_space<vmem>>[vector<16xi32>], vector<16xf32>,
          %add3A_687 = arith.constant 9 : i32
          %add3A_688 = arith.addi %mul3A_316, %add3A_687 : i32
          %sub3A_689 = arith.constant 1 : i32
          %sub3A_690 = arith.subi %add3A_688, %sub3A_689 : i32
          %swap3A_691 = arith.index_cast %sub3A_690 : i32 to index
          %swap3A_692 = arith.constant 32 : index
          %swap3A_693 = tpu.vector_load %arg14[%swap3A_691, %swap3A_692] {strides = array<i32>} : memref<512x64xf32, #tpu.memory_space<vmem>>, vector<16xf32>,
          tpu.vector_store %arg14[%swap3A_691, %swap3A_692], %gather3A_645 {add = true, strides = array<i32>} : memref<512x64xf32, #tpu.memory_space<vmem>>, vector<16xf32>,
          %add3A_694 = arith.addi %gather3A_666, %add3A_14 : vector<16xi32>
          %gather3A_695 = tpu.vector_load_idx %arg16[%add3A_694] : memref<12800xf32, #tpu.memory_space<vmem>>[vector<16xi32>], vector<16xf32>,
          %add3A_696 = arith.constant 9 : i32
          %add3A_697 = arith.addi %mul3A_316, %add3A_696 : i32
          %sub3A_698 = arith.constant 1 : i32
          %sub3A_699 = arith.subi %add3A_697, %sub3A_698 : i32
          %swap3A_700 = arith.index_cast %sub3A_699 : i32 to index
          %swap3A_701 = arith.constant 48 : index
          %swap3A_702 = tpu.vector_load %arg14[%swap3A_700, %swap3A_701] {strides = array<i32>} : memref<512x64xf32, #tpu.memory_space<vmem>>, vector<16xf32>,
          tpu.vector_store %arg14[%swap3A_700, %swap3A_701], %gather3A_654 {add = true, strides = array<i32>} : memref<512x64xf32, #tpu.memory_space<vmem>>, vector<16xf32>,
          %broadcast_in_dim3A_703 = arith.constant 10 : i32
          %broadcast_in_dim3A_704 = vector.broadcast %broadcast_in_dim3A_703 : i32 to vector<16xi32>
          %reshape3A_705 = vector.shape_cast %broadcast_in_dim3A_704 : vector<16xi32> to vector<16x1xi32>
          %gather3A_706 = vector.shape_cast %reshape3A_705 : vector<16x1xi32> to vector<16xi32>
          %gather3A_707 = tpu.dynamic_gather %mul3A_301[%gather3A_706] in [0] : vector<16xi32>, vector<16xi32> -> vector<16xi32>
          %add3A_708 = arith.addi %gather3A_707, %add3A_5 : vector<16xi32>
          %gather3A_709 = tpu.vector_load_idx %arg16[%add3A_708] : memref<12800xf32, #tpu.memory_space<vmem>>[vector<16xi32>], vector<16xf32>,
          %add3A_710 = arith.constant 10 : i32
          %add3A_711 = arith.addi %mul3A_316, %add3A_710 : i32
          %sub3A_712 = arith.constant 1 : i32
          %sub3A_713 = arith.subi %add3A_711, %sub3A_712 : i32
          %swap3A_714 = arith.index_cast %sub3A_713 : i32 to index
          %swap3A_715 = arith.constant 0 : index
          %swap3A_716 = tpu.vector_load %arg14[%swap3A_714, %swap3A_715] {strides = array<i32>} : memref<512x64xf32, #tpu.memory_space<vmem>>, vector<16xf32>,
          tpu.vector_store %arg14[%swap3A_714, %swap3A_715], %gather3A_668 {add = true, strides = array<i32>} : memref<512x64xf32, #tpu.memory_space<vmem>>, vector<16xf32>,
          %add3A_717 = arith.addi %gather3A_707, %add3A_8 : vector<16xi32>
          %gather3A_718 = tpu.vector_load_idx %arg16[%add3A_717] : memref<12800xf32, #tpu.memory_space<vmem>>[vector<16xi32>], vector<16xf32>,
          %add3A_719 = arith.constant 10 : i32
          %add3A_720 = arith.addi %mul3A_316, %add3A_719 : i32
          %sub3A_721 = arith.constant 1 : i32
          %sub3A_722 = arith.subi %add3A_720, %sub3A_721 : i32
          %swap3A_723 = arith.index_cast %sub3A_722 : i32 to index
          %swap3A_724 = arith.constant 16 : index
          %swap3A_725 = tpu.vector_load %arg14[%swap3A_723, %swap3A_724] {strides = array<i32>} : memref<512x64xf32, #tpu.memory_space<vmem>>, vector<16xf32>,
          tpu.vector_store %arg14[%swap3A_723, %swap3A_724], %gather3A_677 {add = true, strides = array<i32>} : memref<512x64xf32, #tpu.memory_space<vmem>>, vector<16xf32>,
          %add3A_726 = arith.addi %gather3A_707, %add3A_11 : vector<16xi32>
          %gather3A_727 = tpu.vector_load_idx %arg16[%add3A_726] : memref<12800xf32, #tpu.memory_space<vmem>>[vector<16xi32>], vector<16xf32>,
          %add3A_728 = arith.constant 10 : i32
          %add3A_729 = arith.addi %mul3A_316, %add3A_728 : i32
          %sub3A_730 = arith.constant 1 : i32
          %sub3A_731 = arith.subi %add3A_729, %sub3A_730 : i32
          %swap3A_732 = arith.index_cast %sub3A_731 : i32 to index
          %swap3A_733 = arith.constant 32 : index
          %swap3A_734 = tpu.vector_load %arg14[%swap3A_732, %swap3A_733] {strides = array<i32>} : memref<512x64xf32, #tpu.memory_space<vmem>>, vector<16xf32>,
          tpu.vector_store %arg14[%swap3A_732, %swap3A_733], %gather3A_686 {add = true, strides = array<i32>} : memref<512x64xf32, #tpu.memory_space<vmem>>, vector<16xf32>,
          %add3A_735 = arith.addi %gather3A_707, %add3A_14 : vector<16xi32>
          %gather3A_736 = tpu.vector_load_idx %arg16[%add3A_735] : memref<12800xf32, #tpu.memory_space<vmem>>[vector<16xi32>], vector<16xf32>,
          %add3A_737 = arith.constant 10 : i32
          %add3A_738 = arith.addi %mul3A_316, %add3A_737 : i32
          %sub3A_739 = arith.constant 1 : i32
          %sub3A_740 = arith.subi %add3A_738, %sub3A_739 : i32
          %swap3A_741 = arith.index_cast %sub3A_740 : i32 to index
          %swap3A_742 = arith.constant 48 : index
          %swap3A_743 = tpu.vector_load %arg14[%swap3A_741, %swap3A_742] {strides = array<i32>} : memref<512x64xf32, #tpu.memory_space<vmem>>, vector<16xf32>,
          tpu.vector_store %arg14[%swap3A_741, %swap3A_742], %gather3A_695 {add = true, strides = array<i32>} : memref<512x64xf32, #tpu.memory_space<vmem>>, vector<16xf32>,
          %broadcast_in_dim3A_744 = arith.constant 11 : i32
          %broadcast_in_dim3A_745 = vector.broadcast %broadcast_in_dim3A_744 : i32 to vector<16xi32>
          %reshape3A_746 = vector.shape_cast %broadcast_in_dim3A_745 : vector<16xi32> to vector<16x1xi32>
          %gather3A_747 = vector.shape_cast %reshape3A_746 : vector<16x1xi32> to vector<16xi32>
          %gather3A_748 = tpu.dynamic_gather %mul3A_301[%gather3A_747] in [0] : vector<16xi32>, vector<16xi32> -> vector<16xi32>
          %add3A_749 = arith.addi %gather3A_748, %add3A_5 : vector<16xi32>
          %gather3A_750 = tpu.vector_load_idx %arg16[%add3A_749] : memref<12800xf32, #tpu.memory_space<vmem>>[vector<16xi32>], vector<16xf32>,
          %add3A_751 = arith.constant 11 : i32
          %add3A_752 = arith.addi %mul3A_316, %add3A_751 : i32
          %sub3A_753 = arith.constant 1 : i32
          %sub3A_754 = arith.subi %add3A_752, %sub3A_753 : i32
          %swap3A_755 = arith.index_cast %sub3A_754 : i32 to index
          %swap3A_756 = arith.constant 0 : index
          %swap3A_757 = tpu.vector_load %arg14[%swap3A_755, %swap3A_756] {strides = array<i32>} : memref<512x64xf32, #tpu.memory_space<vmem>>, vector<16xf32>,
          tpu.vector_store %arg14[%swap3A_755, %swap3A_756], %gather3A_709 {add = true, strides = array<i32>} : memref<512x64xf32, #tpu.memory_space<vmem>>, vector<16xf32>,
          %add3A_758 = arith.addi %gather3A_748, %add3A_8 : vector<16xi32>
          %gather3A_759 = tpu.vector_load_idx %arg16[%add3A_758] : memref<12800xf32, #tpu.memory_space<vmem>>[vector<16xi32>], vector<16xf32>,
          %add3A_760 = arith.constant 11 : i32
          %add3A_761 = arith.addi %mul3A_316, %add3A_760 : i32
          %sub3A_762 = arith.constant 1 : i32
          %sub3A_763 = arith.subi %add3A_761, %sub3A_762 : i32
          %swap3A_764 = arith.index_cast %sub3A_763 : i32 to index
          %swap3A_765 = arith.constant 16 : index
          %swap3A_766 = tpu.vector_load %arg14[%swap3A_764, %swap3A_765] {strides = array<i32>} : memref<512x64xf32, #tpu.memory_space<vmem>>, vector<16xf32>,
          tpu.vector_store %arg14[%swap3A_764, %swap3A_765], %gather3A_718 {add = true, strides = array<i32>} : memref<512x64xf32, #tpu.memory_space<vmem>>, vector<16xf32>,
          %add3A_767 = arith.addi %gather3A_748, %add3A_11 : vector<16xi32>
          %gather3A_768 = tpu.vector_load_idx %arg16[%add3A_767] : memref<12800xf32, #tpu.memory_space<vmem>>[vector<16xi32>], vector<16xf32>,
          %add3A_769 = arith.constant 11 : i32
          %add3A_770 = arith.addi %mul3A_316, %add3A_769 : i32
          %sub3A_771 = arith.constant 1 : i32
          %sub3A_772 = arith.subi %add3A_770, %sub3A_771 : i32
          %swap3A_773 = arith.index_cast %sub3A_772 : i32 to index
          %swap3A_774 = arith.constant 32 : index
          %swap3A_775 = tpu.vector_load %arg14[%swap3A_773, %swap3A_774] {strides = array<i32>} : memref<512x64xf32, #tpu.memory_space<vmem>>, vector<16xf32>,
          tpu.vector_store %arg14[%swap3A_773, %swap3A_774], %gather3A_727 {add = true, strides = array<i32>} : memref<512x64xf32, #tpu.memory_space<vmem>>, vector<16xf32>,
          %add3A_776 = arith.addi %gather3A_748, %add3A_14 : vector<16xi32>
          %gather3A_777 = tpu.vector_load_idx %arg16[%add3A_776] : memref<12800xf32, #tpu.memory_space<vmem>>[vector<16xi32>], vector<16xf32>,
          %add3A_778 = arith.constant 11 : i32
          %add3A_779 = arith.addi %mul3A_316, %add3A_778 : i32
          %sub3A_780 = arith.constant 1 : i32
          %sub3A_781 = arith.subi %add3A_779, %sub3A_780 : i32
          %swap3A_782 = arith.index_cast %sub3A_781 : i32 to index
          %swap3A_783 = arith.constant 48 : index
          %swap3A_784 = tpu.vector_load %arg14[%swap3A_782, %swap3A_783] {strides = array<i32>} : memref<512x64xf32, #tpu.memory_space<vmem>>, vector<16xf32>,
          tpu.vector_store %arg14[%swap3A_782, %swap3A_783], %gather3A_736 {add = true, strides = array<i32>} : memref<512x64xf32, #tpu.memory_space<vmem>>, vector<16xf32>,
          %broadcast_in_dim3A_785 = arith.constant 12 : i32
          %broadcast_in_dim3A_786 = vector.broadcast %broadcast_in_dim3A_785 : i32 to vector<16xi32>
          %reshape3A_787 = vector.shape_cast %broadcast_in_dim3A_786 : vector<16xi32> to vector<16x1xi32>
          %gather3A_788 = vector.shape_cast %reshape3A_787 : vector<16x1xi32> to vector<16xi32>
          %gather3A_789 = tpu.dynamic_gather %mul3A_301[%gather3A_788] in [0] : vector<16xi32>, vector<16xi32> -> vector<16xi32>
          %add3A_790 = arith.addi %gather3A_789, %add3A_5 : vector<16xi32>
          %gather3A_791 = tpu.vector_load_idx %arg16[%add3A_790] : memref<12800xf32, #tpu.memory_space<vmem>>[vector<16xi32>], vector<16xf32>,
          %add3A_792 = arith.constant 12 : i32
          %add3A_793 = arith.addi %mul3A_316, %add3A_792 : i32
          %sub3A_794 = arith.constant 1 : i32
          %sub3A_795 = arith.subi %add3A_793, %sub3A_794 : i32
          %swap3A_796 = arith.index_cast %sub3A_795 : i32 to index
          %swap3A_797 = arith.constant 0 : index
          %swap3A_798 = tpu.vector_load %arg14[%swap3A_796, %swap3A_797] {strides = array<i32>} : memref<512x64xf32, #tpu.memory_space<vmem>>, vector<16xf32>,
          tpu.vector_store %arg14[%swap3A_796, %swap3A_797], %gather3A_750 {add = true, strides = array<i32>} : memref<512x64xf32, #tpu.memory_space<vmem>>, vector<16xf32>,
          %add3A_799 = arith.addi %gather3A_789, %add3A_8 : vector<16xi32>
          %gather3A_800 = tpu.vector_load_idx %arg16[%add3A_799] : memref<12800xf32, #tpu.memory_space<vmem>>[vector<16xi32>], vector<16xf32>,
          %add3A_801 = arith.constant 12 : i32
          %add3A_802 = arith.addi %mul3A_316, %add3A_801 : i32
          %sub3A_803 = arith.constant 1 : i32
          %sub3A_804 = arith.subi %add3A_802, %sub3A_803 : i32
          %swap3A_805 = arith.index_cast %sub3A_804 : i32 to index
          %swap3A_806 = arith.constant 16 : index
          %swap3A_807 = tpu.vector_load %arg14[%swap3A_805, %swap3A_806] {strides = array<i32>} : memref<512x64xf32, #tpu.memory_space<vmem>>, vector<16xf32>,
          tpu.vector_store %arg14[%swap3A_805, %swap3A_806], %gather3A_759 {add = true, strides = array<i32>} : memref<512x64xf32, #tpu.memory_space<vmem>>, vector<16xf32>,
          %add3A_808 = arith.addi %gather3A_789, %add3A_11 : vector<16xi32>
          %gather3A_809 = tpu.vector_load_idx %arg16[%add3A_808] : memref<12800xf32, #tpu.memory_space<vmem>>[vector<16xi32>], vector<16xf32>,
          %add3A_810 = arith.constant 12 : i32
          %add3A_811 = arith.addi %mul3A_316, %add3A_810 : i32
          %sub3A_812 = arith.constant 1 : i32
          %sub3A_813 = arith.subi %add3A_811, %sub3A_812 : i32
          %swap3A_814 = arith.index_cast %sub3A_813 : i32 to index
          %swap3A_815 = arith.constant 32 : index
          %swap3A_816 = tpu.vector_load %arg14[%swap3A_814, %swap3A_815] {strides = array<i32>} : memref<512x64xf32, #tpu.memory_space<vmem>>, vector<16xf32>,
          tpu.vector_store %arg14[%swap3A_814, %swap3A_815], %gather3A_768 {add = true, strides = array<i32>} : memref<512x64xf32, #tpu.memory_space<vmem>>, vector<16xf32>,
          %add3A_817 = arith.addi %gather3A_789, %add3A_14 : vector<16xi32>
          %gather3A_818 = tpu.vector_load_idx %arg16[%add3A_817] : memref<12800xf32, #tpu.memory_space<vmem>>[vector<16xi32>], vector<16xf32>,
          %add3A_819 = arith.constant 12 : i32
          %add3A_820 = arith.addi %mul3A_316, %add3A_819 : i32
          %sub3A_821 = arith.constant 1 : i32
          %sub3A_822 = arith.subi %add3A_820, %sub3A_821 : i32
          %swap3A_823 = arith.index_cast %sub3A_822 : i32 to index
          %swap3A_824 = arith.constant 48 : index
          %swap3A_825 = tpu.vector_load %arg14[%swap3A_823, %swap3A_824] {strides = array<i32>} : memref<512x64xf32, #tpu.memory_space<vmem>>, vector<16xf32>,
          tpu.vector_store %arg14[%swap3A_823, %swap3A_824], %gather3A_777 {add = true, strides = array<i32>} : memref<512x64xf32, #tpu.memory_space<vmem>>, vector<16xf32>,
          %broadcast_in_dim3A_826 = arith.constant 13 : i32
          %broadcast_in_dim3A_827 = vector.broadcast %broadcast_in_dim3A_826 : i32 to vector<16xi32>
          %reshape3A_828 = vector.shape_cast %broadcast_in_dim3A_827 : vector<16xi32> to vector<16x1xi32>
          %gather3A_829 = vector.shape_cast %reshape3A_828 : vector<16x1xi32> to vector<16xi32>
          %gather3A_830 = tpu.dynamic_gather %mul3A_301[%gather3A_829] in [0] : vector<16xi32>, vector<16xi32> -> vector<16xi32>
          %add3A_831 = arith.addi %gather3A_830, %add3A_5 : vector<16xi32>
          %gather3A_832 = tpu.vector_load_idx %arg16[%add3A_831] : memref<12800xf32, #tpu.memory_space<vmem>>[vector<16xi32>], vector<16xf32>,
          %add3A_833 = arith.constant 13 : i32
          %add3A_834 = arith.addi %mul3A_316, %add3A_833 : i32
          %sub3A_835 = arith.constant 1 : i32
          %sub3A_836 = arith.subi %add3A_834, %sub3A_835 : i32
          %swap3A_837 = arith.index_cast %sub3A_836 : i32 to index
          %swap3A_838 = arith.constant 0 : index
          %swap3A_839 = tpu.vector_load %arg14[%swap3A_837, %swap3A_838] {strides = array<i32>} : memref<512x64xf32, #tpu.memory_space<vmem>>, vector<16xf32>,
          tpu.vector_store %arg14[%swap3A_837, %swap3A_838], %gather3A_791 {add = true, strides = array<i32>} : memref<512x64xf32, #tpu.memory_space<vmem>>, vector<16xf32>,
          %add3A_840 = arith.addi %gather3A_830, %add3A_8 : vector<16xi32>
          %gather3A_841 = tpu.vector_load_idx %arg16[%add3A_840] : memref<12800xf32, #tpu.memory_space<vmem>>[vector<16xi32>], vector<16xf32>,
          %add3A_842 = arith.constant 13 : i32
          %add3A_843 = arith.addi %mul3A_316, %add3A_842 : i32
          %sub3A_844 = arith.constant 1 : i32
          %sub3A_845 = arith.subi %add3A_843, %sub3A_844 : i32
          %swap3A_846 = arith.index_cast %sub3A_845 : i32 to index
          %swap3A_847 = arith.constant 16 : index
          %swap3A_848 = tpu.vector_load %arg14[%swap3A_846, %swap3A_847] {strides = array<i32>} : memref<512x64xf32, #tpu.memory_space<vmem>>, vector<16xf32>,
          tpu.vector_store %arg14[%swap3A_846, %swap3A_847], %gather3A_800 {add = true, strides = array<i32>} : memref<512x64xf32, #tpu.memory_space<vmem>>, vector<16xf32>,
          %add3A_849 = arith.addi %gather3A_830, %add3A_11 : vector<16xi32>
          %gather3A_850 = tpu.vector_load_idx %arg16[%add3A_849] : memref<12800xf32, #tpu.memory_space<vmem>>[vector<16xi32>], vector<16xf32>,
          %add3A_851 = arith.constant 13 : i32
          %add3A_852 = arith.addi %mul3A_316, %add3A_851 : i32
          %sub3A_853 = arith.constant 1 : i32
          %sub3A_854 = arith.subi %add3A_852, %sub3A_853 : i32
          %swap3A_855 = arith.index_cast %sub3A_854 : i32 to index
          %swap3A_856 = arith.constant 32 : index
          %swap3A_857 = tpu.vector_load %arg14[%swap3A_855, %swap3A_856] {strides = array<i32>} : memref<512x64xf32, #tpu.memory_space<vmem>>, vector<16xf32>,
          tpu.vector_store %arg14[%swap3A_855, %swap3A_856], %gather3A_809 {add = true, strides = array<i32>} : memref<512x64xf32, #tpu.memory_space<vmem>>, vector<16xf32>,
          %add3A_858 = arith.addi %gather3A_830, %add3A_14 : vector<16xi32>
          %gather3A_859 = tpu.vector_load_idx %arg16[%add3A_858] : memref<12800xf32, #tpu.memory_space<vmem>>[vector<16xi32>], vector<16xf32>,
          %add3A_860 = arith.constant 13 : i32
          %add3A_861 = arith.addi %mul3A_316, %add3A_860 : i32
          %sub3A_862 = arith.constant 1 : i32
          %sub3A_863 = arith.subi %add3A_861, %sub3A_862 : i32
          %swap3A_864 = arith.index_cast %sub3A_863 : i32 to index
          %swap3A_865 = arith.constant 48 : index
          %swap3A_866 = tpu.vector_load %arg14[%swap3A_864, %swap3A_865] {strides = array<i32>} : memref<512x64xf32, #tpu.memory_space<vmem>>, vector<16xf32>,
          tpu.vector_store %arg14[%swap3A_864, %swap3A_865], %gather3A_818 {add = true, strides = array<i32>} : memref<512x64xf32, #tpu.memory_space<vmem>>, vector<16xf32>,
          %broadcast_in_dim3A_867 = arith.constant 14 : i32
          %broadcast_in_dim3A_868 = vector.broadcast %broadcast_in_dim3A_867 : i32 to vector<16xi32>
          %reshape3A_869 = vector.shape_cast %broadcast_in_dim3A_868 : vector<16xi32> to vector<16x1xi32>
          %gather3A_870 = vector.shape_cast %reshape3A_869 : vector<16x1xi32> to vector<16xi32>
          %gather3A_871 = tpu.dynamic_gather %mul3A_301[%gather3A_870] in [0] : vector<16xi32>, vector<16xi32> -> vector<16xi32>
          %add3A_872 = arith.addi %gather3A_871, %add3A_5 : vector<16xi32>
          %gather3A_873 = tpu.vector_load_idx %arg16[%add3A_872] : memref<12800xf32, #tpu.memory_space<vmem>>[vector<16xi32>], vector<16xf32>,
          %add3A_874 = arith.constant 14 : i32
          %add3A_875 = arith.addi %mul3A_316, %add3A_874 : i32
          %sub3A_876 = arith.constant 1 : i32
          %sub3A_877 = arith.subi %add3A_875, %sub3A_876 : i32
          %swap3A_878 = arith.index_cast %sub3A_877 : i32 to index
          %swap3A_879 = arith.constant 0 : index
          %swap3A_880 = tpu.vector_load %arg14[%swap3A_878, %swap3A_879] {strides = array<i32>} : memref<512x64xf32, #tpu.memory_space<vmem>>, vector<16xf32>,
          tpu.vector_store %arg14[%swap3A_878, %swap3A_879], %gather3A_832 {add = true, strides = array<i32>} : memref<512x64xf32, #tpu.memory_space<vmem>>, vector<16xf32>,
          %add3A_881 = arith.addi %gather3A_871, %add3A_8 : vector<16xi32>
          %gather3A_882 = tpu.vector_load_idx %arg16[%add3A_881] : memref<12800xf32, #tpu.memory_space<vmem>>[vector<16xi32>], vector<16xf32>,
          %add3A_883 = arith.constant 14 : i32
          %add3A_884 = arith.addi %mul3A_316, %add3A_883 : i32
          %sub3A_885 = arith.constant 1 : i32
          %sub3A_886 = arith.subi %add3A_884, %sub3A_885 : i32
          %swap3A_887 = arith.index_cast %sub3A_886 : i32 to index
          %swap3A_888 = arith.constant 16 : index
          %swap3A_889 = tpu.vector_load %arg14[%swap3A_887, %swap3A_888] {strides = array<i32>} : memref<512x64xf32, #tpu.memory_space<vmem>>, vector<16xf32>,
          tpu.vector_store %arg14[%swap3A_887, %swap3A_888], %gather3A_841 {add = true, strides = array<i32>} : memref<512x64xf32, #tpu.memory_space<vmem>>, vector<16xf32>,
          %add3A_890 = arith.addi %gather3A_871, %add3A_11 : vector<16xi32>
          %gather3A_891 = tpu.vector_load_idx %arg16[%add3A_890] : memref<12800xf32, #tpu.memory_space<vmem>>[vector<16xi32>], vector<16xf32>,
          %add3A_892 = arith.constant 14 : i32
          %add3A_893 = arith.addi %mul3A_316, %add3A_892 : i32
          %sub3A_894 = arith.constant 1 : i32
          %sub3A_895 = arith.subi %add3A_893, %sub3A_894 : i32
          %swap3A_896 = arith.index_cast %sub3A_895 : i32 to index
          %swap3A_897 = arith.constant 32 : index
          %swap3A_898 = tpu.vector_load %arg14[%swap3A_896, %swap3A_897] {strides = array<i32>} : memref<512x64xf32, #tpu.memory_space<vmem>>, vector<16xf32>,
          tpu.vector_store %arg14[%swap3A_896, %swap3A_897], %gather3A_850 {add = true, strides = array<i32>} : memref<512x64xf32, #tpu.memory_space<vmem>>, vector<16xf32>,
          %add3A_899 = arith.addi %gather3A_871, %add3A_14 : vector<16xi32>
          %gather3A_900 = tpu.vector_load_idx %arg16[%add3A_899] : memref<12800xf32, #tpu.memory_space<vmem>>[vector<16xi32>], vector<16xf32>,
          %add3A_901 = arith.constant 14 : i32
          %add3A_902 = arith.addi %mul3A_316, %add3A_901 : i32
          %sub3A_903 = arith.constant 1 : i32
          %sub3A_904 = arith.subi %add3A_902, %sub3A_903 : i32
          %swap3A_905 = arith.index_cast %sub3A_904 : i32 to index
          %swap3A_906 = arith.constant 48 : index
          %swap3A_907 = tpu.vector_load %arg14[%swap3A_905, %swap3A_906] {strides = array<i32>} : memref<512x64xf32, #tpu.memory_space<vmem>>, vector<16xf32>,
          tpu.vector_store %arg14[%swap3A_905, %swap3A_906], %gather3A_859 {add = true, strides = array<i32>} : memref<512x64xf32, #tpu.memory_space<vmem>>, vector<16xf32>,
          %broadcast_in_dim3A_908 = arith.constant 15 : i32
          %broadcast_in_dim3A_909 = vector.broadcast %broadcast_in_dim3A_908 : i32 to vector<16xi32>
          %reshape3A_910 = vector.shape_cast %broadcast_in_dim3A_909 : vector<16xi32> to vector<16x1xi32>
          %gather3A_911 = vector.shape_cast %reshape3A_910 : vector<16x1xi32> to vector<16xi32>
          %gather3A_912 = tpu.dynamic_gather %mul3A_301[%gather3A_911] in [0] : vector<16xi32>, vector<16xi32> -> vector<16xi32>
          %add3A_913 = arith.addi %gather3A_912, %add3A_5 : vector<16xi32>
          %gather3A_914 = tpu.vector_load_idx %arg16[%add3A_913] : memref<12800xf32, #tpu.memory_space<vmem>>[vector<16xi32>], vector<16xf32>,
          %add3A_915 = arith.constant 15 : i32
          %add3A_916 = arith.addi %mul3A_316, %add3A_915 : i32
          %sub3A_917 = arith.constant 1 : i32
          %sub3A_918 = arith.subi %add3A_916, %sub3A_917 : i32
          %swap3A_919 = arith.index_cast %sub3A_918 : i32 to index
          %swap3A_920 = arith.constant 0 : index
          %swap3A_921 = tpu.vector_load %arg14[%swap3A_919, %swap3A_920] {strides = array<i32>} : memref<512x64xf32, #tpu.memory_space<vmem>>, vector<16xf32>,
          tpu.vector_store %arg14[%swap3A_919, %swap3A_920], %gather3A_873 {add = true, strides = array<i32>} : memref<512x64xf32, #tpu.memory_space<vmem>>, vector<16xf32>,
          %add3A_922 = arith.addi %gather3A_912, %add3A_8 : vector<16xi32>
          %gather3A_923 = tpu.vector_load_idx %arg16[%add3A_922] : memref<12800xf32, #tpu.memory_space<vmem>>[vector<16xi32>], vector<16xf32>,
          %add3A_924 = arith.constant 15 : i32
          %add3A_925 = arith.addi %mul3A_316, %add3A_924 : i32
          %sub3A_926 = arith.constant 1 : i32
          %sub3A_927 = arith.subi %add3A_925, %sub3A_926 : i32
          %swap3A_928 = arith.index_cast %sub3A_927 : i32 to index
          %swap3A_929 = arith.constant 16 : index
          %swap3A_930 = tpu.vector_load %arg14[%swap3A_928, %swap3A_929] {strides = array<i32>} : memref<512x64xf32, #tpu.memory_space<vmem>>, vector<16xf32>,
          tpu.vector_store %arg14[%swap3A_928, %swap3A_929], %gather3A_882 {add = true, strides = array<i32>} : memref<512x64xf32, #tpu.memory_space<vmem>>, vector<16xf32>,
          %add3A_931 = arith.addi %gather3A_912, %add3A_11 : vector<16xi32>
          %gather3A_932 = tpu.vector_load_idx %arg16[%add3A_931] : memref<12800xf32, #tpu.memory_space<vmem>>[vector<16xi32>], vector<16xf32>,
          %add3A_933 = arith.constant 15 : i32
          %add3A_934 = arith.addi %mul3A_316, %add3A_933 : i32
          %sub3A_935 = arith.constant 1 : i32
          %sub3A_936 = arith.subi %add3A_934, %sub3A_935 : i32
          %swap3A_937 = arith.index_cast %sub3A_936 : i32 to index
          %swap3A_938 = arith.constant 32 : index
          %swap3A_939 = tpu.vector_load %arg14[%swap3A_937, %swap3A_938] {strides = array<i32>} : memref<512x64xf32, #tpu.memory_space<vmem>>, vector<16xf32>,
          tpu.vector_store %arg14[%swap3A_937, %swap3A_938], %gather3A_891 {add = true, strides = array<i32>} : memref<512x64xf32, #tpu.memory_space<vmem>>, vector<16xf32>,
          %add3A_940 = arith.addi %gather3A_912, %add3A_14 : vector<16xi32>
          %gather3A_941 = tpu.vector_load_idx %arg16[%add3A_940] : memref<12800xf32, #tpu.memory_space<vmem>>[vector<16xi32>], vector<16xf32>,
          %add3A_942 = arith.constant 15 : i32
          %add3A_943 = arith.addi %mul3A_316, %add3A_942 : i32
          %sub3A_944 = arith.constant 1 : i32
          %sub3A_945 = arith.subi %add3A_943, %sub3A_944 : i32
          %swap3A_946 = arith.index_cast %sub3A_945 : i32 to index
          %swap3A_947 = arith.constant 48 : index
          %swap3A_948 = tpu.vector_load %arg14[%swap3A_946, %swap3A_947] {strides = array<i32>} : memref<512x64xf32, #tpu.memory_space<vmem>>, vector<16xf32>,
          tpu.vector_store %arg14[%swap3A_946, %swap3A_947], %gather3A_900 {add = true, strides = array<i32>} : memref<512x64xf32, #tpu.memory_space<vmem>>, vector<16xf32>,
          %add3A_949 = arith.constant 15 : i32
          %add3A_950 = arith.addi %mul3A_316, %add3A_949 : i32
          %swap3A_951 = arith.index_cast %add3A_950 : i32 to index
          %swap3A_952 = arith.constant 0 : index
          %swap3A_953 = tpu.vector_load %arg14[%swap3A_951, %swap3A_952] {strides = array<i32>} : memref<512x64xf32, #tpu.memory_space<vmem>>, vector<16xf32>,
          tpu.vector_store %arg14[%swap3A_951, %swap3A_952], %gather3A_914 {add = true, strides = array<i32>} : memref<512x64xf32, #tpu.memory_space<vmem>>, vector<16xf32>,
          %add3A_954 = arith.constant 15 : i32
          %add3A_955 = arith.addi %mul3A_316, %add3A_954 : i32
          %swap3A_956 = arith.index_cast %add3A_955 : i32 to index
          %swap3A_957 = arith.constant 16 : index
          %swap3A_958 = tpu.vector_load %arg14[%swap3A_956, %swap3A_957] {strides = array<i32>} : memref<512x64xf32, #tpu.memory_space<vmem>>, vector<16xf32>,
          tpu.vector_store %arg14[%swap3A_956, %swap3A_957], %gather3A_923 {add = true, strides = array<i32>} : memref<512x64xf32, #tpu.memory_space<vmem>>, vector<16xf32>,
          %add3A_959 = arith.constant 15 : i32
          %add3A_960 = arith.addi %mul3A_316, %add3A_959 : i32
          %swap3A_961 = arith.index_cast %add3A_960 : i32 to index
          %swap3A_962 = arith.constant 32 : index
          %swap3A_963 = tpu.vector_load %arg14[%swap3A_961, %swap3A_962] {strides = array<i32>} : memref<512x64xf32, #tpu.memory_space<vmem>>, vector<16xf32>,
          tpu.vector_store %arg14[%swap3A_961, %swap3A_962], %gather3A_932 {add = true, strides = array<i32>} : memref<512x64xf32, #tpu.memory_space<vmem>>, vector<16xf32>,
          %add3A_964 = arith.constant 15 : i32
          %add3A_965 = arith.addi %mul3A_316, %add3A_964 : i32
          %swap3A_966 = arith.index_cast %add3A_965 : i32 to index
          %swap3A_967 = arith.constant 48 : index
          %swap3A_968 = tpu.vector_load %arg14[%swap3A_966, %swap3A_967] {strides = array<i32>} : memref<512x64xf32, #tpu.memory_space<vmem>>, vector<16xf32>,
          tpu.vector_store %arg14[%swap3A_966, %swap3A_967], %gather3A_941 {add = true, strides = array<i32>} : memref<512x64xf32, #tpu.memory_space<vmem>>, vector<16xf32>,
        } else {
        }
        %not3A = arith.constant true
        %not3A_320 = arith.xori %eq3A_314, %not3A : i1
        %convert_element_type3A_321 = arith.extui %not3A_320 : i1 to i32
        %cond3A_322 = arith.constant 0 : i32
        %cond3A_323 = arith.cmpi ne, %convert_element_type3A_321, %cond3A_322 : i32
        scf.if %cond3A_323 {
          %broadcast_in_dim3A_324 = arith.constant 0 : i32
          %broadcast_in_dim3A_325 = vector.broadcast %broadcast_in_dim3A_324 : i32 to vector<16xi32>
          %reshape3A = vector.shape_cast %broadcast_in_dim3A_325 : vector<16xi32> to vector<16x1xi32>
          %gather3A = vector.shape_cast %reshape3A : vector<16x1xi32> to vector<16xi32>
          %gather3A_326 = tpu.dynamic_gather %mul3A_301[%gather3A] in [0] : vector<16xi32>, vector<16xi32> -> vector<16xi32>
          %broadcast_in_dim3A_327 = arith.constant 0 : i32
          %broadcast_in_dim3A_328 = vector.broadcast %broadcast_in_dim3A_327 : i32 to vector<16xi32>
          %reshape3A_329 = vector.shape_cast %broadcast_in_dim3A_328 : vector<16xi32> to vector<16x1xi32>
          %gather3A_330 = vector.shape_cast %reshape3A_329 : vector<16x1xi32> to vector<16xi32>
          %gather3A_331 = tpu.dynamic_gather %mul3A_298[%gather3A_330] in [0] : vector<16xf32>, vector<16xi32> -> vector<16xf32>
          %broadcast_in_dim3A_332 = arith.constant 0 : i32
          %broadcast_in_dim3A_333 = vector.broadcast %broadcast_in_dim3A_332 : i32 to vector<16xi32>
          %reshape3A_334 = vector.shape_cast %broadcast_in_dim3A_333 : vector<16xi32> to vector<16x1xi32>
          %gather3A_335 = vector.shape_cast %reshape3A_334 : vector<16x1xi32> to vector<16xi32>
          %gather3A_336 = tpu.dynamic_gather %get3A_291[%gather3A_335] in [0] : vector<16xf32>, vector<16xi32> -> vector<16xf32>
          %add3A_337 = arith.constant 0 : i32
          %add3A_338 = arith.addi %mul3A_316, %add3A_337 : i32
          %get3A_339 = arith.index_cast %add3A_338 : i32 to index
          %get3A_340 = arith.constant 0 : index
          %get3A_341 = tpu.vector_load %arg14[%get3A_339, %get3A_340] {strides = array<i32>} : memref<512x64xf32, #tpu.memory_space<vmem>>, vector<16xf32>,
          %add3A_342 = arith.addi %gather3A_326, %add3A_5 : vector<16xi32>
          %gather3A_343 = tpu.vector_load_idx %arg16[%add3A_342] : memref<12800xf32, #tpu.memory_space<vmem>>[vector<16xi32>], vector<16xf32>,
          %mul3A_344 = arith.mulf %get3A_341, %gather3A_331 : vector<16xf32>
          %mul3A_345 = arith.mulf %gather3A_343, %gather3A_336 : vector<16xf32>
          %add3A_346 = arith.addf %mul3A_344, %mul3A_345 : vector<16xf32>
          %swap3A = arith.index_cast %add3A_338 : i32 to index
          %swap3A_347 = arith.constant 0 : index
          %swap3A_348 = tpu.vector_load %arg14[%swap3A, %swap3A_347] {strides = array<i32>} : memref<512x64xf32, #tpu.memory_space<vmem>>, vector<16xf32>,
          tpu.vector_store %arg14[%swap3A, %swap3A_347], %add3A_346 {strides = array<i32>} : memref<512x64xf32, #tpu.memory_space<vmem>>, vector<16xf32>,
          %get3A_349 = arith.index_cast %add3A_338 : i32 to index
          %get3A_350 = arith.constant 16 : index
          %get3A_351 = tpu.vector_load %arg14[%get3A_349, %get3A_350] {strides = array<i32>} : memref<512x64xf32, #tpu.memory_space<vmem>>, vector<16xf32>,
          %add3A_352 = arith.addi %gather3A_326, %add3A_8 : vector<16xi32>
          %gather3A_353 = tpu.vector_load_idx %arg16[%add3A_352] : memref<12800xf32, #tpu.memory_space<vmem>>[vector<16xi32>], vector<16xf32>,
          %mul3A_354 = arith.mulf %get3A_351, %gather3A_331 : vector<16xf32>
          %mul3A_355 = arith.mulf %gather3A_353, %gather3A_336 : vector<16xf32>
          %add3A_356 = arith.addf %mul3A_354, %mul3A_355 : vector<16xf32>
          %swap3A_357 = arith.index_cast %add3A_338 : i32 to index
          %swap3A_358 = arith.constant 16 : index
          %swap3A_359 = tpu.vector_load %arg14[%swap3A_357, %swap3A_358] {strides = array<i32>} : memref<512x64xf32, #tpu.memory_space<vmem>>, vector<16xf32>,
          tpu.vector_store %arg14[%swap3A_357, %swap3A_358], %add3A_356 {strides = array<i32>} : memref<512x64xf32, #tpu.memory_space<vmem>>, vector<16xf32>,
          %get3A_360 = arith.index_cast %add3A_338 : i32 to index
          %get3A_361 = arith.constant 32 : index
          %get3A_362 = tpu.vector_load %arg14[%get3A_360, %get3A_361] {strides = array<i32>} : memref<512x64xf32, #tpu.memory_space<vmem>>, vector<16xf32>,
          %add3A_363 = arith.addi %gather3A_326, %add3A_11 : vector<16xi32>
          %gather3A_364 = tpu.vector_load_idx %arg16[%add3A_363] : memref<12800xf32, #tpu.memory_space<vmem>>[vector<16xi32>], vector<16xf32>,
          %mul3A_365 = arith.mulf %get3A_362, %gather3A_331 : vector<16xf32>
          %mul3A_366 = arith.mulf %gather3A_364, %gather3A_336 : vector<16xf32>
          %add3A_367 = arith.addf %mul3A_365, %mul3A_366 : vector<16xf32>
          %swap3A_368 = arith.index_cast %add3A_338 : i32 to index
          %swap3A_369 = arith.constant 32 : index
          %swap3A_370 = tpu.vector_load %arg14[%swap3A_368, %swap3A_369] {strides = array<i32>} : memref<512x64xf32, #tpu.memory_space<vmem>>, vector<16xf32>,
          tpu.vector_store %arg14[%swap3A_368, %swap3A_369], %add3A_367 {strides = array<i32>} : memref<512x64xf32, #tpu.memory_space<vmem>>, vector<16xf32>,
          %get3A_371 = arith.index_cast %add3A_338 : i32 to index
          %get3A_372 = arith.constant 48 : index
          %get3A_373 = tpu.vector_load %arg14[%get3A_371, %get3A_372] {strides = array<i32>} : memref<512x64xf32, #tpu.memory_space<vmem>>, vector<16xf32>,
          %add3A_374 = arith.addi %gather3A_326, %add3A_14 : vector<16xi32>
          %gather3A_375 = tpu.vector_load_idx %arg16[%add3A_374] : memref<12800xf32, #tpu.memory_space<vmem>>[vector<16xi32>], vector<16xf32>,
          %mul3A_376 = arith.mulf %get3A_373, %gather3A_331 : vector<16xf32>
          %mul3A_377 = arith.mulf %gather3A_375, %gather3A_336 : vector<16xf32>
          %add3A_378 = arith.addf %mul3A_376, %mul3A_377 : vector<16xf32>
          %swap3A_379 = arith.index_cast %add3A_338 : i32 to index
          %swap3A_380 = arith.constant 48 : index
          %swap3A_381 = tpu.vector_load %arg14[%swap3A_379, %swap3A_380] {strides = array<i32>} : memref<512x64xf32, #tpu.memory_space<vmem>>, vector<16xf32>,
          tpu.vector_store %arg14[%swap3A_379, %swap3A_380], %add3A_378 {strides = array<i32>} : memref<512x64xf32, #tpu.memory_space<vmem>>, vector<16xf32>,
          %broadcast_in_dim3A_382 = arith.constant 1 : i32
          %broadcast_in_dim3A_383 = vector.broadcast %broadcast_in_dim3A_382 : i32 to vector<16xi32>
          %reshape3A_384 = vector.shape_cast %broadcast_in_dim3A_383 : vector<16xi32> to vector<16x1xi32>
          %gather3A_385 = vector.shape_cast %reshape3A_384 : vector<16x1xi32> to vector<16xi32>
          %gather3A_386 = tpu.dynamic_gather %mul3A_301[%gather3A_385] in [0] : vector<16xi32>, vector<16xi32> -> vector<16xi32>
          %broadcast_in_dim3A_387 = arith.constant 1 : i32
          %broadcast_in_dim3A_388 = vector.broadcast %broadcast_in_dim3A_387 : i32 to vector<16xi32>
          %reshape3A_389 = vector.shape_cast %broadcast_in_dim3A_388 : vector<16xi32> to vector<16x1xi32>
          %gather3A_390 = vector.shape_cast %reshape3A_389 : vector<16x1xi32> to vector<16xi32>
          %gather3A_391 = tpu.dynamic_gather %mul3A_298[%gather3A_390] in [0] : vector<16xf32>, vector<16xi32> -> vector<16xf32>
          %broadcast_in_dim3A_392 = arith.constant 1 : i32
          %broadcast_in_dim3A_393 = vector.broadcast %broadcast_in_dim3A_392 : i32 to vector<16xi32>
          %reshape3A_394 = vector.shape_cast %broadcast_in_dim3A_393 : vector<16xi32> to vector<16x1xi32>
          %gather3A_395 = vector.shape_cast %reshape3A_394 : vector<16x1xi32> to vector<16xi32>
          %gather3A_396 = tpu.dynamic_gather %get3A_291[%gather3A_395] in [0] : vector<16xf32>, vector<16xi32> -> vector<16xf32>
          %add3A_397 = arith.constant 1 : i32
          %add3A_398 = arith.addi %mul3A_316, %add3A_397 : i32
          %get3A_399 = arith.index_cast %add3A_398 : i32 to index
          %get3A_400 = arith.constant 0 : index
          %get3A_401 = tpu.vector_load %arg14[%get3A_399, %get3A_400] {strides = array<i32>} : memref<512x64xf32, #tpu.memory_space<vmem>>, vector<16xf32>,
          %add3A_402 = arith.addi %gather3A_386, %add3A_5 : vector<16xi32>
          %gather3A_403 = tpu.vector_load_idx %arg16[%add3A_402] : memref<12800xf32, #tpu.memory_space<vmem>>[vector<16xi32>], vector<16xf32>,
          %mul3A_404 = arith.mulf %get3A_401, %gather3A_391 : vector<16xf32>
          %mul3A_405 = arith.mulf %gather3A_403, %gather3A_396 : vector<16xf32>
          %add3A_406 = arith.addf %mul3A_404, %mul3A_405 : vector<16xf32>
          %swap3A_407 = arith.index_cast %add3A_398 : i32 to index
          %swap3A_408 = arith.constant 0 : index
          %swap3A_409 = tpu.vector_load %arg14[%swap3A_407, %swap3A_408] {strides = array<i32>} : memref<512x64xf32, #tpu.memory_space<vmem>>, vector<16xf32>,
          tpu.vector_store %arg14[%swap3A_407, %swap3A_408], %add3A_406 {strides = array<i32>} : memref<512x64xf32, #tpu.memory_space<vmem>>, vector<16xf32>,
          %get3A_410 = arith.index_cast %add3A_398 : i32 to index
          %get3A_411 = arith.constant 16 : index
          %get3A_412 = tpu.vector_load %arg14[%get3A_410, %get3A_411] {strides = array<i32>} : memref<512x64xf32, #tpu.memory_space<vmem>>, vector<16xf32>,
          %add3A_413 = arith.addi %gather3A_386, %add3A_8 : vector<16xi32>
          %gather3A_414 = tpu.vector_load_idx %arg16[%add3A_413] : memref<12800xf32, #tpu.memory_space<vmem>>[vector<16xi32>], vector<16xf32>,
          %mul3A_415 = arith.mulf %get3A_412, %gather3A_391 : vector<16xf32>
          %mul3A_416 = arith.mulf %gather3A_414, %gather3A_396 : vector<16xf32>
          %add3A_417 = arith.addf %mul3A_415, %mul3A_416 : vector<16xf32>
          %swap3A_418 = arith.index_cast %add3A_398 : i32 to index
          %swap3A_419 = arith.constant 16 : index
          %swap3A_420 = tpu.vector_load %arg14[%swap3A_418, %swap3A_419] {strides = array<i32>} : memref<512x64xf32, #tpu.memory_space<vmem>>, vector<16xf32>,
          tpu.vector_store %arg14[%swap3A_418, %swap3A_419], %add3A_417 {strides = array<i32>} : memref<512x64xf32, #tpu.memory_space<vmem>>, vector<16xf32>,
          %get3A_421 = arith.index_cast %add3A_398 : i32 to index
          %get3A_422 = arith.constant 32 : index
          %get3A_423 = tpu.vector_load %arg14[%get3A_421, %get3A_422] {strides = array<i32>} : memref<512x64xf32, #tpu.memory_space<vmem>>, vector<16xf32>,
          %add3A_424 = arith.addi %gather3A_386, %add3A_11 : vector<16xi32>
          %gather3A_425 = tpu.vector_load_idx %arg16[%add3A_424] : memref<12800xf32, #tpu.memory_space<vmem>>[vector<16xi32>], vector<16xf32>,
          %mul3A_426 = arith.mulf %get3A_423, %gather3A_391 : vector<16xf32>
          %mul3A_427 = arith.mulf %gather3A_425, %gather3A_396 : vector<16xf32>
          %add3A_428 = arith.addf %mul3A_426, %mul3A_427 : vector<16xf32>
          %swap3A_429 = arith.index_cast %add3A_398 : i32 to index
          %swap3A_430 = arith.constant 32 : index
          %swap3A_431 = tpu.vector_load %arg14[%swap3A_429, %swap3A_430] {strides = array<i32>} : memref<512x64xf32, #tpu.memory_space<vmem>>, vector<16xf32>,
          tpu.vector_store %arg14[%swap3A_429, %swap3A_430], %add3A_428 {strides = array<i32>} : memref<512x64xf32, #tpu.memory_space<vmem>>, vector<16xf32>,
          %get3A_432 = arith.index_cast %add3A_398 : i32 to index
          %get3A_433 = arith.constant 48 : index
          %get3A_434 = tpu.vector_load %arg14[%get3A_432, %get3A_433] {strides = array<i32>} : memref<512x64xf32, #tpu.memory_space<vmem>>, vector<16xf32>,
          %add3A_435 = arith.addi %gather3A_386, %add3A_14 : vector<16xi32>
          %gather3A_436 = tpu.vector_load_idx %arg16[%add3A_435] : memref<12800xf32, #tpu.memory_space<vmem>>[vector<16xi32>], vector<16xf32>,
          %mul3A_437 = arith.mulf %get3A_434, %gather3A_391 : vector<16xf32>
          %mul3A_438 = arith.mulf %gather3A_436, %gather3A_396 : vector<16xf32>
          %add3A_439 = arith.addf %mul3A_437, %mul3A_438 : vector<16xf32>
          %swap3A_440 = arith.index_cast %add3A_398 : i32 to index
          %swap3A_441 = arith.constant 48 : index
          %swap3A_442 = tpu.vector_load %arg14[%swap3A_440, %swap3A_441] {strides = array<i32>} : memref<512x64xf32, #tpu.memory_space<vmem>>, vector<16xf32>,
          tpu.vector_store %arg14[%swap3A_440, %swap3A_441], %add3A_439 {strides = array<i32>} : memref<512x64xf32, #tpu.memory_space<vmem>>, vector<16xf32>,
          %broadcast_in_dim3A_443 = arith.constant 2 : i32
          %broadcast_in_dim3A_444 = vector.broadcast %broadcast_in_dim3A_443 : i32 to vector<16xi32>
          %reshape3A_445 = vector.shape_cast %broadcast_in_dim3A_444 : vector<16xi32> to vector<16x1xi32>
          %gather3A_446 = vector.shape_cast %reshape3A_445 : vector<16x1xi32> to vector<16xi32>
          %gather3A_447 = tpu.dynamic_gather %mul3A_301[%gather3A_446] in [0] : vector<16xi32>, vector<16xi32> -> vector<16xi32>
          %broadcast_in_dim3A_448 = arith.constant 2 : i32
          %broadcast_in_dim3A_449 = vector.broadcast %broadcast_in_dim3A_448 : i32 to vector<16xi32>
          %reshape3A_450 = vector.shape_cast %broadcast_in_dim3A_449 : vector<16xi32> to vector<16x1xi32>
          %gather3A_451 = vector.shape_cast %reshape3A_450 : vector<16x1xi32> to vector<16xi32>
          %gather3A_452 = tpu.dynamic_gather %mul3A_298[%gather3A_451] in [0] : vector<16xf32>, vector<16xi32> -> vector<16xf32>
          %broadcast_in_dim3A_453 = arith.constant 2 : i32
          %broadcast_in_dim3A_454 = vector.broadcast %broadcast_in_dim3A_453 : i32 to vector<16xi32>
          %reshape3A_455 = vector.shape_cast %broadcast_in_dim3A_454 : vector<16xi32> to vector<16x1xi32>
          %gather3A_456 = vector.shape_cast %reshape3A_455 : vector<16x1xi32> to vector<16xi32>
          %gather3A_457 = tpu.dynamic_gather %get3A_291[%gather3A_456] in [0] : vector<16xf32>, vector<16xi32> -> vector<16xf32>
          %add3A_458 = arith.constant 2 : i32
          %add3A_459 = arith.addi %mul3A_316, %add3A_458 : i32
          %get3A_460 = arith.index_cast %add3A_459 : i32 to index
          %get3A_461 = arith.constant 0 : index
          %get3A_462 = tpu.vector_load %arg14[%get3A_460, %get3A_461] {strides = array<i32>} : memref<512x64xf32, #tpu.memory_space<vmem>>, vector<16xf32>,
          %add3A_463 = arith.addi %gather3A_447, %add3A_5 : vector<16xi32>
          %gather3A_464 = tpu.vector_load_idx %arg16[%add3A_463] : memref<12800xf32, #tpu.memory_space<vmem>>[vector<16xi32>], vector<16xf32>,
          %mul3A_465 = arith.mulf %get3A_462, %gather3A_452 : vector<16xf32>
          %mul3A_466 = arith.mulf %gather3A_464, %gather3A_457 : vector<16xf32>
          %add3A_467 = arith.addf %mul3A_465, %mul3A_466 : vector<16xf32>
          %swap3A_468 = arith.index_cast %add3A_459 : i32 to index
          %swap3A_469 = arith.constant 0 : index
          %swap3A_470 = tpu.vector_load %arg14[%swap3A_468, %swap3A_469] {strides = array<i32>} : memref<512x64xf32, #tpu.memory_space<vmem>>, vector<16xf32>,
          tpu.vector_store %arg14[%swap3A_468, %swap3A_469], %add3A_467 {strides = array<i32>} : memref<512x64xf32, #tpu.memory_space<vmem>>, vector<16xf32>,
          %get3A_471 = arith.index_cast %add3A_459 : i32 to index
          %get3A_472 = arith.constant 16 : index
          %get3A_473 = tpu.vector_load %arg14[%get3A_471, %get3A_472] {strides = array<i32>} : memref<512x64xf32, #tpu.memory_space<vmem>>, vector<16xf32>,
          %add3A_474 = arith.addi %gather3A_447, %add3A_8 : vector<16xi32>
          %gather3A_475 = tpu.vector_load_idx %arg16[%add3A_474] : memref<12800xf32, #tpu.memory_space<vmem>>[vector<16xi32>], vector<16xf32>,
          %mul3A_476 = arith.mulf %get3A_473, %gather3A_452 : vector<16xf32>
          %mul3A_477 = arith.mulf %gather3A_475, %gather3A_457 : vector<16xf32>
          %add3A_478 = arith.addf %mul3A_476, %mul3A_477 : vector<16xf32>
          %swap3A_479 = arith.index_cast %add3A_459 : i32 to index
          %swap3A_480 = arith.constant 16 : index
          %swap3A_481 = tpu.vector_load %arg14[%swap3A_479, %swap3A_480] {strides = array<i32>} : memref<512x64xf32, #tpu.memory_space<vmem>>, vector<16xf32>,
          tpu.vector_store %arg14[%swap3A_479, %swap3A_480], %add3A_478 {strides = array<i32>} : memref<512x64xf32, #tpu.memory_space<vmem>>, vector<16xf32>,
          %get3A_482 = arith.index_cast %add3A_459 : i32 to index
          %get3A_483 = arith.constant 32 : index
          %get3A_484 = tpu.vector_load %arg14[%get3A_482, %get3A_483] {strides = array<i32>} : memref<512x64xf32, #tpu.memory_space<vmem>>, vector<16xf32>,
          %add3A_485 = arith.addi %gather3A_447, %add3A_11 : vector<16xi32>
          %gather3A_486 = tpu.vector_load_idx %arg16[%add3A_485] : memref<12800xf32, #tpu.memory_space<vmem>>[vector<16xi32>], vector<16xf32>,
          %mul3A_487 = arith.mulf %get3A_484, %gather3A_452 : vector<16xf32>
          %mul3A_488 = arith.mulf %gather3A_486, %gather3A_457 : vector<16xf32>
          %add3A_489 = arith.addf %mul3A_487, %mul3A_488 : vector<16xf32>
          %swap3A_490 = arith.index_cast %add3A_459 : i32 to index
          %swap3A_491 = arith.constant 32 : index
          %swap3A_492 = tpu.vector_load %arg14[%swap3A_490, %swap3A_491] {strides = array<i32>} : memref<512x64xf32, #tpu.memory_space<vmem>>, vector<16xf32>,
          tpu.vector_store %arg14[%swap3A_490, %swap3A_491], %add3A_489 {strides = array<i32>} : memref<512x64xf32, #tpu.memory_space<vmem>>, vector<16xf32>,
          %get3A_493 = arith.index_cast %add3A_459 : i32 to index
          %get3A_494 = arith.constant 48 : index
          %get3A_495 = tpu.vector_load %arg14[%get3A_493, %get3A_494] {strides = array<i32>} : memref<512x64xf32, #tpu.memory_space<vmem>>, vector<16xf32>,
          %add3A_496 = arith.addi %gather3A_447, %add3A_14 : vector<16xi32>
          %gather3A_497 = tpu.vector_load_idx %arg16[%add3A_496] : memref<12800xf32, #tpu.memory_space<vmem>>[vector<16xi32>], vector<16xf32>,
          %mul3A_498 = arith.mulf %get3A_495, %gather3A_452 : vector<16xf32>
          %mul3A_499 = arith.mulf %gather3A_497, %gather3A_457 : vector<16xf32>
          %add3A_500 = arith.addf %mul3A_498, %mul3A_499 : vector<16xf32>
          %swap3A_501 = arith.index_cast %add3A_459 : i32 to index
          %swap3A_502 = arith.constant 48 : index
          %swap3A_503 = tpu.vector_load %arg14[%swap3A_501, %swap3A_502] {strides = array<i32>} : memref<512x64xf32, #tpu.memory_space<vmem>>, vector<16xf32>,
          tpu.vector_store %arg14[%swap3A_501, %swap3A_502], %add3A_500 {strides = array<i32>} : memref<512x64xf32, #tpu.memory_space<vmem>>, vector<16xf32>,
          %broadcast_in_dim3A_504 = arith.constant 3 : i32
          %broadcast_in_dim3A_505 = vector.broadcast %broadcast_in_dim3A_504 : i32 to vector<16xi32>
          %reshape3A_506 = vector.shape_cast %broadcast_in_dim3A_505 : vector<16xi32> to vector<16x1xi32>
          %gather3A_507 = vector.shape_cast %reshape3A_506 : vector<16x1xi32> to vector<16xi32>
          %gather3A_508 = tpu.dynamic_gather %mul3A_301[%gather3A_507] in [0] : vector<16xi32>, vector<16xi32> -> vector<16xi32>
          %broadcast_in_dim3A_509 = arith.constant 3 : i32
          %broadcast_in_dim3A_510 = vector.broadcast %broadcast_in_dim3A_509 : i32 to vector<16xi32>
          %reshape3A_511 = vector.shape_cast %broadcast_in_dim3A_510 : vector<16xi32> to vector<16x1xi32>
          %gather3A_512 = vector.shape_cast %reshape3A_511 : vector<16x1xi32> to vector<16xi32>
          %gather3A_513 = tpu.dynamic_gather %mul3A_298[%gather3A_512] in [0] : vector<16xf32>, vector<16xi32> -> vector<16xf32>
          %broadcast_in_dim3A_514 = arith.constant 3 : i32
          %broadcast_in_dim3A_515 = vector.broadcast %broadcast_in_dim3A_514 : i32 to vector<16xi32>
          %reshape3A_516 = vector.shape_cast %broadcast_in_dim3A_515 : vector<16xi32> to vector<16x1xi32>
          %gather3A_517 = vector.shape_cast %reshape3A_516 : vector<16x1xi32> to vector<16xi32>
          %gather3A_518 = tpu.dynamic_gather %get3A_291[%gather3A_517] in [0] : vector<16xf32>, vector<16xi32> -> vector<16xf32>
          %add3A_519 = arith.constant 3 : i32
          %add3A_520 = arith.addi %mul3A_316, %add3A_519 : i32
          %get3A_521 = arith.index_cast %add3A_520 : i32 to index
          %get3A_522 = arith.constant 0 : index
          %get3A_523 = tpu.vector_load %arg14[%get3A_521, %get3A_522] {strides = array<i32>} : memref<512x64xf32, #tpu.memory_space<vmem>>, vector<16xf32>,
          %add3A_524 = arith.addi %gather3A_508, %add3A_5 : vector<16xi32>
          %gather3A_525 = tpu.vector_load_idx %arg16[%add3A_524] : memref<12800xf32, #tpu.memory_space<vmem>>[vector<16xi32>], vector<16xf32>,
          %mul3A_526 = arith.mulf %get3A_523, %gather3A_513 : vector<16xf32>
          %mul3A_527 = arith.mulf %gather3A_525, %gather3A_518 : vector<16xf32>
          %add3A_528 = arith.addf %mul3A_526, %mul3A_527 : vector<16xf32>
          %swap3A_529 = arith.index_cast %add3A_520 : i32 to index
          %swap3A_530 = arith.constant 0 : index
          %swap3A_531 = tpu.vector_load %arg14[%swap3A_529, %swap3A_530] {strides = array<i32>} : memref<512x64xf32, #tpu.memory_space<vmem>>, vector<16xf32>,
          tpu.vector_store %arg14[%swap3A_529, %swap3A_530], %add3A_528 {strides = array<i32>} : memref<512x64xf32, #tpu.memory_space<vmem>>, vector<16xf32>,
          %get3A_532 = arith.index_cast %add3A_520 : i32 to index
          %get3A_533 = arith.constant 16 : index
          %get3A_534 = tpu.vector_load %arg14[%get3A_532, %get3A_533] {strides = array<i32>} : memref<512x64xf32, #tpu.memory_space<vmem>>, vector<16xf32>,
          %add3A_535 = arith.addi %gather3A_508, %add3A_8 : vector<16xi32>
          %gather3A_536 = tpu.vector_load_idx %arg16[%add3A_535] : memref<12800xf32, #tpu.memory_space<vmem>>[vector<16xi32>], vector<16xf32>,
          %mul3A_537 = arith.mulf %get3A_534, %gather3A_513 : vector<16xf32>
          %mul3A_538 = arith.mulf %gather3A_536, %gather3A_518 : vector<16xf32>
          %add3A_539 = arith.addf %mul3A_537, %mul3A_538 : vector<16xf32>
          %swap3A_540 = arith.index_cast %add3A_520 : i32 to index
          %swap3A_541 = arith.constant 16 : index
          %swap3A_542 = tpu.vector_load %arg14[%swap3A_540, %swap3A_541] {strides = array<i32>} : memref<512x64xf32, #tpu.memory_space<vmem>>, vector<16xf32>,
          tpu.vector_store %arg14[%swap3A_540, %swap3A_541], %add3A_539 {strides = array<i32>} : memref<512x64xf32, #tpu.memory_space<vmem>>, vector<16xf32>,
          %get3A_543 = arith.index_cast %add3A_520 : i32 to index
          %get3A_544 = arith.constant 32 : index
          %get3A_545 = tpu.vector_load %arg14[%get3A_543, %get3A_544] {strides = array<i32>} : memref<512x64xf32, #tpu.memory_space<vmem>>, vector<16xf32>,
          %add3A_546 = arith.addi %gather3A_508, %add3A_11 : vector<16xi32>
          %gather3A_547 = tpu.vector_load_idx %arg16[%add3A_546] : memref<12800xf32, #tpu.memory_space<vmem>>[vector<16xi32>], vector<16xf32>,
          %mul3A_548 = arith.mulf %get3A_545, %gather3A_513 : vector<16xf32>
          %mul3A_549 = arith.mulf %gather3A_547, %gather3A_518 : vector<16xf32>
          %add3A_550 = arith.addf %mul3A_548, %mul3A_549 : vector<16xf32>
          %swap3A_551 = arith.index_cast %add3A_520 : i32 to index
          %swap3A_552 = arith.constant 32 : index
          %swap3A_553 = tpu.vector_load %arg14[%swap3A_551, %swap3A_552] {strides = array<i32>} : memref<512x64xf32, #tpu.memory_space<vmem>>, vector<16xf32>,
          tpu.vector_store %arg14[%swap3A_551, %swap3A_552], %add3A_550 {strides = array<i32>} : memref<512x64xf32, #tpu.memory_space<vmem>>, vector<16xf32>,
          %get3A_554 = arith.index_cast %add3A_520 : i32 to index
          %get3A_555 = arith.constant 48 : index
          %get3A_556 = tpu.vector_load %arg14[%get3A_554, %get3A_555] {strides = array<i32>} : memref<512x64xf32, #tpu.memory_space<vmem>>, vector<16xf32>,
          %add3A_557 = arith.addi %gather3A_508, %add3A_14 : vector<16xi32>
          %gather3A_558 = tpu.vector_load_idx %arg16[%add3A_557] : memref<12800xf32, #tpu.memory_space<vmem>>[vector<16xi32>], vector<16xf32>,
          %mul3A_559 = arith.mulf %get3A_556, %gather3A_513 : vector<16xf32>
          %mul3A_560 = arith.mulf %gather3A_558, %gather3A_518 : vector<16xf32>
          %add3A_561 = arith.addf %mul3A_559, %mul3A_560 : vector<16xf32>
          %swap3A_562 = arith.index_cast %add3A_520 : i32 to index
          %swap3A_563 = arith.constant 48 : index
          %swap3A_564 = tpu.vector_load %arg14[%swap3A_562, %swap3A_563] {strides = array<i32>} : memref<512x64xf32, #tpu.memory_space<vmem>>, vector<16xf32>,
          tpu.vector_store %arg14[%swap3A_562, %swap3A_563], %add3A_561 {strides = array<i32>} : memref<512x64xf32, #tpu.memory_space<vmem>>, vector<16xf32>,
          %broadcast_in_dim3A_565 = arith.constant 4 : i32
          %broadcast_in_dim3A_566 = vector.broadcast %broadcast_in_dim3A_565 : i32 to vector<16xi32>
          %reshape3A_567 = vector.shape_cast %broadcast_in_dim3A_566 : vector<16xi32> to vector<16x1xi32>
          %gather3A_568 = vector.shape_cast %reshape3A_567 : vector<16x1xi32> to vector<16xi32>
          %gather3A_569 = tpu.dynamic_gather %mul3A_301[%gather3A_568] in [0] : vector<16xi32>, vector<16xi32> -> vector<16xi32>
          %broadcast_in_dim3A_570 = arith.constant 4 : i32
          %broadcast_in_dim3A_571 = vector.broadcast %broadcast_in_dim3A_570 : i32 to vector<16xi32>
          %reshape3A_572 = vector.shape_cast %broadcast_in_dim3A_571 : vector<16xi32> to vector<16x1xi32>
          %gather3A_573 = vector.shape_cast %reshape3A_572 : vector<16x1xi32> to vector<16xi32>
          %gather3A_574 = tpu.dynamic_gather %mul3A_298[%gather3A_573] in [0] : vector<16xf32>, vector<16xi32> -> vector<16xf32>
          %broadcast_in_dim3A_575 = arith.constant 4 : i32
          %broadcast_in_dim3A_576 = vector.broadcast %broadcast_in_dim3A_575 : i32 to vector<16xi32>
          %reshape3A_577 = vector.shape_cast %broadcast_in_dim3A_576 : vector<16xi32> to vector<16x1xi32>
          %gather3A_578 = vector.shape_cast %reshape3A_577 : vector<16x1xi32> to vector<16xi32>
          %gather3A_579 = tpu.dynamic_gather %get3A_291[%gather3A_578] in [0] : vector<16xf32>, vector<16xi32> -> vector<16xf32>
          %add3A_580 = arith.constant 4 : i32
          %add3A_581 = arith.addi %mul3A_316, %add3A_580 : i32
          %get3A_582 = arith.index_cast %add3A_581 : i32 to index
          %get3A_583 = arith.constant 0 : index
          %get3A_584 = tpu.vector_load %arg14[%get3A_582, %get3A_583] {strides = array<i32>} : memref<512x64xf32, #tpu.memory_space<vmem>>, vector<16xf32>,
          %add3A_585 = arith.addi %gather3A_569, %add3A_5 : vector<16xi32>
          %gather3A_586 = tpu.vector_load_idx %arg16[%add3A_585] : memref<12800xf32, #tpu.memory_space<vmem>>[vector<16xi32>], vector<16xf32>,
          %mul3A_587 = arith.mulf %get3A_584, %gather3A_574 : vector<16xf32>
          %mul3A_588 = arith.mulf %gather3A_586, %gather3A_579 : vector<16xf32>
          %add3A_589 = arith.addf %mul3A_587, %mul3A_588 : vector<16xf32>
          %swap3A_590 = arith.index_cast %add3A_581 : i32 to index
          %swap3A_591 = arith.constant 0 : index
          %swap3A_592 = tpu.vector_load %arg14[%swap3A_590, %swap3A_591] {strides = array<i32>} : memref<512x64xf32, #tpu.memory_space<vmem>>, vector<16xf32>,
          tpu.vector_store %arg14[%swap3A_590, %swap3A_591], %add3A_589 {strides = array<i32>} : memref<512x64xf32, #tpu.memory_space<vmem>>, vector<16xf32>,
          %get3A_593 = arith.index_cast %add3A_581 : i32 to index
          %get3A_594 = arith.constant 16 : index
          %get3A_595 = tpu.vector_load %arg14[%get3A_593, %get3A_594] {strides = array<i32>} : memref<512x64xf32, #tpu.memory_space<vmem>>, vector<16xf32>,
          %add3A_596 = arith.addi %gather3A_569, %add3A_8 : vector<16xi32>
          %gather3A_597 = tpu.vector_load_idx %arg16[%add3A_596] : memref<12800xf32, #tpu.memory_space<vmem>>[vector<16xi32>], vector<16xf32>,
          %mul3A_598 = arith.mulf %get3A_595, %gather3A_574 : vector<16xf32>
          %mul3A_599 = arith.mulf %gather3A_597, %gather3A_579 : vector<16xf32>
          %add3A_600 = arith.addf %mul3A_598, %mul3A_599 : vector<16xf32>
          %swap3A_601 = arith.index_cast %add3A_581 : i32 to index
          %swap3A_602 = arith.constant 16 : index
          %swap3A_603 = tpu.vector_load %arg14[%swap3A_601, %swap3A_602] {strides = array<i32>} : memref<512x64xf32, #tpu.memory_space<vmem>>, vector<16xf32>,
          tpu.vector_store %arg14[%swap3A_601, %swap3A_602], %add3A_600 {strides = array<i32>} : memref<512x64xf32, #tpu.memory_space<vmem>>, vector<16xf32>,
          %get3A_604 = arith.index_cast %add3A_581 : i32 to index
          %get3A_605 = arith.constant 32 : index
          %get3A_606 = tpu.vector_load %arg14[%get3A_604, %get3A_605] {strides = array<i32>} : memref<512x64xf32, #tpu.memory_space<vmem>>, vector<16xf32>,
          %add3A_607 = arith.addi %gather3A_569, %add3A_11 : vector<16xi32>
          %gather3A_608 = tpu.vector_load_idx %arg16[%add3A_607] : memref<12800xf32, #tpu.memory_space<vmem>>[vector<16xi32>], vector<16xf32>,
          %mul3A_609 = arith.mulf %get3A_606, %gather3A_574 : vector<16xf32>
          %mul3A_610 = arith.mulf %gather3A_608, %gather3A_579 : vector<16xf32>
          %add3A_611 = arith.addf %mul3A_609, %mul3A_610 : vector<16xf32>
          %swap3A_612 = arith.index_cast %add3A_581 : i32 to index
          %swap3A_613 = arith.constant 32 : index
          %swap3A_614 = tpu.vector_load %arg14[%swap3A_612, %swap3A_613] {strides = array<i32>} : memref<512x64xf32, #tpu.memory_space<vmem>>, vector<16xf32>,
          tpu.vector_store %arg14[%swap3A_612, %swap3A_613], %add3A_611 {strides = array<i32>} : memref<512x64xf32, #tpu.memory_space<vmem>>, vector<16xf32>,
          %get3A_615 = arith.index_cast %add3A_581 : i32 to index
          %get3A_616 = arith.constant 48 : index
          %get3A_617 = tpu.vector_load %arg14[%get3A_615, %get3A_616] {strides = array<i32>} : memref<512x64xf32, #tpu.memory_space<vmem>>, vector<16xf32>,
          %add3A_618 = arith.addi %gather3A_569, %add3A_14 : vector<16xi32>
          %gather3A_619 = tpu.vector_load_idx %arg16[%add3A_618] : memref<12800xf32, #tpu.memory_space<vmem>>[vector<16xi32>], vector<16xf32>,
          %mul3A_620 = arith.mulf %get3A_617, %gather3A_574 : vector<16xf32>
          %mul3A_621 = arith.mulf %gather3A_619, %gather3A_579 : vector<16xf32>
          %add3A_622 = arith.addf %mul3A_620, %mul3A_621 : vector<16xf32>
          %swap3A_623 = arith.index_cast %add3A_581 : i32 to index
          %swap3A_624 = arith.constant 48 : index
          %swap3A_625 = tpu.vector_load %arg14[%swap3A_623, %swap3A_624] {strides = array<i32>} : memref<512x64xf32, #tpu.memory_space<vmem>>, vector<16xf32>,
          tpu.vector_store %arg14[%swap3A_623, %swap3A_624], %add3A_622 {strides = array<i32>} : memref<512x64xf32, #tpu.memory_space<vmem>>, vector<16xf32>,
          %broadcast_in_dim3A_626 = arith.constant 5 : i32
          %broadcast_in_dim3A_627 = vector.broadcast %broadcast_in_dim3A_626 : i32 to vector<16xi32>
          %reshape3A_628 = vector.shape_cast %broadcast_in_dim3A_627 : vector<16xi32> to vector<16x1xi32>
          %gather3A_629 = vector.shape_cast %reshape3A_628 : vector<16x1xi32> to vector<16xi32>
          %gather3A_630 = tpu.dynamic_gather %mul3A_301[%gather3A_629] in [0] : vector<16xi32>, vector<16xi32> -> vector<16xi32>
          %broadcast_in_dim3A_631 = arith.constant 5 : i32
          %broadcast_in_dim3A_632 = vector.broadcast %broadcast_in_dim3A_631 : i32 to vector<16xi32>
          %reshape3A_633 = vector.shape_cast %broadcast_in_dim3A_632 : vector<16xi32> to vector<16x1xi32>
          %gather3A_634 = vector.shape_cast %reshape3A_633 : vector<16x1xi32> to vector<16xi32>
          %gather3A_635 = tpu.dynamic_gather %mul3A_298[%gather3A_634] in [0] : vector<16xf32>, vector<16xi32> -> vector<16xf32>
          %broadcast_in_dim3A_636 = arith.constant 5 : i32
          %broadcast_in_dim3A_637 = vector.broadcast %broadcast_in_dim3A_636 : i32 to vector<16xi32>
          %reshape3A_638 = vector.shape_cast %broadcast_in_dim3A_637 : vector<16xi32> to vector<16x1xi32>
          %gather3A_639 = vector.shape_cast %reshape3A_638 : vector<16x1xi32> to vector<16xi32>
          %gather3A_640 = tpu.dynamic_gather %get3A_291[%gather3A_639] in [0] : vector<16xf32>, vector<16xi32> -> vector<16xf32>
          %add3A_641 = arith.constant 5 : i32
          %add3A_642 = arith.addi %mul3A_316, %add3A_641 : i32
          %get3A_643 = arith.index_cast %add3A_642 : i32 to index
          %get3A_644 = arith.constant 0 : index
          %get3A_645 = tpu.vector_load %arg14[%get3A_643, %get3A_644] {strides = array<i32>} : memref<512x64xf32, #tpu.memory_space<vmem>>, vector<16xf32>,
          %add3A_646 = arith.addi %gather3A_630, %add3A_5 : vector<16xi32>
          %gather3A_647 = tpu.vector_load_idx %arg16[%add3A_646] : memref<12800xf32, #tpu.memory_space<vmem>>[vector<16xi32>], vector<16xf32>,
          %mul3A_648 = arith.mulf %get3A_645, %gather3A_635 : vector<16xf32>
          %mul3A_649 = arith.mulf %gather3A_647, %gather3A_640 : vector<16xf32>
          %add3A_650 = arith.addf %mul3A_648, %mul3A_649 : vector<16xf32>
          %swap3A_651 = arith.index_cast %add3A_642 : i32 to index
          %swap3A_652 = arith.constant 0 : index
          %swap3A_653 = tpu.vector_load %arg14[%swap3A_651, %swap3A_652] {strides = array<i32>} : memref<512x64xf32, #tpu.memory_space<vmem>>, vector<16xf32>,
          tpu.vector_store %arg14[%swap3A_651, %swap3A_652], %add3A_650 {strides = array<i32>} : memref<512x64xf32, #tpu.memory_space<vmem>>, vector<16xf32>,
          %get3A_654 = arith.index_cast %add3A_642 : i32 to index
          %get3A_655 = arith.constant 16 : index
          %get3A_656 = tpu.vector_load %arg14[%get3A_654, %get3A_655] {strides = array<i32>} : memref<512x64xf32, #tpu.memory_space<vmem>>, vector<16xf32>,
          %add3A_657 = arith.addi %gather3A_630, %add3A_8 : vector<16xi32>
          %gather3A_658 = tpu.vector_load_idx %arg16[%add3A_657] : memref<12800xf32, #tpu.memory_space<vmem>>[vector<16xi32>], vector<16xf32>,
          %mul3A_659 = arith.mulf %get3A_656, %gather3A_635 : vector<16xf32>
          %mul3A_660 = arith.mulf %gather3A_658, %gather3A_640 : vector<16xf32>
          %add3A_661 = arith.addf %mul3A_659, %mul3A_660 : vector<16xf32>
          %swap3A_662 = arith.index_cast %add3A_642 : i32 to index
          %swap3A_663 = arith.constant 16 : index
          %swap3A_664 = tpu.vector_load %arg14[%swap3A_662, %swap3A_663] {strides = array<i32>} : memref<512x64xf32, #tpu.memory_space<vmem>>, vector<16xf32>,
          tpu.vector_store %arg14[%swap3A_662, %swap3A_663], %add3A_661 {strides = array<i32>} : memref<512x64xf32, #tpu.memory_space<vmem>>, vector<16xf32>,
          %get3A_665 = arith.index_cast %add3A_642 : i32 to index
          %get3A_666 = arith.constant 32 : index
          %get3A_667 = tpu.vector_load %arg14[%get3A_665, %get3A_666] {strides = array<i32>} : memref<512x64xf32, #tpu.memory_space<vmem>>, vector<16xf32>,
          %add3A_668 = arith.addi %gather3A_630, %add3A_11 : vector<16xi32>
          %gather3A_669 = tpu.vector_load_idx %arg16[%add3A_668] : memref<12800xf32, #tpu.memory_space<vmem>>[vector<16xi32>], vector<16xf32>,
          %mul3A_670 = arith.mulf %get3A_667, %gather3A_635 : vector<16xf32>
          %mul3A_671 = arith.mulf %gather3A_669, %gather3A_640 : vector<16xf32>
          %add3A_672 = arith.addf %mul3A_670, %mul3A_671 : vector<16xf32>
          %swap3A_673 = arith.index_cast %add3A_642 : i32 to index
          %swap3A_674 = arith.constant 32 : index
          %swap3A_675 = tpu.vector_load %arg14[%swap3A_673, %swap3A_674] {strides = array<i32>} : memref<512x64xf32, #tpu.memory_space<vmem>>, vector<16xf32>,
          tpu.vector_store %arg14[%swap3A_673, %swap3A_674], %add3A_672 {strides = array<i32>} : memref<512x64xf32, #tpu.memory_space<vmem>>, vector<16xf32>,
          %get3A_676 = arith.index_cast %add3A_642 : i32 to index
          %get3A_677 = arith.constant 48 : index
          %get3A_678 = tpu.vector_load %arg14[%get3A_676, %get3A_677] {strides = array<i32>} : memref<512x64xf32, #tpu.memory_space<vmem>>, vector<16xf32>,
          %add3A_679 = arith.addi %gather3A_630, %add3A_14 : vector<16xi32>
          %gather3A_680 = tpu.vector_load_idx %arg16[%add3A_679] : memref<12800xf32, #tpu.memory_space<vmem>>[vector<16xi32>], vector<16xf32>,
          %mul3A_681 = arith.mulf %get3A_678, %gather3A_635 : vector<16xf32>
          %mul3A_682 = arith.mulf %gather3A_680, %gather3A_640 : vector<16xf32>
          %add3A_683 = arith.addf %mul3A_681, %mul3A_682 : vector<16xf32>
          %swap3A_684 = arith.index_cast %add3A_642 : i32 to index
          %swap3A_685 = arith.constant 48 : index
          %swap3A_686 = tpu.vector_load %arg14[%swap3A_684, %swap3A_685] {strides = array<i32>} : memref<512x64xf32, #tpu.memory_space<vmem>>, vector<16xf32>,
          tpu.vector_store %arg14[%swap3A_684, %swap3A_685], %add3A_683 {strides = array<i32>} : memref<512x64xf32, #tpu.memory_space<vmem>>, vector<16xf32>,
          %broadcast_in_dim3A_687 = arith.constant 6 : i32
          %broadcast_in_dim3A_688 = vector.broadcast %broadcast_in_dim3A_687 : i32 to vector<16xi32>
          %reshape3A_689 = vector.shape_cast %broadcast_in_dim3A_688 : vector<16xi32> to vector<16x1xi32>
          %gather3A_690 = vector.shape_cast %reshape3A_689 : vector<16x1xi32> to vector<16xi32>
          %gather3A_691 = tpu.dynamic_gather %mul3A_301[%gather3A_690] in [0] : vector<16xi32>, vector<16xi32> -> vector<16xi32>
          %broadcast_in_dim3A_692 = arith.constant 6 : i32
          %broadcast_in_dim3A_693 = vector.broadcast %broadcast_in_dim3A_692 : i32 to vector<16xi32>
          %reshape3A_694 = vector.shape_cast %broadcast_in_dim3A_693 : vector<16xi32> to vector<16x1xi32>
          %gather3A_695 = vector.shape_cast %reshape3A_694 : vector<16x1xi32> to vector<16xi32>
          %gather3A_696 = tpu.dynamic_gather %mul3A_298[%gather3A_695] in [0] : vector<16xf32>, vector<16xi32> -> vector<16xf32>
          %broadcast_in_dim3A_697 = arith.constant 6 : i32
          %broadcast_in_dim3A_698 = vector.broadcast %broadcast_in_dim3A_697 : i32 to vector<16xi32>
          %reshape3A_699 = vector.shape_cast %broadcast_in_dim3A_698 : vector<16xi32> to vector<16x1xi32>
          %gather3A_700 = vector.shape_cast %reshape3A_699 : vector<16x1xi32> to vector<16xi32>
          %gather3A_701 = tpu.dynamic_gather %get3A_291[%gather3A_700] in [0] : vector<16xf32>, vector<16xi32> -> vector<16xf32>
          %add3A_702 = arith.constant 6 : i32
          %add3A_703 = arith.addi %mul3A_316, %add3A_702 : i32
          %get3A_704 = arith.index_cast %add3A_703 : i32 to index
          %get3A_705 = arith.constant 0 : index
          %get3A_706 = tpu.vector_load %arg14[%get3A_704, %get3A_705] {strides = array<i32>} : memref<512x64xf32, #tpu.memory_space<vmem>>, vector<16xf32>,
          %add3A_707 = arith.addi %gather3A_691, %add3A_5 : vector<16xi32>
          %gather3A_708 = tpu.vector_load_idx %arg16[%add3A_707] : memref<12800xf32, #tpu.memory_space<vmem>>[vector<16xi32>], vector<16xf32>,
          %mul3A_709 = arith.mulf %get3A_706, %gather3A_696 : vector<16xf32>
          %mul3A_710 = arith.mulf %gather3A_708, %gather3A_701 : vector<16xf32>
          %add3A_711 = arith.addf %mul3A_709, %mul3A_710 : vector<16xf32>
          %swap3A_712 = arith.index_cast %add3A_703 : i32 to index
          %swap3A_713 = arith.constant 0 : index
          %swap3A_714 = tpu.vector_load %arg14[%swap3A_712, %swap3A_713] {strides = array<i32>} : memref<512x64xf32, #tpu.memory_space<vmem>>, vector<16xf32>,
          tpu.vector_store %arg14[%swap3A_712, %swap3A_713], %add3A_711 {strides = array<i32>} : memref<512x64xf32, #tpu.memory_space<vmem>>, vector<16xf32>,
          %get3A_715 = arith.index_cast %add3A_703 : i32 to index
          %get3A_716 = arith.constant 16 : index
          %get3A_717 = tpu.vector_load %arg14[%get3A_715, %get3A_716] {strides = array<i32>} : memref<512x64xf32, #tpu.memory_space<vmem>>, vector<16xf32>,
          %add3A_718 = arith.addi %gather3A_691, %add3A_8 : vector<16xi32>
          %gather3A_719 = tpu.vector_load_idx %arg16[%add3A_718] : memref<12800xf32, #tpu.memory_space<vmem>>[vector<16xi32>], vector<16xf32>,
          %mul3A_720 = arith.mulf %get3A_717, %gather3A_696 : vector<16xf32>
          %mul3A_721 = arith.mulf %gather3A_719, %gather3A_701 : vector<16xf32>
          %add3A_722 = arith.addf %mul3A_720, %mul3A_721 : vector<16xf32>
          %swap3A_723 = arith.index_cast %add3A_703 : i32 to index
          %swap3A_724 = arith.constant 16 : index
          %swap3A_725 = tpu.vector_load %arg14[%swap3A_723, %swap3A_724] {strides = array<i32>} : memref<512x64xf32, #tpu.memory_space<vmem>>, vector<16xf32>,
          tpu.vector_store %arg14[%swap3A_723, %swap3A_724], %add3A_722 {strides = array<i32>} : memref<512x64xf32, #tpu.memory_space<vmem>>, vector<16xf32>,
          %get3A_726 = arith.index_cast %add3A_703 : i32 to index
          %get3A_727 = arith.constant 32 : index
          %get3A_728 = tpu.vector_load %arg14[%get3A_726, %get3A_727] {strides = array<i32>} : memref<512x64xf32, #tpu.memory_space<vmem>>, vector<16xf32>,
          %add3A_729 = arith.addi %gather3A_691, %add3A_11 : vector<16xi32>
          %gather3A_730 = tpu.vector_load_idx %arg16[%add3A_729] : memref<12800xf32, #tpu.memory_space<vmem>>[vector<16xi32>], vector<16xf32>,
          %mul3A_731 = arith.mulf %get3A_728, %gather3A_696 : vector<16xf32>
          %mul3A_732 = arith.mulf %gather3A_730, %gather3A_701 : vector<16xf32>
          %add3A_733 = arith.addf %mul3A_731, %mul3A_732 : vector<16xf32>
          %swap3A_734 = arith.index_cast %add3A_703 : i32 to index
          %swap3A_735 = arith.constant 32 : index
          %swap3A_736 = tpu.vector_load %arg14[%swap3A_734, %swap3A_735] {strides = array<i32>} : memref<512x64xf32, #tpu.memory_space<vmem>>, vector<16xf32>,
          tpu.vector_store %arg14[%swap3A_734, %swap3A_735], %add3A_733 {strides = array<i32>} : memref<512x64xf32, #tpu.memory_space<vmem>>, vector<16xf32>,
          %get3A_737 = arith.index_cast %add3A_703 : i32 to index
          %get3A_738 = arith.constant 48 : index
          %get3A_739 = tpu.vector_load %arg14[%get3A_737, %get3A_738] {strides = array<i32>} : memref<512x64xf32, #tpu.memory_space<vmem>>, vector<16xf32>,
          %add3A_740 = arith.addi %gather3A_691, %add3A_14 : vector<16xi32>
          %gather3A_741 = tpu.vector_load_idx %arg16[%add3A_740] : memref<12800xf32, #tpu.memory_space<vmem>>[vector<16xi32>], vector<16xf32>,
          %mul3A_742 = arith.mulf %get3A_739, %gather3A_696 : vector<16xf32>
          %mul3A_743 = arith.mulf %gather3A_741, %gather3A_701 : vector<16xf32>
          %add3A_744 = arith.addf %mul3A_742, %mul3A_743 : vector<16xf32>
          %swap3A_745 = arith.index_cast %add3A_703 : i32 to index
          %swap3A_746 = arith.constant 48 : index
          %swap3A_747 = tpu.vector_load %arg14[%swap3A_745, %swap3A_746] {strides = array<i32>} : memref<512x64xf32, #tpu.memory_space<vmem>>, vector<16xf32>,
          tpu.vector_store %arg14[%swap3A_745, %swap3A_746], %add3A_744 {strides = array<i32>} : memref<512x64xf32, #tpu.memory_space<vmem>>, vector<16xf32>,
          %broadcast_in_dim3A_748 = arith.constant 7 : i32
          %broadcast_in_dim3A_749 = vector.broadcast %broadcast_in_dim3A_748 : i32 to vector<16xi32>
          %reshape3A_750 = vector.shape_cast %broadcast_in_dim3A_749 : vector<16xi32> to vector<16x1xi32>
          %gather3A_751 = vector.shape_cast %reshape3A_750 : vector<16x1xi32> to vector<16xi32>
          %gather3A_752 = tpu.dynamic_gather %mul3A_301[%gather3A_751] in [0] : vector<16xi32>, vector<16xi32> -> vector<16xi32>
          %broadcast_in_dim3A_753 = arith.constant 7 : i32
          %broadcast_in_dim3A_754 = vector.broadcast %broadcast_in_dim3A_753 : i32 to vector<16xi32>
          %reshape3A_755 = vector.shape_cast %broadcast_in_dim3A_754 : vector<16xi32> to vector<16x1xi32>
          %gather3A_756 = vector.shape_cast %reshape3A_755 : vector<16x1xi32> to vector<16xi32>
          %gather3A_757 = tpu.dynamic_gather %mul3A_298[%gather3A_756] in [0] : vector<16xf32>, vector<16xi32> -> vector<16xf32>
          %broadcast_in_dim3A_758 = arith.constant 7 : i32
          %broadcast_in_dim3A_759 = vector.broadcast %broadcast_in_dim3A_758 : i32 to vector<16xi32>
          %reshape3A_760 = vector.shape_cast %broadcast_in_dim3A_759 : vector<16xi32> to vector<16x1xi32>
          %gather3A_761 = vector.shape_cast %reshape3A_760 : vector<16x1xi32> to vector<16xi32>
          %gather3A_762 = tpu.dynamic_gather %get3A_291[%gather3A_761] in [0] : vector<16xf32>, vector<16xi32> -> vector<16xf32>
          %add3A_763 = arith.constant 7 : i32
          %add3A_764 = arith.addi %mul3A_316, %add3A_763 : i32
          %get3A_765 = arith.index_cast %add3A_764 : i32 to index
          %get3A_766 = arith.constant 0 : index
          %get3A_767 = tpu.vector_load %arg14[%get3A_765, %get3A_766] {strides = array<i32>} : memref<512x64xf32, #tpu.memory_space<vmem>>, vector<16xf32>,
          %add3A_768 = arith.addi %gather3A_752, %add3A_5 : vector<16xi32>
          %gather3A_769 = tpu.vector_load_idx %arg16[%add3A_768] : memref<12800xf32, #tpu.memory_space<vmem>>[vector<16xi32>], vector<16xf32>,
          %mul3A_770 = arith.mulf %get3A_767, %gather3A_757 : vector<16xf32>
          %mul3A_771 = arith.mulf %gather3A_769, %gather3A_762 : vector<16xf32>
          %add3A_772 = arith.addf %mul3A_770, %mul3A_771 : vector<16xf32>
          %swap3A_773 = arith.index_cast %add3A_764 : i32 to index
          %swap3A_774 = arith.constant 0 : index
          %swap3A_775 = tpu.vector_load %arg14[%swap3A_773, %swap3A_774] {strides = array<i32>} : memref<512x64xf32, #tpu.memory_space<vmem>>, vector<16xf32>,
          tpu.vector_store %arg14[%swap3A_773, %swap3A_774], %add3A_772 {strides = array<i32>} : memref<512x64xf32, #tpu.memory_space<vmem>>, vector<16xf32>,
          %get3A_776 = arith.index_cast %add3A_764 : i32 to index
          %get3A_777 = arith.constant 16 : index
          %get3A_778 = tpu.vector_load %arg14[%get3A_776, %get3A_777] {strides = array<i32>} : memref<512x64xf32, #tpu.memory_space<vmem>>, vector<16xf32>,
          %add3A_779 = arith.addi %gather3A_752, %add3A_8 : vector<16xi32>
          %gather3A_780 = tpu.vector_load_idx %arg16[%add3A_779] : memref<12800xf32, #tpu.memory_space<vmem>>[vector<16xi32>], vector<16xf32>,
          %mul3A_781 = arith.mulf %get3A_778, %gather3A_757 : vector<16xf32>
          %mul3A_782 = arith.mulf %gather3A_780, %gather3A_762 : vector<16xf32>
          %add3A_783 = arith.addf %mul3A_781, %mul3A_782 : vector<16xf32>
          %swap3A_784 = arith.index_cast %add3A_764 : i32 to index
          %swap3A_785 = arith.constant 16 : index
          %swap3A_786 = tpu.vector_load %arg14[%swap3A_784, %swap3A_785] {strides = array<i32>} : memref<512x64xf32, #tpu.memory_space<vmem>>, vector<16xf32>,
          tpu.vector_store %arg14[%swap3A_784, %swap3A_785], %add3A_783 {strides = array<i32>} : memref<512x64xf32, #tpu.memory_space<vmem>>, vector<16xf32>,
          %get3A_787 = arith.index_cast %add3A_764 : i32 to index
          %get3A_788 = arith.constant 32 : index
          %get3A_789 = tpu.vector_load %arg14[%get3A_787, %get3A_788] {strides = array<i32>} : memref<512x64xf32, #tpu.memory_space<vmem>>, vector<16xf32>,
          %add3A_790 = arith.addi %gather3A_752, %add3A_11 : vector<16xi32>
          %gather3A_791 = tpu.vector_load_idx %arg16[%add3A_790] : memref<12800xf32, #tpu.memory_space<vmem>>[vector<16xi32>], vector<16xf32>,
          %mul3A_792 = arith.mulf %get3A_789, %gather3A_757 : vector<16xf32>
          %mul3A_793 = arith.mulf %gather3A_791, %gather3A_762 : vector<16xf32>
          %add3A_794 = arith.addf %mul3A_792, %mul3A_793 : vector<16xf32>
          %swap3A_795 = arith.index_cast %add3A_764 : i32 to index
          %swap3A_796 = arith.constant 32 : index
          %swap3A_797 = tpu.vector_load %arg14[%swap3A_795, %swap3A_796] {strides = array<i32>} : memref<512x64xf32, #tpu.memory_space<vmem>>, vector<16xf32>,
          tpu.vector_store %arg14[%swap3A_795, %swap3A_796], %add3A_794 {strides = array<i32>} : memref<512x64xf32, #tpu.memory_space<vmem>>, vector<16xf32>,
          %get3A_798 = arith.index_cast %add3A_764 : i32 to index
          %get3A_799 = arith.constant 48 : index
          %get3A_800 = tpu.vector_load %arg14[%get3A_798, %get3A_799] {strides = array<i32>} : memref<512x64xf32, #tpu.memory_space<vmem>>, vector<16xf32>,
          %add3A_801 = arith.addi %gather3A_752, %add3A_14 : vector<16xi32>
          %gather3A_802 = tpu.vector_load_idx %arg16[%add3A_801] : memref<12800xf32, #tpu.memory_space<vmem>>[vector<16xi32>], vector<16xf32>,
          %mul3A_803 = arith.mulf %get3A_800, %gather3A_757 : vector<16xf32>
          %mul3A_804 = arith.mulf %gather3A_802, %gather3A_762 : vector<16xf32>
          %add3A_805 = arith.addf %mul3A_803, %mul3A_804 : vector<16xf32>
          %swap3A_806 = arith.index_cast %add3A_764 : i32 to index
          %swap3A_807 = arith.constant 48 : index
          %swap3A_808 = tpu.vector_load %arg14[%swap3A_806, %swap3A_807] {strides = array<i32>} : memref<512x64xf32, #tpu.memory_space<vmem>>, vector<16xf32>,
          tpu.vector_store %arg14[%swap3A_806, %swap3A_807], %add3A_805 {strides = array<i32>} : memref<512x64xf32, #tpu.memory_space<vmem>>, vector<16xf32>,
          %broadcast_in_dim3A_809 = arith.constant 8 : i32
          %broadcast_in_dim3A_810 = vector.broadcast %broadcast_in_dim3A_809 : i32 to vector<16xi32>
          %reshape3A_811 = vector.shape_cast %broadcast_in_dim3A_810 : vector<16xi32> to vector<16x1xi32>
          %gather3A_812 = vector.shape_cast %reshape3A_811 : vector<16x1xi32> to vector<16xi32>
          %gather3A_813 = tpu.dynamic_gather %mul3A_301[%gather3A_812] in [0] : vector<16xi32>, vector<16xi32> -> vector<16xi32>
          %broadcast_in_dim3A_814 = arith.constant 8 : i32
          %broadcast_in_dim3A_815 = vector.broadcast %broadcast_in_dim3A_814 : i32 to vector<16xi32>
          %reshape3A_816 = vector.shape_cast %broadcast_in_dim3A_815 : vector<16xi32> to vector<16x1xi32>
          %gather3A_817 = vector.shape_cast %reshape3A_816 : vector<16x1xi32> to vector<16xi32>
          %gather3A_818 = tpu.dynamic_gather %mul3A_298[%gather3A_817] in [0] : vector<16xf32>, vector<16xi32> -> vector<16xf32>
          %broadcast_in_dim3A_819 = arith.constant 8 : i32
          %broadcast_in_dim3A_820 = vector.broadcast %broadcast_in_dim3A_819 : i32 to vector<16xi32>
          %reshape3A_821 = vector.shape_cast %broadcast_in_dim3A_820 : vector<16xi32> to vector<16x1xi32>
          %gather3A_822 = vector.shape_cast %reshape3A_821 : vector<16x1xi32> to vector<16xi32>
          %gather3A_823 = tpu.dynamic_gather %get3A_291[%gather3A_822] in [0] : vector<16xf32>, vector<16xi32> -> vector<16xf32>
          %add3A_824 = arith.constant 8 : i32
          %add3A_825 = arith.addi %mul3A_316, %add3A_824 : i32
          %get3A_826 = arith.index_cast %add3A_825 : i32 to index
          %get3A_827 = arith.constant 0 : index
          %get3A_828 = tpu.vector_load %arg14[%get3A_826, %get3A_827] {strides = array<i32>} : memref<512x64xf32, #tpu.memory_space<vmem>>, vector<16xf32>,
          %add3A_829 = arith.addi %gather3A_813, %add3A_5 : vector<16xi32>
          %gather3A_830 = tpu.vector_load_idx %arg16[%add3A_829] : memref<12800xf32, #tpu.memory_space<vmem>>[vector<16xi32>], vector<16xf32>,
          %mul3A_831 = arith.mulf %get3A_828, %gather3A_818 : vector<16xf32>
          %mul3A_832 = arith.mulf %gather3A_830, %gather3A_823 : vector<16xf32>
          %add3A_833 = arith.addf %mul3A_831, %mul3A_832 : vector<16xf32>
          %swap3A_834 = arith.index_cast %add3A_825 : i32 to index
          %swap3A_835 = arith.constant 0 : index
          %swap3A_836 = tpu.vector_load %arg14[%swap3A_834, %swap3A_835] {strides = array<i32>} : memref<512x64xf32, #tpu.memory_space<vmem>>, vector<16xf32>,
          tpu.vector_store %arg14[%swap3A_834, %swap3A_835], %add3A_833 {strides = array<i32>} : memref<512x64xf32, #tpu.memory_space<vmem>>, vector<16xf32>,
          %get3A_837 = arith.index_cast %add3A_825 : i32 to index
          %get3A_838 = arith.constant 16 : index
          %get3A_839 = tpu.vector_load %arg14[%get3A_837, %get3A_838] {strides = array<i32>} : memref<512x64xf32, #tpu.memory_space<vmem>>, vector<16xf32>,
          %add3A_840 = arith.addi %gather3A_813, %add3A_8 : vector<16xi32>
          %gather3A_841 = tpu.vector_load_idx %arg16[%add3A_840] : memref<12800xf32, #tpu.memory_space<vmem>>[vector<16xi32>], vector<16xf32>,
          %mul3A_842 = arith.mulf %get3A_839, %gather3A_818 : vector<16xf32>
          %mul3A_843 = arith.mulf %gather3A_841, %gather3A_823 : vector<16xf32>
          %add3A_844 = arith.addf %mul3A_842, %mul3A_843 : vector<16xf32>
          %swap3A_845 = arith.index_cast %add3A_825 : i32 to index
          %swap3A_846 = arith.constant 16 : index
          %swap3A_847 = tpu.vector_load %arg14[%swap3A_845, %swap3A_846] {strides = array<i32>} : memref<512x64xf32, #tpu.memory_space<vmem>>, vector<16xf32>,
          tpu.vector_store %arg14[%swap3A_845, %swap3A_846], %add3A_844 {strides = array<i32>} : memref<512x64xf32, #tpu.memory_space<vmem>>, vector<16xf32>,
          %get3A_848 = arith.index_cast %add3A_825 : i32 to index
          %get3A_849 = arith.constant 32 : index
          %get3A_850 = tpu.vector_load %arg14[%get3A_848, %get3A_849] {strides = array<i32>} : memref<512x64xf32, #tpu.memory_space<vmem>>, vector<16xf32>,
          %add3A_851 = arith.addi %gather3A_813, %add3A_11 : vector<16xi32>
          %gather3A_852 = tpu.vector_load_idx %arg16[%add3A_851] : memref<12800xf32, #tpu.memory_space<vmem>>[vector<16xi32>], vector<16xf32>,
          %mul3A_853 = arith.mulf %get3A_850, %gather3A_818 : vector<16xf32>
          %mul3A_854 = arith.mulf %gather3A_852, %gather3A_823 : vector<16xf32>
          %add3A_855 = arith.addf %mul3A_853, %mul3A_854 : vector<16xf32>
          %swap3A_856 = arith.index_cast %add3A_825 : i32 to index
          %swap3A_857 = arith.constant 32 : index
          %swap3A_858 = tpu.vector_load %arg14[%swap3A_856, %swap3A_857] {strides = array<i32>} : memref<512x64xf32, #tpu.memory_space<vmem>>, vector<16xf32>,
          tpu.vector_store %arg14[%swap3A_856, %swap3A_857], %add3A_855 {strides = array<i32>} : memref<512x64xf32, #tpu.memory_space<vmem>>, vector<16xf32>,
          %get3A_859 = arith.index_cast %add3A_825 : i32 to index
          %get3A_860 = arith.constant 48 : index
          %get3A_861 = tpu.vector_load %arg14[%get3A_859, %get3A_860] {strides = array<i32>} : memref<512x64xf32, #tpu.memory_space<vmem>>, vector<16xf32>,
          %add3A_862 = arith.addi %gather3A_813, %add3A_14 : vector<16xi32>
          %gather3A_863 = tpu.vector_load_idx %arg16[%add3A_862] : memref<12800xf32, #tpu.memory_space<vmem>>[vector<16xi32>], vector<16xf32>,
          %mul3A_864 = arith.mulf %get3A_861, %gather3A_818 : vector<16xf32>
          %mul3A_865 = arith.mulf %gather3A_863, %gather3A_823 : vector<16xf32>
          %add3A_866 = arith.addf %mul3A_864, %mul3A_865 : vector<16xf32>
          %swap3A_867 = arith.index_cast %add3A_825 : i32 to index
          %swap3A_868 = arith.constant 48 : index
          %swap3A_869 = tpu.vector_load %arg14[%swap3A_867, %swap3A_868] {strides = array<i32>} : memref<512x64xf32, #tpu.memory_space<vmem>>, vector<16xf32>,
          tpu.vector_store %arg14[%swap3A_867, %swap3A_868], %add3A_866 {strides = array<i32>} : memref<512x64xf32, #tpu.memory_space<vmem>>, vector<16xf32>,
          %broadcast_in_dim3A_870 = arith.constant 9 : i32
          %broadcast_in_dim3A_871 = vector.broadcast %broadcast_in_dim3A_870 : i32 to vector<16xi32>
          %reshape3A_872 = vector.shape_cast %broadcast_in_dim3A_871 : vector<16xi32> to vector<16x1xi32>
          %gather3A_873 = vector.shape_cast %reshape3A_872 : vector<16x1xi32> to vector<16xi32>
          %gather3A_874 = tpu.dynamic_gather %mul3A_301[%gather3A_873] in [0] : vector<16xi32>, vector<16xi32> -> vector<16xi32>
          %broadcast_in_dim3A_875 = arith.constant 9 : i32
          %broadcast_in_dim3A_876 = vector.broadcast %broadcast_in_dim3A_875 : i32 to vector<16xi32>
          %reshape3A_877 = vector.shape_cast %broadcast_in_dim3A_876 : vector<16xi32> to vector<16x1xi32>
          %gather3A_878 = vector.shape_cast %reshape3A_877 : vector<16x1xi32> to vector<16xi32>
          %gather3A_879 = tpu.dynamic_gather %mul3A_298[%gather3A_878] in [0] : vector<16xf32>, vector<16xi32> -> vector<16xf32>
          %broadcast_in_dim3A_880 = arith.constant 9 : i32
          %broadcast_in_dim3A_881 = vector.broadcast %broadcast_in_dim3A_880 : i32 to vector<16xi32>
          %reshape3A_882 = vector.shape_cast %broadcast_in_dim3A_881 : vector<16xi32> to vector<16x1xi32>
          %gather3A_883 = vector.shape_cast %reshape3A_882 : vector<16x1xi32> to vector<16xi32>
          %gather3A_884 = tpu.dynamic_gather %get3A_291[%gather3A_883] in [0] : vector<16xf32>, vector<16xi32> -> vector<16xf32>
          %add3A_885 = arith.constant 9 : i32
          %add3A_886 = arith.addi %mul3A_316, %add3A_885 : i32
          %get3A_887 = arith.index_cast %add3A_886 : i32 to index
          %get3A_888 = arith.constant 0 : index
          %get3A_889 = tpu.vector_load %arg14[%get3A_887, %get3A_888] {strides = array<i32>} : memref<512x64xf32, #tpu.memory_space<vmem>>, vector<16xf32>,
          %add3A_890 = arith.addi %gather3A_874, %add3A_5 : vector<16xi32>
          %gather3A_891 = tpu.vector_load_idx %arg16[%add3A_890] : memref<12800xf32, #tpu.memory_space<vmem>>[vector<16xi32>], vector<16xf32>,
          %mul3A_892 = arith.mulf %get3A_889, %gather3A_879 : vector<16xf32>
          %mul3A_893 = arith.mulf %gather3A_891, %gather3A_884 : vector<16xf32>
          %add3A_894 = arith.addf %mul3A_892, %mul3A_893 : vector<16xf32>
          %swap3A_895 = arith.index_cast %add3A_886 : i32 to index
          %swap3A_896 = arith.constant 0 : index
          %swap3A_897 = tpu.vector_load %arg14[%swap3A_895, %swap3A_896] {strides = array<i32>} : memref<512x64xf32, #tpu.memory_space<vmem>>, vector<16xf32>,
          tpu.vector_store %arg14[%swap3A_895, %swap3A_896], %add3A_894 {strides = array<i32>} : memref<512x64xf32, #tpu.memory_space<vmem>>, vector<16xf32>,
          %get3A_898 = arith.index_cast %add3A_886 : i32 to index
          %get3A_899 = arith.constant 16 : index
          %get3A_900 = tpu.vector_load %arg14[%get3A_898, %get3A_899] {strides = array<i32>} : memref<512x64xf32, #tpu.memory_space<vmem>>, vector<16xf32>,
          %add3A_901 = arith.addi %gather3A_874, %add3A_8 : vector<16xi32>
          %gather3A_902 = tpu.vector_load_idx %arg16[%add3A_901] : memref<12800xf32, #tpu.memory_space<vmem>>[vector<16xi32>], vector<16xf32>,
          %mul3A_903 = arith.mulf %get3A_900, %gather3A_879 : vector<16xf32>
          %mul3A_904 = arith.mulf %gather3A_902, %gather3A_884 : vector<16xf32>
          %add3A_905 = arith.addf %mul3A_903, %mul3A_904 : vector<16xf32>
          %swap3A_906 = arith.index_cast %add3A_886 : i32 to index
          %swap3A_907 = arith.constant 16 : index
          %swap3A_908 = tpu.vector_load %arg14[%swap3A_906, %swap3A_907] {strides = array<i32>} : memref<512x64xf32, #tpu.memory_space<vmem>>, vector<16xf32>,
          tpu.vector_store %arg14[%swap3A_906, %swap3A_907], %add3A_905 {strides = array<i32>} : memref<512x64xf32, #tpu.memory_space<vmem>>, vector<16xf32>,
          %get3A_909 = arith.index_cast %add3A_886 : i32 to index
          %get3A_910 = arith.constant 32 : index
          %get3A_911 = tpu.vector_load %arg14[%get3A_909, %get3A_910] {strides = array<i32>} : memref<512x64xf32, #tpu.memory_space<vmem>>, vector<16xf32>,
          %add3A_912 = arith.addi %gather3A_874, %add3A_11 : vector<16xi32>
          %gather3A_913 = tpu.vector_load_idx %arg16[%add3A_912] : memref<12800xf32, #tpu.memory_space<vmem>>[vector<16xi32>], vector<16xf32>,
          %mul3A_914 = arith.mulf %get3A_911, %gather3A_879 : vector<16xf32>
          %mul3A_915 = arith.mulf %gather3A_913, %gather3A_884 : vector<16xf32>
          %add3A_916 = arith.addf %mul3A_914, %mul3A_915 : vector<16xf32>
          %swap3A_917 = arith.index_cast %add3A_886 : i32 to index
          %swap3A_918 = arith.constant 32 : index
          %swap3A_919 = tpu.vector_load %arg14[%swap3A_917, %swap3A_918] {strides = array<i32>} : memref<512x64xf32, #tpu.memory_space<vmem>>, vector<16xf32>,
          tpu.vector_store %arg14[%swap3A_917, %swap3A_918], %add3A_916 {strides = array<i32>} : memref<512x64xf32, #tpu.memory_space<vmem>>, vector<16xf32>,
          %get3A_920 = arith.index_cast %add3A_886 : i32 to index
          %get3A_921 = arith.constant 48 : index
          %get3A_922 = tpu.vector_load %arg14[%get3A_920, %get3A_921] {strides = array<i32>} : memref<512x64xf32, #tpu.memory_space<vmem>>, vector<16xf32>,
          %add3A_923 = arith.addi %gather3A_874, %add3A_14 : vector<16xi32>
          %gather3A_924 = tpu.vector_load_idx %arg16[%add3A_923] : memref<12800xf32, #tpu.memory_space<vmem>>[vector<16xi32>], vector<16xf32>,
          %mul3A_925 = arith.mulf %get3A_922, %gather3A_879 : vector<16xf32>
          %mul3A_926 = arith.mulf %gather3A_924, %gather3A_884 : vector<16xf32>
          %add3A_927 = arith.addf %mul3A_925, %mul3A_926 : vector<16xf32>
          %swap3A_928 = arith.index_cast %add3A_886 : i32 to index
          %swap3A_929 = arith.constant 48 : index
          %swap3A_930 = tpu.vector_load %arg14[%swap3A_928, %swap3A_929] {strides = array<i32>} : memref<512x64xf32, #tpu.memory_space<vmem>>, vector<16xf32>,
          tpu.vector_store %arg14[%swap3A_928, %swap3A_929], %add3A_927 {strides = array<i32>} : memref<512x64xf32, #tpu.memory_space<vmem>>, vector<16xf32>,
          %broadcast_in_dim3A_931 = arith.constant 10 : i32
          %broadcast_in_dim3A_932 = vector.broadcast %broadcast_in_dim3A_931 : i32 to vector<16xi32>
          %reshape3A_933 = vector.shape_cast %broadcast_in_dim3A_932 : vector<16xi32> to vector<16x1xi32>
          %gather3A_934 = vector.shape_cast %reshape3A_933 : vector<16x1xi32> to vector<16xi32>
          %gather3A_935 = tpu.dynamic_gather %mul3A_301[%gather3A_934] in [0] : vector<16xi32>, vector<16xi32> -> vector<16xi32>
          %broadcast_in_dim3A_936 = arith.constant 10 : i32
          %broadcast_in_dim3A_937 = vector.broadcast %broadcast_in_dim3A_936 : i32 to vector<16xi32>
          %reshape3A_938 = vector.shape_cast %broadcast_in_dim3A_937 : vector<16xi32> to vector<16x1xi32>
          %gather3A_939 = vector.shape_cast %reshape3A_938 : vector<16x1xi32> to vector<16xi32>
          %gather3A_940 = tpu.dynamic_gather %mul3A_298[%gather3A_939] in [0] : vector<16xf32>, vector<16xi32> -> vector<16xf32>
          %broadcast_in_dim3A_941 = arith.constant 10 : i32
          %broadcast_in_dim3A_942 = vector.broadcast %broadcast_in_dim3A_941 : i32 to vector<16xi32>
          %reshape3A_943 = vector.shape_cast %broadcast_in_dim3A_942 : vector<16xi32> to vector<16x1xi32>
          %gather3A_944 = vector.shape_cast %reshape3A_943 : vector<16x1xi32> to vector<16xi32>
          %gather3A_945 = tpu.dynamic_gather %get3A_291[%gather3A_944] in [0] : vector<16xf32>, vector<16xi32> -> vector<16xf32>
          %add3A_946 = arith.constant 10 : i32
          %add3A_947 = arith.addi %mul3A_316, %add3A_946 : i32
          %get3A_948 = arith.index_cast %add3A_947 : i32 to index
          %get3A_949 = arith.constant 0 : index
          %get3A_950 = tpu.vector_load %arg14[%get3A_948, %get3A_949] {strides = array<i32>} : memref<512x64xf32, #tpu.memory_space<vmem>>, vector<16xf32>,
          %add3A_951 = arith.addi %gather3A_935, %add3A_5 : vector<16xi32>
          %gather3A_952 = tpu.vector_load_idx %arg16[%add3A_951] : memref<12800xf32, #tpu.memory_space<vmem>>[vector<16xi32>], vector<16xf32>,
          %mul3A_953 = arith.mulf %get3A_950, %gather3A_940 : vector<16xf32>
          %mul3A_954 = arith.mulf %gather3A_952, %gather3A_945 : vector<16xf32>
          %add3A_955 = arith.addf %mul3A_953, %mul3A_954 : vector<16xf32>
          %swap3A_956 = arith.index_cast %add3A_947 : i32 to index
          %swap3A_957 = arith.constant 0 : index
          %swap3A_958 = tpu.vector_load %arg14[%swap3A_956, %swap3A_957] {strides = array<i32>} : memref<512x64xf32, #tpu.memory_space<vmem>>, vector<16xf32>,
          tpu.vector_store %arg14[%swap3A_956, %swap3A_957], %add3A_955 {strides = array<i32>} : memref<512x64xf32, #tpu.memory_space<vmem>>, vector<16xf32>,
          %get3A_959 = arith.index_cast %add3A_947 : i32 to index
          %get3A_960 = arith.constant 16 : index
          %get3A_961 = tpu.vector_load %arg14[%get3A_959, %get3A_960] {strides = array<i32>} : memref<512x64xf32, #tpu.memory_space<vmem>>, vector<16xf32>,
          %add3A_962 = arith.addi %gather3A_935, %add3A_8 : vector<16xi32>
          %gather3A_963 = tpu.vector_load_idx %arg16[%add3A_962] : memref<12800xf32, #tpu.memory_space<vmem>>[vector<16xi32>], vector<16xf32>,
          %mul3A_964 = arith.mulf %get3A_961, %gather3A_940 : vector<16xf32>
          %mul3A_965 = arith.mulf %gather3A_963, %gather3A_945 : vector<16xf32>
          %add3A_966 = arith.addf %mul3A_964, %mul3A_965 : vector<16xf32>
          %swap3A_967 = arith.index_cast %add3A_947 : i32 to index
          %swap3A_968 = arith.constant 16 : index
          %swap3A_969 = tpu.vector_load %arg14[%swap3A_967, %swap3A_968] {strides = array<i32>} : memref<512x64xf32, #tpu.memory_space<vmem>>, vector<16xf32>,
          tpu.vector_store %arg14[%swap3A_967, %swap3A_968], %add3A_966 {strides = array<i32>} : memref<512x64xf32, #tpu.memory_space<vmem>>, vector<16xf32>,
          %get3A_970 = arith.index_cast %add3A_947 : i32 to index
          %get3A_971 = arith.constant 32 : index
          %get3A_972 = tpu.vector_load %arg14[%get3A_970, %get3A_971] {strides = array<i32>} : memref<512x64xf32, #tpu.memory_space<vmem>>, vector<16xf32>,
          %add3A_973 = arith.addi %gather3A_935, %add3A_11 : vector<16xi32>
          %gather3A_974 = tpu.vector_load_idx %arg16[%add3A_973] : memref<12800xf32, #tpu.memory_space<vmem>>[vector<16xi32>], vector<16xf32>,
          %mul3A_975 = arith.mulf %get3A_972, %gather3A_940 : vector<16xf32>
          %mul3A_976 = arith.mulf %gather3A_974, %gather3A_945 : vector<16xf32>
          %add3A_977 = arith.addf %mul3A_975, %mul3A_976 : vector<16xf32>
          %swap3A_978 = arith.index_cast %add3A_947 : i32 to index
          %swap3A_979 = arith.constant 32 : index
          %swap3A_980 = tpu.vector_load %arg14[%swap3A_978, %swap3A_979] {strides = array<i32>} : memref<512x64xf32, #tpu.memory_space<vmem>>, vector<16xf32>,
          tpu.vector_store %arg14[%swap3A_978, %swap3A_979], %add3A_977 {strides = array<i32>} : memref<512x64xf32, #tpu.memory_space<vmem>>, vector<16xf32>,
          %get3A_981 = arith.index_cast %add3A_947 : i32 to index
          %get3A_982 = arith.constant 48 : index
          %get3A_983 = tpu.vector_load %arg14[%get3A_981, %get3A_982] {strides = array<i32>} : memref<512x64xf32, #tpu.memory_space<vmem>>, vector<16xf32>,
          %add3A_984 = arith.addi %gather3A_935, %add3A_14 : vector<16xi32>
          %gather3A_985 = tpu.vector_load_idx %arg16[%add3A_984] : memref<12800xf32, #tpu.memory_space<vmem>>[vector<16xi32>], vector<16xf32>,
          %mul3A_986 = arith.mulf %get3A_983, %gather3A_940 : vector<16xf32>
          %mul3A_987 = arith.mulf %gather3A_985, %gather3A_945 : vector<16xf32>
          %add3A_988 = arith.addf %mul3A_986, %mul3A_987 : vector<16xf32>
          %swap3A_989 = arith.index_cast %add3A_947 : i32 to index
          %swap3A_990 = arith.constant 48 : index
          %swap3A_991 = tpu.vector_load %arg14[%swap3A_989, %swap3A_990] {strides = array<i32>} : memref<512x64xf32, #tpu.memory_space<vmem>>, vector<16xf32>,
          tpu.vector_store %arg14[%swap3A_989, %swap3A_990], %add3A_988 {strides = array<i32>} : memref<512x64xf32, #tpu.memory_space<vmem>>, vector<16xf32>,
          %broadcast_in_dim3A_992 = arith.constant 11 : i32
          %broadcast_in_dim3A_993 = vector.broadcast %broadcast_in_dim3A_992 : i32 to vector<16xi32>
          %reshape3A_994 = vector.shape_cast %broadcast_in_dim3A_993 : vector<16xi32> to vector<16x1xi32>
          %gather3A_995 = vector.shape_cast %reshape3A_994 : vector<16x1xi32> to vector<16xi32>
          %gather3A_996 = tpu.dynamic_gather %mul3A_301[%gather3A_995] in [0] : vector<16xi32>, vector<16xi32> -> vector<16xi32>
          %broadcast_in_dim3A_997 = arith.constant 11 : i32
          %broadcast_in_dim3A_998 = vector.broadcast %broadcast_in_dim3A_997 : i32 to vector<16xi32>
          %reshape3A_999 = vector.shape_cast %broadcast_in_dim3A_998 : vector<16xi32> to vector<16x1xi32>
          %gather3A_1000 = vector.shape_cast %reshape3A_999 : vector<16x1xi32> to vector<16xi32>
          %gather3A_1001 = tpu.dynamic_gather %mul3A_298[%gather3A_1000] in [0] : vector<16xf32>, vector<16xi32> -> vector<16xf32>
          %broadcast_in_dim3A_1002 = arith.constant 11 : i32
          %broadcast_in_dim3A_1003 = vector.broadcast %broadcast_in_dim3A_1002 : i32 to vector<16xi32>
          %reshape3A_1004 = vector.shape_cast %broadcast_in_dim3A_1003 : vector<16xi32> to vector<16x1xi32>
          %gather3A_1005 = vector.shape_cast %reshape3A_1004 : vector<16x1xi32> to vector<16xi32>
          %gather3A_1006 = tpu.dynamic_gather %get3A_291[%gather3A_1005] in [0] : vector<16xf32>, vector<16xi32> -> vector<16xf32>
          %add3A_1007 = arith.constant 11 : i32
          %add3A_1008 = arith.addi %mul3A_316, %add3A_1007 : i32
          %get3A_1009 = arith.index_cast %add3A_1008 : i32 to index
          %get3A_1010 = arith.constant 0 : index
          %get3A_1011 = tpu.vector_load %arg14[%get3A_1009, %get3A_1010] {strides = array<i32>} : memref<512x64xf32, #tpu.memory_space<vmem>>, vector<16xf32>,
          %add3A_1012 = arith.addi %gather3A_996, %add3A_5 : vector<16xi32>
          %gather3A_1013 = tpu.vector_load_idx %arg16[%add3A_1012] : memref<12800xf32, #tpu.memory_space<vmem>>[vector<16xi32>], vector<16xf32>,
          %mul3A_1014 = arith.mulf %get3A_1011, %gather3A_1001 : vector<16xf32>
          %mul3A_1015 = arith.mulf %gather3A_1013, %gather3A_1006 : vector<16xf32>
          %add3A_1016 = arith.addf %mul3A_1014, %mul3A_1015 : vector<16xf32>
          %swap3A_1017 = arith.index_cast %add3A_1008 : i32 to index
          %swap3A_1018 = arith.constant 0 : index
          %swap3A_1019 = tpu.vector_load %arg14[%swap3A_1017, %swap3A_1018] {strides = array<i32>} : memref<512x64xf32, #tpu.memory_space<vmem>>, vector<16xf32>,
          tpu.vector_store %arg14[%swap3A_1017, %swap3A_1018], %add3A_1016 {strides = array<i32>} : memref<512x64xf32, #tpu.memory_space<vmem>>, vector<16xf32>,
          %get3A_1020 = arith.index_cast %add3A_1008 : i32 to index
          %get3A_1021 = arith.constant 16 : index
          %get3A_1022 = tpu.vector_load %arg14[%get3A_1020, %get3A_1021] {strides = array<i32>} : memref<512x64xf32, #tpu.memory_space<vmem>>, vector<16xf32>,
          %add3A_1023 = arith.addi %gather3A_996, %add3A_8 : vector<16xi32>
          %gather3A_1024 = tpu.vector_load_idx %arg16[%add3A_1023] : memref<12800xf32, #tpu.memory_space<vmem>>[vector<16xi32>], vector<16xf32>,
          %mul3A_1025 = arith.mulf %get3A_1022, %gather3A_1001 : vector<16xf32>
          %mul3A_1026 = arith.mulf %gather3A_1024, %gather3A_1006 : vector<16xf32>
          %add3A_1027 = arith.addf %mul3A_1025, %mul3A_1026 : vector<16xf32>
          %swap3A_1028 = arith.index_cast %add3A_1008 : i32 to index
          %swap3A_1029 = arith.constant 16 : index
          %swap3A_1030 = tpu.vector_load %arg14[%swap3A_1028, %swap3A_1029] {strides = array<i32>} : memref<512x64xf32, #tpu.memory_space<vmem>>, vector<16xf32>,
          tpu.vector_store %arg14[%swap3A_1028, %swap3A_1029], %add3A_1027 {strides = array<i32>} : memref<512x64xf32, #tpu.memory_space<vmem>>, vector<16xf32>,
          %get3A_1031 = arith.index_cast %add3A_1008 : i32 to index
          %get3A_1032 = arith.constant 32 : index
          %get3A_1033 = tpu.vector_load %arg14[%get3A_1031, %get3A_1032] {strides = array<i32>} : memref<512x64xf32, #tpu.memory_space<vmem>>, vector<16xf32>,
          %add3A_1034 = arith.addi %gather3A_996, %add3A_11 : vector<16xi32>
          %gather3A_1035 = tpu.vector_load_idx %arg16[%add3A_1034] : memref<12800xf32, #tpu.memory_space<vmem>>[vector<16xi32>], vector<16xf32>,
          %mul3A_1036 = arith.mulf %get3A_1033, %gather3A_1001 : vector<16xf32>
          %mul3A_1037 = arith.mulf %gather3A_1035, %gather3A_1006 : vector<16xf32>
          %add3A_1038 = arith.addf %mul3A_1036, %mul3A_1037 : vector<16xf32>
          %swap3A_1039 = arith.index_cast %add3A_1008 : i32 to index
          %swap3A_1040 = arith.constant 32 : index
          %swap3A_1041 = tpu.vector_load %arg14[%swap3A_1039, %swap3A_1040] {strides = array<i32>} : memref<512x64xf32, #tpu.memory_space<vmem>>, vector<16xf32>,
          tpu.vector_store %arg14[%swap3A_1039, %swap3A_1040], %add3A_1038 {strides = array<i32>} : memref<512x64xf32, #tpu.memory_space<vmem>>, vector<16xf32>,
          %get3A_1042 = arith.index_cast %add3A_1008 : i32 to index
          %get3A_1043 = arith.constant 48 : index
          %get3A_1044 = tpu.vector_load %arg14[%get3A_1042, %get3A_1043] {strides = array<i32>} : memref<512x64xf32, #tpu.memory_space<vmem>>, vector<16xf32>,
          %add3A_1045 = arith.addi %gather3A_996, %add3A_14 : vector<16xi32>
          %gather3A_1046 = tpu.vector_load_idx %arg16[%add3A_1045] : memref<12800xf32, #tpu.memory_space<vmem>>[vector<16xi32>], vector<16xf32>,
          %mul3A_1047 = arith.mulf %get3A_1044, %gather3A_1001 : vector<16xf32>
          %mul3A_1048 = arith.mulf %gather3A_1046, %gather3A_1006 : vector<16xf32>
          %add3A_1049 = arith.addf %mul3A_1047, %mul3A_1048 : vector<16xf32>
          %swap3A_1050 = arith.index_cast %add3A_1008 : i32 to index
          %swap3A_1051 = arith.constant 48 : index
          %swap3A_1052 = tpu.vector_load %arg14[%swap3A_1050, %swap3A_1051] {strides = array<i32>} : memref<512x64xf32, #tpu.memory_space<vmem>>, vector<16xf32>,
          tpu.vector_store %arg14[%swap3A_1050, %swap3A_1051], %add3A_1049 {strides = array<i32>} : memref<512x64xf32, #tpu.memory_space<vmem>>, vector<16xf32>,
          %broadcast_in_dim3A_1053 = arith.constant 12 : i32
          %broadcast_in_dim3A_1054 = vector.broadcast %broadcast_in_dim3A_1053 : i32 to vector<16xi32>
          %reshape3A_1055 = vector.shape_cast %broadcast_in_dim3A_1054 : vector<16xi32> to vector<16x1xi32>
          %gather3A_1056 = vector.shape_cast %reshape3A_1055 : vector<16x1xi32> to vector<16xi32>
          %gather3A_1057 = tpu.dynamic_gather %mul3A_301[%gather3A_1056] in [0] : vector<16xi32>, vector<16xi32> -> vector<16xi32>
          %broadcast_in_dim3A_1058 = arith.constant 12 : i32
          %broadcast_in_dim3A_1059 = vector.broadcast %broadcast_in_dim3A_1058 : i32 to vector<16xi32>
          %reshape3A_1060 = vector.shape_cast %broadcast_in_dim3A_1059 : vector<16xi32> to vector<16x1xi32>
          %gather3A_1061 = vector.shape_cast %reshape3A_1060 : vector<16x1xi32> to vector<16xi32>
          %gather3A_1062 = tpu.dynamic_gather %mul3A_298[%gather3A_1061] in [0] : vector<16xf32>, vector<16xi32> -> vector<16xf32>
          %broadcast_in_dim3A_1063 = arith.constant 12 : i32
          %broadcast_in_dim3A_1064 = vector.broadcast %broadcast_in_dim3A_1063 : i32 to vector<16xi32>
          %reshape3A_1065 = vector.shape_cast %broadcast_in_dim3A_1064 : vector<16xi32> to vector<16x1xi32>
          %gather3A_1066 = vector.shape_cast %reshape3A_1065 : vector<16x1xi32> to vector<16xi32>
          %gather3A_1067 = tpu.dynamic_gather %get3A_291[%gather3A_1066] in [0] : vector<16xf32>, vector<16xi32> -> vector<16xf32>
          %add3A_1068 = arith.constant 12 : i32
          %add3A_1069 = arith.addi %mul3A_316, %add3A_1068 : i32
          %get3A_1070 = arith.index_cast %add3A_1069 : i32 to index
          %get3A_1071 = arith.constant 0 : index
          %get3A_1072 = tpu.vector_load %arg14[%get3A_1070, %get3A_1071] {strides = array<i32>} : memref<512x64xf32, #tpu.memory_space<vmem>>, vector<16xf32>,
          %add3A_1073 = arith.addi %gather3A_1057, %add3A_5 : vector<16xi32>
          %gather3A_1074 = tpu.vector_load_idx %arg16[%add3A_1073] : memref<12800xf32, #tpu.memory_space<vmem>>[vector<16xi32>], vector<16xf32>,
          %mul3A_1075 = arith.mulf %get3A_1072, %gather3A_1062 : vector<16xf32>
          %mul3A_1076 = arith.mulf %gather3A_1074, %gather3A_1067 : vector<16xf32>
          %add3A_1077 = arith.addf %mul3A_1075, %mul3A_1076 : vector<16xf32>
          %swap3A_1078 = arith.index_cast %add3A_1069 : i32 to index
          %swap3A_1079 = arith.constant 0 : index
          %swap3A_1080 = tpu.vector_load %arg14[%swap3A_1078, %swap3A_1079] {strides = array<i32>} : memref<512x64xf32, #tpu.memory_space<vmem>>, vector<16xf32>,
          tpu.vector_store %arg14[%swap3A_1078, %swap3A_1079], %add3A_1077 {strides = array<i32>} : memref<512x64xf32, #tpu.memory_space<vmem>>, vector<16xf32>,
          %get3A_1081 = arith.index_cast %add3A_1069 : i32 to index
          %get3A_1082 = arith.constant 16 : index
          %get3A_1083 = tpu.vector_load %arg14[%get3A_1081, %get3A_1082] {strides = array<i32>} : memref<512x64xf32, #tpu.memory_space<vmem>>, vector<16xf32>,
          %add3A_1084 = arith.addi %gather3A_1057, %add3A_8 : vector<16xi32>
          %gather3A_1085 = tpu.vector_load_idx %arg16[%add3A_1084] : memref<12800xf32, #tpu.memory_space<vmem>>[vector<16xi32>], vector<16xf32>,
          %mul3A_1086 = arith.mulf %get3A_1083, %gather3A_1062 : vector<16xf32>
          %mul3A_1087 = arith.mulf %gather3A_1085, %gather3A_1067 : vector<16xf32>
          %add3A_1088 = arith.addf %mul3A_1086, %mul3A_1087 : vector<16xf32>
          %swap3A_1089 = arith.index_cast %add3A_1069 : i32 to index
          %swap3A_1090 = arith.constant 16 : index
          %swap3A_1091 = tpu.vector_load %arg14[%swap3A_1089, %swap3A_1090] {strides = array<i32>} : memref<512x64xf32, #tpu.memory_space<vmem>>, vector<16xf32>,
          tpu.vector_store %arg14[%swap3A_1089, %swap3A_1090], %add3A_1088 {strides = array<i32>} : memref<512x64xf32, #tpu.memory_space<vmem>>, vector<16xf32>,
          %get3A_1092 = arith.index_cast %add3A_1069 : i32 to index
          %get3A_1093 = arith.constant 32 : index
          %get3A_1094 = tpu.vector_load %arg14[%get3A_1092, %get3A_1093] {strides = array<i32>} : memref<512x64xf32, #tpu.memory_space<vmem>>, vector<16xf32>,
          %add3A_1095 = arith.addi %gather3A_1057, %add3A_11 : vector<16xi32>
          %gather3A_1096 = tpu.vector_load_idx %arg16[%add3A_1095] : memref<12800xf32, #tpu.memory_space<vmem>>[vector<16xi32>], vector<16xf32>,
          %mul3A_1097 = arith.mulf %get3A_1094, %gather3A_1062 : vector<16xf32>
          %mul3A_1098 = arith.mulf %gather3A_1096, %gather3A_1067 : vector<16xf32>
          %add3A_1099 = arith.addf %mul3A_1097, %mul3A_1098 : vector<16xf32>
          %swap3A_1100 = arith.index_cast %add3A_1069 : i32 to index
          %swap3A_1101 = arith.constant 32 : index
          %swap3A_1102 = tpu.vector_load %arg14[%swap3A_1100, %swap3A_1101] {strides = array<i32>} : memref<512x64xf32, #tpu.memory_space<vmem>>, vector<16xf32>,
          tpu.vector_store %arg14[%swap3A_1100, %swap3A_1101], %add3A_1099 {strides = array<i32>} : memref<512x64xf32, #tpu.memory_space<vmem>>, vector<16xf32>,
          %get3A_1103 = arith.index_cast %add3A_1069 : i32 to index
          %get3A_1104 = arith.constant 48 : index
          %get3A_1105 = tpu.vector_load %arg14[%get3A_1103, %get3A_1104] {strides = array<i32>} : memref<512x64xf32, #tpu.memory_space<vmem>>, vector<16xf32>,
          %add3A_1106 = arith.addi %gather3A_1057, %add3A_14 : vector<16xi32>
          %gather3A_1107 = tpu.vector_load_idx %arg16[%add3A_1106] : memref<12800xf32, #tpu.memory_space<vmem>>[vector<16xi32>], vector<16xf32>,
          %mul3A_1108 = arith.mulf %get3A_1105, %gather3A_1062 : vector<16xf32>
          %mul3A_1109 = arith.mulf %gather3A_1107, %gather3A_1067 : vector<16xf32>
          %add3A_1110 = arith.addf %mul3A_1108, %mul3A_1109 : vector<16xf32>
          %swap3A_1111 = arith.index_cast %add3A_1069 : i32 to index
          %swap3A_1112 = arith.constant 48 : index
          %swap3A_1113 = tpu.vector_load %arg14[%swap3A_1111, %swap3A_1112] {strides = array<i32>} : memref<512x64xf32, #tpu.memory_space<vmem>>, vector<16xf32>,
          tpu.vector_store %arg14[%swap3A_1111, %swap3A_1112], %add3A_1110 {strides = array<i32>} : memref<512x64xf32, #tpu.memory_space<vmem>>, vector<16xf32>,
          %broadcast_in_dim3A_1114 = arith.constant 13 : i32
          %broadcast_in_dim3A_1115 = vector.broadcast %broadcast_in_dim3A_1114 : i32 to vector<16xi32>
          %reshape3A_1116 = vector.shape_cast %broadcast_in_dim3A_1115 : vector<16xi32> to vector<16x1xi32>
          %gather3A_1117 = vector.shape_cast %reshape3A_1116 : vector<16x1xi32> to vector<16xi32>
          %gather3A_1118 = tpu.dynamic_gather %mul3A_301[%gather3A_1117] in [0] : vector<16xi32>, vector<16xi32> -> vector<16xi32>
          %broadcast_in_dim3A_1119 = arith.constant 13 : i32
          %broadcast_in_dim3A_1120 = vector.broadcast %broadcast_in_dim3A_1119 : i32 to vector<16xi32>
          %reshape3A_1121 = vector.shape_cast %broadcast_in_dim3A_1120 : vector<16xi32> to vector<16x1xi32>
          %gather3A_1122 = vector.shape_cast %reshape3A_1121 : vector<16x1xi32> to vector<16xi32>
          %gather3A_1123 = tpu.dynamic_gather %mul3A_298[%gather3A_1122] in [0] : vector<16xf32>, vector<16xi32> -> vector<16xf32>
          %broadcast_in_dim3A_1124 = arith.constant 13 : i32
          %broadcast_in_dim3A_1125 = vector.broadcast %broadcast_in_dim3A_1124 : i32 to vector<16xi32>
          %reshape3A_1126 = vector.shape_cast %broadcast_in_dim3A_1125 : vector<16xi32> to vector<16x1xi32>
          %gather3A_1127 = vector.shape_cast %reshape3A_1126 : vector<16x1xi32> to vector<16xi32>
          %gather3A_1128 = tpu.dynamic_gather %get3A_291[%gather3A_1127] in [0] : vector<16xf32>, vector<16xi32> -> vector<16xf32>
          %add3A_1129 = arith.constant 13 : i32
          %add3A_1130 = arith.addi %mul3A_316, %add3A_1129 : i32
          %get3A_1131 = arith.index_cast %add3A_1130 : i32 to index
          %get3A_1132 = arith.constant 0 : index
          %get3A_1133 = tpu.vector_load %arg14[%get3A_1131, %get3A_1132] {strides = array<i32>} : memref<512x64xf32, #tpu.memory_space<vmem>>, vector<16xf32>,
          %add3A_1134 = arith.addi %gather3A_1118, %add3A_5 : vector<16xi32>
          %gather3A_1135 = tpu.vector_load_idx %arg16[%add3A_1134] : memref<12800xf32, #tpu.memory_space<vmem>>[vector<16xi32>], vector<16xf32>,
          %mul3A_1136 = arith.mulf %get3A_1133, %gather3A_1123 : vector<16xf32>
          %mul3A_1137 = arith.mulf %gather3A_1135, %gather3A_1128 : vector<16xf32>
          %add3A_1138 = arith.addf %mul3A_1136, %mul3A_1137 : vector<16xf32>
          %swap3A_1139 = arith.index_cast %add3A_1130 : i32 to index
          %swap3A_1140 = arith.constant 0 : index
          %swap3A_1141 = tpu.vector_load %arg14[%swap3A_1139, %swap3A_1140] {strides = array<i32>} : memref<512x64xf32, #tpu.memory_space<vmem>>, vector<16xf32>,
          tpu.vector_store %arg14[%swap3A_1139, %swap3A_1140], %add3A_1138 {strides = array<i32>} : memref<512x64xf32, #tpu.memory_space<vmem>>, vector<16xf32>,
          %get3A_1142 = arith.index_cast %add3A_1130 : i32 to index
          %get3A_1143 = arith.constant 16 : index
          %get3A_1144 = tpu.vector_load %arg14[%get3A_1142, %get3A_1143] {strides = array<i32>} : memref<512x64xf32, #tpu.memory_space<vmem>>, vector<16xf32>,
          %add3A_1145 = arith.addi %gather3A_1118, %add3A_8 : vector<16xi32>
          %gather3A_1146 = tpu.vector_load_idx %arg16[%add3A_1145] : memref<12800xf32, #tpu.memory_space<vmem>>[vector<16xi32>], vector<16xf32>,
          %mul3A_1147 = arith.mulf %get3A_1144, %gather3A_1123 : vector<16xf32>
          %mul3A_1148 = arith.mulf %gather3A_1146, %gather3A_1128 : vector<16xf32>
          %add3A_1149 = arith.addf %mul3A_1147, %mul3A_1148 : vector<16xf32>
          %swap3A_1150 = arith.index_cast %add3A_1130 : i32 to index
          %swap3A_1151 = arith.constant 16 : index
          %swap3A_1152 = tpu.vector_load %arg14[%swap3A_1150, %swap3A_1151] {strides = array<i32>} : memref<512x64xf32, #tpu.memory_space<vmem>>, vector<16xf32>,
          tpu.vector_store %arg14[%swap3A_1150, %swap3A_1151], %add3A_1149 {strides = array<i32>} : memref<512x64xf32, #tpu.memory_space<vmem>>, vector<16xf32>,
          %get3A_1153 = arith.index_cast %add3A_1130 : i32 to index
          %get3A_1154 = arith.constant 32 : index
          %get3A_1155 = tpu.vector_load %arg14[%get3A_1153, %get3A_1154] {strides = array<i32>} : memref<512x64xf32, #tpu.memory_space<vmem>>, vector<16xf32>,
          %add3A_1156 = arith.addi %gather3A_1118, %add3A_11 : vector<16xi32>
          %gather3A_1157 = tpu.vector_load_idx %arg16[%add3A_1156] : memref<12800xf32, #tpu.memory_space<vmem>>[vector<16xi32>], vector<16xf32>,
          %mul3A_1158 = arith.mulf %get3A_1155, %gather3A_1123 : vector<16xf32>
          %mul3A_1159 = arith.mulf %gather3A_1157, %gather3A_1128 : vector<16xf32>
          %add3A_1160 = arith.addf %mul3A_1158, %mul3A_1159 : vector<16xf32>
          %swap3A_1161 = arith.index_cast %add3A_1130 : i32 to index
          %swap3A_1162 = arith.constant 32 : index
          %swap3A_1163 = tpu.vector_load %arg14[%swap3A_1161, %swap3A_1162] {strides = array<i32>} : memref<512x64xf32, #tpu.memory_space<vmem>>, vector<16xf32>,
          tpu.vector_store %arg14[%swap3A_1161, %swap3A_1162], %add3A_1160 {strides = array<i32>} : memref<512x64xf32, #tpu.memory_space<vmem>>, vector<16xf32>,
          %get3A_1164 = arith.index_cast %add3A_1130 : i32 to index
          %get3A_1165 = arith.constant 48 : index
          %get3A_1166 = tpu.vector_load %arg14[%get3A_1164, %get3A_1165] {strides = array<i32>} : memref<512x64xf32, #tpu.memory_space<vmem>>, vector<16xf32>,
          %add3A_1167 = arith.addi %gather3A_1118, %add3A_14 : vector<16xi32>
          %gather3A_1168 = tpu.vector_load_idx %arg16[%add3A_1167] : memref<12800xf32, #tpu.memory_space<vmem>>[vector<16xi32>], vector<16xf32>,
          %mul3A_1169 = arith.mulf %get3A_1166, %gather3A_1123 : vector<16xf32>
          %mul3A_1170 = arith.mulf %gather3A_1168, %gather3A_1128 : vector<16xf32>
          %add3A_1171 = arith.addf %mul3A_1169, %mul3A_1170 : vector<16xf32>
          %swap3A_1172 = arith.index_cast %add3A_1130 : i32 to index
          %swap3A_1173 = arith.constant 48 : index
          %swap3A_1174 = tpu.vector_load %arg14[%swap3A_1172, %swap3A_1173] {strides = array<i32>} : memref<512x64xf32, #tpu.memory_space<vmem>>, vector<16xf32>,
          tpu.vector_store %arg14[%swap3A_1172, %swap3A_1173], %add3A_1171 {strides = array<i32>} : memref<512x64xf32, #tpu.memory_space<vmem>>, vector<16xf32>,
          %broadcast_in_dim3A_1175 = arith.constant 14 : i32
          %broadcast_in_dim3A_1176 = vector.broadcast %broadcast_in_dim3A_1175 : i32 to vector<16xi32>
          %reshape3A_1177 = vector.shape_cast %broadcast_in_dim3A_1176 : vector<16xi32> to vector<16x1xi32>
          %gather3A_1178 = vector.shape_cast %reshape3A_1177 : vector<16x1xi32> to vector<16xi32>
          %gather3A_1179 = tpu.dynamic_gather %mul3A_301[%gather3A_1178] in [0] : vector<16xi32>, vector<16xi32> -> vector<16xi32>
          %broadcast_in_dim3A_1180 = arith.constant 14 : i32
          %broadcast_in_dim3A_1181 = vector.broadcast %broadcast_in_dim3A_1180 : i32 to vector<16xi32>
          %reshape3A_1182 = vector.shape_cast %broadcast_in_dim3A_1181 : vector<16xi32> to vector<16x1xi32>
          %gather3A_1183 = vector.shape_cast %reshape3A_1182 : vector<16x1xi32> to vector<16xi32>
          %gather3A_1184 = tpu.dynamic_gather %mul3A_298[%gather3A_1183] in [0] : vector<16xf32>, vector<16xi32> -> vector<16xf32>
          %broadcast_in_dim3A_1185 = arith.constant 14 : i32
          %broadcast_in_dim3A_1186 = vector.broadcast %broadcast_in_dim3A_1185 : i32 to vector<16xi32>
          %reshape3A_1187 = vector.shape_cast %broadcast_in_dim3A_1186 : vector<16xi32> to vector<16x1xi32>
          %gather3A_1188 = vector.shape_cast %reshape3A_1187 : vector<16x1xi32> to vector<16xi32>
          %gather3A_1189 = tpu.dynamic_gather %get3A_291[%gather3A_1188] in [0] : vector<16xf32>, vector<16xi32> -> vector<16xf32>
          %add3A_1190 = arith.constant 14 : i32
          %add3A_1191 = arith.addi %mul3A_316, %add3A_1190 : i32
          %get3A_1192 = arith.index_cast %add3A_1191 : i32 to index
          %get3A_1193 = arith.constant 0 : index
          %get3A_1194 = tpu.vector_load %arg14[%get3A_1192, %get3A_1193] {strides = array<i32>} : memref<512x64xf32, #tpu.memory_space<vmem>>, vector<16xf32>,
          %add3A_1195 = arith.addi %gather3A_1179, %add3A_5 : vector<16xi32>
          %gather3A_1196 = tpu.vector_load_idx %arg16[%add3A_1195] : memref<12800xf32, #tpu.memory_space<vmem>>[vector<16xi32>], vector<16xf32>,
          %mul3A_1197 = arith.mulf %get3A_1194, %gather3A_1184 : vector<16xf32>
          %mul3A_1198 = arith.mulf %gather3A_1196, %gather3A_1189 : vector<16xf32>
          %add3A_1199 = arith.addf %mul3A_1197, %mul3A_1198 : vector<16xf32>
          %swap3A_1200 = arith.index_cast %add3A_1191 : i32 to index
          %swap3A_1201 = arith.constant 0 : index
          %swap3A_1202 = tpu.vector_load %arg14[%swap3A_1200, %swap3A_1201] {strides = array<i32>} : memref<512x64xf32, #tpu.memory_space<vmem>>, vector<16xf32>,
          tpu.vector_store %arg14[%swap3A_1200, %swap3A_1201], %add3A_1199 {strides = array<i32>} : memref<512x64xf32, #tpu.memory_space<vmem>>, vector<16xf32>,
          %get3A_1203 = arith.index_cast %add3A_1191 : i32 to index
          %get3A_1204 = arith.constant 16 : index
          %get3A_1205 = tpu.vector_load %arg14[%get3A_1203, %get3A_1204] {strides = array<i32>} : memref<512x64xf32, #tpu.memory_space<vmem>>, vector<16xf32>,
          %add3A_1206 = arith.addi %gather3A_1179, %add3A_8 : vector<16xi32>
          %gather3A_1207 = tpu.vector_load_idx %arg16[%add3A_1206] : memref<12800xf32, #tpu.memory_space<vmem>>[vector<16xi32>], vector<16xf32>,
          %mul3A_1208 = arith.mulf %get3A_1205, %gather3A_1184 : vector<16xf32>
          %mul3A_1209 = arith.mulf %gather3A_1207, %gather3A_1189 : vector<16xf32>
          %add3A_1210 = arith.addf %mul3A_1208, %mul3A_1209 : vector<16xf32>
          %swap3A_1211 = arith.index_cast %add3A_1191 : i32 to index
          %swap3A_1212 = arith.constant 16 : index
          %swap3A_1213 = tpu.vector_load %arg14[%swap3A_1211, %swap3A_1212] {strides = array<i32>} : memref<512x64xf32, #tpu.memory_space<vmem>>, vector<16xf32>,
          tpu.vector_store %arg14[%swap3A_1211, %swap3A_1212], %add3A_1210 {strides = array<i32>} : memref<512x64xf32, #tpu.memory_space<vmem>>, vector<16xf32>,
          %get3A_1214 = arith.index_cast %add3A_1191 : i32 to index
          %get3A_1215 = arith.constant 32 : index
          %get3A_1216 = tpu.vector_load %arg14[%get3A_1214, %get3A_1215] {strides = array<i32>} : memref<512x64xf32, #tpu.memory_space<vmem>>, vector<16xf32>,
          %add3A_1217 = arith.addi %gather3A_1179, %add3A_11 : vector<16xi32>
          %gather3A_1218 = tpu.vector_load_idx %arg16[%add3A_1217] : memref<12800xf32, #tpu.memory_space<vmem>>[vector<16xi32>], vector<16xf32>,
          %mul3A_1219 = arith.mulf %get3A_1216, %gather3A_1184 : vector<16xf32>
          %mul3A_1220 = arith.mulf %gather3A_1218, %gather3A_1189 : vector<16xf32>
          %add3A_1221 = arith.addf %mul3A_1219, %mul3A_1220 : vector<16xf32>
          %swap3A_1222 = arith.index_cast %add3A_1191 : i32 to index
          %swap3A_1223 = arith.constant 32 : index
          %swap3A_1224 = tpu.vector_load %arg14[%swap3A_1222, %swap3A_1223] {strides = array<i32>} : memref<512x64xf32, #tpu.memory_space<vmem>>, vector<16xf32>,
          tpu.vector_store %arg14[%swap3A_1222, %swap3A_1223], %add3A_1221 {strides = array<i32>} : memref<512x64xf32, #tpu.memory_space<vmem>>, vector<16xf32>,
          %get3A_1225 = arith.index_cast %add3A_1191 : i32 to index
          %get3A_1226 = arith.constant 48 : index
          %get3A_1227 = tpu.vector_load %arg14[%get3A_1225, %get3A_1226] {strides = array<i32>} : memref<512x64xf32, #tpu.memory_space<vmem>>, vector<16xf32>,
          %add3A_1228 = arith.addi %gather3A_1179, %add3A_14 : vector<16xi32>
          %gather3A_1229 = tpu.vector_load_idx %arg16[%add3A_1228] : memref<12800xf32, #tpu.memory_space<vmem>>[vector<16xi32>], vector<16xf32>,
          %mul3A_1230 = arith.mulf %get3A_1227, %gather3A_1184 : vector<16xf32>
          %mul3A_1231 = arith.mulf %gather3A_1229, %gather3A_1189 : vector<16xf32>
          %add3A_1232 = arith.addf %mul3A_1230, %mul3A_1231 : vector<16xf32>
          %swap3A_1233 = arith.index_cast %add3A_1191 : i32 to index
          %swap3A_1234 = arith.constant 48 : index
          %swap3A_1235 = tpu.vector_load %arg14[%swap3A_1233, %swap3A_1234] {strides = array<i32>} : memref<512x64xf32, #tpu.memory_space<vmem>>, vector<16xf32>,
          tpu.vector_store %arg14[%swap3A_1233, %swap3A_1234], %add3A_1232 {strides = array<i32>} : memref<512x64xf32, #tpu.memory_space<vmem>>, vector<16xf32>,
          %broadcast_in_dim3A_1236 = arith.constant 15 : i32
          %broadcast_in_dim3A_1237 = vector.broadcast %broadcast_in_dim3A_1236 : i32 to vector<16xi32>
          %reshape3A_1238 = vector.shape_cast %broadcast_in_dim3A_1237 : vector<16xi32> to vector<16x1xi32>
          %gather3A_1239 = vector.shape_cast %reshape3A_1238 : vector<16x1xi32> to vector<16xi32>
          %gather3A_1240 = tpu.dynamic_gather %mul3A_301[%gather3A_1239] in [0] : vector<16xi32>, vector<16xi32> -> vector<16xi32>
          %broadcast_in_dim3A_1241 = arith.constant 15 : i32
          %broadcast_in_dim3A_1242 = vector.broadcast %broadcast_in_dim3A_1241 : i32 to vector<16xi32>
          %reshape3A_1243 = vector.shape_cast %broadcast_in_dim3A_1242 : vector<16xi32> to vector<16x1xi32>
          %gather3A_1244 = vector.shape_cast %reshape3A_1243 : vector<16x1xi32> to vector<16xi32>
          %gather3A_1245 = tpu.dynamic_gather %mul3A_298[%gather3A_1244] in [0] : vector<16xf32>, vector<16xi32> -> vector<16xf32>
          %broadcast_in_dim3A_1246 = arith.constant 15 : i32
          %broadcast_in_dim3A_1247 = vector.broadcast %broadcast_in_dim3A_1246 : i32 to vector<16xi32>
          %reshape3A_1248 = vector.shape_cast %broadcast_in_dim3A_1247 : vector<16xi32> to vector<16x1xi32>
          %gather3A_1249 = vector.shape_cast %reshape3A_1248 : vector<16x1xi32> to vector<16xi32>
          %gather3A_1250 = tpu.dynamic_gather %get3A_291[%gather3A_1249] in [0] : vector<16xf32>, vector<16xi32> -> vector<16xf32>
          %add3A_1251 = arith.constant 15 : i32
          %add3A_1252 = arith.addi %mul3A_316, %add3A_1251 : i32
          %get3A_1253 = arith.index_cast %add3A_1252 : i32 to index
          %get3A_1254 = arith.constant 0 : index
          %get3A_1255 = tpu.vector_load %arg14[%get3A_1253, %get3A_1254] {strides = array<i32>} : memref<512x64xf32, #tpu.memory_space<vmem>>, vector<16xf32>,
          %add3A_1256 = arith.addi %gather3A_1240, %add3A_5 : vector<16xi32>
          %gather3A_1257 = tpu.vector_load_idx %arg16[%add3A_1256] : memref<12800xf32, #tpu.memory_space<vmem>>[vector<16xi32>], vector<16xf32>,
          %mul3A_1258 = arith.mulf %get3A_1255, %gather3A_1245 : vector<16xf32>
          %mul3A_1259 = arith.mulf %gather3A_1257, %gather3A_1250 : vector<16xf32>
          %add3A_1260 = arith.addf %mul3A_1258, %mul3A_1259 : vector<16xf32>
          %swap3A_1261 = arith.index_cast %add3A_1252 : i32 to index
          %swap3A_1262 = arith.constant 0 : index
          %swap3A_1263 = tpu.vector_load %arg14[%swap3A_1261, %swap3A_1262] {strides = array<i32>} : memref<512x64xf32, #tpu.memory_space<vmem>>, vector<16xf32>,
          tpu.vector_store %arg14[%swap3A_1261, %swap3A_1262], %add3A_1260 {strides = array<i32>} : memref<512x64xf32, #tpu.memory_space<vmem>>, vector<16xf32>,
          %get3A_1264 = arith.index_cast %add3A_1252 : i32 to index
          %get3A_1265 = arith.constant 16 : index
          %get3A_1266 = tpu.vector_load %arg14[%get3A_1264, %get3A_1265] {strides = array<i32>} : memref<512x64xf32, #tpu.memory_space<vmem>>, vector<16xf32>,
          %add3A_1267 = arith.addi %gather3A_1240, %add3A_8 : vector<16xi32>
          %gather3A_1268 = tpu.vector_load_idx %arg16[%add3A_1267] : memref<12800xf32, #tpu.memory_space<vmem>>[vector<16xi32>], vector<16xf32>,
          %mul3A_1269 = arith.mulf %get3A_1266, %gather3A_1245 : vector<16xf32>
          %mul3A_1270 = arith.mulf %gather3A_1268, %gather3A_1250 : vector<16xf32>
          %add3A_1271 = arith.addf %mul3A_1269, %mul3A_1270 : vector<16xf32>
          %swap3A_1272 = arith.index_cast %add3A_1252 : i32 to index
          %swap3A_1273 = arith.constant 16 : index
          %swap3A_1274 = tpu.vector_load %arg14[%swap3A_1272, %swap3A_1273] {strides = array<i32>} : memref<512x64xf32, #tpu.memory_space<vmem>>, vector<16xf32>,
          tpu.vector_store %arg14[%swap3A_1272, %swap3A_1273], %add3A_1271 {strides = array<i32>} : memref<512x64xf32, #tpu.memory_space<vmem>>, vector<16xf32>,
          %get3A_1275 = arith.index_cast %add3A_1252 : i32 to index
          %get3A_1276 = arith.constant 32 : index
          %get3A_1277 = tpu.vector_load %arg14[%get3A_1275, %get3A_1276] {strides = array<i32>} : memref<512x64xf32, #tpu.memory_space<vmem>>, vector<16xf32>,
          %add3A_1278 = arith.addi %gather3A_1240, %add3A_11 : vector<16xi32>
          %gather3A_1279 = tpu.vector_load_idx %arg16[%add3A_1278] : memref<12800xf32, #tpu.memory_space<vmem>>[vector<16xi32>], vector<16xf32>,
          %mul3A_1280 = arith.mulf %get3A_1277, %gather3A_1245 : vector<16xf32>
          %mul3A_1281 = arith.mulf %gather3A_1279, %gather3A_1250 : vector<16xf32>
          %add3A_1282 = arith.addf %mul3A_1280, %mul3A_1281 : vector<16xf32>
          %swap3A_1283 = arith.index_cast %add3A_1252 : i32 to index
          %swap3A_1284 = arith.constant 32 : index
          %swap3A_1285 = tpu.vector_load %arg14[%swap3A_1283, %swap3A_1284] {strides = array<i32>} : memref<512x64xf32, #tpu.memory_space<vmem>>, vector<16xf32>,
          tpu.vector_store %arg14[%swap3A_1283, %swap3A_1284], %add3A_1282 {strides = array<i32>} : memref<512x64xf32, #tpu.memory_space<vmem>>, vector<16xf32>,
          %get3A_1286 = arith.index_cast %add3A_1252 : i32 to index
          %get3A_1287 = arith.constant 48 : index
          %get3A_1288 = tpu.vector_load %arg14[%get3A_1286, %get3A_1287] {strides = array<i32>} : memref<512x64xf32, #tpu.memory_space<vmem>>, vector<16xf32>,
          %add3A_1289 = arith.addi %gather3A_1240, %add3A_14 : vector<16xi32>
          %gather3A_1290 = tpu.vector_load_idx %arg16[%add3A_1289] : memref<12800xf32, #tpu.memory_space<vmem>>[vector<16xi32>], vector<16xf32>,
          %mul3A_1291 = arith.mulf %get3A_1288, %gather3A_1245 : vector<16xf32>
          %mul3A_1292 = arith.mulf %gather3A_1290, %gather3A_1250 : vector<16xf32>
          %add3A_1293 = arith.addf %mul3A_1291, %mul3A_1292 : vector<16xf32>
          %swap3A_1294 = arith.index_cast %add3A_1252 : i32 to index
          %swap3A_1295 = arith.constant 48 : index
          %swap3A_1296 = tpu.vector_load %arg14[%swap3A_1294, %swap3A_1295] {strides = array<i32>} : memref<512x64xf32, #tpu.memory_space<vmem>>, vector<16xf32>,
          tpu.vector_store %arg14[%swap3A_1294, %swap3A_1295], %add3A_1293 {strides = array<i32>} : memref<512x64xf32, #tpu.memory_space<vmem>>, vector<16xf32>,
        } else {
        }
      }
      %scan3A_164 = arith.constant 32 : i32
      %mul3A_165 = arith.constant 4 : i32
      %mul3A_166 = arith.muli %mul3A_118, %mul3A_165 : i32
      %add3A_167 = arith.addi %mul3A_2, %mul3A_166 : i32
      %mul3A_168 = arith.constant 128 : i32
      %mul3A_169 = arith.muli %add3A_167, %mul3A_168 : i32
      %dma_start3A_170 = arith.constant 0 : i32
      %dma_start3A_171 = tpu.memref_slice %arg7[%mul3A_169, %dma_start3A_170] : memref<819200x64xf32, #tpu.memory_space<hbm>> -> memref<512x64xf32, #tpu.memory_space<hbm>>
      %dma_start3A_172 = arith.constant 0 : i32
      %dma_start3A_173 = tpu.memref_slice %arg7[%mul3A_169, %dma_start3A_172] : memref<819200x64xf32, #tpu.memory_space<hbm>> -> memref<512x64xf32, #tpu.memory_space<hbm>>
      tpu.enqueue_dma source(%arg14 : memref<512x64xf32, #tpu.memory_space<vmem>>) target(%dma_start3A_173 : memref<512x64xf32, #tpu.memory_space<hbm>>) target_semaphore(%arg19 : memref<!tpu.dma_semaphore, #tpu.memory_space<semaphore_mem>>)
      %add3A_174 = arith.constant 2 : i32
      %add3A_175 = arith.addi %mul3A_118, %add3A_174 : i32
      %lt3A = arith.constant 50 : i32
      %lt3A_176 = arith.cmpi slt, %add3A_175, %lt3A : i32
      %convert_element_type3A = arith.extui %lt3A_176 : i1 to i32
      %cond3A = arith.constant 0 : i32
      %cond3A_177 = arith.cmpi ne, %convert_element_type3A, %cond3A : i32
      scf.if %cond3A_177 {
        %add3A_258 = arith.constant 2 : i32
        %add3A_259 = arith.addi %mul3A_118, %add3A_258 : i32
        %mul3A_260 = arith.constant 4 : i32
        %mul3A_261 = arith.muli %add3A_259, %mul3A_260 : i32
        %add3A_262 = arith.addi %mul3A_2, %mul3A_261 : i32
        %dma_start3A_263 = arith.constant 0 : i32
        %dma_start3A_264 = tpu.memref_slice %arg2[%add3A_262, %dma_start3A_263] : memref<6400x128xi32, #tpu.memory_space<hbm>> -> memref<4x128xi32, #tpu.memory_space<hbm>>
        %dma_start3A_265 = arith.constant 0 : i32
        %dma_start3A_266 = tpu.memref_slice %arg2[%add3A_262, %dma_start3A_265] : memref<6400x128xi32, #tpu.memory_space<hbm>> -> memref<4x128xi32, #tpu.memory_space<hbm>>
        tpu.enqueue_dma source(%dma_start3A_266 : memref<4x128xi32, #tpu.memory_space<hbm>>) target(%arg8 : memref<4x128xi32, #tpu.memory_space<vmem>>) target_semaphore(%arg21 : memref<!tpu.dma_semaphore, #tpu.memory_space<semaphore_mem>>)
        %dma_start3A_267 = arith.constant 0 : i32
        %dma_start3A_268 = tpu.memref_slice %arg3[%add3A_262, %dma_start3A_267] : memref<6400x128xi32, #tpu.memory_space<hbm>> -> memref<4x128xi32, #tpu.memory_space<hbm>>
        %dma_start3A_269 = arith.constant 0 : i32
        %dma_start3A_270 = tpu.memref_slice %arg3[%add3A_262, %dma_start3A_269] : memref<6400x128xi32, #tpu.memory_space<hbm>> -> memref<4x128xi32, #tpu.memory_space<hbm>>
        tpu.enqueue_dma source(%dma_start3A_270 : memref<4x128xi32, #tpu.memory_space<hbm>>) target(%arg10 : memref<4x128xi32, #tpu.memory_space<vmem>>) target_semaphore(%arg21 : memref<!tpu.dma_semaphore, #tpu.memory_space<semaphore_mem>>)
        %dma_start3A_271 = arith.constant 0 : i32
        %dma_start3A_272 = tpu.memref_slice %arg4[%add3A_262, %dma_start3A_271] : memref<6400x128xf32, #tpu.memory_space<hbm>> -> memref<4x128xf32, #tpu.memory_space<hbm>>
        %dma_start3A_273 = arith.constant 0 : i32
        %dma_start3A_274 = tpu.memref_slice %arg4[%add3A_262, %dma_start3A_273] : memref<6400x128xf32, #tpu.memory_space<hbm>> -> memref<4x128xf32, #tpu.memory_space<hbm>>
        tpu.enqueue_dma source(%dma_start3A_274 : memref<4x128xf32, #tpu.memory_space<hbm>>) target(%arg12 : memref<4x128xf32, #tpu.memory_space<vmem>>) target_semaphore(%arg21 : memref<!tpu.dma_semaphore, #tpu.memory_space<semaphore_mem>>)
      } else {
      }
      %add3A_178 = arith.constant 1 : i32
      %add3A_179 = arith.addi %mul3A_118, %add3A_178 : i32
      %lt3A_180 = arith.constant 50 : i32
      %lt3A_181 = arith.cmpi slt, %add3A_179, %lt3A_180 : i32
      %convert_element_type3A_182 = arith.extui %lt3A_181 : i1 to i32
      %cond3A_183 = arith.constant 0 : i32
      %cond3A_184 = arith.cmpi ne, %convert_element_type3A_182, %cond3A_183 : i32
      scf.if %cond3A_184 {
        %gt3A = arith.constant 0 : i32
        %gt3A_258 = arith.cmpi sgt, %mul3A_118, %gt3A : i32
        %convert_element_type3A_259 = arith.extui %gt3A_258 : i1 to i32
        %cond3A_260 = arith.constant 0 : i32
        %cond3A_261 = arith.cmpi ne, %convert_element_type3A_259, %cond3A_260 : i32
        scf.if %cond3A_261 {
          %sub3A = arith.constant 1 : i32
          %sub3A_321 = arith.subi %mul3A_118, %sub3A : i32
          %mul3A_322 = arith.constant 4 : i32
          %mul3A_323 = arith.muli %sub3A_321, %mul3A_322 : i32
          %add3A_324 = arith.addi %mul3A_2, %mul3A_323 : i32
          %mul3A_325 = arith.constant 128 : i32
          %mul3A_326 = arith.muli %add3A_324, %mul3A_325 : i32
          %dma_wait3A_327 = arith.constant 0 : i32
          %dma_wait3A_328 = tpu.memref_slice %arg7[%mul3A_326, %dma_wait3A_327] : memref<819200x64xf32, #tpu.memory_space<hbm>> -> memref<512x64xf32, #tpu.memory_space<hbm>>
          %dma_wait3A_329 = arith.constant 0 : i32
          %dma_wait3A_330 = tpu.memref_slice %arg7[%mul3A_326, %dma_wait3A_329] : memref<819200x64xf32, #tpu.memory_space<hbm>> -> memref<512x64xf32, #tpu.memory_space<hbm>>
          tpu.wait_dma2 semaphore(%arg20 : memref<!tpu.dma_semaphore, #tpu.memory_space<semaphore_mem>>) src(%arg15 : memref<512x64xf32, #tpu.memory_space<vmem>>) dst(%dma_wait3A_330 : memref<512x64xf32, #tpu.memory_space<hbm>>)
        } else {
        }
        %add3A_262 = arith.constant 1 : i32
        %add3A_263 = arith.addi %mul3A_118, %add3A_262 : i32
        %mul3A_264 = arith.constant 4 : i32
        %mul3A_265 = arith.muli %add3A_263, %mul3A_264 : i32
        %add3A_266 = arith.addi %mul3A_2, %mul3A_265 : i32
        %dma_wait3A_267 = arith.constant 0 : i32
        %dma_wait3A_268 = tpu.memref_slice %arg2[%add3A_266, %dma_wait3A_267] : memref<6400x128xi32, #tpu.memory_space<hbm>> -> memref<4x128xi32, #tpu.memory_space<hbm>>
        %dma_wait3A_269 = arith.constant 0 : i32
        %dma_wait3A_270 = tpu.memref_slice %arg2[%add3A_266, %dma_wait3A_269] : memref<6400x128xi32, #tpu.memory_space<hbm>> -> memref<4x128xi32, #tpu.memory_space<hbm>>
        tpu.wait_dma2 semaphore(%arg22 : memref<!tpu.dma_semaphore, #tpu.memory_space<semaphore_mem>>) src(%dma_wait3A_270 : memref<4x128xi32, #tpu.memory_space<hbm>>) dst(%arg9 : memref<4x128xi32, #tpu.memory_space<vmem>>)
        %dma_wait3A_271 = arith.constant 0 : i32
        %dma_wait3A_272 = tpu.memref_slice %arg3[%add3A_266, %dma_wait3A_271] : memref<6400x128xi32, #tpu.memory_space<hbm>> -> memref<4x128xi32, #tpu.memory_space<hbm>>
        %dma_wait3A_273 = arith.constant 0 : i32
        %dma_wait3A_274 = tpu.memref_slice %arg3[%add3A_266, %dma_wait3A_273] : memref<6400x128xi32, #tpu.memory_space<hbm>> -> memref<4x128xi32, #tpu.memory_space<hbm>>
        tpu.wait_dma2 semaphore(%arg22 : memref<!tpu.dma_semaphore, #tpu.memory_space<semaphore_mem>>) src(%dma_wait3A_274 : memref<4x128xi32, #tpu.memory_space<hbm>>) dst(%arg11 : memref<4x128xi32, #tpu.memory_space<vmem>>)
        %dma_wait3A_275 = arith.constant 0 : i32
        %dma_wait3A_276 = tpu.memref_slice %arg4[%add3A_266, %dma_wait3A_275] : memref<6400x128xf32, #tpu.memory_space<hbm>> -> memref<4x128xf32, #tpu.memory_space<hbm>>
        %dma_wait3A_277 = arith.constant 0 : i32
        %dma_wait3A_278 = tpu.memref_slice %arg4[%add3A_266, %dma_wait3A_277] : memref<6400x128xf32, #tpu.memory_space<hbm>> -> memref<4x128xf32, #tpu.memory_space<hbm>>
        tpu.wait_dma2 semaphore(%arg22 : memref<!tpu.dma_semaphore, #tpu.memory_space<semaphore_mem>>) src(%dma_wait3A_278 : memref<4x128xf32, #tpu.memory_space<hbm>>) dst(%arg13 : memref<4x128xf32, #tpu.memory_space<vmem>>)
        %add3A_279 = arith.constant 1 : i32
        %add3A_280 = arith.addi %mul3A_118, %add3A_279 : i32
        %dma_start3A_281 = arith.constant 0 : i32
        %dma_start3A_282 = arith.constant 0 : i32
        %dma_start3A_283 = arith.constant 0 : i32
        %dma_start3A_284 = tpu.memref_slice %arg15[%dma_start3A_282, %dma_start3A_283] : memref<512x64xf32, #tpu.memory_space<vmem>> -> memref<128x64xf32, #tpu.memory_space<vmem>>
        %dma_start3A_285 = arith.constant 0 : i32
        %dma_start3A_286 = tpu.memref_slice %arg9[%dma_start3A_281, %dma_start3A_285] : memref<4x128xi32, #tpu.memory_space<vmem>> -> memref<1x128xi32, #tpu.memory_space<vmem>>
        %dma_start3A_287 = tpu.memref_squeeze %dma_start3A_286 : memref<1x128xi32, #tpu.memory_space<vmem>> -> memref<128xi32, #tpu.memory_space<vmem>>
        %dma_start3A_288 = arith.constant 0 : i32
        %dma_start3A_289 = arith.constant 0 : i32
        %dma_start3A_290 = tpu.memref_slice %arg5[%dma_start3A_288, %dma_start3A_289] : memref<1000000x64xf32, #tpu.memory_space<hbm>> -> memref<1000000x64xf32, #tpu.memory_space<hbm>>
        tpu.enqueue_indirect_dma source(%dma_start3A_290 : memref<1000000x64xf32, #tpu.memory_space<hbm>>) target(%dma_start3A_284 : memref<128x64xf32, #tpu.memory_space<vmem>>) offsets(%dma_start3A_287 : memref<128xi32, #tpu.memory_space<vmem>>) semaphore(%arg18 : memref<!tpu.dma_semaphore, #tpu.memory_space<semaphore_mem>>)
        %dma_start3A_291 = arith.constant 1 : i32
        %dma_start3A_292 = arith.constant 128 : i32
        %dma_start3A_293 = arith.constant 0 : i32
        %dma_start3A_294 = tpu.memref_slice %arg15[%dma_start3A_292, %dma_start3A_293] : memref<512x64xf32, #tpu.memory_space<vmem>> -> memref<128x64xf32, #tpu.memory_space<vmem>>
        %dma_start3A_295 = arith.constant 0 : i32
        %dma_start3A_296 = tpu.memref_slice %arg9[%dma_start3A_291, %dma_start3A_295] : memref<4x128xi32, #tpu.memory_space<vmem>> -> memref<1x128xi32, #tpu.memory_space<vmem>>
        %dma_start3A_297 = tpu.memref_squeeze %dma_start3A_296 : memref<1x128xi32, #tpu.memory_space<vmem>> -> memref<128xi32, #tpu.memory_space<vmem>>
        %dma_start3A_298 = arith.constant 0 : i32
        %dma_start3A_299 = arith.constant 0 : i32
        %dma_start3A_300 = tpu.memref_slice %arg5[%dma_start3A_298, %dma_start3A_299] : memref<1000000x64xf32, #tpu.memory_space<hbm>> -> memref<1000000x64xf32, #tpu.memory_space<hbm>>
        tpu.enqueue_indirect_dma source(%dma_start3A_300 : memref<1000000x64xf32, #tpu.memory_space<hbm>>) target(%dma_start3A_294 : memref<128x64xf32, #tpu.memory_space<vmem>>) offsets(%dma_start3A_297 : memref<128xi32, #tpu.memory_space<vmem>>) semaphore(%arg18 : memref<!tpu.dma_semaphore, #tpu.memory_space<semaphore_mem>>)
        %dma_start3A_301 = arith.constant 2 : i32
        %dma_start3A_302 = arith.constant 256 : i32
        %dma_start3A_303 = arith.constant 0 : i32
        %dma_start3A_304 = tpu.memref_slice %arg15[%dma_start3A_302, %dma_start3A_303] : memref<512x64xf32, #tpu.memory_space<vmem>> -> memref<128x64xf32, #tpu.memory_space<vmem>>
        %dma_start3A_305 = arith.constant 0 : i32
        %dma_start3A_306 = tpu.memref_slice %arg9[%dma_start3A_301, %dma_start3A_305] : memref<4x128xi32, #tpu.memory_space<vmem>> -> memref<1x128xi32, #tpu.memory_space<vmem>>
        %dma_start3A_307 = tpu.memref_squeeze %dma_start3A_306 : memref<1x128xi32, #tpu.memory_space<vmem>> -> memref<128xi32, #tpu.memory_space<vmem>>
        %dma_start3A_308 = arith.constant 0 : i32
        %dma_start3A_309 = arith.constant 0 : i32
        %dma_start3A_310 = tpu.memref_slice %arg5[%dma_start3A_308, %dma_start3A_309] : memref<1000000x64xf32, #tpu.memory_space<hbm>> -> memref<1000000x64xf32, #tpu.memory_space<hbm>>
        tpu.enqueue_indirect_dma source(%dma_start3A_310 : memref<1000000x64xf32, #tpu.memory_space<hbm>>) target(%dma_start3A_304 : memref<128x64xf32, #tpu.memory_space<vmem>>) offsets(%dma_start3A_307 : memref<128xi32, #tpu.memory_space<vmem>>) semaphore(%arg18 : memref<!tpu.dma_semaphore, #tpu.memory_space<semaphore_mem>>)
        %dma_start3A_311 = arith.constant 3 : i32
        %dma_start3A_312 = arith.constant 384 : i32
        %dma_start3A_313 = arith.constant 0 : i32
        %dma_start3A_314 = tpu.memref_slice %arg15[%dma_start3A_312, %dma_start3A_313] : memref<512x64xf32, #tpu.memory_space<vmem>> -> memref<128x64xf32, #tpu.memory_space<vmem>>
        %dma_start3A_315 = arith.constant 0 : i32
        %dma_start3A_316 = tpu.memref_slice %arg9[%dma_start3A_311, %dma_start3A_315] : memref<4x128xi32, #tpu.memory_space<vmem>> -> memref<1x128xi32, #tpu.memory_space<vmem>>
        %dma_start3A_317 = tpu.memref_squeeze %dma_start3A_316 : memref<1x128xi32, #tpu.memory_space<vmem>> -> memref<128xi32, #tpu.memory_space<vmem>>
        %dma_start3A_318 = arith.constant 0 : i32
        %dma_start3A_319 = arith.constant 0 : i32
        %dma_start3A_320 = tpu.memref_slice %arg5[%dma_start3A_318, %dma_start3A_319] : memref<1000000x64xf32, #tpu.memory_space<hbm>> -> memref<1000000x64xf32, #tpu.memory_space<hbm>>
        tpu.enqueue_indirect_dma source(%dma_start3A_320 : memref<1000000x64xf32, #tpu.memory_space<hbm>>) target(%dma_start3A_314 : memref<128x64xf32, #tpu.memory_space<vmem>>) offsets(%dma_start3A_317 : memref<128xi32, #tpu.memory_space<vmem>>) semaphore(%arg18 : memref<!tpu.dma_semaphore, #tpu.memory_space<semaphore_mem>>)
      } else {
      }
      %mul3A_185 = arith.constant 2 : i32
      %mul3A_186 = arith.muli %scan3A_116, %mul3A_185 : i32
      %add3A_187 = arith.constant 1 : i32
      %add3A_188 = arith.addi %mul3A_186, %add3A_187 : i32
      %dma_wait3A_189 = arith.constant 0 : i32
      %dma_wait3A_190 = arith.constant 0 : i32
      %dma_wait3A_191 = arith.constant 0 : i32
      %dma_wait3A_192 = tpu.memref_slice %arg15[%dma_wait3A_190, %dma_wait3A_191] : memref<512x64xf32, #tpu.memory_space<vmem>> -> memref<128x64xf32, #tpu.memory_space<vmem>>
      %dma_wait3A_193 = arith.constant 0 : i32
      %dma_wait3A_194 = tpu.memref_slice %arg9[%dma_wait3A_189, %dma_wait3A_193] : memref<4x128xi32, #tpu.memory_space<vmem>> -> memref<1x128xi32, #tpu.memory_space<vmem>>
      %dma_wait3A_195 = tpu.memref_squeeze %dma_wait3A_194 : memref<1x128xi32, #tpu.memory_space<vmem>> -> memref<128xi32, #tpu.memory_space<vmem>>
      %dma_wait3A_196 = arith.constant 0 : i32
      %dma_wait3A_197 = arith.constant 0 : i32
      %dma_wait3A_198 = tpu.memref_slice %arg5[%dma_wait3A_196, %dma_wait3A_197] : memref<1000000x64xf32, #tpu.memory_space<hbm>> -> memref<1000000x64xf32, #tpu.memory_space<hbm>>
      tpu.wait_indirect_dma semaphore(%arg18 : memref<!tpu.dma_semaphore, #tpu.memory_space<semaphore_mem>>) src(%dma_wait3A_198 : memref<1000000x64xf32, #tpu.memory_space<hbm>>) dst(%dma_wait3A_192 : memref<128x64xf32, #tpu.memory_space<vmem>>)
      %dma_wait3A_199 = arith.constant 1 : i32
      %dma_wait3A_200 = arith.constant 128 : i32
      %dma_wait3A_201 = arith.constant 0 : i32
      %dma_wait3A_202 = tpu.memref_slice %arg15[%dma_wait3A_200, %dma_wait3A_201] : memref<512x64xf32, #tpu.memory_space<vmem>> -> memref<128x64xf32, #tpu.memory_space<vmem>>
      %dma_wait3A_203 = arith.constant 0 : i32
      %dma_wait3A_204 = tpu.memref_slice %arg9[%dma_wait3A_199, %dma_wait3A_203] : memref<4x128xi32, #tpu.memory_space<vmem>> -> memref<1x128xi32, #tpu.memory_space<vmem>>
      %dma_wait3A_205 = tpu.memref_squeeze %dma_wait3A_204 : memref<1x128xi32, #tpu.memory_space<vmem>> -> memref<128xi32, #tpu.memory_space<vmem>>
      %dma_wait3A_206 = arith.constant 0 : i32
      %dma_wait3A_207 = arith.constant 0 : i32
      %dma_wait3A_208 = tpu.memref_slice %arg5[%dma_wait3A_206, %dma_wait3A_207] : memref<1000000x64xf32, #tpu.memory_space<hbm>> -> memref<1000000x64xf32, #tpu.memory_space<hbm>>
      tpu.wait_indirect_dma semaphore(%arg18 : memref<!tpu.dma_semaphore, #tpu.memory_space<semaphore_mem>>) src(%dma_wait3A_208 : memref<1000000x64xf32, #tpu.memory_space<hbm>>) dst(%dma_wait3A_202 : memref<128x64xf32, #tpu.memory_space<vmem>>)
      %dma_wait3A_209 = arith.constant 2 : i32
      %dma_wait3A_210 = arith.constant 256 : i32
      %dma_wait3A_211 = arith.constant 0 : i32
      %dma_wait3A_212 = tpu.memref_slice %arg15[%dma_wait3A_210, %dma_wait3A_211] : memref<512x64xf32, #tpu.memory_space<vmem>> -> memref<128x64xf32, #tpu.memory_space<vmem>>
      %dma_wait3A_213 = arith.constant 0 : i32
      %dma_wait3A_214 = tpu.memref_slice %arg9[%dma_wait3A_209, %dma_wait3A_213] : memref<4x128xi32, #tpu.memory_space<vmem>> -> memref<1x128xi32, #tpu.memory_space<vmem>>
      %dma_wait3A_215 = tpu.memref_squeeze %dma_wait3A_214 : memref<1x128xi32, #tpu.memory_space<vmem>> -> memref<128xi32, #tpu.memory_space<vmem>>
      %dma_wait3A_216 = arith.constant 0 : i32
      %dma_wait3A_217 = arith.constant 0 : i32
      %dma_wait3A_218 = tpu.memref_slice %arg5[%dma_wait3A_216, %dma_wait3A_217] : memref<1000000x64xf32, #tpu.memory_space<hbm>> -> memref<1000000x64xf32, #tpu.memory_space<hbm>>
      tpu.wait_indirect_dma semaphore(%arg18 : memref<!tpu.dma_semaphore, #tpu.memory_space<semaphore_mem>>) src(%dma_wait3A_218 : memref<1000000x64xf32, #tpu.memory_space<hbm>>) dst(%dma_wait3A_212 : memref<128x64xf32, #tpu.memory_space<vmem>>)
      %dma_wait3A_219 = arith.constant 3 : i32
      %dma_wait3A_220 = arith.constant 384 : i32
      %dma_wait3A_221 = arith.constant 0 : i32
      %dma_wait3A_222 = tpu.memref_slice %arg15[%dma_wait3A_220, %dma_wait3A_221] : memref<512x64xf32, #tpu.memory_space<vmem>> -> memref<128x64xf32, #tpu.memory_space<vmem>>
      %dma_wait3A_223 = arith.constant 0 : i32
      %dma_wait3A_224 = tpu.memref_slice %arg9[%dma_wait3A_219, %dma_wait3A_223] : memref<4x128xi32, #tpu.memory_space<vmem>> -> memref<1x128xi32, #tpu.memory_space<vmem>>
      %dma_wait3A_225 = tpu.memref_squeeze %dma_wait3A_224 : memref<1x128xi32, #tpu.memory_space<vmem>> -> memref<128xi32, #tpu.memory_space<vmem>>
      %dma_wait3A_226 = arith.constant 0 : i32
      %dma_wait3A_227 = arith.constant 0 : i32
      %dma_wait3A_228 = tpu.memref_slice %arg5[%dma_wait3A_226, %dma_wait3A_227] : memref<1000000x64xf32, #tpu.memory_space<hbm>> -> memref<1000000x64xf32, #tpu.memory_space<hbm>>
      tpu.wait_indirect_dma semaphore(%arg18 : memref<!tpu.dma_semaphore, #tpu.memory_space<semaphore_mem>>) src(%dma_wait3A_228 : memref<1000000x64xf32, #tpu.memory_space<hbm>>) dst(%dma_wait3A_222 : memref<128x64xf32, #tpu.memory_space<vmem>>)
      %scan3A_229 = arith.constant 0 : i32
      %scan3A_230 = arith.constant 0 : i32
      %scan3A_231 = arith.constant 32 : i32
      %scan3A_232 = arith.addi %scan3A_230, %scan3A_231 : i32
      %scan3A_233 = arith.constant 1 : i32
      scf.for %scan3A_258 = %scan3A_230 to %scan3A_232 step %scan3A_233  : i32 {
        %jit3A = arith.constant 8 : i32
        %div3A = arith.divsi %scan3A_258, %jit3A : i32
        %sign3A = arith.constant 0 : i32
        %sign3A_259 = arith.cmpi sgt, %scan3A_258, %sign3A : i32
        %sign3A_260 = arith.extui %sign3A_259 : i1 to i32
        %sign3A_261 = arith.constant 0 : i32
        %sign3A_262 = arith.cmpi slt, %scan3A_258, %sign3A_261 : i32
        %sign3A_263 = arith.extui %sign3A_262 : i1 to i32
        %sign3A_264 = arith.subi %sign3A_260, %sign3A_263 : i32
        %sign3A_265 = arith.constant 0 : i32
        %sign3A_266 = arith.cmpi sgt, %jit3A, %sign3A_265 : i32
        %sign3A_267 = arith.extui %sign3A_266 : i1 to i32
        %sign3A_268 = arith.constant 0 : i32
        %sign3A_269 = arith.cmpi slt, %jit3A, %sign3A_268 : i32
        %sign3A_270 = arith.extui %sign3A_269 : i1 to i32
        %sign3A_271 = arith.subi %sign3A_267, %sign3A_270 : i32
        %ne3A = arith.cmpi ne, %sign3A_264, %sign3A_271 : i32
        %rem3A = arith.remsi %scan3A_258, %jit3A : i32
        %ne3A_272 = arith.constant 0 : i32
        %ne3A_273 = arith.cmpi ne, %rem3A, %ne3A_272 : i32
        %and3A = arith.andi %ne3A, %ne3A_273 : i1
        %sub3A = arith.constant 1 : i32
        %sub3A_274 = arith.subi %div3A, %sub3A : i32
        %select_n3A = arith.select %and3A, %sub3A_274, %div3A : i32
        %mul3A_275 = arith.constant 8 : i32
        %mul3A_276 = arith.muli %select_n3A, %mul3A_275 : i32
        %sub3A_277 = arith.subi %scan3A_258, %mul3A_276 : i32
        %mul3A_278 = arith.constant 16 : i32
        %mul3A_279 = arith.muli %sub3A_277, %mul3A_278 : i32
        %get3A = arith.index_cast %select_n3A : i32 to index
        %get3A_280 = arith.index_cast %mul3A_279 : i32 to index
        %get3A_281 = tpu.vector_load %arg9[%get3A, %get3A_280] {strides = array<i32>} : memref<4x128xi32, #tpu.memory_space<vmem>>, vector<16xi32>,
        %mul3A_282 = arith.constant 16 : i32
        %mul3A_283 = arith.muli %sub3A_277, %mul3A_282 : i32
        %get3A_284 = arith.index_cast %select_n3A : i32 to index
        %get3A_285 = arith.index_cast %mul3A_283 : i32 to index
        %get3A_286 = tpu.vector_load %arg11[%get3A_284, %get3A_285] {strides = array<i32>} : memref<4x128xi32, #tpu.memory_space<vmem>>, vector<16xi32>,
        %mul3A_287 = arith.constant 16 : i32
        %mul3A_288 = arith.muli %sub3A_277, %mul3A_287 : i32
        %get3A_289 = arith.index_cast %select_n3A : i32 to index
        %get3A_290 = arith.index_cast %mul3A_288 : i32 to index
        %get3A_291 = tpu.vector_load %arg13[%get3A_289, %get3A_290] {strides = array<i32>} : memref<4x128xf32, #tpu.memory_space<vmem>>, vector<16xf32>,
        %eq3A = arith.constant 2 : i32
        %eq3A_292 = vector.broadcast %eq3A : i32 to vector<16xi32>
        %eq3A_293 = arith.cmpi eq, %get3A_281, %eq3A_292 : vector<16xi32>
        %jit3A_294 = arith.constant 0.000000e+00 : f32
        %jit3A_295 = arith.constant 1.000000e+00 : f32
        %broadcast_in_dim3A = vector.broadcast %jit3A_294 : f32 to vector<16xf32>
        %broadcast_in_dim3A_296 = vector.broadcast %jit3A_295 : f32 to vector<16xf32>
        %select_n3A_297 = arith.select %eq3A_293, %broadcast_in_dim3A, %broadcast_in_dim3A_296 : vector<16xi1>, vector<16xf32>
        %mul3A_298 = arith.mulf %select_n3A_297, %get3A_291 : vector<16xf32>
        %mul3A_299 = arith.constant 64 : i32
        %mul3A_300 = vector.broadcast %mul3A_299 : i32 to vector<16xi32>
        %mul3A_301 = arith.muli %get3A_286, %mul3A_300 : vector<16xi32>
        %eq3A_302 = arith.constant 1.000000e+00 : f32
        %eq3A_303 = vector.broadcast %eq3A_302 : f32 to vector<16xf32>
        %eq3A_304 = arith.cmpf oeq, %mul3A_298, %eq3A_303 : vector<16xf32>
        %jit3A_305 = arith.constant 1.000000e+00 : f32
        %jit3A_306 = arith.constant 0.000000e+00 : f32
        %broadcast_in_dim3A_307 = vector.broadcast %jit3A_305 : f32 to vector<16xf32>
        %broadcast_in_dim3A_308 = vector.broadcast %jit3A_306 : f32 to vector<16xf32>
        %select_n3A_309 = arith.select %eq3A_304, %broadcast_in_dim3A_307, %broadcast_in_dim3A_308 : vector<16xi1>, vector<16xf32>
        %reduce_min3A = arith.constant true
        %reduce_min3A_310 = vector.broadcast %reduce_min3A : i1 to vector<16xi1>
        %reduce_min3A_311 = tpu.scan <min>, %select_n3A_309 masked %reduce_min3A_310 : vector<16xf32>, vector<16xi1> -> vector<16xf32>
        %reduce_min3A_312 = vector.extract %reduce_min3A_311[15] : f32 from vector<16xf32>
        %eq3A_313 = arith.constant 1.000000e+00 : f32
        %eq3A_314 = arith.cmpf oeq, %reduce_min3A_312, %eq3A_313 : f32
        %mul3A_315 = arith.constant 16 : i32
        %mul3A_316 = arith.muli %scan3A_258, %mul3A_315 : i32
        %convert_element_type3A_317 = arith.extui %eq3A_314 : i1 to i32
        %cond3A_318 = arith.constant 0 : i32
        %cond3A_319 = arith.cmpi ne, %convert_element_type3A_317, %cond3A_318 : i32
        scf.if %cond3A_319 {
          %broadcast_in_dim3A_324 = arith.constant 0 : i32
          %broadcast_in_dim3A_325 = vector.broadcast %broadcast_in_dim3A_324 : i32 to vector<16xi32>
          %reshape3A = vector.shape_cast %broadcast_in_dim3A_325 : vector<16xi32> to vector<16x1xi32>
          %gather3A = vector.shape_cast %reshape3A : vector<16x1xi32> to vector<16xi32>
          %gather3A_326 = tpu.dynamic_gather %mul3A_301[%gather3A] in [0] : vector<16xi32>, vector<16xi32> -> vector<16xi32>
          %add3A_327 = arith.addi %gather3A_326, %add3A_5 : vector<16xi32>
          %gather3A_328 = tpu.vector_load_idx %arg16[%add3A_327] : memref<12800xf32, #tpu.memory_space<vmem>>[vector<16xi32>], vector<16xf32>,
          %add3A_329 = arith.addi %gather3A_326, %add3A_8 : vector<16xi32>
          %gather3A_330 = tpu.vector_load_idx %arg16[%add3A_329] : memref<12800xf32, #tpu.memory_space<vmem>>[vector<16xi32>], vector<16xf32>,
          %add3A_331 = arith.addi %gather3A_326, %add3A_11 : vector<16xi32>
          %gather3A_332 = tpu.vector_load_idx %arg16[%add3A_331] : memref<12800xf32, #tpu.memory_space<vmem>>[vector<16xi32>], vector<16xf32>,
          %add3A_333 = arith.addi %gather3A_326, %add3A_14 : vector<16xi32>
          %gather3A_334 = tpu.vector_load_idx %arg16[%add3A_333] : memref<12800xf32, #tpu.memory_space<vmem>>[vector<16xi32>], vector<16xf32>,
          %broadcast_in_dim3A_335 = arith.constant 1 : i32
          %broadcast_in_dim3A_336 = vector.broadcast %broadcast_in_dim3A_335 : i32 to vector<16xi32>
          %reshape3A_337 = vector.shape_cast %broadcast_in_dim3A_336 : vector<16xi32> to vector<16x1xi32>
          %gather3A_338 = vector.shape_cast %reshape3A_337 : vector<16x1xi32> to vector<16xi32>
          %gather3A_339 = tpu.dynamic_gather %mul3A_301[%gather3A_338] in [0] : vector<16xi32>, vector<16xi32> -> vector<16xi32>
          %add3A_340 = arith.addi %gather3A_339, %add3A_5 : vector<16xi32>
          %gather3A_341 = tpu.vector_load_idx %arg16[%add3A_340] : memref<12800xf32, #tpu.memory_space<vmem>>[vector<16xi32>], vector<16xf32>,
          %add3A_342 = arith.constant 1 : i32
          %add3A_343 = arith.addi %mul3A_316, %add3A_342 : i32
          %sub3A_344 = arith.constant 1 : i32
          %sub3A_345 = arith.subi %add3A_343, %sub3A_344 : i32
          %swap3A = arith.index_cast %sub3A_345 : i32 to index
          %swap3A_346 = arith.constant 0 : index
          %swap3A_347 = tpu.vector_load %arg15[%swap3A, %swap3A_346] {strides = array<i32>} : memref<512x64xf32, #tpu.memory_space<vmem>>, vector<16xf32>,
          tpu.vector_store %arg15[%swap3A, %swap3A_346], %gather3A_328 {add = true, strides = array<i32>} : memref<512x64xf32, #tpu.memory_space<vmem>>, vector<16xf32>,
          %add3A_348 = arith.addi %gather3A_339, %add3A_8 : vector<16xi32>
          %gather3A_349 = tpu.vector_load_idx %arg16[%add3A_348] : memref<12800xf32, #tpu.memory_space<vmem>>[vector<16xi32>], vector<16xf32>,
          %add3A_350 = arith.constant 1 : i32
          %add3A_351 = arith.addi %mul3A_316, %add3A_350 : i32
          %sub3A_352 = arith.constant 1 : i32
          %sub3A_353 = arith.subi %add3A_351, %sub3A_352 : i32
          %swap3A_354 = arith.index_cast %sub3A_353 : i32 to index
          %swap3A_355 = arith.constant 16 : index
          %swap3A_356 = tpu.vector_load %arg15[%swap3A_354, %swap3A_355] {strides = array<i32>} : memref<512x64xf32, #tpu.memory_space<vmem>>, vector<16xf32>,
          tpu.vector_store %arg15[%swap3A_354, %swap3A_355], %gather3A_330 {add = true, strides = array<i32>} : memref<512x64xf32, #tpu.memory_space<vmem>>, vector<16xf32>,
          %add3A_357 = arith.addi %gather3A_339, %add3A_11 : vector<16xi32>
          %gather3A_358 = tpu.vector_load_idx %arg16[%add3A_357] : memref<12800xf32, #tpu.memory_space<vmem>>[vector<16xi32>], vector<16xf32>,
          %add3A_359 = arith.constant 1 : i32
          %add3A_360 = arith.addi %mul3A_316, %add3A_359 : i32
          %sub3A_361 = arith.constant 1 : i32
          %sub3A_362 = arith.subi %add3A_360, %sub3A_361 : i32
          %swap3A_363 = arith.index_cast %sub3A_362 : i32 to index
          %swap3A_364 = arith.constant 32 : index
          %swap3A_365 = tpu.vector_load %arg15[%swap3A_363, %swap3A_364] {strides = array<i32>} : memref<512x64xf32, #tpu.memory_space<vmem>>, vector<16xf32>,
          tpu.vector_store %arg15[%swap3A_363, %swap3A_364], %gather3A_332 {add = true, strides = array<i32>} : memref<512x64xf32, #tpu.memory_space<vmem>>, vector<16xf32>,
          %add3A_366 = arith.addi %gather3A_339, %add3A_14 : vector<16xi32>
          %gather3A_367 = tpu.vector_load_idx %arg16[%add3A_366] : memref<12800xf32, #tpu.memory_space<vmem>>[vector<16xi32>], vector<16xf32>,
          %add3A_368 = arith.constant 1 : i32
          %add3A_369 = arith.addi %mul3A_316, %add3A_368 : i32
          %sub3A_370 = arith.constant 1 : i32
          %sub3A_371 = arith.subi %add3A_369, %sub3A_370 : i32
          %swap3A_372 = arith.index_cast %sub3A_371 : i32 to index
          %swap3A_373 = arith.constant 48 : index
          %swap3A_374 = tpu.vector_load %arg15[%swap3A_372, %swap3A_373] {strides = array<i32>} : memref<512x64xf32, #tpu.memory_space<vmem>>, vector<16xf32>,
          tpu.vector_store %arg15[%swap3A_372, %swap3A_373], %gather3A_334 {add = true, strides = array<i32>} : memref<512x64xf32, #tpu.memory_space<vmem>>, vector<16xf32>,
          %broadcast_in_dim3A_375 = arith.constant 2 : i32
          %broadcast_in_dim3A_376 = vector.broadcast %broadcast_in_dim3A_375 : i32 to vector<16xi32>
          %reshape3A_377 = vector.shape_cast %broadcast_in_dim3A_376 : vector<16xi32> to vector<16x1xi32>
          %gather3A_378 = vector.shape_cast %reshape3A_377 : vector<16x1xi32> to vector<16xi32>
          %gather3A_379 = tpu.dynamic_gather %mul3A_301[%gather3A_378] in [0] : vector<16xi32>, vector<16xi32> -> vector<16xi32>
          %add3A_380 = arith.addi %gather3A_379, %add3A_5 : vector<16xi32>
          %gather3A_381 = tpu.vector_load_idx %arg16[%add3A_380] : memref<12800xf32, #tpu.memory_space<vmem>>[vector<16xi32>], vector<16xf32>,
          %add3A_382 = arith.constant 2 : i32
          %add3A_383 = arith.addi %mul3A_316, %add3A_382 : i32
          %sub3A_384 = arith.constant 1 : i32
          %sub3A_385 = arith.subi %add3A_383, %sub3A_384 : i32
          %swap3A_386 = arith.index_cast %sub3A_385 : i32 to index
          %swap3A_387 = arith.constant 0 : index
          %swap3A_388 = tpu.vector_load %arg15[%swap3A_386, %swap3A_387] {strides = array<i32>} : memref<512x64xf32, #tpu.memory_space<vmem>>, vector<16xf32>,
          tpu.vector_store %arg15[%swap3A_386, %swap3A_387], %gather3A_341 {add = true, strides = array<i32>} : memref<512x64xf32, #tpu.memory_space<vmem>>, vector<16xf32>,
          %add3A_389 = arith.addi %gather3A_379, %add3A_8 : vector<16xi32>
          %gather3A_390 = tpu.vector_load_idx %arg16[%add3A_389] : memref<12800xf32, #tpu.memory_space<vmem>>[vector<16xi32>], vector<16xf32>,
          %add3A_391 = arith.constant 2 : i32
          %add3A_392 = arith.addi %mul3A_316, %add3A_391 : i32
          %sub3A_393 = arith.constant 1 : i32
          %sub3A_394 = arith.subi %add3A_392, %sub3A_393 : i32
          %swap3A_395 = arith.index_cast %sub3A_394 : i32 to index
          %swap3A_396 = arith.constant 16 : index
          %swap3A_397 = tpu.vector_load %arg15[%swap3A_395, %swap3A_396] {strides = array<i32>} : memref<512x64xf32, #tpu.memory_space<vmem>>, vector<16xf32>,
          tpu.vector_store %arg15[%swap3A_395, %swap3A_396], %gather3A_349 {add = true, strides = array<i32>} : memref<512x64xf32, #tpu.memory_space<vmem>>, vector<16xf32>,
          %add3A_398 = arith.addi %gather3A_379, %add3A_11 : vector<16xi32>
          %gather3A_399 = tpu.vector_load_idx %arg16[%add3A_398] : memref<12800xf32, #tpu.memory_space<vmem>>[vector<16xi32>], vector<16xf32>,
          %add3A_400 = arith.constant 2 : i32
          %add3A_401 = arith.addi %mul3A_316, %add3A_400 : i32
          %sub3A_402 = arith.constant 1 : i32
          %sub3A_403 = arith.subi %add3A_401, %sub3A_402 : i32
          %swap3A_404 = arith.index_cast %sub3A_403 : i32 to index
          %swap3A_405 = arith.constant 32 : index
          %swap3A_406 = tpu.vector_load %arg15[%swap3A_404, %swap3A_405] {strides = array<i32>} : memref<512x64xf32, #tpu.memory_space<vmem>>, vector<16xf32>,
          tpu.vector_store %arg15[%swap3A_404, %swap3A_405], %gather3A_358 {add = true, strides = array<i32>} : memref<512x64xf32, #tpu.memory_space<vmem>>, vector<16xf32>,
          %add3A_407 = arith.addi %gather3A_379, %add3A_14 : vector<16xi32>
          %gather3A_408 = tpu.vector_load_idx %arg16[%add3A_407] : memref<12800xf32, #tpu.memory_space<vmem>>[vector<16xi32>], vector<16xf32>,
          %add3A_409 = arith.constant 2 : i32
          %add3A_410 = arith.addi %mul3A_316, %add3A_409 : i32
          %sub3A_411 = arith.constant 1 : i32
          %sub3A_412 = arith.subi %add3A_410, %sub3A_411 : i32
          %swap3A_413 = arith.index_cast %sub3A_412 : i32 to index
          %swap3A_414 = arith.constant 48 : index
          %swap3A_415 = tpu.vector_load %arg15[%swap3A_413, %swap3A_414] {strides = array<i32>} : memref<512x64xf32, #tpu.memory_space<vmem>>, vector<16xf32>,
          tpu.vector_store %arg15[%swap3A_413, %swap3A_414], %gather3A_367 {add = true, strides = array<i32>} : memref<512x64xf32, #tpu.memory_space<vmem>>, vector<16xf32>,
          %broadcast_in_dim3A_416 = arith.constant 3 : i32
          %broadcast_in_dim3A_417 = vector.broadcast %broadcast_in_dim3A_416 : i32 to vector<16xi32>
          %reshape3A_418 = vector.shape_cast %broadcast_in_dim3A_417 : vector<16xi32> to vector<16x1xi32>
          %gather3A_419 = vector.shape_cast %reshape3A_418 : vector<16x1xi32> to vector<16xi32>
          %gather3A_420 = tpu.dynamic_gather %mul3A_301[%gather3A_419] in [0] : vector<16xi32>, vector<16xi32> -> vector<16xi32>
          %add3A_421 = arith.addi %gather3A_420, %add3A_5 : vector<16xi32>
          %gather3A_422 = tpu.vector_load_idx %arg16[%add3A_421] : memref<12800xf32, #tpu.memory_space<vmem>>[vector<16xi32>], vector<16xf32>,
          %add3A_423 = arith.constant 3 : i32
          %add3A_424 = arith.addi %mul3A_316, %add3A_423 : i32
          %sub3A_425 = arith.constant 1 : i32
          %sub3A_426 = arith.subi %add3A_424, %sub3A_425 : i32
          %swap3A_427 = arith.index_cast %sub3A_426 : i32 to index
          %swap3A_428 = arith.constant 0 : index
          %swap3A_429 = tpu.vector_load %arg15[%swap3A_427, %swap3A_428] {strides = array<i32>} : memref<512x64xf32, #tpu.memory_space<vmem>>, vector<16xf32>,
          tpu.vector_store %arg15[%swap3A_427, %swap3A_428], %gather3A_381 {add = true, strides = array<i32>} : memref<512x64xf32, #tpu.memory_space<vmem>>, vector<16xf32>,
          %add3A_430 = arith.addi %gather3A_420, %add3A_8 : vector<16xi32>
          %gather3A_431 = tpu.vector_load_idx %arg16[%add3A_430] : memref<12800xf32, #tpu.memory_space<vmem>>[vector<16xi32>], vector<16xf32>,
          %add3A_432 = arith.constant 3 : i32
          %add3A_433 = arith.addi %mul3A_316, %add3A_432 : i32
          %sub3A_434 = arith.constant 1 : i32
          %sub3A_435 = arith.subi %add3A_433, %sub3A_434 : i32
          %swap3A_436 = arith.index_cast %sub3A_435 : i32 to index
          %swap3A_437 = arith.constant 16 : index
          %swap3A_438 = tpu.vector_load %arg15[%swap3A_436, %swap3A_437] {strides = array<i32>} : memref<512x64xf32, #tpu.memory_space<vmem>>, vector<16xf32>,
          tpu.vector_store %arg15[%swap3A_436, %swap3A_437], %gather3A_390 {add = true, strides = array<i32>} : memref<512x64xf32, #tpu.memory_space<vmem>>, vector<16xf32>,
          %add3A_439 = arith.addi %gather3A_420, %add3A_11 : vector<16xi32>
          %gather3A_440 = tpu.vector_load_idx %arg16[%add3A_439] : memref<12800xf32, #tpu.memory_space<vmem>>[vector<16xi32>], vector<16xf32>,
          %add3A_441 = arith.constant 3 : i32
          %add3A_442 = arith.addi %mul3A_316, %add3A_441 : i32
          %sub3A_443 = arith.constant 1 : i32
          %sub3A_444 = arith.subi %add3A_442, %sub3A_443 : i32
          %swap3A_445 = arith.index_cast %sub3A_444 : i32 to index
          %swap3A_446 = arith.constant 32 : index
          %swap3A_447 = tpu.vector_load %arg15[%swap3A_445, %swap3A_446] {strides = array<i32>} : memref<512x64xf32, #tpu.memory_space<vmem>>, vector<16xf32>,
          tpu.vector_store %arg15[%swap3A_445, %swap3A_446], %gather3A_399 {add = true, strides = array<i32>} : memref<512x64xf32, #tpu.memory_space<vmem>>, vector<16xf32>,
          %add3A_448 = arith.addi %gather3A_420, %add3A_14 : vector<16xi32>
          %gather3A_449 = tpu.vector_load_idx %arg16[%add3A_448] : memref<12800xf32, #tpu.memory_space<vmem>>[vector<16xi32>], vector<16xf32>,
          %add3A_450 = arith.constant 3 : i32
          %add3A_451 = arith.addi %mul3A_316, %add3A_450 : i32
          %sub3A_452 = arith.constant 1 : i32
          %sub3A_453 = arith.subi %add3A_451, %sub3A_452 : i32
          %swap3A_454 = arith.index_cast %sub3A_453 : i32 to index
          %swap3A_455 = arith.constant 48 : index
          %swap3A_456 = tpu.vector_load %arg15[%swap3A_454, %swap3A_455] {strides = array<i32>} : memref<512x64xf32, #tpu.memory_space<vmem>>, vector<16xf32>,
          tpu.vector_store %arg15[%swap3A_454, %swap3A_455], %gather3A_408 {add = true, strides = array<i32>} : memref<512x64xf32, #tpu.memory_space<vmem>>, vector<16xf32>,
          %broadcast_in_dim3A_457 = arith.constant 4 : i32
          %broadcast_in_dim3A_458 = vector.broadcast %broadcast_in_dim3A_457 : i32 to vector<16xi32>
          %reshape3A_459 = vector.shape_cast %broadcast_in_dim3A_458 : vector<16xi32> to vector<16x1xi32>
          %gather3A_460 = vector.shape_cast %reshape3A_459 : vector<16x1xi32> to vector<16xi32>
          %gather3A_461 = tpu.dynamic_gather %mul3A_301[%gather3A_460] in [0] : vector<16xi32>, vector<16xi32> -> vector<16xi32>
          %add3A_462 = arith.addi %gather3A_461, %add3A_5 : vector<16xi32>
          %gather3A_463 = tpu.vector_load_idx %arg16[%add3A_462] : memref<12800xf32, #tpu.memory_space<vmem>>[vector<16xi32>], vector<16xf32>,
          %add3A_464 = arith.constant 4 : i32
          %add3A_465 = arith.addi %mul3A_316, %add3A_464 : i32
          %sub3A_466 = arith.constant 1 : i32
          %sub3A_467 = arith.subi %add3A_465, %sub3A_466 : i32
          %swap3A_468 = arith.index_cast %sub3A_467 : i32 to index
          %swap3A_469 = arith.constant 0 : index
          %swap3A_470 = tpu.vector_load %arg15[%swap3A_468, %swap3A_469] {strides = array<i32>} : memref<512x64xf32, #tpu.memory_space<vmem>>, vector<16xf32>,
          tpu.vector_store %arg15[%swap3A_468, %swap3A_469], %gather3A_422 {add = true, strides = array<i32>} : memref<512x64xf32, #tpu.memory_space<vmem>>, vector<16xf32>,
          %add3A_471 = arith.addi %gather3A_461, %add3A_8 : vector<16xi32>
          %gather3A_472 = tpu.vector_load_idx %arg16[%add3A_471] : memref<12800xf32, #tpu.memory_space<vmem>>[vector<16xi32>], vector<16xf32>,
          %add3A_473 = arith.constant 4 : i32
          %add3A_474 = arith.addi %mul3A_316, %add3A_473 : i32
          %sub3A_475 = arith.constant 1 : i32
          %sub3A_476 = arith.subi %add3A_474, %sub3A_475 : i32
          %swap3A_477 = arith.index_cast %sub3A_476 : i32 to index
          %swap3A_478 = arith.constant 16 : index
          %swap3A_479 = tpu.vector_load %arg15[%swap3A_477, %swap3A_478] {strides = array<i32>} : memref<512x64xf32, #tpu.memory_space<vmem>>, vector<16xf32>,
          tpu.vector_store %arg15[%swap3A_477, %swap3A_478], %gather3A_431 {add = true, strides = array<i32>} : memref<512x64xf32, #tpu.memory_space<vmem>>, vector<16xf32>,
          %add3A_480 = arith.addi %gather3A_461, %add3A_11 : vector<16xi32>
          %gather3A_481 = tpu.vector_load_idx %arg16[%add3A_480] : memref<12800xf32, #tpu.memory_space<vmem>>[vector<16xi32>], vector<16xf32>,
          %add3A_482 = arith.constant 4 : i32
          %add3A_483 = arith.addi %mul3A_316, %add3A_482 : i32
          %sub3A_484 = arith.constant 1 : i32
          %sub3A_485 = arith.subi %add3A_483, %sub3A_484 : i32
          %swap3A_486 = arith.index_cast %sub3A_485 : i32 to index
          %swap3A_487 = arith.constant 32 : index
          %swap3A_488 = tpu.vector_load %arg15[%swap3A_486, %swap3A_487] {strides = array<i32>} : memref<512x64xf32, #tpu.memory_space<vmem>>, vector<16xf32>,
          tpu.vector_store %arg15[%swap3A_486, %swap3A_487], %gather3A_440 {add = true, strides = array<i32>} : memref<512x64xf32, #tpu.memory_space<vmem>>, vector<16xf32>,
          %add3A_489 = arith.addi %gather3A_461, %add3A_14 : vector<16xi32>
          %gather3A_490 = tpu.vector_load_idx %arg16[%add3A_489] : memref<12800xf32, #tpu.memory_space<vmem>>[vector<16xi32>], vector<16xf32>,
          %add3A_491 = arith.constant 4 : i32
          %add3A_492 = arith.addi %mul3A_316, %add3A_491 : i32
          %sub3A_493 = arith.constant 1 : i32
          %sub3A_494 = arith.subi %add3A_492, %sub3A_493 : i32
          %swap3A_495 = arith.index_cast %sub3A_494 : i32 to index
          %swap3A_496 = arith.constant 48 : index
          %swap3A_497 = tpu.vector_load %arg15[%swap3A_495, %swap3A_496] {strides = array<i32>} : memref<512x64xf32, #tpu.memory_space<vmem>>, vector<16xf32>,
          tpu.vector_store %arg15[%swap3A_495, %swap3A_496], %gather3A_449 {add = true, strides = array<i32>} : memref<512x64xf32, #tpu.memory_space<vmem>>, vector<16xf32>,
          %broadcast_in_dim3A_498 = arith.constant 5 : i32
          %broadcast_in_dim3A_499 = vector.broadcast %broadcast_in_dim3A_498 : i32 to vector<16xi32>
          %reshape3A_500 = vector.shape_cast %broadcast_in_dim3A_499 : vector<16xi32> to vector<16x1xi32>
          %gather3A_501 = vector.shape_cast %reshape3A_500 : vector<16x1xi32> to vector<16xi32>
          %gather3A_502 = tpu.dynamic_gather %mul3A_301[%gather3A_501] in [0] : vector<16xi32>, vector<16xi32> -> vector<16xi32>
          %add3A_503 = arith.addi %gather3A_502, %add3A_5 : vector<16xi32>
          %gather3A_504 = tpu.vector_load_idx %arg16[%add3A_503] : memref<12800xf32, #tpu.memory_space<vmem>>[vector<16xi32>], vector<16xf32>,
          %add3A_505 = arith.constant 5 : i32
          %add3A_506 = arith.addi %mul3A_316, %add3A_505 : i32
          %sub3A_507 = arith.constant 1 : i32
          %sub3A_508 = arith.subi %add3A_506, %sub3A_507 : i32
          %swap3A_509 = arith.index_cast %sub3A_508 : i32 to index
          %swap3A_510 = arith.constant 0 : index
          %swap3A_511 = tpu.vector_load %arg15[%swap3A_509, %swap3A_510] {strides = array<i32>} : memref<512x64xf32, #tpu.memory_space<vmem>>, vector<16xf32>,
          tpu.vector_store %arg15[%swap3A_509, %swap3A_510], %gather3A_463 {add = true, strides = array<i32>} : memref<512x64xf32, #tpu.memory_space<vmem>>, vector<16xf32>,
          %add3A_512 = arith.addi %gather3A_502, %add3A_8 : vector<16xi32>
          %gather3A_513 = tpu.vector_load_idx %arg16[%add3A_512] : memref<12800xf32, #tpu.memory_space<vmem>>[vector<16xi32>], vector<16xf32>,
          %add3A_514 = arith.constant 5 : i32
          %add3A_515 = arith.addi %mul3A_316, %add3A_514 : i32
          %sub3A_516 = arith.constant 1 : i32
          %sub3A_517 = arith.subi %add3A_515, %sub3A_516 : i32
          %swap3A_518 = arith.index_cast %sub3A_517 : i32 to index
          %swap3A_519 = arith.constant 16 : index
          %swap3A_520 = tpu.vector_load %arg15[%swap3A_518, %swap3A_519] {strides = array<i32>} : memref<512x64xf32, #tpu.memory_space<vmem>>, vector<16xf32>,
          tpu.vector_store %arg15[%swap3A_518, %swap3A_519], %gather3A_472 {add = true, strides = array<i32>} : memref<512x64xf32, #tpu.memory_space<vmem>>, vector<16xf32>,
          %add3A_521 = arith.addi %gather3A_502, %add3A_11 : vector<16xi32>
          %gather3A_522 = tpu.vector_load_idx %arg16[%add3A_521] : memref<12800xf32, #tpu.memory_space<vmem>>[vector<16xi32>], vector<16xf32>,
          %add3A_523 = arith.constant 5 : i32
          %add3A_524 = arith.addi %mul3A_316, %add3A_523 : i32
          %sub3A_525 = arith.constant 1 : i32
          %sub3A_526 = arith.subi %add3A_524, %sub3A_525 : i32
          %swap3A_527 = arith.index_cast %sub3A_526 : i32 to index
          %swap3A_528 = arith.constant 32 : index
          %swap3A_529 = tpu.vector_load %arg15[%swap3A_527, %swap3A_528] {strides = array<i32>} : memref<512x64xf32, #tpu.memory_space<vmem>>, vector<16xf32>,
          tpu.vector_store %arg15[%swap3A_527, %swap3A_528], %gather3A_481 {add = true, strides = array<i32>} : memref<512x64xf32, #tpu.memory_space<vmem>>, vector<16xf32>,
          %add3A_530 = arith.addi %gather3A_502, %add3A_14 : vector<16xi32>
          %gather3A_531 = tpu.vector_load_idx %arg16[%add3A_530] : memref<12800xf32, #tpu.memory_space<vmem>>[vector<16xi32>], vector<16xf32>,
          %add3A_532 = arith.constant 5 : i32
          %add3A_533 = arith.addi %mul3A_316, %add3A_532 : i32
          %sub3A_534 = arith.constant 1 : i32
          %sub3A_535 = arith.subi %add3A_533, %sub3A_534 : i32
          %swap3A_536 = arith.index_cast %sub3A_535 : i32 to index
          %swap3A_537 = arith.constant 48 : index
          %swap3A_538 = tpu.vector_load %arg15[%swap3A_536, %swap3A_537] {strides = array<i32>} : memref<512x64xf32, #tpu.memory_space<vmem>>, vector<16xf32>,
          tpu.vector_store %arg15[%swap3A_536, %swap3A_537], %gather3A_490 {add = true, strides = array<i32>} : memref<512x64xf32, #tpu.memory_space<vmem>>, vector<16xf32>,
          %broadcast_in_dim3A_539 = arith.constant 6 : i32
          %broadcast_in_dim3A_540 = vector.broadcast %broadcast_in_dim3A_539 : i32 to vector<16xi32>
          %reshape3A_541 = vector.shape_cast %broadcast_in_dim3A_540 : vector<16xi32> to vector<16x1xi32>
          %gather3A_542 = vector.shape_cast %reshape3A_541 : vector<16x1xi32> to vector<16xi32>
          %gather3A_543 = tpu.dynamic_gather %mul3A_301[%gather3A_542] in [0] : vector<16xi32>, vector<16xi32> -> vector<16xi32>
          %add3A_544 = arith.addi %gather3A_543, %add3A_5 : vector<16xi32>
          %gather3A_545 = tpu.vector_load_idx %arg16[%add3A_544] : memref<12800xf32, #tpu.memory_space<vmem>>[vector<16xi32>], vector<16xf32>,
          %add3A_546 = arith.constant 6 : i32
          %add3A_547 = arith.addi %mul3A_316, %add3A_546 : i32
          %sub3A_548 = arith.constant 1 : i32
          %sub3A_549 = arith.subi %add3A_547, %sub3A_548 : i32
          %swap3A_550 = arith.index_cast %sub3A_549 : i32 to index
          %swap3A_551 = arith.constant 0 : index
          %swap3A_552 = tpu.vector_load %arg15[%swap3A_550, %swap3A_551] {strides = array<i32>} : memref<512x64xf32, #tpu.memory_space<vmem>>, vector<16xf32>,
          tpu.vector_store %arg15[%swap3A_550, %swap3A_551], %gather3A_504 {add = true, strides = array<i32>} : memref<512x64xf32, #tpu.memory_space<vmem>>, vector<16xf32>,
          %add3A_553 = arith.addi %gather3A_543, %add3A_8 : vector<16xi32>
          %gather3A_554 = tpu.vector_load_idx %arg16[%add3A_553] : memref<12800xf32, #tpu.memory_space<vmem>>[vector<16xi32>], vector<16xf32>,
          %add3A_555 = arith.constant 6 : i32
          %add3A_556 = arith.addi %mul3A_316, %add3A_555 : i32
          %sub3A_557 = arith.constant 1 : i32
          %sub3A_558 = arith.subi %add3A_556, %sub3A_557 : i32
          %swap3A_559 = arith.index_cast %sub3A_558 : i32 to index
          %swap3A_560 = arith.constant 16 : index
          %swap3A_561 = tpu.vector_load %arg15[%swap3A_559, %swap3A_560] {strides = array<i32>} : memref<512x64xf32, #tpu.memory_space<vmem>>, vector<16xf32>,
          tpu.vector_store %arg15[%swap3A_559, %swap3A_560], %gather3A_513 {add = true, strides = array<i32>} : memref<512x64xf32, #tpu.memory_space<vmem>>, vector<16xf32>,
          %add3A_562 = arith.addi %gather3A_543, %add3A_11 : vector<16xi32>
          %gather3A_563 = tpu.vector_load_idx %arg16[%add3A_562] : memref<12800xf32, #tpu.memory_space<vmem>>[vector<16xi32>], vector<16xf32>,
          %add3A_564 = arith.constant 6 : i32
          %add3A_565 = arith.addi %mul3A_316, %add3A_564 : i32
          %sub3A_566 = arith.constant 1 : i32
          %sub3A_567 = arith.subi %add3A_565, %sub3A_566 : i32
          %swap3A_568 = arith.index_cast %sub3A_567 : i32 to index
          %swap3A_569 = arith.constant 32 : index
          %swap3A_570 = tpu.vector_load %arg15[%swap3A_568, %swap3A_569] {strides = array<i32>} : memref<512x64xf32, #tpu.memory_space<vmem>>, vector<16xf32>,
          tpu.vector_store %arg15[%swap3A_568, %swap3A_569], %gather3A_522 {add = true, strides = array<i32>} : memref<512x64xf32, #tpu.memory_space<vmem>>, vector<16xf32>,
          %add3A_571 = arith.addi %gather3A_543, %add3A_14 : vector<16xi32>
          %gather3A_572 = tpu.vector_load_idx %arg16[%add3A_571] : memref<12800xf32, #tpu.memory_space<vmem>>[vector<16xi32>], vector<16xf32>,
          %add3A_573 = arith.constant 6 : i32
          %add3A_574 = arith.addi %mul3A_316, %add3A_573 : i32
          %sub3A_575 = arith.constant 1 : i32
          %sub3A_576 = arith.subi %add3A_574, %sub3A_575 : i32
          %swap3A_577 = arith.index_cast %sub3A_576 : i32 to index
          %swap3A_578 = arith.constant 48 : index
          %swap3A_579 = tpu.vector_load %arg15[%swap3A_577, %swap3A_578] {strides = array<i32>} : memref<512x64xf32, #tpu.memory_space<vmem>>, vector<16xf32>,
          tpu.vector_store %arg15[%swap3A_577, %swap3A_578], %gather3A_531 {add = true, strides = array<i32>} : memref<512x64xf32, #tpu.memory_space<vmem>>, vector<16xf32>,
          %broadcast_in_dim3A_580 = arith.constant 7 : i32
          %broadcast_in_dim3A_581 = vector.broadcast %broadcast_in_dim3A_580 : i32 to vector<16xi32>
          %reshape3A_582 = vector.shape_cast %broadcast_in_dim3A_581 : vector<16xi32> to vector<16x1xi32>
          %gather3A_583 = vector.shape_cast %reshape3A_582 : vector<16x1xi32> to vector<16xi32>
          %gather3A_584 = tpu.dynamic_gather %mul3A_301[%gather3A_583] in [0] : vector<16xi32>, vector<16xi32> -> vector<16xi32>
          %add3A_585 = arith.addi %gather3A_584, %add3A_5 : vector<16xi32>
          %gather3A_586 = tpu.vector_load_idx %arg16[%add3A_585] : memref<12800xf32, #tpu.memory_space<vmem>>[vector<16xi32>], vector<16xf32>,
          %add3A_587 = arith.constant 7 : i32
          %add3A_588 = arith.addi %mul3A_316, %add3A_587 : i32
          %sub3A_589 = arith.constant 1 : i32
          %sub3A_590 = arith.subi %add3A_588, %sub3A_589 : i32
          %swap3A_591 = arith.index_cast %sub3A_590 : i32 to index
          %swap3A_592 = arith.constant 0 : index
          %swap3A_593 = tpu.vector_load %arg15[%swap3A_591, %swap3A_592] {strides = array<i32>} : memref<512x64xf32, #tpu.memory_space<vmem>>, vector<16xf32>,
          tpu.vector_store %arg15[%swap3A_591, %swap3A_592], %gather3A_545 {add = true, strides = array<i32>} : memref<512x64xf32, #tpu.memory_space<vmem>>, vector<16xf32>,
          %add3A_594 = arith.addi %gather3A_584, %add3A_8 : vector<16xi32>
          %gather3A_595 = tpu.vector_load_idx %arg16[%add3A_594] : memref<12800xf32, #tpu.memory_space<vmem>>[vector<16xi32>], vector<16xf32>,
          %add3A_596 = arith.constant 7 : i32
          %add3A_597 = arith.addi %mul3A_316, %add3A_596 : i32
          %sub3A_598 = arith.constant 1 : i32
          %sub3A_599 = arith.subi %add3A_597, %sub3A_598 : i32
          %swap3A_600 = arith.index_cast %sub3A_599 : i32 to index
          %swap3A_601 = arith.constant 16 : index
          %swap3A_602 = tpu.vector_load %arg15[%swap3A_600, %swap3A_601] {strides = array<i32>} : memref<512x64xf32, #tpu.memory_space<vmem>>, vector<16xf32>,
          tpu.vector_store %arg15[%swap3A_600, %swap3A_601], %gather3A_554 {add = true, strides = array<i32>} : memref<512x64xf32, #tpu.memory_space<vmem>>, vector<16xf32>,
          %add3A_603 = arith.addi %gather3A_584, %add3A_11 : vector<16xi32>
          %gather3A_604 = tpu.vector_load_idx %arg16[%add3A_603] : memref<12800xf32, #tpu.memory_space<vmem>>[vector<16xi32>], vector<16xf32>,
          %add3A_605 = arith.constant 7 : i32
          %add3A_606 = arith.addi %mul3A_316, %add3A_605 : i32
          %sub3A_607 = arith.constant 1 : i32
          %sub3A_608 = arith.subi %add3A_606, %sub3A_607 : i32
          %swap3A_609 = arith.index_cast %sub3A_608 : i32 to index
          %swap3A_610 = arith.constant 32 : index
          %swap3A_611 = tpu.vector_load %arg15[%swap3A_609, %swap3A_610] {strides = array<i32>} : memref<512x64xf32, #tpu.memory_space<vmem>>, vector<16xf32>,
          tpu.vector_store %arg15[%swap3A_609, %swap3A_610], %gather3A_563 {add = true, strides = array<i32>} : memref<512x64xf32, #tpu.memory_space<vmem>>, vector<16xf32>,
          %add3A_612 = arith.addi %gather3A_584, %add3A_14 : vector<16xi32>
          %gather3A_613 = tpu.vector_load_idx %arg16[%add3A_612] : memref<12800xf32, #tpu.memory_space<vmem>>[vector<16xi32>], vector<16xf32>,
          %add3A_614 = arith.constant 7 : i32
          %add3A_615 = arith.addi %mul3A_316, %add3A_614 : i32
          %sub3A_616 = arith.constant 1 : i32
          %sub3A_617 = arith.subi %add3A_615, %sub3A_616 : i32
          %swap3A_618 = arith.index_cast %sub3A_617 : i32 to index
          %swap3A_619 = arith.constant 48 : index
          %swap3A_620 = tpu.vector_load %arg15[%swap3A_618, %swap3A_619] {strides = array<i32>} : memref<512x64xf32, #tpu.memory_space<vmem>>, vector<16xf32>,
          tpu.vector_store %arg15[%swap3A_618, %swap3A_619], %gather3A_572 {add = true, strides = array<i32>} : memref<512x64xf32, #tpu.memory_space<vmem>>, vector<16xf32>,
          %broadcast_in_dim3A_621 = arith.constant 8 : i32
          %broadcast_in_dim3A_622 = vector.broadcast %broadcast_in_dim3A_621 : i32 to vector<16xi32>
          %reshape3A_623 = vector.shape_cast %broadcast_in_dim3A_622 : vector<16xi32> to vector<16x1xi32>
          %gather3A_624 = vector.shape_cast %reshape3A_623 : vector<16x1xi32> to vector<16xi32>
          %gather3A_625 = tpu.dynamic_gather %mul3A_301[%gather3A_624] in [0] : vector<16xi32>, vector<16xi32> -> vector<16xi32>
          %add3A_626 = arith.addi %gather3A_625, %add3A_5 : vector<16xi32>
          %gather3A_627 = tpu.vector_load_idx %arg16[%add3A_626] : memref<12800xf32, #tpu.memory_space<vmem>>[vector<16xi32>], vector<16xf32>,
          %add3A_628 = arith.constant 8 : i32
          %add3A_629 = arith.addi %mul3A_316, %add3A_628 : i32
          %sub3A_630 = arith.constant 1 : i32
          %sub3A_631 = arith.subi %add3A_629, %sub3A_630 : i32
          %swap3A_632 = arith.index_cast %sub3A_631 : i32 to index
          %swap3A_633 = arith.constant 0 : index
          %swap3A_634 = tpu.vector_load %arg15[%swap3A_632, %swap3A_633] {strides = array<i32>} : memref<512x64xf32, #tpu.memory_space<vmem>>, vector<16xf32>,
          tpu.vector_store %arg15[%swap3A_632, %swap3A_633], %gather3A_586 {add = true, strides = array<i32>} : memref<512x64xf32, #tpu.memory_space<vmem>>, vector<16xf32>,
          %add3A_635 = arith.addi %gather3A_625, %add3A_8 : vector<16xi32>
          %gather3A_636 = tpu.vector_load_idx %arg16[%add3A_635] : memref<12800xf32, #tpu.memory_space<vmem>>[vector<16xi32>], vector<16xf32>,
          %add3A_637 = arith.constant 8 : i32
          %add3A_638 = arith.addi %mul3A_316, %add3A_637 : i32
          %sub3A_639 = arith.constant 1 : i32
          %sub3A_640 = arith.subi %add3A_638, %sub3A_639 : i32
          %swap3A_641 = arith.index_cast %sub3A_640 : i32 to index
          %swap3A_642 = arith.constant 16 : index
          %swap3A_643 = tpu.vector_load %arg15[%swap3A_641, %swap3A_642] {strides = array<i32>} : memref<512x64xf32, #tpu.memory_space<vmem>>, vector<16xf32>,
          tpu.vector_store %arg15[%swap3A_641, %swap3A_642], %gather3A_595 {add = true, strides = array<i32>} : memref<512x64xf32, #tpu.memory_space<vmem>>, vector<16xf32>,
          %add3A_644 = arith.addi %gather3A_625, %add3A_11 : vector<16xi32>
          %gather3A_645 = tpu.vector_load_idx %arg16[%add3A_644] : memref<12800xf32, #tpu.memory_space<vmem>>[vector<16xi32>], vector<16xf32>,
          %add3A_646 = arith.constant 8 : i32
          %add3A_647 = arith.addi %mul3A_316, %add3A_646 : i32
          %sub3A_648 = arith.constant 1 : i32
          %sub3A_649 = arith.subi %add3A_647, %sub3A_648 : i32
          %swap3A_650 = arith.index_cast %sub3A_649 : i32 to index
          %swap3A_651 = arith.constant 32 : index
          %swap3A_652 = tpu.vector_load %arg15[%swap3A_650, %swap3A_651] {strides = array<i32>} : memref<512x64xf32, #tpu.memory_space<vmem>>, vector<16xf32>,
          tpu.vector_store %arg15[%swap3A_650, %swap3A_651], %gather3A_604 {add = true, strides = array<i32>} : memref<512x64xf32, #tpu.memory_space<vmem>>, vector<16xf32>,
          %add3A_653 = arith.addi %gather3A_625, %add3A_14 : vector<16xi32>
          %gather3A_654 = tpu.vector_load_idx %arg16[%add3A_653] : memref<12800xf32, #tpu.memory_space<vmem>>[vector<16xi32>], vector<16xf32>,
          %add3A_655 = arith.constant 8 : i32
          %add3A_656 = arith.addi %mul3A_316, %add3A_655 : i32
          %sub3A_657 = arith.constant 1 : i32
          %sub3A_658 = arith.subi %add3A_656, %sub3A_657 : i32
          %swap3A_659 = arith.index_cast %sub3A_658 : i32 to index
          %swap3A_660 = arith.constant 48 : index
          %swap3A_661 = tpu.vector_load %arg15[%swap3A_659, %swap3A_660] {strides = array<i32>} : memref<512x64xf32, #tpu.memory_space<vmem>>, vector<16xf32>,
          tpu.vector_store %arg15[%swap3A_659, %swap3A_660], %gather3A_613 {add = true, strides = array<i32>} : memref<512x64xf32, #tpu.memory_space<vmem>>, vector<16xf32>,
          %broadcast_in_dim3A_662 = arith.constant 9 : i32
          %broadcast_in_dim3A_663 = vector.broadcast %broadcast_in_dim3A_662 : i32 to vector<16xi32>
          %reshape3A_664 = vector.shape_cast %broadcast_in_dim3A_663 : vector<16xi32> to vector<16x1xi32>
          %gather3A_665 = vector.shape_cast %reshape3A_664 : vector<16x1xi32> to vector<16xi32>
          %gather3A_666 = tpu.dynamic_gather %mul3A_301[%gather3A_665] in [0] : vector<16xi32>, vector<16xi32> -> vector<16xi32>
          %add3A_667 = arith.addi %gather3A_666, %add3A_5 : vector<16xi32>
          %gather3A_668 = tpu.vector_load_idx %arg16[%add3A_667] : memref<12800xf32, #tpu.memory_space<vmem>>[vector<16xi32>], vector<16xf32>,
          %add3A_669 = arith.constant 9 : i32
          %add3A_670 = arith.addi %mul3A_316, %add3A_669 : i32
          %sub3A_671 = arith.constant 1 : i32
          %sub3A_672 = arith.subi %add3A_670, %sub3A_671 : i32
          %swap3A_673 = arith.index_cast %sub3A_672 : i32 to index
          %swap3A_674 = arith.constant 0 : index
          %swap3A_675 = tpu.vector_load %arg15[%swap3A_673, %swap3A_674] {strides = array<i32>} : memref<512x64xf32, #tpu.memory_space<vmem>>, vector<16xf32>,
          tpu.vector_store %arg15[%swap3A_673, %swap3A_674], %gather3A_627 {add = true, strides = array<i32>} : memref<512x64xf32, #tpu.memory_space<vmem>>, vector<16xf32>,
          %add3A_676 = arith.addi %gather3A_666, %add3A_8 : vector<16xi32>
          %gather3A_677 = tpu.vector_load_idx %arg16[%add3A_676] : memref<12800xf32, #tpu.memory_space<vmem>>[vector<16xi32>], vector<16xf32>,
          %add3A_678 = arith.constant 9 : i32
          %add3A_679 = arith.addi %mul3A_316, %add3A_678 : i32
          %sub3A_680 = arith.constant 1 : i32
          %sub3A_681 = arith.subi %add3A_679, %sub3A_680 : i32
          %swap3A_682 = arith.index_cast %sub3A_681 : i32 to index
          %swap3A_683 = arith.constant 16 : index
          %swap3A_684 = tpu.vector_load %arg15[%swap3A_682, %swap3A_683] {strides = array<i32>} : memref<512x64xf32, #tpu.memory_space<vmem>>, vector<16xf32>,
          tpu.vector_store %arg15[%swap3A_682, %swap3A_683], %gather3A_636 {add = true, strides = array<i32>} : memref<512x64xf32, #tpu.memory_space<vmem>>, vector<16xf32>,
          %add3A_685 = arith.addi %gather3A_666, %add3A_11 : vector<16xi32>
          %gather3A_686 = tpu.vector_load_idx %arg16[%add3A_685] : memref<12800xf32, #tpu.memory_space<vmem>>[vector<16xi32>], vector<16xf32>,
          %add3A_687 = arith.constant 9 : i32
          %add3A_688 = arith.addi %mul3A_316, %add3A_687 : i32
          %sub3A_689 = arith.constant 1 : i32
          %sub3A_690 = arith.subi %add3A_688, %sub3A_689 : i32
          %swap3A_691 = arith.index_cast %sub3A_690 : i32 to index
          %swap3A_692 = arith.constant 32 : index
          %swap3A_693 = tpu.vector_load %arg15[%swap3A_691, %swap3A_692] {strides = array<i32>} : memref<512x64xf32, #tpu.memory_space<vmem>>, vector<16xf32>,
          tpu.vector_store %arg15[%swap3A_691, %swap3A_692], %gather3A_645 {add = true, strides = array<i32>} : memref<512x64xf32, #tpu.memory_space<vmem>>, vector<16xf32>,
          %add3A_694 = arith.addi %gather3A_666, %add3A_14 : vector<16xi32>
          %gather3A_695 = tpu.vector_load_idx %arg16[%add3A_694] : memref<12800xf32, #tpu.memory_space<vmem>>[vector<16xi32>], vector<16xf32>,
          %add3A_696 = arith.constant 9 : i32
          %add3A_697 = arith.addi %mul3A_316, %add3A_696 : i32
          %sub3A_698 = arith.constant 1 : i32
          %sub3A_699 = arith.subi %add3A_697, %sub3A_698 : i32
          %swap3A_700 = arith.index_cast %sub3A_699 : i32 to index
          %swap3A_701 = arith.constant 48 : index
          %swap3A_702 = tpu.vector_load %arg15[%swap3A_700, %swap3A_701] {strides = array<i32>} : memref<512x64xf32, #tpu.memory_space<vmem>>, vector<16xf32>,
          tpu.vector_store %arg15[%swap3A_700, %swap3A_701], %gather3A_654 {add = true, strides = array<i32>} : memref<512x64xf32, #tpu.memory_space<vmem>>, vector<16xf32>,
          %broadcast_in_dim3A_703 = arith.constant 10 : i32
          %broadcast_in_dim3A_704 = vector.broadcast %broadcast_in_dim3A_703 : i32 to vector<16xi32>
          %reshape3A_705 = vector.shape_cast %broadcast_in_dim3A_704 : vector<16xi32> to vector<16x1xi32>
          %gather3A_706 = vector.shape_cast %reshape3A_705 : vector<16x1xi32> to vector<16xi32>
          %gather3A_707 = tpu.dynamic_gather %mul3A_301[%gather3A_706] in [0] : vector<16xi32>, vector<16xi32> -> vector<16xi32>
          %add3A_708 = arith.addi %gather3A_707, %add3A_5 : vector<16xi32>
          %gather3A_709 = tpu.vector_load_idx %arg16[%add3A_708] : memref<12800xf32, #tpu.memory_space<vmem>>[vector<16xi32>], vector<16xf32>,
          %add3A_710 = arith.constant 10 : i32
          %add3A_711 = arith.addi %mul3A_316, %add3A_710 : i32
          %sub3A_712 = arith.constant 1 : i32
          %sub3A_713 = arith.subi %add3A_711, %sub3A_712 : i32
          %swap3A_714 = arith.index_cast %sub3A_713 : i32 to index
          %swap3A_715 = arith.constant 0 : index
          %swap3A_716 = tpu.vector_load %arg15[%swap3A_714, %swap3A_715] {strides = array<i32>} : memref<512x64xf32, #tpu.memory_space<vmem>>, vector<16xf32>,
          tpu.vector_store %arg15[%swap3A_714, %swap3A_715], %gather3A_668 {add = true, strides = array<i32>} : memref<512x64xf32, #tpu.memory_space<vmem>>, vector<16xf32>,
          %add3A_717 = arith.addi %gather3A_707, %add3A_8 : vector<16xi32>
          %gather3A_718 = tpu.vector_load_idx %arg16[%add3A_717] : memref<12800xf32, #tpu.memory_space<vmem>>[vector<16xi32>], vector<16xf32>,
          %add3A_719 = arith.constant 10 : i32
          %add3A_720 = arith.addi %mul3A_316, %add3A_719 : i32
          %sub3A_721 = arith.constant 1 : i32
          %sub3A_722 = arith.subi %add3A_720, %sub3A_721 : i32
          %swap3A_723 = arith.index_cast %sub3A_722 : i32 to index
          %swap3A_724 = arith.constant 16 : index
          %swap3A_725 = tpu.vector_load %arg15[%swap3A_723, %swap3A_724] {strides = array<i32>} : memref<512x64xf32, #tpu.memory_space<vmem>>, vector<16xf32>,
          tpu.vector_store %arg15[%swap3A_723, %swap3A_724], %gather3A_677 {add = true, strides = array<i32>} : memref<512x64xf32, #tpu.memory_space<vmem>>, vector<16xf32>,
          %add3A_726 = arith.addi %gather3A_707, %add3A_11 : vector<16xi32>
          %gather3A_727 = tpu.vector_load_idx %arg16[%add3A_726] : memref<12800xf32, #tpu.memory_space<vmem>>[vector<16xi32>], vector<16xf32>,
          %add3A_728 = arith.constant 10 : i32
          %add3A_729 = arith.addi %mul3A_316, %add3A_728 : i32
          %sub3A_730 = arith.constant 1 : i32
          %sub3A_731 = arith.subi %add3A_729, %sub3A_730 : i32
          %swap3A_732 = arith.index_cast %sub3A_731 : i32 to index
          %swap3A_733 = arith.constant 32 : index
          %swap3A_734 = tpu.vector_load %arg15[%swap3A_732, %swap3A_733] {strides = array<i32>} : memref<512x64xf32, #tpu.memory_space<vmem>>, vector<16xf32>,
          tpu.vector_store %arg15[%swap3A_732, %swap3A_733], %gather3A_686 {add = true, strides = array<i32>} : memref<512x64xf32, #tpu.memory_space<vmem>>, vector<16xf32>,
          %add3A_735 = arith.addi %gather3A_707, %add3A_14 : vector<16xi32>
          %gather3A_736 = tpu.vector_load_idx %arg16[%add3A_735] : memref<12800xf32, #tpu.memory_space<vmem>>[vector<16xi32>], vector<16xf32>,
          %add3A_737 = arith.constant 10 : i32
          %add3A_738 = arith.addi %mul3A_316, %add3A_737 : i32
          %sub3A_739 = arith.constant 1 : i32
          %sub3A_740 = arith.subi %add3A_738, %sub3A_739 : i32
          %swap3A_741 = arith.index_cast %sub3A_740 : i32 to index
          %swap3A_742 = arith.constant 48 : index
          %swap3A_743 = tpu.vector_load %arg15[%swap3A_741, %swap3A_742] {strides = array<i32>} : memref<512x64xf32, #tpu.memory_space<vmem>>, vector<16xf32>,
          tpu.vector_store %arg15[%swap3A_741, %swap3A_742], %gather3A_695 {add = true, strides = array<i32>} : memref<512x64xf32, #tpu.memory_space<vmem>>, vector<16xf32>,
          %broadcast_in_dim3A_744 = arith.constant 11 : i32
          %broadcast_in_dim3A_745 = vector.broadcast %broadcast_in_dim3A_744 : i32 to vector<16xi32>
          %reshape3A_746 = vector.shape_cast %broadcast_in_dim3A_745 : vector<16xi32> to vector<16x1xi32>
          %gather3A_747 = vector.shape_cast %reshape3A_746 : vector<16x1xi32> to vector<16xi32>
          %gather3A_748 = tpu.dynamic_gather %mul3A_301[%gather3A_747] in [0] : vector<16xi32>, vector<16xi32> -> vector<16xi32>
          %add3A_749 = arith.addi %gather3A_748, %add3A_5 : vector<16xi32>
          %gather3A_750 = tpu.vector_load_idx %arg16[%add3A_749] : memref<12800xf32, #tpu.memory_space<vmem>>[vector<16xi32>], vector<16xf32>,
          %add3A_751 = arith.constant 11 : i32
          %add3A_752 = arith.addi %mul3A_316, %add3A_751 : i32
          %sub3A_753 = arith.constant 1 : i32
          %sub3A_754 = arith.subi %add3A_752, %sub3A_753 : i32
          %swap3A_755 = arith.index_cast %sub3A_754 : i32 to index
          %swap3A_756 = arith.constant 0 : index
          %swap3A_757 = tpu.vector_load %arg15[%swap3A_755, %swap3A_756] {strides = array<i32>} : memref<512x64xf32, #tpu.memory_space<vmem>>, vector<16xf32>,
          tpu.vector_store %arg15[%swap3A_755, %swap3A_756], %gather3A_709 {add = true, strides = array<i32>} : memref<512x64xf32, #tpu.memory_space<vmem>>, vector<16xf32>,
          %add3A_758 = arith.addi %gather3A_748, %add3A_8 : vector<16xi32>
          %gather3A_759 = tpu.vector_load_idx %arg16[%add3A_758] : memref<12800xf32, #tpu.memory_space<vmem>>[vector<16xi32>], vector<16xf32>,
          %add3A_760 = arith.constant 11 : i32
          %add3A_761 = arith.addi %mul3A_316, %add3A_760 : i32
          %sub3A_762 = arith.constant 1 : i32
          %sub3A_763 = arith.subi %add3A_761, %sub3A_762 : i32
          %swap3A_764 = arith.index_cast %sub3A_763 : i32 to index
          %swap3A_765 = arith.constant 16 : index
          %swap3A_766 = tpu.vector_load %arg15[%swap3A_764, %swap3A_765] {strides = array<i32>} : memref<512x64xf32, #tpu.memory_space<vmem>>, vector<16xf32>,
          tpu.vector_store %arg15[%swap3A_764, %swap3A_765], %gather3A_718 {add = true, strides = array<i32>} : memref<512x64xf32, #tpu.memory_space<vmem>>, vector<16xf32>,
          %add3A_767 = arith.addi %gather3A_748, %add3A_11 : vector<16xi32>
          %gather3A_768 = tpu.vector_load_idx %arg16[%add3A_767] : memref<12800xf32, #tpu.memory_space<vmem>>[vector<16xi32>], vector<16xf32>,
          %add3A_769 = arith.constant 11 : i32
          %add3A_770 = arith.addi %mul3A_316, %add3A_769 : i32
          %sub3A_771 = arith.constant 1 : i32
          %sub3A_772 = arith.subi %add3A_770, %sub3A_771 : i32
          %swap3A_773 = arith.index_cast %sub3A_772 : i32 to index
          %swap3A_774 = arith.constant 32 : index
          %swap3A_775 = tpu.vector_load %arg15[%swap3A_773, %swap3A_774] {strides = array<i32>} : memref<512x64xf32, #tpu.memory_space<vmem>>, vector<16xf32>,
          tpu.vector_store %arg15[%swap3A_773, %swap3A_774], %gather3A_727 {add = true, strides = array<i32>} : memref<512x64xf32, #tpu.memory_space<vmem>>, vector<16xf32>,
          %add3A_776 = arith.addi %gather3A_748, %add3A_14 : vector<16xi32>
          %gather3A_777 = tpu.vector_load_idx %arg16[%add3A_776] : memref<12800xf32, #tpu.memory_space<vmem>>[vector<16xi32>], vector<16xf32>,
          %add3A_778 = arith.constant 11 : i32
          %add3A_779 = arith.addi %mul3A_316, %add3A_778 : i32
          %sub3A_780 = arith.constant 1 : i32
          %sub3A_781 = arith.subi %add3A_779, %sub3A_780 : i32
          %swap3A_782 = arith.index_cast %sub3A_781 : i32 to index
          %swap3A_783 = arith.constant 48 : index
          %swap3A_784 = tpu.vector_load %arg15[%swap3A_782, %swap3A_783] {strides = array<i32>} : memref<512x64xf32, #tpu.memory_space<vmem>>, vector<16xf32>,
          tpu.vector_store %arg15[%swap3A_782, %swap3A_783], %gather3A_736 {add = true, strides = array<i32>} : memref<512x64xf32, #tpu.memory_space<vmem>>, vector<16xf32>,
          %broadcast_in_dim3A_785 = arith.constant 12 : i32
          %broadcast_in_dim3A_786 = vector.broadcast %broadcast_in_dim3A_785 : i32 to vector<16xi32>
          %reshape3A_787 = vector.shape_cast %broadcast_in_dim3A_786 : vector<16xi32> to vector<16x1xi32>
          %gather3A_788 = vector.shape_cast %reshape3A_787 : vector<16x1xi32> to vector<16xi32>
          %gather3A_789 = tpu.dynamic_gather %mul3A_301[%gather3A_788] in [0] : vector<16xi32>, vector<16xi32> -> vector<16xi32>
          %add3A_790 = arith.addi %gather3A_789, %add3A_5 : vector<16xi32>
          %gather3A_791 = tpu.vector_load_idx %arg16[%add3A_790] : memref<12800xf32, #tpu.memory_space<vmem>>[vector<16xi32>], vector<16xf32>,
          %add3A_792 = arith.constant 12 : i32
          %add3A_793 = arith.addi %mul3A_316, %add3A_792 : i32
          %sub3A_794 = arith.constant 1 : i32
          %sub3A_795 = arith.subi %add3A_793, %sub3A_794 : i32
          %swap3A_796 = arith.index_cast %sub3A_795 : i32 to index
          %swap3A_797 = arith.constant 0 : index
          %swap3A_798 = tpu.vector_load %arg15[%swap3A_796, %swap3A_797] {strides = array<i32>} : memref<512x64xf32, #tpu.memory_space<vmem>>, vector<16xf32>,
          tpu.vector_store %arg15[%swap3A_796, %swap3A_797], %gather3A_750 {add = true, strides = array<i32>} : memref<512x64xf32, #tpu.memory_space<vmem>>, vector<16xf32>,
          %add3A_799 = arith.addi %gather3A_789, %add3A_8 : vector<16xi32>
          %gather3A_800 = tpu.vector_load_idx %arg16[%add3A_799] : memref<12800xf32, #tpu.memory_space<vmem>>[vector<16xi32>], vector<16xf32>,
          %add3A_801 = arith.constant 12 : i32
          %add3A_802 = arith.addi %mul3A_316, %add3A_801 : i32
          %sub3A_803 = arith.constant 1 : i32
          %sub3A_804 = arith.subi %add3A_802, %sub3A_803 : i32
          %swap3A_805 = arith.index_cast %sub3A_804 : i32 to index
          %swap3A_806 = arith.constant 16 : index
          %swap3A_807 = tpu.vector_load %arg15[%swap3A_805, %swap3A_806] {strides = array<i32>} : memref<512x64xf32, #tpu.memory_space<vmem>>, vector<16xf32>,
          tpu.vector_store %arg15[%swap3A_805, %swap3A_806], %gather3A_759 {add = true, strides = array<i32>} : memref<512x64xf32, #tpu.memory_space<vmem>>, vector<16xf32>,
          %add3A_808 = arith.addi %gather3A_789, %add3A_11 : vector<16xi32>
          %gather3A_809 = tpu.vector_load_idx %arg16[%add3A_808] : memref<12800xf32, #tpu.memory_space<vmem>>[vector<16xi32>], vector<16xf32>,
          %add3A_810 = arith.constant 12 : i32
          %add3A_811 = arith.addi %mul3A_316, %add3A_810 : i32
          %sub3A_812 = arith.constant 1 : i32
          %sub3A_813 = arith.subi %add3A_811, %sub3A_812 : i32
          %swap3A_814 = arith.index_cast %sub3A_813 : i32 to index
          %swap3A_815 = arith.constant 32 : index
          %swap3A_816 = tpu.vector_load %arg15[%swap3A_814, %swap3A_815] {strides = array<i32>} : memref<512x64xf32, #tpu.memory_space<vmem>>, vector<16xf32>,
          tpu.vector_store %arg15[%swap3A_814, %swap3A_815], %gather3A_768 {add = true, strides = array<i32>} : memref<512x64xf32, #tpu.memory_space<vmem>>, vector<16xf32>,
          %add3A_817 = arith.addi %gather3A_789, %add3A_14 : vector<16xi32>
          %gather3A_818 = tpu.vector_load_idx %arg16[%add3A_817] : memref<12800xf32, #tpu.memory_space<vmem>>[vector<16xi32>], vector<16xf32>,
          %add3A_819 = arith.constant 12 : i32
          %add3A_820 = arith.addi %mul3A_316, %add3A_819 : i32
          %sub3A_821 = arith.constant 1 : i32
          %sub3A_822 = arith.subi %add3A_820, %sub3A_821 : i32
          %swap3A_823 = arith.index_cast %sub3A_822 : i32 to index
          %swap3A_824 = arith.constant 48 : index
          %swap3A_825 = tpu.vector_load %arg15[%swap3A_823, %swap3A_824] {strides = array<i32>} : memref<512x64xf32, #tpu.memory_space<vmem>>, vector<16xf32>,
          tpu.vector_store %arg15[%swap3A_823, %swap3A_824], %gather3A_777 {add = true, strides = array<i32>} : memref<512x64xf32, #tpu.memory_space<vmem>>, vector<16xf32>,
          %broadcast_in_dim3A_826 = arith.constant 13 : i32
          %broadcast_in_dim3A_827 = vector.broadcast %broadcast_in_dim3A_826 : i32 to vector<16xi32>
          %reshape3A_828 = vector.shape_cast %broadcast_in_dim3A_827 : vector<16xi32> to vector<16x1xi32>
          %gather3A_829 = vector.shape_cast %reshape3A_828 : vector<16x1xi32> to vector<16xi32>
          %gather3A_830 = tpu.dynamic_gather %mul3A_301[%gather3A_829] in [0] : vector<16xi32>, vector<16xi32> -> vector<16xi32>
          %add3A_831 = arith.addi %gather3A_830, %add3A_5 : vector<16xi32>
          %gather3A_832 = tpu.vector_load_idx %arg16[%add3A_831] : memref<12800xf32, #tpu.memory_space<vmem>>[vector<16xi32>], vector<16xf32>,
          %add3A_833 = arith.constant 13 : i32
          %add3A_834 = arith.addi %mul3A_316, %add3A_833 : i32
          %sub3A_835 = arith.constant 1 : i32
          %sub3A_836 = arith.subi %add3A_834, %sub3A_835 : i32
          %swap3A_837 = arith.index_cast %sub3A_836 : i32 to index
          %swap3A_838 = arith.constant 0 : index
          %swap3A_839 = tpu.vector_load %arg15[%swap3A_837, %swap3A_838] {strides = array<i32>} : memref<512x64xf32, #tpu.memory_space<vmem>>, vector<16xf32>,
          tpu.vector_store %arg15[%swap3A_837, %swap3A_838], %gather3A_791 {add = true, strides = array<i32>} : memref<512x64xf32, #tpu.memory_space<vmem>>, vector<16xf32>,
          %add3A_840 = arith.addi %gather3A_830, %add3A_8 : vector<16xi32>
          %gather3A_841 = tpu.vector_load_idx %arg16[%add3A_840] : memref<12800xf32, #tpu.memory_space<vmem>>[vector<16xi32>], vector<16xf32>,
          %add3A_842 = arith.constant 13 : i32
          %add3A_843 = arith.addi %mul3A_316, %add3A_842 : i32
          %sub3A_844 = arith.constant 1 : i32
          %sub3A_845 = arith.subi %add3A_843, %sub3A_844 : i32
          %swap3A_846 = arith.index_cast %sub3A_845 : i32 to index
          %swap3A_847 = arith.constant 16 : index
          %swap3A_848 = tpu.vector_load %arg15[%swap3A_846, %swap3A_847] {strides = array<i32>} : memref<512x64xf32, #tpu.memory_space<vmem>>, vector<16xf32>,
          tpu.vector_store %arg15[%swap3A_846, %swap3A_847], %gather3A_800 {add = true, strides = array<i32>} : memref<512x64xf32, #tpu.memory_space<vmem>>, vector<16xf32>,
          %add3A_849 = arith.addi %gather3A_830, %add3A_11 : vector<16xi32>
          %gather3A_850 = tpu.vector_load_idx %arg16[%add3A_849] : memref<12800xf32, #tpu.memory_space<vmem>>[vector<16xi32>], vector<16xf32>,
          %add3A_851 = arith.constant 13 : i32
          %add3A_852 = arith.addi %mul3A_316, %add3A_851 : i32
          %sub3A_853 = arith.constant 1 : i32
          %sub3A_854 = arith.subi %add3A_852, %sub3A_853 : i32
          %swap3A_855 = arith.index_cast %sub3A_854 : i32 to index
          %swap3A_856 = arith.constant 32 : index
          %swap3A_857 = tpu.vector_load %arg15[%swap3A_855, %swap3A_856] {strides = array<i32>} : memref<512x64xf32, #tpu.memory_space<vmem>>, vector<16xf32>,
          tpu.vector_store %arg15[%swap3A_855, %swap3A_856], %gather3A_809 {add = true, strides = array<i32>} : memref<512x64xf32, #tpu.memory_space<vmem>>, vector<16xf32>,
          %add3A_858 = arith.addi %gather3A_830, %add3A_14 : vector<16xi32>
          %gather3A_859 = tpu.vector_load_idx %arg16[%add3A_858] : memref<12800xf32, #tpu.memory_space<vmem>>[vector<16xi32>], vector<16xf32>,
          %add3A_860 = arith.constant 13 : i32
          %add3A_861 = arith.addi %mul3A_316, %add3A_860 : i32
          %sub3A_862 = arith.constant 1 : i32
          %sub3A_863 = arith.subi %add3A_861, %sub3A_862 : i32
          %swap3A_864 = arith.index_cast %sub3A_863 : i32 to index
          %swap3A_865 = arith.constant 48 : index
          %swap3A_866 = tpu.vector_load %arg15[%swap3A_864, %swap3A_865] {strides = array<i32>} : memref<512x64xf32, #tpu.memory_space<vmem>>, vector<16xf32>,
          tpu.vector_store %arg15[%swap3A_864, %swap3A_865], %gather3A_818 {add = true, strides = array<i32>} : memref<512x64xf32, #tpu.memory_space<vmem>>, vector<16xf32>,
          %broadcast_in_dim3A_867 = arith.constant 14 : i32
          %broadcast_in_dim3A_868 = vector.broadcast %broadcast_in_dim3A_867 : i32 to vector<16xi32>
          %reshape3A_869 = vector.shape_cast %broadcast_in_dim3A_868 : vector<16xi32> to vector<16x1xi32>
          %gather3A_870 = vector.shape_cast %reshape3A_869 : vector<16x1xi32> to vector<16xi32>
          %gather3A_871 = tpu.dynamic_gather %mul3A_301[%gather3A_870] in [0] : vector<16xi32>, vector<16xi32> -> vector<16xi32>
          %add3A_872 = arith.addi %gather3A_871, %add3A_5 : vector<16xi32>
          %gather3A_873 = tpu.vector_load_idx %arg16[%add3A_872] : memref<12800xf32, #tpu.memory_space<vmem>>[vector<16xi32>], vector<16xf32>,
          %add3A_874 = arith.constant 14 : i32
          %add3A_875 = arith.addi %mul3A_316, %add3A_874 : i32
          %sub3A_876 = arith.constant 1 : i32
          %sub3A_877 = arith.subi %add3A_875, %sub3A_876 : i32
          %swap3A_878 = arith.index_cast %sub3A_877 : i32 to index
          %swap3A_879 = arith.constant 0 : index
          %swap3A_880 = tpu.vector_load %arg15[%swap3A_878, %swap3A_879] {strides = array<i32>} : memref<512x64xf32, #tpu.memory_space<vmem>>, vector<16xf32>,
          tpu.vector_store %arg15[%swap3A_878, %swap3A_879], %gather3A_832 {add = true, strides = array<i32>} : memref<512x64xf32, #tpu.memory_space<vmem>>, vector<16xf32>,
          %add3A_881 = arith.addi %gather3A_871, %add3A_8 : vector<16xi32>
          %gather3A_882 = tpu.vector_load_idx %arg16[%add3A_881] : memref<12800xf32, #tpu.memory_space<vmem>>[vector<16xi32>], vector<16xf32>,
          %add3A_883 = arith.constant 14 : i32
          %add3A_884 = arith.addi %mul3A_316, %add3A_883 : i32
          %sub3A_885 = arith.constant 1 : i32
          %sub3A_886 = arith.subi %add3A_884, %sub3A_885 : i32
          %swap3A_887 = arith.index_cast %sub3A_886 : i32 to index
          %swap3A_888 = arith.constant 16 : index
          %swap3A_889 = tpu.vector_load %arg15[%swap3A_887, %swap3A_888] {strides = array<i32>} : memref<512x64xf32, #tpu.memory_space<vmem>>, vector<16xf32>,
          tpu.vector_store %arg15[%swap3A_887, %swap3A_888], %gather3A_841 {add = true, strides = array<i32>} : memref<512x64xf32, #tpu.memory_space<vmem>>, vector<16xf32>,
          %add3A_890 = arith.addi %gather3A_871, %add3A_11 : vector<16xi32>
          %gather3A_891 = tpu.vector_load_idx %arg16[%add3A_890] : memref<12800xf32, #tpu.memory_space<vmem>>[vector<16xi32>], vector<16xf32>,
          %add3A_892 = arith.constant 14 : i32
          %add3A_893 = arith.addi %mul3A_316, %add3A_892 : i32
          %sub3A_894 = arith.constant 1 : i32
          %sub3A_895 = arith.subi %add3A_893, %sub3A_894 : i32
          %swap3A_896 = arith.index_cast %sub3A_895 : i32 to index
          %swap3A_897 = arith.constant 32 : index
          %swap3A_898 = tpu.vector_load %arg15[%swap3A_896, %swap3A_897] {strides = array<i32>} : memref<512x64xf32, #tpu.memory_space<vmem>>, vector<16xf32>,
          tpu.vector_store %arg15[%swap3A_896, %swap3A_897], %gather3A_850 {add = true, strides = array<i32>} : memref<512x64xf32, #tpu.memory_space<vmem>>, vector<16xf32>,
          %add3A_899 = arith.addi %gather3A_871, %add3A_14 : vector<16xi32>
          %gather3A_900 = tpu.vector_load_idx %arg16[%add3A_899] : memref<12800xf32, #tpu.memory_space<vmem>>[vector<16xi32>], vector<16xf32>,
          %add3A_901 = arith.constant 14 : i32
          %add3A_902 = arith.addi %mul3A_316, %add3A_901 : i32
          %sub3A_903 = arith.constant 1 : i32
          %sub3A_904 = arith.subi %add3A_902, %sub3A_903 : i32
          %swap3A_905 = arith.index_cast %sub3A_904 : i32 to index
          %swap3A_906 = arith.constant 48 : index
          %swap3A_907 = tpu.vector_load %arg15[%swap3A_905, %swap3A_906] {strides = array<i32>} : memref<512x64xf32, #tpu.memory_space<vmem>>, vector<16xf32>,
          tpu.vector_store %arg15[%swap3A_905, %swap3A_906], %gather3A_859 {add = true, strides = array<i32>} : memref<512x64xf32, #tpu.memory_space<vmem>>, vector<16xf32>,
          %broadcast_in_dim3A_908 = arith.constant 15 : i32
          %broadcast_in_dim3A_909 = vector.broadcast %broadcast_in_dim3A_908 : i32 to vector<16xi32>
          %reshape3A_910 = vector.shape_cast %broadcast_in_dim3A_909 : vector<16xi32> to vector<16x1xi32>
          %gather3A_911 = vector.shape_cast %reshape3A_910 : vector<16x1xi32> to vector<16xi32>
          %gather3A_912 = tpu.dynamic_gather %mul3A_301[%gather3A_911] in [0] : vector<16xi32>, vector<16xi32> -> vector<16xi32>
          %add3A_913 = arith.addi %gather3A_912, %add3A_5 : vector<16xi32>
          %gather3A_914 = tpu.vector_load_idx %arg16[%add3A_913] : memref<12800xf32, #tpu.memory_space<vmem>>[vector<16xi32>], vector<16xf32>,
          %add3A_915 = arith.constant 15 : i32
          %add3A_916 = arith.addi %mul3A_316, %add3A_915 : i32
          %sub3A_917 = arith.constant 1 : i32
          %sub3A_918 = arith.subi %add3A_916, %sub3A_917 : i32
          %swap3A_919 = arith.index_cast %sub3A_918 : i32 to index
          %swap3A_920 = arith.constant 0 : index
          %swap3A_921 = tpu.vector_load %arg15[%swap3A_919, %swap3A_920] {strides = array<i32>} : memref<512x64xf32, #tpu.memory_space<vmem>>, vector<16xf32>,
          tpu.vector_store %arg15[%swap3A_919, %swap3A_920], %gather3A_873 {add = true, strides = array<i32>} : memref<512x64xf32, #tpu.memory_space<vmem>>, vector<16xf32>,
          %add3A_922 = arith.addi %gather3A_912, %add3A_8 : vector<16xi32>
          %gather3A_923 = tpu.vector_load_idx %arg16[%add3A_922] : memref<12800xf32, #tpu.memory_space<vmem>>[vector<16xi32>], vector<16xf32>,
          %add3A_924 = arith.constant 15 : i32
          %add3A_925 = arith.addi %mul3A_316, %add3A_924 : i32
          %sub3A_926 = arith.constant 1 : i32
          %sub3A_927 = arith.subi %add3A_925, %sub3A_926 : i32
          %swap3A_928 = arith.index_cast %sub3A_927 : i32 to index
          %swap3A_929 = arith.constant 16 : index
          %swap3A_930 = tpu.vector_load %arg15[%swap3A_928, %swap3A_929] {strides = array<i32>} : memref<512x64xf32, #tpu.memory_space<vmem>>, vector<16xf32>,
          tpu.vector_store %arg15[%swap3A_928, %swap3A_929], %gather3A_882 {add = true, strides = array<i32>} : memref<512x64xf32, #tpu.memory_space<vmem>>, vector<16xf32>,
          %add3A_931 = arith.addi %gather3A_912, %add3A_11 : vector<16xi32>
          %gather3A_932 = tpu.vector_load_idx %arg16[%add3A_931] : memref<12800xf32, #tpu.memory_space<vmem>>[vector<16xi32>], vector<16xf32>,
          %add3A_933 = arith.constant 15 : i32
          %add3A_934 = arith.addi %mul3A_316, %add3A_933 : i32
          %sub3A_935 = arith.constant 1 : i32
          %sub3A_936 = arith.subi %add3A_934, %sub3A_935 : i32
          %swap3A_937 = arith.index_cast %sub3A_936 : i32 to index
          %swap3A_938 = arith.constant 32 : index
          %swap3A_939 = tpu.vector_load %arg15[%swap3A_937, %swap3A_938] {strides = array<i32>} : memref<512x64xf32, #tpu.memory_space<vmem>>, vector<16xf32>,
          tpu.vector_store %arg15[%swap3A_937, %swap3A_938], %gather3A_891 {add = true, strides = array<i32>} : memref<512x64xf32, #tpu.memory_space<vmem>>, vector<16xf32>,
          %add3A_940 = arith.addi %gather3A_912, %add3A_14 : vector<16xi32>
          %gather3A_941 = tpu.vector_load_idx %arg16[%add3A_940] : memref<12800xf32, #tpu.memory_space<vmem>>[vector<16xi32>], vector<16xf32>,
          %add3A_942 = arith.constant 15 : i32
          %add3A_943 = arith.addi %mul3A_316, %add3A_942 : i32
          %sub3A_944 = arith.constant 1 : i32
          %sub3A_945 = arith.subi %add3A_943, %sub3A_944 : i32
          %swap3A_946 = arith.index_cast %sub3A_945 : i32 to index
          %swap3A_947 = arith.constant 48 : index
          %swap3A_948 = tpu.vector_load %arg15[%swap3A_946, %swap3A_947] {strides = array<i32>} : memref<512x64xf32, #tpu.memory_space<vmem>>, vector<16xf32>,
          tpu.vector_store %arg15[%swap3A_946, %swap3A_947], %gather3A_900 {add = true, strides = array<i32>} : memref<512x64xf32, #tpu.memory_space<vmem>>, vector<16xf32>,
          %add3A_949 = arith.constant 15 : i32
          %add3A_950 = arith.addi %mul3A_316, %add3A_949 : i32
          %swap3A_951 = arith.index_cast %add3A_950 : i32 to index
          %swap3A_952 = arith.constant 0 : index
          %swap3A_953 = tpu.vector_load %arg15[%swap3A_951, %swap3A_952] {strides = array<i32>} : memref<512x64xf32, #tpu.memory_space<vmem>>, vector<16xf32>,
          tpu.vector_store %arg15[%swap3A_951, %swap3A_952], %gather3A_914 {add = true, strides = array<i32>} : memref<512x64xf32, #tpu.memory_space<vmem>>, vector<16xf32>,
          %add3A_954 = arith.constant 15 : i32
          %add3A_955 = arith.addi %mul3A_316, %add3A_954 : i32
          %swap3A_956 = arith.index_cast %add3A_955 : i32 to index
          %swap3A_957 = arith.constant 16 : index
          %swap3A_958 = tpu.vector_load %arg15[%swap3A_956, %swap3A_957] {strides = array<i32>} : memref<512x64xf32, #tpu.memory_space<vmem>>, vector<16xf32>,
          tpu.vector_store %arg15[%swap3A_956, %swap3A_957], %gather3A_923 {add = true, strides = array<i32>} : memref<512x64xf32, #tpu.memory_space<vmem>>, vector<16xf32>,
          %add3A_959 = arith.constant 15 : i32
          %add3A_960 = arith.addi %mul3A_316, %add3A_959 : i32
          %swap3A_961 = arith.index_cast %add3A_960 : i32 to index
          %swap3A_962 = arith.constant 32 : index
          %swap3A_963 = tpu.vector_load %arg15[%swap3A_961, %swap3A_962] {strides = array<i32>} : memref<512x64xf32, #tpu.memory_space<vmem>>, vector<16xf32>,
          tpu.vector_store %arg15[%swap3A_961, %swap3A_962], %gather3A_932 {add = true, strides = array<i32>} : memref<512x64xf32, #tpu.memory_space<vmem>>, vector<16xf32>,
          %add3A_964 = arith.constant 15 : i32
          %add3A_965 = arith.addi %mul3A_316, %add3A_964 : i32
          %swap3A_966 = arith.index_cast %add3A_965 : i32 to index
          %swap3A_967 = arith.constant 48 : index
          %swap3A_968 = tpu.vector_load %arg15[%swap3A_966, %swap3A_967] {strides = array<i32>} : memref<512x64xf32, #tpu.memory_space<vmem>>, vector<16xf32>,
          tpu.vector_store %arg15[%swap3A_966, %swap3A_967], %gather3A_941 {add = true, strides = array<i32>} : memref<512x64xf32, #tpu.memory_space<vmem>>, vector<16xf32>,
        } else {
        }
        %not3A = arith.constant true
        %not3A_320 = arith.xori %eq3A_314, %not3A : i1
        %convert_element_type3A_321 = arith.extui %not3A_320 : i1 to i32
        %cond3A_322 = arith.constant 0 : i32
        %cond3A_323 = arith.cmpi ne, %convert_element_type3A_321, %cond3A_322 : i32
        scf.if %cond3A_323 {
          %broadcast_in_dim3A_324 = arith.constant 0 : i32
          %broadcast_in_dim3A_325 = vector.broadcast %broadcast_in_dim3A_324 : i32 to vector<16xi32>
          %reshape3A = vector.shape_cast %broadcast_in_dim3A_325 : vector<16xi32> to vector<16x1xi32>
          %gather3A = vector.shape_cast %reshape3A : vector<16x1xi32> to vector<16xi32>
          %gather3A_326 = tpu.dynamic_gather %mul3A_301[%gather3A] in [0] : vector<16xi32>, vector<16xi32> -> vector<16xi32>
          %broadcast_in_dim3A_327 = arith.constant 0 : i32
          %broadcast_in_dim3A_328 = vector.broadcast %broadcast_in_dim3A_327 : i32 to vector<16xi32>
          %reshape3A_329 = vector.shape_cast %broadcast_in_dim3A_328 : vector<16xi32> to vector<16x1xi32>
          %gather3A_330 = vector.shape_cast %reshape3A_329 : vector<16x1xi32> to vector<16xi32>
          %gather3A_331 = tpu.dynamic_gather %mul3A_298[%gather3A_330] in [0] : vector<16xf32>, vector<16xi32> -> vector<16xf32>
          %broadcast_in_dim3A_332 = arith.constant 0 : i32
          %broadcast_in_dim3A_333 = vector.broadcast %broadcast_in_dim3A_332 : i32 to vector<16xi32>
          %reshape3A_334 = vector.shape_cast %broadcast_in_dim3A_333 : vector<16xi32> to vector<16x1xi32>
          %gather3A_335 = vector.shape_cast %reshape3A_334 : vector<16x1xi32> to vector<16xi32>
          %gather3A_336 = tpu.dynamic_gather %get3A_291[%gather3A_335] in [0] : vector<16xf32>, vector<16xi32> -> vector<16xf32>
          %add3A_337 = arith.constant 0 : i32
          %add3A_338 = arith.addi %mul3A_316, %add3A_337 : i32
          %get3A_339 = arith.index_cast %add3A_338 : i32 to index
          %get3A_340 = arith.constant 0 : index
          %get3A_341 = tpu.vector_load %arg15[%get3A_339, %get3A_340] {strides = array<i32>} : memref<512x64xf32, #tpu.memory_space<vmem>>, vector<16xf32>,
          %add3A_342 = arith.addi %gather3A_326, %add3A_5 : vector<16xi32>
          %gather3A_343 = tpu.vector_load_idx %arg16[%add3A_342] : memref<12800xf32, #tpu.memory_space<vmem>>[vector<16xi32>], vector<16xf32>,
          %mul3A_344 = arith.mulf %get3A_341, %gather3A_331 : vector<16xf32>
          %mul3A_345 = arith.mulf %gather3A_343, %gather3A_336 : vector<16xf32>
          %add3A_346 = arith.addf %mul3A_344, %mul3A_345 : vector<16xf32>
          %swap3A = arith.index_cast %add3A_338 : i32 to index
          %swap3A_347 = arith.constant 0 : index
          %swap3A_348 = tpu.vector_load %arg15[%swap3A, %swap3A_347] {strides = array<i32>} : memref<512x64xf32, #tpu.memory_space<vmem>>, vector<16xf32>,
          tpu.vector_store %arg15[%swap3A, %swap3A_347], %add3A_346 {strides = array<i32>} : memref<512x64xf32, #tpu.memory_space<vmem>>, vector<16xf32>,
          %get3A_349 = arith.index_cast %add3A_338 : i32 to index
          %get3A_350 = arith.constant 16 : index
          %get3A_351 = tpu.vector_load %arg15[%get3A_349, %get3A_350] {strides = array<i32>} : memref<512x64xf32, #tpu.memory_space<vmem>>, vector<16xf32>,
          %add3A_352 = arith.addi %gather3A_326, %add3A_8 : vector<16xi32>
          %gather3A_353 = tpu.vector_load_idx %arg16[%add3A_352] : memref<12800xf32, #tpu.memory_space<vmem>>[vector<16xi32>], vector<16xf32>,
          %mul3A_354 = arith.mulf %get3A_351, %gather3A_331 : vector<16xf32>
          %mul3A_355 = arith.mulf %gather3A_353, %gather3A_336 : vector<16xf32>
          %add3A_356 = arith.addf %mul3A_354, %mul3A_355 : vector<16xf32>
          %swap3A_357 = arith.index_cast %add3A_338 : i32 to index
          %swap3A_358 = arith.constant 16 : index
          %swap3A_359 = tpu.vector_load %arg15[%swap3A_357, %swap3A_358] {strides = array<i32>} : memref<512x64xf32, #tpu.memory_space<vmem>>, vector<16xf32>,
          tpu.vector_store %arg15[%swap3A_357, %swap3A_358], %add3A_356 {strides = array<i32>} : memref<512x64xf32, #tpu.memory_space<vmem>>, vector<16xf32>,
          %get3A_360 = arith.index_cast %add3A_338 : i32 to index
          %get3A_361 = arith.constant 32 : index
          %get3A_362 = tpu.vector_load %arg15[%get3A_360, %get3A_361] {strides = array<i32>} : memref<512x64xf32, #tpu.memory_space<vmem>>, vector<16xf32>,
          %add3A_363 = arith.addi %gather3A_326, %add3A_11 : vector<16xi32>
          %gather3A_364 = tpu.vector_load_idx %arg16[%add3A_363] : memref<12800xf32, #tpu.memory_space<vmem>>[vector<16xi32>], vector<16xf32>,
          %mul3A_365 = arith.mulf %get3A_362, %gather3A_331 : vector<16xf32>
          %mul3A_366 = arith.mulf %gather3A_364, %gather3A_336 : vector<16xf32>
          %add3A_367 = arith.addf %mul3A_365, %mul3A_366 : vector<16xf32>
          %swap3A_368 = arith.index_cast %add3A_338 : i32 to index
          %swap3A_369 = arith.constant 32 : index
          %swap3A_370 = tpu.vector_load %arg15[%swap3A_368, %swap3A_369] {strides = array<i32>} : memref<512x64xf32, #tpu.memory_space<vmem>>, vector<16xf32>,
          tpu.vector_store %arg15[%swap3A_368, %swap3A_369], %add3A_367 {strides = array<i32>} : memref<512x64xf32, #tpu.memory_space<vmem>>, vector<16xf32>,
          %get3A_371 = arith.index_cast %add3A_338 : i32 to index
          %get3A_372 = arith.constant 48 : index
          %get3A_373 = tpu.vector_load %arg15[%get3A_371, %get3A_372] {strides = array<i32>} : memref<512x64xf32, #tpu.memory_space<vmem>>, vector<16xf32>,
          %add3A_374 = arith.addi %gather3A_326, %add3A_14 : vector<16xi32>
          %gather3A_375 = tpu.vector_load_idx %arg16[%add3A_374] : memref<12800xf32, #tpu.memory_space<vmem>>[vector<16xi32>], vector<16xf32>,
          %mul3A_376 = arith.mulf %get3A_373, %gather3A_331 : vector<16xf32>
          %mul3A_377 = arith.mulf %gather3A_375, %gather3A_336 : vector<16xf32>
          %add3A_378 = arith.addf %mul3A_376, %mul3A_377 : vector<16xf32>
          %swap3A_379 = arith.index_cast %add3A_338 : i32 to index
          %swap3A_380 = arith.constant 48 : index
          %swap3A_381 = tpu.vector_load %arg15[%swap3A_379, %swap3A_380] {strides = array<i32>} : memref<512x64xf32, #tpu.memory_space<vmem>>, vector<16xf32>,
          tpu.vector_store %arg15[%swap3A_379, %swap3A_380], %add3A_378 {strides = array<i32>} : memref<512x64xf32, #tpu.memory_space<vmem>>, vector<16xf32>,
          %broadcast_in_dim3A_382 = arith.constant 1 : i32
          %broadcast_in_dim3A_383 = vector.broadcast %broadcast_in_dim3A_382 : i32 to vector<16xi32>
          %reshape3A_384 = vector.shape_cast %broadcast_in_dim3A_383 : vector<16xi32> to vector<16x1xi32>
          %gather3A_385 = vector.shape_cast %reshape3A_384 : vector<16x1xi32> to vector<16xi32>
          %gather3A_386 = tpu.dynamic_gather %mul3A_301[%gather3A_385] in [0] : vector<16xi32>, vector<16xi32> -> vector<16xi32>
          %broadcast_in_dim3A_387 = arith.constant 1 : i32
          %broadcast_in_dim3A_388 = vector.broadcast %broadcast_in_dim3A_387 : i32 to vector<16xi32>
          %reshape3A_389 = vector.shape_cast %broadcast_in_dim3A_388 : vector<16xi32> to vector<16x1xi32>
          %gather3A_390 = vector.shape_cast %reshape3A_389 : vector<16x1xi32> to vector<16xi32>
          %gather3A_391 = tpu.dynamic_gather %mul3A_298[%gather3A_390] in [0] : vector<16xf32>, vector<16xi32> -> vector<16xf32>
          %broadcast_in_dim3A_392 = arith.constant 1 : i32
          %broadcast_in_dim3A_393 = vector.broadcast %broadcast_in_dim3A_392 : i32 to vector<16xi32>
          %reshape3A_394 = vector.shape_cast %broadcast_in_dim3A_393 : vector<16xi32> to vector<16x1xi32>
          %gather3A_395 = vector.shape_cast %reshape3A_394 : vector<16x1xi32> to vector<16xi32>
          %gather3A_396 = tpu.dynamic_gather %get3A_291[%gather3A_395] in [0] : vector<16xf32>, vector<16xi32> -> vector<16xf32>
          %add3A_397 = arith.constant 1 : i32
          %add3A_398 = arith.addi %mul3A_316, %add3A_397 : i32
          %get3A_399 = arith.index_cast %add3A_398 : i32 to index
          %get3A_400 = arith.constant 0 : index
          %get3A_401 = tpu.vector_load %arg15[%get3A_399, %get3A_400] {strides = array<i32>} : memref<512x64xf32, #tpu.memory_space<vmem>>, vector<16xf32>,
          %add3A_402 = arith.addi %gather3A_386, %add3A_5 : vector<16xi32>
          %gather3A_403 = tpu.vector_load_idx %arg16[%add3A_402] : memref<12800xf32, #tpu.memory_space<vmem>>[vector<16xi32>], vector<16xf32>,
          %mul3A_404 = arith.mulf %get3A_401, %gather3A_391 : vector<16xf32>
          %mul3A_405 = arith.mulf %gather3A_403, %gather3A_396 : vector<16xf32>
          %add3A_406 = arith.addf %mul3A_404, %mul3A_405 : vector<16xf32>
          %swap3A_407 = arith.index_cast %add3A_398 : i32 to index
          %swap3A_408 = arith.constant 0 : index
          %swap3A_409 = tpu.vector_load %arg15[%swap3A_407, %swap3A_408] {strides = array<i32>} : memref<512x64xf32, #tpu.memory_space<vmem>>, vector<16xf32>,
          tpu.vector_store %arg15[%swap3A_407, %swap3A_408], %add3A_406 {strides = array<i32>} : memref<512x64xf32, #tpu.memory_space<vmem>>, vector<16xf32>,
          %get3A_410 = arith.index_cast %add3A_398 : i32 to index
          %get3A_411 = arith.constant 16 : index
          %get3A_412 = tpu.vector_load %arg15[%get3A_410, %get3A_411] {strides = array<i32>} : memref<512x64xf32, #tpu.memory_space<vmem>>, vector<16xf32>,
          %add3A_413 = arith.addi %gather3A_386, %add3A_8 : vector<16xi32>
          %gather3A_414 = tpu.vector_load_idx %arg16[%add3A_413] : memref<12800xf32, #tpu.memory_space<vmem>>[vector<16xi32>], vector<16xf32>,
          %mul3A_415 = arith.mulf %get3A_412, %gather3A_391 : vector<16xf32>
          %mul3A_416 = arith.mulf %gather3A_414, %gather3A_396 : vector<16xf32>
          %add3A_417 = arith.addf %mul3A_415, %mul3A_416 : vector<16xf32>
          %swap3A_418 = arith.index_cast %add3A_398 : i32 to index
          %swap3A_419 = arith.constant 16 : index
          %swap3A_420 = tpu.vector_load %arg15[%swap3A_418, %swap3A_419] {strides = array<i32>} : memref<512x64xf32, #tpu.memory_space<vmem>>, vector<16xf32>,
          tpu.vector_store %arg15[%swap3A_418, %swap3A_419], %add3A_417 {strides = array<i32>} : memref<512x64xf32, #tpu.memory_space<vmem>>, vector<16xf32>,
          %get3A_421 = arith.index_cast %add3A_398 : i32 to index
          %get3A_422 = arith.constant 32 : index
          %get3A_423 = tpu.vector_load %arg15[%get3A_421, %get3A_422] {strides = array<i32>} : memref<512x64xf32, #tpu.memory_space<vmem>>, vector<16xf32>,
          %add3A_424 = arith.addi %gather3A_386, %add3A_11 : vector<16xi32>
          %gather3A_425 = tpu.vector_load_idx %arg16[%add3A_424] : memref<12800xf32, #tpu.memory_space<vmem>>[vector<16xi32>], vector<16xf32>,
          %mul3A_426 = arith.mulf %get3A_423, %gather3A_391 : vector<16xf32>
          %mul3A_427 = arith.mulf %gather3A_425, %gather3A_396 : vector<16xf32>
          %add3A_428 = arith.addf %mul3A_426, %mul3A_427 : vector<16xf32>
          %swap3A_429 = arith.index_cast %add3A_398 : i32 to index
          %swap3A_430 = arith.constant 32 : index
          %swap3A_431 = tpu.vector_load %arg15[%swap3A_429, %swap3A_430] {strides = array<i32>} : memref<512x64xf32, #tpu.memory_space<vmem>>, vector<16xf32>,
          tpu.vector_store %arg15[%swap3A_429, %swap3A_430], %add3A_428 {strides = array<i32>} : memref<512x64xf32, #tpu.memory_space<vmem>>, vector<16xf32>,
          %get3A_432 = arith.index_cast %add3A_398 : i32 to index
          %get3A_433 = arith.constant 48 : index
          %get3A_434 = tpu.vector_load %arg15[%get3A_432, %get3A_433] {strides = array<i32>} : memref<512x64xf32, #tpu.memory_space<vmem>>, vector<16xf32>,
          %add3A_435 = arith.addi %gather3A_386, %add3A_14 : vector<16xi32>
          %gather3A_436 = tpu.vector_load_idx %arg16[%add3A_435] : memref<12800xf32, #tpu.memory_space<vmem>>[vector<16xi32>], vector<16xf32>,
          %mul3A_437 = arith.mulf %get3A_434, %gather3A_391 : vector<16xf32>
          %mul3A_438 = arith.mulf %gather3A_436, %gather3A_396 : vector<16xf32>
          %add3A_439 = arith.addf %mul3A_437, %mul3A_438 : vector<16xf32>
          %swap3A_440 = arith.index_cast %add3A_398 : i32 to index
          %swap3A_441 = arith.constant 48 : index
          %swap3A_442 = tpu.vector_load %arg15[%swap3A_440, %swap3A_441] {strides = array<i32>} : memref<512x64xf32, #tpu.memory_space<vmem>>, vector<16xf32>,
          tpu.vector_store %arg15[%swap3A_440, %swap3A_441], %add3A_439 {strides = array<i32>} : memref<512x64xf32, #tpu.memory_space<vmem>>, vector<16xf32>,
          %broadcast_in_dim3A_443 = arith.constant 2 : i32
          %broadcast_in_dim3A_444 = vector.broadcast %broadcast_in_dim3A_443 : i32 to vector<16xi32>
          %reshape3A_445 = vector.shape_cast %broadcast_in_dim3A_444 : vector<16xi32> to vector<16x1xi32>
          %gather3A_446 = vector.shape_cast %reshape3A_445 : vector<16x1xi32> to vector<16xi32>
          %gather3A_447 = tpu.dynamic_gather %mul3A_301[%gather3A_446] in [0] : vector<16xi32>, vector<16xi32> -> vector<16xi32>
          %broadcast_in_dim3A_448 = arith.constant 2 : i32
          %broadcast_in_dim3A_449 = vector.broadcast %broadcast_in_dim3A_448 : i32 to vector<16xi32>
          %reshape3A_450 = vector.shape_cast %broadcast_in_dim3A_449 : vector<16xi32> to vector<16x1xi32>
          %gather3A_451 = vector.shape_cast %reshape3A_450 : vector<16x1xi32> to vector<16xi32>
          %gather3A_452 = tpu.dynamic_gather %mul3A_298[%gather3A_451] in [0] : vector<16xf32>, vector<16xi32> -> vector<16xf32>
          %broadcast_in_dim3A_453 = arith.constant 2 : i32
          %broadcast_in_dim3A_454 = vector.broadcast %broadcast_in_dim3A_453 : i32 to vector<16xi32>
          %reshape3A_455 = vector.shape_cast %broadcast_in_dim3A_454 : vector<16xi32> to vector<16x1xi32>
          %gather3A_456 = vector.shape_cast %reshape3A_455 : vector<16x1xi32> to vector<16xi32>
          %gather3A_457 = tpu.dynamic_gather %get3A_291[%gather3A_456] in [0] : vector<16xf32>, vector<16xi32> -> vector<16xf32>
          %add3A_458 = arith.constant 2 : i32
          %add3A_459 = arith.addi %mul3A_316, %add3A_458 : i32
          %get3A_460 = arith.index_cast %add3A_459 : i32 to index
          %get3A_461 = arith.constant 0 : index
          %get3A_462 = tpu.vector_load %arg15[%get3A_460, %get3A_461] {strides = array<i32>} : memref<512x64xf32, #tpu.memory_space<vmem>>, vector<16xf32>,
          %add3A_463 = arith.addi %gather3A_447, %add3A_5 : vector<16xi32>
          %gather3A_464 = tpu.vector_load_idx %arg16[%add3A_463] : memref<12800xf32, #tpu.memory_space<vmem>>[vector<16xi32>], vector<16xf32>,
          %mul3A_465 = arith.mulf %get3A_462, %gather3A_452 : vector<16xf32>
          %mul3A_466 = arith.mulf %gather3A_464, %gather3A_457 : vector<16xf32>
          %add3A_467 = arith.addf %mul3A_465, %mul3A_466 : vector<16xf32>
          %swap3A_468 = arith.index_cast %add3A_459 : i32 to index
          %swap3A_469 = arith.constant 0 : index
          %swap3A_470 = tpu.vector_load %arg15[%swap3A_468, %swap3A_469] {strides = array<i32>} : memref<512x64xf32, #tpu.memory_space<vmem>>, vector<16xf32>,
          tpu.vector_store %arg15[%swap3A_468, %swap3A_469], %add3A_467 {strides = array<i32>} : memref<512x64xf32, #tpu.memory_space<vmem>>, vector<16xf32>,
          %get3A_471 = arith.index_cast %add3A_459 : i32 to index
          %get3A_472 = arith.constant 16 : index
          %get3A_473 = tpu.vector_load %arg15[%get3A_471, %get3A_472] {strides = array<i32>} : memref<512x64xf32, #tpu.memory_space<vmem>>, vector<16xf32>,
          %add3A_474 = arith.addi %gather3A_447, %add3A_8 : vector<16xi32>
          %gather3A_475 = tpu.vector_load_idx %arg16[%add3A_474] : memref<12800xf32, #tpu.memory_space<vmem>>[vector<16xi32>], vector<16xf32>,
          %mul3A_476 = arith.mulf %get3A_473, %gather3A_452 : vector<16xf32>
          %mul3A_477 = arith.mulf %gather3A_475, %gather3A_457 : vector<16xf32>
          %add3A_478 = arith.addf %mul3A_476, %mul3A_477 : vector<16xf32>
          %swap3A_479 = arith.index_cast %add3A_459 : i32 to index
          %swap3A_480 = arith.constant 16 : index
          %swap3A_481 = tpu.vector_load %arg15[%swap3A_479, %swap3A_480] {strides = array<i32>} : memref<512x64xf32, #tpu.memory_space<vmem>>, vector<16xf32>,
          tpu.vector_store %arg15[%swap3A_479, %swap3A_480], %add3A_478 {strides = array<i32>} : memref<512x64xf32, #tpu.memory_space<vmem>>, vector<16xf32>,
          %get3A_482 = arith.index_cast %add3A_459 : i32 to index
          %get3A_483 = arith.constant 32 : index
          %get3A_484 = tpu.vector_load %arg15[%get3A_482, %get3A_483] {strides = array<i32>} : memref<512x64xf32, #tpu.memory_space<vmem>>, vector<16xf32>,
          %add3A_485 = arith.addi %gather3A_447, %add3A_11 : vector<16xi32>
          %gather3A_486 = tpu.vector_load_idx %arg16[%add3A_485] : memref<12800xf32, #tpu.memory_space<vmem>>[vector<16xi32>], vector<16xf32>,
          %mul3A_487 = arith.mulf %get3A_484, %gather3A_452 : vector<16xf32>
          %mul3A_488 = arith.mulf %gather3A_486, %gather3A_457 : vector<16xf32>
          %add3A_489 = arith.addf %mul3A_487, %mul3A_488 : vector<16xf32>
          %swap3A_490 = arith.index_cast %add3A_459 : i32 to index
          %swap3A_491 = arith.constant 32 : index
          %swap3A_492 = tpu.vector_load %arg15[%swap3A_490, %swap3A_491] {strides = array<i32>} : memref<512x64xf32, #tpu.memory_space<vmem>>, vector<16xf32>,
          tpu.vector_store %arg15[%swap3A_490, %swap3A_491], %add3A_489 {strides = array<i32>} : memref<512x64xf32, #tpu.memory_space<vmem>>, vector<16xf32>,
          %get3A_493 = arith.index_cast %add3A_459 : i32 to index
          %get3A_494 = arith.constant 48 : index
          %get3A_495 = tpu.vector_load %arg15[%get3A_493, %get3A_494] {strides = array<i32>} : memref<512x64xf32, #tpu.memory_space<vmem>>, vector<16xf32>,
          %add3A_496 = arith.addi %gather3A_447, %add3A_14 : vector<16xi32>
          %gather3A_497 = tpu.vector_load_idx %arg16[%add3A_496] : memref<12800xf32, #tpu.memory_space<vmem>>[vector<16xi32>], vector<16xf32>,
          %mul3A_498 = arith.mulf %get3A_495, %gather3A_452 : vector<16xf32>
          %mul3A_499 = arith.mulf %gather3A_497, %gather3A_457 : vector<16xf32>
          %add3A_500 = arith.addf %mul3A_498, %mul3A_499 : vector<16xf32>
          %swap3A_501 = arith.index_cast %add3A_459 : i32 to index
          %swap3A_502 = arith.constant 48 : index
          %swap3A_503 = tpu.vector_load %arg15[%swap3A_501, %swap3A_502] {strides = array<i32>} : memref<512x64xf32, #tpu.memory_space<vmem>>, vector<16xf32>,
          tpu.vector_store %arg15[%swap3A_501, %swap3A_502], %add3A_500 {strides = array<i32>} : memref<512x64xf32, #tpu.memory_space<vmem>>, vector<16xf32>,
          %broadcast_in_dim3A_504 = arith.constant 3 : i32
          %broadcast_in_dim3A_505 = vector.broadcast %broadcast_in_dim3A_504 : i32 to vector<16xi32>
          %reshape3A_506 = vector.shape_cast %broadcast_in_dim3A_505 : vector<16xi32> to vector<16x1xi32>
          %gather3A_507 = vector.shape_cast %reshape3A_506 : vector<16x1xi32> to vector<16xi32>
          %gather3A_508 = tpu.dynamic_gather %mul3A_301[%gather3A_507] in [0] : vector<16xi32>, vector<16xi32> -> vector<16xi32>
          %broadcast_in_dim3A_509 = arith.constant 3 : i32
          %broadcast_in_dim3A_510 = vector.broadcast %broadcast_in_dim3A_509 : i32 to vector<16xi32>
          %reshape3A_511 = vector.shape_cast %broadcast_in_dim3A_510 : vector<16xi32> to vector<16x1xi32>
          %gather3A_512 = vector.shape_cast %reshape3A_511 : vector<16x1xi32> to vector<16xi32>
          %gather3A_513 = tpu.dynamic_gather %mul3A_298[%gather3A_512] in [0] : vector<16xf32>, vector<16xi32> -> vector<16xf32>
          %broadcast_in_dim3A_514 = arith.constant 3 : i32
          %broadcast_in_dim3A_515 = vector.broadcast %broadcast_in_dim3A_514 : i32 to vector<16xi32>
          %reshape3A_516 = vector.shape_cast %broadcast_in_dim3A_515 : vector<16xi32> to vector<16x1xi32>
          %gather3A_517 = vector.shape_cast %reshape3A_516 : vector<16x1xi32> to vector<16xi32>
          %gather3A_518 = tpu.dynamic_gather %get3A_291[%gather3A_517] in [0] : vector<16xf32>, vector<16xi32> -> vector<16xf32>
          %add3A_519 = arith.constant 3 : i32
          %add3A_520 = arith.addi %mul3A_316, %add3A_519 : i32
          %get3A_521 = arith.index_cast %add3A_520 : i32 to index
          %get3A_522 = arith.constant 0 : index
          %get3A_523 = tpu.vector_load %arg15[%get3A_521, %get3A_522] {strides = array<i32>} : memref<512x64xf32, #tpu.memory_space<vmem>>, vector<16xf32>,
          %add3A_524 = arith.addi %gather3A_508, %add3A_5 : vector<16xi32>
          %gather3A_525 = tpu.vector_load_idx %arg16[%add3A_524] : memref<12800xf32, #tpu.memory_space<vmem>>[vector<16xi32>], vector<16xf32>,
          %mul3A_526 = arith.mulf %get3A_523, %gather3A_513 : vector<16xf32>
          %mul3A_527 = arith.mulf %gather3A_525, %gather3A_518 : vector<16xf32>
          %add3A_528 = arith.addf %mul3A_526, %mul3A_527 : vector<16xf32>
          %swap3A_529 = arith.index_cast %add3A_520 : i32 to index
          %swap3A_530 = arith.constant 0 : index
          %swap3A_531 = tpu.vector_load %arg15[%swap3A_529, %swap3A_530] {strides = array<i32>} : memref<512x64xf32, #tpu.memory_space<vmem>>, vector<16xf32>,
          tpu.vector_store %arg15[%swap3A_529, %swap3A_530], %add3A_528 {strides = array<i32>} : memref<512x64xf32, #tpu.memory_space<vmem>>, vector<16xf32>,
          %get3A_532 = arith.index_cast %add3A_520 : i32 to index
          %get3A_533 = arith.constant 16 : index
          %get3A_534 = tpu.vector_load %arg15[%get3A_532, %get3A_533] {strides = array<i32>} : memref<512x64xf32, #tpu.memory_space<vmem>>, vector<16xf32>,
          %add3A_535 = arith.addi %gather3A_508, %add3A_8 : vector<16xi32>
          %gather3A_536 = tpu.vector_load_idx %arg16[%add3A_535] : memref<12800xf32, #tpu.memory_space<vmem>>[vector<16xi32>], vector<16xf32>,
          %mul3A_537 = arith.mulf %get3A_534, %gather3A_513 : vector<16xf32>
          %mul3A_538 = arith.mulf %gather3A_536, %gather3A_518 : vector<16xf32>
          %add3A_539 = arith.addf %mul3A_537, %mul3A_538 : vector<16xf32>
          %swap3A_540 = arith.index_cast %add3A_520 : i32 to index
          %swap3A_541 = arith.constant 16 : index
          %swap3A_542 = tpu.vector_load %arg15[%swap3A_540, %swap3A_541] {strides = array<i32>} : memref<512x64xf32, #tpu.memory_space<vmem>>, vector<16xf32>,
          tpu.vector_store %arg15[%swap3A_540, %swap3A_541], %add3A_539 {strides = array<i32>} : memref<512x64xf32, #tpu.memory_space<vmem>>, vector<16xf32>,
          %get3A_543 = arith.index_cast %add3A_520 : i32 to index
          %get3A_544 = arith.constant 32 : index
          %get3A_545 = tpu.vector_load %arg15[%get3A_543, %get3A_544] {strides = array<i32>} : memref<512x64xf32, #tpu.memory_space<vmem>>, vector<16xf32>,
          %add3A_546 = arith.addi %gather3A_508, %add3A_11 : vector<16xi32>
          %gather3A_547 = tpu.vector_load_idx %arg16[%add3A_546] : memref<12800xf32, #tpu.memory_space<vmem>>[vector<16xi32>], vector<16xf32>,
          %mul3A_548 = arith.mulf %get3A_545, %gather3A_513 : vector<16xf32>
          %mul3A_549 = arith.mulf %gather3A_547, %gather3A_518 : vector<16xf32>
          %add3A_550 = arith.addf %mul3A_548, %mul3A_549 : vector<16xf32>
          %swap3A_551 = arith.index_cast %add3A_520 : i32 to index
          %swap3A_552 = arith.constant 32 : index
          %swap3A_553 = tpu.vector_load %arg15[%swap3A_551, %swap3A_552] {strides = array<i32>} : memref<512x64xf32, #tpu.memory_space<vmem>>, vector<16xf32>,
          tpu.vector_store %arg15[%swap3A_551, %swap3A_552], %add3A_550 {strides = array<i32>} : memref<512x64xf32, #tpu.memory_space<vmem>>, vector<16xf32>,
          %get3A_554 = arith.index_cast %add3A_520 : i32 to index
          %get3A_555 = arith.constant 48 : index
          %get3A_556 = tpu.vector_load %arg15[%get3A_554, %get3A_555] {strides = array<i32>} : memref<512x64xf32, #tpu.memory_space<vmem>>, vector<16xf32>,
          %add3A_557 = arith.addi %gather3A_508, %add3A_14 : vector<16xi32>
          %gather3A_558 = tpu.vector_load_idx %arg16[%add3A_557] : memref<12800xf32, #tpu.memory_space<vmem>>[vector<16xi32>], vector<16xf32>,
          %mul3A_559 = arith.mulf %get3A_556, %gather3A_513 : vector<16xf32>
          %mul3A_560 = arith.mulf %gather3A_558, %gather3A_518 : vector<16xf32>
          %add3A_561 = arith.addf %mul3A_559, %mul3A_560 : vector<16xf32>
          %swap3A_562 = arith.index_cast %add3A_520 : i32 to index
          %swap3A_563 = arith.constant 48 : index
          %swap3A_564 = tpu.vector_load %arg15[%swap3A_562, %swap3A_563] {strides = array<i32>} : memref<512x64xf32, #tpu.memory_space<vmem>>, vector<16xf32>,
          tpu.vector_store %arg15[%swap3A_562, %swap3A_563], %add3A_561 {strides = array<i32>} : memref<512x64xf32, #tpu.memory_space<vmem>>, vector<16xf32>,
          %broadcast_in_dim3A_565 = arith.constant 4 : i32
          %broadcast_in_dim3A_566 = vector.broadcast %broadcast_in_dim3A_565 : i32 to vector<16xi32>
          %reshape3A_567 = vector.shape_cast %broadcast_in_dim3A_566 : vector<16xi32> to vector<16x1xi32>
          %gather3A_568 = vector.shape_cast %reshape3A_567 : vector<16x1xi32> to vector<16xi32>
          %gather3A_569 = tpu.dynamic_gather %mul3A_301[%gather3A_568] in [0] : vector<16xi32>, vector<16xi32> -> vector<16xi32>
          %broadcast_in_dim3A_570 = arith.constant 4 : i32
          %broadcast_in_dim3A_571 = vector.broadcast %broadcast_in_dim3A_570 : i32 to vector<16xi32>
          %reshape3A_572 = vector.shape_cast %broadcast_in_dim3A_571 : vector<16xi32> to vector<16x1xi32>
          %gather3A_573 = vector.shape_cast %reshape3A_572 : vector<16x1xi32> to vector<16xi32>
          %gather3A_574 = tpu.dynamic_gather %mul3A_298[%gather3A_573] in [0] : vector<16xf32>, vector<16xi32> -> vector<16xf32>
          %broadcast_in_dim3A_575 = arith.constant 4 : i32
          %broadcast_in_dim3A_576 = vector.broadcast %broadcast_in_dim3A_575 : i32 to vector<16xi32>
          %reshape3A_577 = vector.shape_cast %broadcast_in_dim3A_576 : vector<16xi32> to vector<16x1xi32>
          %gather3A_578 = vector.shape_cast %reshape3A_577 : vector<16x1xi32> to vector<16xi32>
          %gather3A_579 = tpu.dynamic_gather %get3A_291[%gather3A_578] in [0] : vector<16xf32>, vector<16xi32> -> vector<16xf32>
          %add3A_580 = arith.constant 4 : i32
          %add3A_581 = arith.addi %mul3A_316, %add3A_580 : i32
          %get3A_582 = arith.index_cast %add3A_581 : i32 to index
          %get3A_583 = arith.constant 0 : index
          %get3A_584 = tpu.vector_load %arg15[%get3A_582, %get3A_583] {strides = array<i32>} : memref<512x64xf32, #tpu.memory_space<vmem>>, vector<16xf32>,
          %add3A_585 = arith.addi %gather3A_569, %add3A_5 : vector<16xi32>
          %gather3A_586 = tpu.vector_load_idx %arg16[%add3A_585] : memref<12800xf32, #tpu.memory_space<vmem>>[vector<16xi32>], vector<16xf32>,
          %mul3A_587 = arith.mulf %get3A_584, %gather3A_574 : vector<16xf32>
          %mul3A_588 = arith.mulf %gather3A_586, %gather3A_579 : vector<16xf32>
          %add3A_589 = arith.addf %mul3A_587, %mul3A_588 : vector<16xf32>
          %swap3A_590 = arith.index_cast %add3A_581 : i32 to index
          %swap3A_591 = arith.constant 0 : index
          %swap3A_592 = tpu.vector_load %arg15[%swap3A_590, %swap3A_591] {strides = array<i32>} : memref<512x64xf32, #tpu.memory_space<vmem>>, vector<16xf32>,
          tpu.vector_store %arg15[%swap3A_590, %swap3A_591], %add3A_589 {strides = array<i32>} : memref<512x64xf32, #tpu.memory_space<vmem>>, vector<16xf32>,
          %get3A_593 = arith.index_cast %add3A_581 : i32 to index
          %get3A_594 = arith.constant 16 : index
          %get3A_595 = tpu.vector_load %arg15[%get3A_593, %get3A_594] {strides = array<i32>} : memref<512x64xf32, #tpu.memory_space<vmem>>, vector<16xf32>,
          %add3A_596 = arith.addi %gather3A_569, %add3A_8 : vector<16xi32>
          %gather3A_597 = tpu.vector_load_idx %arg16[%add3A_596] : memref<12800xf32, #tpu.memory_space<vmem>>[vector<16xi32>], vector<16xf32>,
          %mul3A_598 = arith.mulf %get3A_595, %gather3A_574 : vector<16xf32>
          %mul3A_599 = arith.mulf %gather3A_597, %gather3A_579 : vector<16xf32>
          %add3A_600 = arith.addf %mul3A_598, %mul3A_599 : vector<16xf32>
          %swap3A_601 = arith.index_cast %add3A_581 : i32 to index
          %swap3A_602 = arith.constant 16 : index
          %swap3A_603 = tpu.vector_load %arg15[%swap3A_601, %swap3A_602] {strides = array<i32>} : memref<512x64xf32, #tpu.memory_space<vmem>>, vector<16xf32>,
          tpu.vector_store %arg15[%swap3A_601, %swap3A_602], %add3A_600 {strides = array<i32>} : memref<512x64xf32, #tpu.memory_space<vmem>>, vector<16xf32>,
          %get3A_604 = arith.index_cast %add3A_581 : i32 to index
          %get3A_605 = arith.constant 32 : index
          %get3A_606 = tpu.vector_load %arg15[%get3A_604, %get3A_605] {strides = array<i32>} : memref<512x64xf32, #tpu.memory_space<vmem>>, vector<16xf32>,
          %add3A_607 = arith.addi %gather3A_569, %add3A_11 : vector<16xi32>
          %gather3A_608 = tpu.vector_load_idx %arg16[%add3A_607] : memref<12800xf32, #tpu.memory_space<vmem>>[vector<16xi32>], vector<16xf32>,
          %mul3A_609 = arith.mulf %get3A_606, %gather3A_574 : vector<16xf32>
          %mul3A_610 = arith.mulf %gather3A_608, %gather3A_579 : vector<16xf32>
          %add3A_611 = arith.addf %mul3A_609, %mul3A_610 : vector<16xf32>
          %swap3A_612 = arith.index_cast %add3A_581 : i32 to index
          %swap3A_613 = arith.constant 32 : index
          %swap3A_614 = tpu.vector_load %arg15[%swap3A_612, %swap3A_613] {strides = array<i32>} : memref<512x64xf32, #tpu.memory_space<vmem>>, vector<16xf32>,
          tpu.vector_store %arg15[%swap3A_612, %swap3A_613], %add3A_611 {strides = array<i32>} : memref<512x64xf32, #tpu.memory_space<vmem>>, vector<16xf32>,
          %get3A_615 = arith.index_cast %add3A_581 : i32 to index
          %get3A_616 = arith.constant 48 : index
          %get3A_617 = tpu.vector_load %arg15[%get3A_615, %get3A_616] {strides = array<i32>} : memref<512x64xf32, #tpu.memory_space<vmem>>, vector<16xf32>,
          %add3A_618 = arith.addi %gather3A_569, %add3A_14 : vector<16xi32>
          %gather3A_619 = tpu.vector_load_idx %arg16[%add3A_618] : memref<12800xf32, #tpu.memory_space<vmem>>[vector<16xi32>], vector<16xf32>,
          %mul3A_620 = arith.mulf %get3A_617, %gather3A_574 : vector<16xf32>
          %mul3A_621 = arith.mulf %gather3A_619, %gather3A_579 : vector<16xf32>
          %add3A_622 = arith.addf %mul3A_620, %mul3A_621 : vector<16xf32>
          %swap3A_623 = arith.index_cast %add3A_581 : i32 to index
          %swap3A_624 = arith.constant 48 : index
          %swap3A_625 = tpu.vector_load %arg15[%swap3A_623, %swap3A_624] {strides = array<i32>} : memref<512x64xf32, #tpu.memory_space<vmem>>, vector<16xf32>,
          tpu.vector_store %arg15[%swap3A_623, %swap3A_624], %add3A_622 {strides = array<i32>} : memref<512x64xf32, #tpu.memory_space<vmem>>, vector<16xf32>,
          %broadcast_in_dim3A_626 = arith.constant 5 : i32
          %broadcast_in_dim3A_627 = vector.broadcast %broadcast_in_dim3A_626 : i32 to vector<16xi32>
          %reshape3A_628 = vector.shape_cast %broadcast_in_dim3A_627 : vector<16xi32> to vector<16x1xi32>
          %gather3A_629 = vector.shape_cast %reshape3A_628 : vector<16x1xi32> to vector<16xi32>
          %gather3A_630 = tpu.dynamic_gather %mul3A_301[%gather3A_629] in [0] : vector<16xi32>, vector<16xi32> -> vector<16xi32>
          %broadcast_in_dim3A_631 = arith.constant 5 : i32
          %broadcast_in_dim3A_632 = vector.broadcast %broadcast_in_dim3A_631 : i32 to vector<16xi32>
          %reshape3A_633 = vector.shape_cast %broadcast_in_dim3A_632 : vector<16xi32> to vector<16x1xi32>
          %gather3A_634 = vector.shape_cast %reshape3A_633 : vector<16x1xi32> to vector<16xi32>
          %gather3A_635 = tpu.dynamic_gather %mul3A_298[%gather3A_634] in [0] : vector<16xf32>, vector<16xi32> -> vector<16xf32>
          %broadcast_in_dim3A_636 = arith.constant 5 : i32
          %broadcast_in_dim3A_637 = vector.broadcast %broadcast_in_dim3A_636 : i32 to vector<16xi32>
          %reshape3A_638 = vector.shape_cast %broadcast_in_dim3A_637 : vector<16xi32> to vector<16x1xi32>
          %gather3A_639 = vector.shape_cast %reshape3A_638 : vector<16x1xi32> to vector<16xi32>
          %gather3A_640 = tpu.dynamic_gather %get3A_291[%gather3A_639] in [0] : vector<16xf32>, vector<16xi32> -> vector<16xf32>
          %add3A_641 = arith.constant 5 : i32
          %add3A_642 = arith.addi %mul3A_316, %add3A_641 : i32
          %get3A_643 = arith.index_cast %add3A_642 : i32 to index
          %get3A_644 = arith.constant 0 : index
          %get3A_645 = tpu.vector_load %arg15[%get3A_643, %get3A_644] {strides = array<i32>} : memref<512x64xf32, #tpu.memory_space<vmem>>, vector<16xf32>,
          %add3A_646 = arith.addi %gather3A_630, %add3A_5 : vector<16xi32>
          %gather3A_647 = tpu.vector_load_idx %arg16[%add3A_646] : memref<12800xf32, #tpu.memory_space<vmem>>[vector<16xi32>], vector<16xf32>,
          %mul3A_648 = arith.mulf %get3A_645, %gather3A_635 : vector<16xf32>
          %mul3A_649 = arith.mulf %gather3A_647, %gather3A_640 : vector<16xf32>
          %add3A_650 = arith.addf %mul3A_648, %mul3A_649 : vector<16xf32>
          %swap3A_651 = arith.index_cast %add3A_642 : i32 to index
          %swap3A_652 = arith.constant 0 : index
          %swap3A_653 = tpu.vector_load %arg15[%swap3A_651, %swap3A_652] {strides = array<i32>} : memref<512x64xf32, #tpu.memory_space<vmem>>, vector<16xf32>,
          tpu.vector_store %arg15[%swap3A_651, %swap3A_652], %add3A_650 {strides = array<i32>} : memref<512x64xf32, #tpu.memory_space<vmem>>, vector<16xf32>,
          %get3A_654 = arith.index_cast %add3A_642 : i32 to index
          %get3A_655 = arith.constant 16 : index
          %get3A_656 = tpu.vector_load %arg15[%get3A_654, %get3A_655] {strides = array<i32>} : memref<512x64xf32, #tpu.memory_space<vmem>>, vector<16xf32>,
          %add3A_657 = arith.addi %gather3A_630, %add3A_8 : vector<16xi32>
          %gather3A_658 = tpu.vector_load_idx %arg16[%add3A_657] : memref<12800xf32, #tpu.memory_space<vmem>>[vector<16xi32>], vector<16xf32>,
          %mul3A_659 = arith.mulf %get3A_656, %gather3A_635 : vector<16xf32>
          %mul3A_660 = arith.mulf %gather3A_658, %gather3A_640 : vector<16xf32>
          %add3A_661 = arith.addf %mul3A_659, %mul3A_660 : vector<16xf32>
          %swap3A_662 = arith.index_cast %add3A_642 : i32 to index
          %swap3A_663 = arith.constant 16 : index
          %swap3A_664 = tpu.vector_load %arg15[%swap3A_662, %swap3A_663] {strides = array<i32>} : memref<512x64xf32, #tpu.memory_space<vmem>>, vector<16xf32>,
          tpu.vector_store %arg15[%swap3A_662, %swap3A_663], %add3A_661 {strides = array<i32>} : memref<512x64xf32, #tpu.memory_space<vmem>>, vector<16xf32>,
          %get3A_665 = arith.index_cast %add3A_642 : i32 to index
          %get3A_666 = arith.constant 32 : index
          %get3A_667 = tpu.vector_load %arg15[%get3A_665, %get3A_666] {strides = array<i32>} : memref<512x64xf32, #tpu.memory_space<vmem>>, vector<16xf32>,
          %add3A_668 = arith.addi %gather3A_630, %add3A_11 : vector<16xi32>
          %gather3A_669 = tpu.vector_load_idx %arg16[%add3A_668] : memref<12800xf32, #tpu.memory_space<vmem>>[vector<16xi32>], vector<16xf32>,
          %mul3A_670 = arith.mulf %get3A_667, %gather3A_635 : vector<16xf32>
          %mul3A_671 = arith.mulf %gather3A_669, %gather3A_640 : vector<16xf32>
          %add3A_672 = arith.addf %mul3A_670, %mul3A_671 : vector<16xf32>
          %swap3A_673 = arith.index_cast %add3A_642 : i32 to index
          %swap3A_674 = arith.constant 32 : index
          %swap3A_675 = tpu.vector_load %arg15[%swap3A_673, %swap3A_674] {strides = array<i32>} : memref<512x64xf32, #tpu.memory_space<vmem>>, vector<16xf32>,
          tpu.vector_store %arg15[%swap3A_673, %swap3A_674], %add3A_672 {strides = array<i32>} : memref<512x64xf32, #tpu.memory_space<vmem>>, vector<16xf32>,
          %get3A_676 = arith.index_cast %add3A_642 : i32 to index
          %get3A_677 = arith.constant 48 : index
          %get3A_678 = tpu.vector_load %arg15[%get3A_676, %get3A_677] {strides = array<i32>} : memref<512x64xf32, #tpu.memory_space<vmem>>, vector<16xf32>,
          %add3A_679 = arith.addi %gather3A_630, %add3A_14 : vector<16xi32>
          %gather3A_680 = tpu.vector_load_idx %arg16[%add3A_679] : memref<12800xf32, #tpu.memory_space<vmem>>[vector<16xi32>], vector<16xf32>,
          %mul3A_681 = arith.mulf %get3A_678, %gather3A_635 : vector<16xf32>
          %mul3A_682 = arith.mulf %gather3A_680, %gather3A_640 : vector<16xf32>
          %add3A_683 = arith.addf %mul3A_681, %mul3A_682 : vector<16xf32>
          %swap3A_684 = arith.index_cast %add3A_642 : i32 to index
          %swap3A_685 = arith.constant 48 : index
          %swap3A_686 = tpu.vector_load %arg15[%swap3A_684, %swap3A_685] {strides = array<i32>} : memref<512x64xf32, #tpu.memory_space<vmem>>, vector<16xf32>,
          tpu.vector_store %arg15[%swap3A_684, %swap3A_685], %add3A_683 {strides = array<i32>} : memref<512x64xf32, #tpu.memory_space<vmem>>, vector<16xf32>,
          %broadcast_in_dim3A_687 = arith.constant 6 : i32
          %broadcast_in_dim3A_688 = vector.broadcast %broadcast_in_dim3A_687 : i32 to vector<16xi32>
          %reshape3A_689 = vector.shape_cast %broadcast_in_dim3A_688 : vector<16xi32> to vector<16x1xi32>
          %gather3A_690 = vector.shape_cast %reshape3A_689 : vector<16x1xi32> to vector<16xi32>
          %gather3A_691 = tpu.dynamic_gather %mul3A_301[%gather3A_690] in [0] : vector<16xi32>, vector<16xi32> -> vector<16xi32>
          %broadcast_in_dim3A_692 = arith.constant 6 : i32
          %broadcast_in_dim3A_693 = vector.broadcast %broadcast_in_dim3A_692 : i32 to vector<16xi32>
          %reshape3A_694 = vector.shape_cast %broadcast_in_dim3A_693 : vector<16xi32> to vector<16x1xi32>
          %gather3A_695 = vector.shape_cast %reshape3A_694 : vector<16x1xi32> to vector<16xi32>
          %gather3A_696 = tpu.dynamic_gather %mul3A_298[%gather3A_695] in [0] : vector<16xf32>, vector<16xi32> -> vector<16xf32>
          %broadcast_in_dim3A_697 = arith.constant 6 : i32
          %broadcast_in_dim3A_698 = vector.broadcast %broadcast_in_dim3A_697 : i32 to vector<16xi32>
          %reshape3A_699 = vector.shape_cast %broadcast_in_dim3A_698 : vector<16xi32> to vector<16x1xi32>
          %gather3A_700 = vector.shape_cast %reshape3A_699 : vector<16x1xi32> to vector<16xi32>
          %gather3A_701 = tpu.dynamic_gather %get3A_291[%gather3A_700] in [0] : vector<16xf32>, vector<16xi32> -> vector<16xf32>
          %add3A_702 = arith.constant 6 : i32
          %add3A_703 = arith.addi %mul3A_316, %add3A_702 : i32
          %get3A_704 = arith.index_cast %add3A_703 : i32 to index
          %get3A_705 = arith.constant 0 : index
          %get3A_706 = tpu.vector_load %arg15[%get3A_704, %get3A_705] {strides = array<i32>} : memref<512x64xf32, #tpu.memory_space<vmem>>, vector<16xf32>,
          %add3A_707 = arith.addi %gather3A_691, %add3A_5 : vector<16xi32>
          %gather3A_708 = tpu.vector_load_idx %arg16[%add3A_707] : memref<12800xf32, #tpu.memory_space<vmem>>[vector<16xi32>], vector<16xf32>,
          %mul3A_709 = arith.mulf %get3A_706, %gather3A_696 : vector<16xf32>
          %mul3A_710 = arith.mulf %gather3A_708, %gather3A_701 : vector<16xf32>
          %add3A_711 = arith.addf %mul3A_709, %mul3A_710 : vector<16xf32>
          %swap3A_712 = arith.index_cast %add3A_703 : i32 to index
          %swap3A_713 = arith.constant 0 : index
          %swap3A_714 = tpu.vector_load %arg15[%swap3A_712, %swap3A_713] {strides = array<i32>} : memref<512x64xf32, #tpu.memory_space<vmem>>, vector<16xf32>,
          tpu.vector_store %arg15[%swap3A_712, %swap3A_713], %add3A_711 {strides = array<i32>} : memref<512x64xf32, #tpu.memory_space<vmem>>, vector<16xf32>,
          %get3A_715 = arith.index_cast %add3A_703 : i32 to index
          %get3A_716 = arith.constant 16 : index
          %get3A_717 = tpu.vector_load %arg15[%get3A_715, %get3A_716] {strides = array<i32>} : memref<512x64xf32, #tpu.memory_space<vmem>>, vector<16xf32>,
          %add3A_718 = arith.addi %gather3A_691, %add3A_8 : vector<16xi32>
          %gather3A_719 = tpu.vector_load_idx %arg16[%add3A_718] : memref<12800xf32, #tpu.memory_space<vmem>>[vector<16xi32>], vector<16xf32>,
          %mul3A_720 = arith.mulf %get3A_717, %gather3A_696 : vector<16xf32>
          %mul3A_721 = arith.mulf %gather3A_719, %gather3A_701 : vector<16xf32>
          %add3A_722 = arith.addf %mul3A_720, %mul3A_721 : vector<16xf32>
          %swap3A_723 = arith.index_cast %add3A_703 : i32 to index
          %swap3A_724 = arith.constant 16 : index
          %swap3A_725 = tpu.vector_load %arg15[%swap3A_723, %swap3A_724] {strides = array<i32>} : memref<512x64xf32, #tpu.memory_space<vmem>>, vector<16xf32>,
          tpu.vector_store %arg15[%swap3A_723, %swap3A_724], %add3A_722 {strides = array<i32>} : memref<512x64xf32, #tpu.memory_space<vmem>>, vector<16xf32>,
          %get3A_726 = arith.index_cast %add3A_703 : i32 to index
          %get3A_727 = arith.constant 32 : index
          %get3A_728 = tpu.vector_load %arg15[%get3A_726, %get3A_727] {strides = array<i32>} : memref<512x64xf32, #tpu.memory_space<vmem>>, vector<16xf32>,
          %add3A_729 = arith.addi %gather3A_691, %add3A_11 : vector<16xi32>
          %gather3A_730 = tpu.vector_load_idx %arg16[%add3A_729] : memref<12800xf32, #tpu.memory_space<vmem>>[vector<16xi32>], vector<16xf32>,
          %mul3A_731 = arith.mulf %get3A_728, %gather3A_696 : vector<16xf32>
          %mul3A_732 = arith.mulf %gather3A_730, %gather3A_701 : vector<16xf32>
          %add3A_733 = arith.addf %mul3A_731, %mul3A_732 : vector<16xf32>
          %swap3A_734 = arith.index_cast %add3A_703 : i32 to index
          %swap3A_735 = arith.constant 32 : index
          %swap3A_736 = tpu.vector_load %arg15[%swap3A_734, %swap3A_735] {strides = array<i32>} : memref<512x64xf32, #tpu.memory_space<vmem>>, vector<16xf32>,
          tpu.vector_store %arg15[%swap3A_734, %swap3A_735], %add3A_733 {strides = array<i32>} : memref<512x64xf32, #tpu.memory_space<vmem>>, vector<16xf32>,
          %get3A_737 = arith.index_cast %add3A_703 : i32 to index
          %get3A_738 = arith.constant 48 : index
          %get3A_739 = tpu.vector_load %arg15[%get3A_737, %get3A_738] {strides = array<i32>} : memref<512x64xf32, #tpu.memory_space<vmem>>, vector<16xf32>,
          %add3A_740 = arith.addi %gather3A_691, %add3A_14 : vector<16xi32>
          %gather3A_741 = tpu.vector_load_idx %arg16[%add3A_740] : memref<12800xf32, #tpu.memory_space<vmem>>[vector<16xi32>], vector<16xf32>,
          %mul3A_742 = arith.mulf %get3A_739, %gather3A_696 : vector<16xf32>
          %mul3A_743 = arith.mulf %gather3A_741, %gather3A_701 : vector<16xf32>
          %add3A_744 = arith.addf %mul3A_742, %mul3A_743 : vector<16xf32>
          %swap3A_745 = arith.index_cast %add3A_703 : i32 to index
          %swap3A_746 = arith.constant 48 : index
          %swap3A_747 = tpu.vector_load %arg15[%swap3A_745, %swap3A_746] {strides = array<i32>} : memref<512x64xf32, #tpu.memory_space<vmem>>, vector<16xf32>,
          tpu.vector_store %arg15[%swap3A_745, %swap3A_746], %add3A_744 {strides = array<i32>} : memref<512x64xf32, #tpu.memory_space<vmem>>, vector<16xf32>,
          %broadcast_in_dim3A_748 = arith.constant 7 : i32
          %broadcast_in_dim3A_749 = vector.broadcast %broadcast_in_dim3A_748 : i32 to vector<16xi32>
          %reshape3A_750 = vector.shape_cast %broadcast_in_dim3A_749 : vector<16xi32> to vector<16x1xi32>
          %gather3A_751 = vector.shape_cast %reshape3A_750 : vector<16x1xi32> to vector<16xi32>
          %gather3A_752 = tpu.dynamic_gather %mul3A_301[%gather3A_751] in [0] : vector<16xi32>, vector<16xi32> -> vector<16xi32>
          %broadcast_in_dim3A_753 = arith.constant 7 : i32
          %broadcast_in_dim3A_754 = vector.broadcast %broadcast_in_dim3A_753 : i32 to vector<16xi32>
          %reshape3A_755 = vector.shape_cast %broadcast_in_dim3A_754 : vector<16xi32> to vector<16x1xi32>
          %gather3A_756 = vector.shape_cast %reshape3A_755 : vector<16x1xi32> to vector<16xi32>
          %gather3A_757 = tpu.dynamic_gather %mul3A_298[%gather3A_756] in [0] : vector<16xf32>, vector<16xi32> -> vector<16xf32>
          %broadcast_in_dim3A_758 = arith.constant 7 : i32
          %broadcast_in_dim3A_759 = vector.broadcast %broadcast_in_dim3A_758 : i32 to vector<16xi32>
          %reshape3A_760 = vector.shape_cast %broadcast_in_dim3A_759 : vector<16xi32> to vector<16x1xi32>
          %gather3A_761 = vector.shape_cast %reshape3A_760 : vector<16x1xi32> to vector<16xi32>
          %gather3A_762 = tpu.dynamic_gather %get3A_291[%gather3A_761] in [0] : vector<16xf32>, vector<16xi32> -> vector<16xf32>
          %add3A_763 = arith.constant 7 : i32
          %add3A_764 = arith.addi %mul3A_316, %add3A_763 : i32
          %get3A_765 = arith.index_cast %add3A_764 : i32 to index
          %get3A_766 = arith.constant 0 : index
          %get3A_767 = tpu.vector_load %arg15[%get3A_765, %get3A_766] {strides = array<i32>} : memref<512x64xf32, #tpu.memory_space<vmem>>, vector<16xf32>,
          %add3A_768 = arith.addi %gather3A_752, %add3A_5 : vector<16xi32>
          %gather3A_769 = tpu.vector_load_idx %arg16[%add3A_768] : memref<12800xf32, #tpu.memory_space<vmem>>[vector<16xi32>], vector<16xf32>,
          %mul3A_770 = arith.mulf %get3A_767, %gather3A_757 : vector<16xf32>
          %mul3A_771 = arith.mulf %gather3A_769, %gather3A_762 : vector<16xf32>
          %add3A_772 = arith.addf %mul3A_770, %mul3A_771 : vector<16xf32>
          %swap3A_773 = arith.index_cast %add3A_764 : i32 to index
          %swap3A_774 = arith.constant 0 : index
          %swap3A_775 = tpu.vector_load %arg15[%swap3A_773, %swap3A_774] {strides = array<i32>} : memref<512x64xf32, #tpu.memory_space<vmem>>, vector<16xf32>,
          tpu.vector_store %arg15[%swap3A_773, %swap3A_774], %add3A_772 {strides = array<i32>} : memref<512x64xf32, #tpu.memory_space<vmem>>, vector<16xf32>,
          %get3A_776 = arith.index_cast %add3A_764 : i32 to index
          %get3A_777 = arith.constant 16 : index
          %get3A_778 = tpu.vector_load %arg15[%get3A_776, %get3A_777] {strides = array<i32>} : memref<512x64xf32, #tpu.memory_space<vmem>>, vector<16xf32>,
          %add3A_779 = arith.addi %gather3A_752, %add3A_8 : vector<16xi32>
          %gather3A_780 = tpu.vector_load_idx %arg16[%add3A_779] : memref<12800xf32, #tpu.memory_space<vmem>>[vector<16xi32>], vector<16xf32>,
          %mul3A_781 = arith.mulf %get3A_778, %gather3A_757 : vector<16xf32>
          %mul3A_782 = arith.mulf %gather3A_780, %gather3A_762 : vector<16xf32>
          %add3A_783 = arith.addf %mul3A_781, %mul3A_782 : vector<16xf32>
          %swap3A_784 = arith.index_cast %add3A_764 : i32 to index
          %swap3A_785 = arith.constant 16 : index
          %swap3A_786 = tpu.vector_load %arg15[%swap3A_784, %swap3A_785] {strides = array<i32>} : memref<512x64xf32, #tpu.memory_space<vmem>>, vector<16xf32>,
          tpu.vector_store %arg15[%swap3A_784, %swap3A_785], %add3A_783 {strides = array<i32>} : memref<512x64xf32, #tpu.memory_space<vmem>>, vector<16xf32>,
          %get3A_787 = arith.index_cast %add3A_764 : i32 to index
          %get3A_788 = arith.constant 32 : index
          %get3A_789 = tpu.vector_load %arg15[%get3A_787, %get3A_788] {strides = array<i32>} : memref<512x64xf32, #tpu.memory_space<vmem>>, vector<16xf32>,
          %add3A_790 = arith.addi %gather3A_752, %add3A_11 : vector<16xi32>
          %gather3A_791 = tpu.vector_load_idx %arg16[%add3A_790] : memref<12800xf32, #tpu.memory_space<vmem>>[vector<16xi32>], vector<16xf32>,
          %mul3A_792 = arith.mulf %get3A_789, %gather3A_757 : vector<16xf32>
          %mul3A_793 = arith.mulf %gather3A_791, %gather3A_762 : vector<16xf32>
          %add3A_794 = arith.addf %mul3A_792, %mul3A_793 : vector<16xf32>
          %swap3A_795 = arith.index_cast %add3A_764 : i32 to index
          %swap3A_796 = arith.constant 32 : index
          %swap3A_797 = tpu.vector_load %arg15[%swap3A_795, %swap3A_796] {strides = array<i32>} : memref<512x64xf32, #tpu.memory_space<vmem>>, vector<16xf32>,
          tpu.vector_store %arg15[%swap3A_795, %swap3A_796], %add3A_794 {strides = array<i32>} : memref<512x64xf32, #tpu.memory_space<vmem>>, vector<16xf32>,
          %get3A_798 = arith.index_cast %add3A_764 : i32 to index
          %get3A_799 = arith.constant 48 : index
          %get3A_800 = tpu.vector_load %arg15[%get3A_798, %get3A_799] {strides = array<i32>} : memref<512x64xf32, #tpu.memory_space<vmem>>, vector<16xf32>,
          %add3A_801 = arith.addi %gather3A_752, %add3A_14 : vector<16xi32>
          %gather3A_802 = tpu.vector_load_idx %arg16[%add3A_801] : memref<12800xf32, #tpu.memory_space<vmem>>[vector<16xi32>], vector<16xf32>,
          %mul3A_803 = arith.mulf %get3A_800, %gather3A_757 : vector<16xf32>
          %mul3A_804 = arith.mulf %gather3A_802, %gather3A_762 : vector<16xf32>
          %add3A_805 = arith.addf %mul3A_803, %mul3A_804 : vector<16xf32>
          %swap3A_806 = arith.index_cast %add3A_764 : i32 to index
          %swap3A_807 = arith.constant 48 : index
          %swap3A_808 = tpu.vector_load %arg15[%swap3A_806, %swap3A_807] {strides = array<i32>} : memref<512x64xf32, #tpu.memory_space<vmem>>, vector<16xf32>,
          tpu.vector_store %arg15[%swap3A_806, %swap3A_807], %add3A_805 {strides = array<i32>} : memref<512x64xf32, #tpu.memory_space<vmem>>, vector<16xf32>,
          %broadcast_in_dim3A_809 = arith.constant 8 : i32
          %broadcast_in_dim3A_810 = vector.broadcast %broadcast_in_dim3A_809 : i32 to vector<16xi32>
          %reshape3A_811 = vector.shape_cast %broadcast_in_dim3A_810 : vector<16xi32> to vector<16x1xi32>
          %gather3A_812 = vector.shape_cast %reshape3A_811 : vector<16x1xi32> to vector<16xi32>
          %gather3A_813 = tpu.dynamic_gather %mul3A_301[%gather3A_812] in [0] : vector<16xi32>, vector<16xi32> -> vector<16xi32>
          %broadcast_in_dim3A_814 = arith.constant 8 : i32
          %broadcast_in_dim3A_815 = vector.broadcast %broadcast_in_dim3A_814 : i32 to vector<16xi32>
          %reshape3A_816 = vector.shape_cast %broadcast_in_dim3A_815 : vector<16xi32> to vector<16x1xi32>
          %gather3A_817 = vector.shape_cast %reshape3A_816 : vector<16x1xi32> to vector<16xi32>
          %gather3A_818 = tpu.dynamic_gather %mul3A_298[%gather3A_817] in [0] : vector<16xf32>, vector<16xi32> -> vector<16xf32>
          %broadcast_in_dim3A_819 = arith.constant 8 : i32
          %broadcast_in_dim3A_820 = vector.broadcast %broadcast_in_dim3A_819 : i32 to vector<16xi32>
          %reshape3A_821 = vector.shape_cast %broadcast_in_dim3A_820 : vector<16xi32> to vector<16x1xi32>
          %gather3A_822 = vector.shape_cast %reshape3A_821 : vector<16x1xi32> to vector<16xi32>
          %gather3A_823 = tpu.dynamic_gather %get3A_291[%gather3A_822] in [0] : vector<16xf32>, vector<16xi32> -> vector<16xf32>
          %add3A_824 = arith.constant 8 : i32
          %add3A_825 = arith.addi %mul3A_316, %add3A_824 : i32
          %get3A_826 = arith.index_cast %add3A_825 : i32 to index
          %get3A_827 = arith.constant 0 : index
          %get3A_828 = tpu.vector_load %arg15[%get3A_826, %get3A_827] {strides = array<i32>} : memref<512x64xf32, #tpu.memory_space<vmem>>, vector<16xf32>,
          %add3A_829 = arith.addi %gather3A_813, %add3A_5 : vector<16xi32>
          %gather3A_830 = tpu.vector_load_idx %arg16[%add3A_829] : memref<12800xf32, #tpu.memory_space<vmem>>[vector<16xi32>], vector<16xf32>,
          %mul3A_831 = arith.mulf %get3A_828, %gather3A_818 : vector<16xf32>
          %mul3A_832 = arith.mulf %gather3A_830, %gather3A_823 : vector<16xf32>
          %add3A_833 = arith.addf %mul3A_831, %mul3A_832 : vector<16xf32>
          %swap3A_834 = arith.index_cast %add3A_825 : i32 to index
          %swap3A_835 = arith.constant 0 : index
          %swap3A_836 = tpu.vector_load %arg15[%swap3A_834, %swap3A_835] {strides = array<i32>} : memref<512x64xf32, #tpu.memory_space<vmem>>, vector<16xf32>,
          tpu.vector_store %arg15[%swap3A_834, %swap3A_835], %add3A_833 {strides = array<i32>} : memref<512x64xf32, #tpu.memory_space<vmem>>, vector<16xf32>,
          %get3A_837 = arith.index_cast %add3A_825 : i32 to index
          %get3A_838 = arith.constant 16 : index
          %get3A_839 = tpu.vector_load %arg15[%get3A_837, %get3A_838] {strides = array<i32>} : memref<512x64xf32, #tpu.memory_space<vmem>>, vector<16xf32>,
          %add3A_840 = arith.addi %gather3A_813, %add3A_8 : vector<16xi32>
          %gather3A_841 = tpu.vector_load_idx %arg16[%add3A_840] : memref<12800xf32, #tpu.memory_space<vmem>>[vector<16xi32>], vector<16xf32>,
          %mul3A_842 = arith.mulf %get3A_839, %gather3A_818 : vector<16xf32>
          %mul3A_843 = arith.mulf %gather3A_841, %gather3A_823 : vector<16xf32>
          %add3A_844 = arith.addf %mul3A_842, %mul3A_843 : vector<16xf32>
          %swap3A_845 = arith.index_cast %add3A_825 : i32 to index
          %swap3A_846 = arith.constant 16 : index
          %swap3A_847 = tpu.vector_load %arg15[%swap3A_845, %swap3A_846] {strides = array<i32>} : memref<512x64xf32, #tpu.memory_space<vmem>>, vector<16xf32>,
          tpu.vector_store %arg15[%swap3A_845, %swap3A_846], %add3A_844 {strides = array<i32>} : memref<512x64xf32, #tpu.memory_space<vmem>>, vector<16xf32>,
          %get3A_848 = arith.index_cast %add3A_825 : i32 to index
          %get3A_849 = arith.constant 32 : index
          %get3A_850 = tpu.vector_load %arg15[%get3A_848, %get3A_849] {strides = array<i32>} : memref<512x64xf32, #tpu.memory_space<vmem>>, vector<16xf32>,
          %add3A_851 = arith.addi %gather3A_813, %add3A_11 : vector<16xi32>
          %gather3A_852 = tpu.vector_load_idx %arg16[%add3A_851] : memref<12800xf32, #tpu.memory_space<vmem>>[vector<16xi32>], vector<16xf32>,
          %mul3A_853 = arith.mulf %get3A_850, %gather3A_818 : vector<16xf32>
          %mul3A_854 = arith.mulf %gather3A_852, %gather3A_823 : vector<16xf32>
          %add3A_855 = arith.addf %mul3A_853, %mul3A_854 : vector<16xf32>
          %swap3A_856 = arith.index_cast %add3A_825 : i32 to index
          %swap3A_857 = arith.constant 32 : index
          %swap3A_858 = tpu.vector_load %arg15[%swap3A_856, %swap3A_857] {strides = array<i32>} : memref<512x64xf32, #tpu.memory_space<vmem>>, vector<16xf32>,
          tpu.vector_store %arg15[%swap3A_856, %swap3A_857], %add3A_855 {strides = array<i32>} : memref<512x64xf32, #tpu.memory_space<vmem>>, vector<16xf32>,
          %get3A_859 = arith.index_cast %add3A_825 : i32 to index
          %get3A_860 = arith.constant 48 : index
          %get3A_861 = tpu.vector_load %arg15[%get3A_859, %get3A_860] {strides = array<i32>} : memref<512x64xf32, #tpu.memory_space<vmem>>, vector<16xf32>,
          %add3A_862 = arith.addi %gather3A_813, %add3A_14 : vector<16xi32>
          %gather3A_863 = tpu.vector_load_idx %arg16[%add3A_862] : memref<12800xf32, #tpu.memory_space<vmem>>[vector<16xi32>], vector<16xf32>,
          %mul3A_864 = arith.mulf %get3A_861, %gather3A_818 : vector<16xf32>
          %mul3A_865 = arith.mulf %gather3A_863, %gather3A_823 : vector<16xf32>
          %add3A_866 = arith.addf %mul3A_864, %mul3A_865 : vector<16xf32>
          %swap3A_867 = arith.index_cast %add3A_825 : i32 to index
          %swap3A_868 = arith.constant 48 : index
          %swap3A_869 = tpu.vector_load %arg15[%swap3A_867, %swap3A_868] {strides = array<i32>} : memref<512x64xf32, #tpu.memory_space<vmem>>, vector<16xf32>,
          tpu.vector_store %arg15[%swap3A_867, %swap3A_868], %add3A_866 {strides = array<i32>} : memref<512x64xf32, #tpu.memory_space<vmem>>, vector<16xf32>,
          %broadcast_in_dim3A_870 = arith.constant 9 : i32
          %broadcast_in_dim3A_871 = vector.broadcast %broadcast_in_dim3A_870 : i32 to vector<16xi32>
          %reshape3A_872 = vector.shape_cast %broadcast_in_dim3A_871 : vector<16xi32> to vector<16x1xi32>
          %gather3A_873 = vector.shape_cast %reshape3A_872 : vector<16x1xi32> to vector<16xi32>
          %gather3A_874 = tpu.dynamic_gather %mul3A_301[%gather3A_873] in [0] : vector<16xi32>, vector<16xi32> -> vector<16xi32>
          %broadcast_in_dim3A_875 = arith.constant 9 : i32
          %broadcast_in_dim3A_876 = vector.broadcast %broadcast_in_dim3A_875 : i32 to vector<16xi32>
          %reshape3A_877 = vector.shape_cast %broadcast_in_dim3A_876 : vector<16xi32> to vector<16x1xi32>
          %gather3A_878 = vector.shape_cast %reshape3A_877 : vector<16x1xi32> to vector<16xi32>
          %gather3A_879 = tpu.dynamic_gather %mul3A_298[%gather3A_878] in [0] : vector<16xf32>, vector<16xi32> -> vector<16xf32>
          %broadcast_in_dim3A_880 = arith.constant 9 : i32
          %broadcast_in_dim3A_881 = vector.broadcast %broadcast_in_dim3A_880 : i32 to vector<16xi32>
          %reshape3A_882 = vector.shape_cast %broadcast_in_dim3A_881 : vector<16xi32> to vector<16x1xi32>
          %gather3A_883 = vector.shape_cast %reshape3A_882 : vector<16x1xi32> to vector<16xi32>
          %gather3A_884 = tpu.dynamic_gather %get3A_291[%gather3A_883] in [0] : vector<16xf32>, vector<16xi32> -> vector<16xf32>
          %add3A_885 = arith.constant 9 : i32
          %add3A_886 = arith.addi %mul3A_316, %add3A_885 : i32
          %get3A_887 = arith.index_cast %add3A_886 : i32 to index
          %get3A_888 = arith.constant 0 : index
          %get3A_889 = tpu.vector_load %arg15[%get3A_887, %get3A_888] {strides = array<i32>} : memref<512x64xf32, #tpu.memory_space<vmem>>, vector<16xf32>,
          %add3A_890 = arith.addi %gather3A_874, %add3A_5 : vector<16xi32>
          %gather3A_891 = tpu.vector_load_idx %arg16[%add3A_890] : memref<12800xf32, #tpu.memory_space<vmem>>[vector<16xi32>], vector<16xf32>,
          %mul3A_892 = arith.mulf %get3A_889, %gather3A_879 : vector<16xf32>
          %mul3A_893 = arith.mulf %gather3A_891, %gather3A_884 : vector<16xf32>
          %add3A_894 = arith.addf %mul3A_892, %mul3A_893 : vector<16xf32>
          %swap3A_895 = arith.index_cast %add3A_886 : i32 to index
          %swap3A_896 = arith.constant 0 : index
          %swap3A_897 = tpu.vector_load %arg15[%swap3A_895, %swap3A_896] {strides = array<i32>} : memref<512x64xf32, #tpu.memory_space<vmem>>, vector<16xf32>,
          tpu.vector_store %arg15[%swap3A_895, %swap3A_896], %add3A_894 {strides = array<i32>} : memref<512x64xf32, #tpu.memory_space<vmem>>, vector<16xf32>,
          %get3A_898 = arith.index_cast %add3A_886 : i32 to index
          %get3A_899 = arith.constant 16 : index
          %get3A_900 = tpu.vector_load %arg15[%get3A_898, %get3A_899] {strides = array<i32>} : memref<512x64xf32, #tpu.memory_space<vmem>>, vector<16xf32>,
          %add3A_901 = arith.addi %gather3A_874, %add3A_8 : vector<16xi32>
          %gather3A_902 = tpu.vector_load_idx %arg16[%add3A_901] : memref<12800xf32, #tpu.memory_space<vmem>>[vector<16xi32>], vector<16xf32>,
          %mul3A_903 = arith.mulf %get3A_900, %gather3A_879 : vector<16xf32>
          %mul3A_904 = arith.mulf %gather3A_902, %gather3A_884 : vector<16xf32>
          %add3A_905 = arith.addf %mul3A_903, %mul3A_904 : vector<16xf32>
          %swap3A_906 = arith.index_cast %add3A_886 : i32 to index
          %swap3A_907 = arith.constant 16 : index
          %swap3A_908 = tpu.vector_load %arg15[%swap3A_906, %swap3A_907] {strides = array<i32>} : memref<512x64xf32, #tpu.memory_space<vmem>>, vector<16xf32>,
          tpu.vector_store %arg15[%swap3A_906, %swap3A_907], %add3A_905 {strides = array<i32>} : memref<512x64xf32, #tpu.memory_space<vmem>>, vector<16xf32>,
          %get3A_909 = arith.index_cast %add3A_886 : i32 to index
          %get3A_910 = arith.constant 32 : index
          %get3A_911 = tpu.vector_load %arg15[%get3A_909, %get3A_910] {strides = array<i32>} : memref<512x64xf32, #tpu.memory_space<vmem>>, vector<16xf32>,
          %add3A_912 = arith.addi %gather3A_874, %add3A_11 : vector<16xi32>
          %gather3A_913 = tpu.vector_load_idx %arg16[%add3A_912] : memref<12800xf32, #tpu.memory_space<vmem>>[vector<16xi32>], vector<16xf32>,
          %mul3A_914 = arith.mulf %get3A_911, %gather3A_879 : vector<16xf32>
          %mul3A_915 = arith.mulf %gather3A_913, %gather3A_884 : vector<16xf32>
          %add3A_916 = arith.addf %mul3A_914, %mul3A_915 : vector<16xf32>
          %swap3A_917 = arith.index_cast %add3A_886 : i32 to index
          %swap3A_918 = arith.constant 32 : index
          %swap3A_919 = tpu.vector_load %arg15[%swap3A_917, %swap3A_918] {strides = array<i32>} : memref<512x64xf32, #tpu.memory_space<vmem>>, vector<16xf32>,
          tpu.vector_store %arg15[%swap3A_917, %swap3A_918], %add3A_916 {strides = array<i32>} : memref<512x64xf32, #tpu.memory_space<vmem>>, vector<16xf32>,
          %get3A_920 = arith.index_cast %add3A_886 : i32 to index
          %get3A_921 = arith.constant 48 : index
          %get3A_922 = tpu.vector_load %arg15[%get3A_920, %get3A_921] {strides = array<i32>} : memref<512x64xf32, #tpu.memory_space<vmem>>, vector<16xf32>,
          %add3A_923 = arith.addi %gather3A_874, %add3A_14 : vector<16xi32>
          %gather3A_924 = tpu.vector_load_idx %arg16[%add3A_923] : memref<12800xf32, #tpu.memory_space<vmem>>[vector<16xi32>], vector<16xf32>,
          %mul3A_925 = arith.mulf %get3A_922, %gather3A_879 : vector<16xf32>
          %mul3A_926 = arith.mulf %gather3A_924, %gather3A_884 : vector<16xf32>
          %add3A_927 = arith.addf %mul3A_925, %mul3A_926 : vector<16xf32>
          %swap3A_928 = arith.index_cast %add3A_886 : i32 to index
          %swap3A_929 = arith.constant 48 : index
          %swap3A_930 = tpu.vector_load %arg15[%swap3A_928, %swap3A_929] {strides = array<i32>} : memref<512x64xf32, #tpu.memory_space<vmem>>, vector<16xf32>,
          tpu.vector_store %arg15[%swap3A_928, %swap3A_929], %add3A_927 {strides = array<i32>} : memref<512x64xf32, #tpu.memory_space<vmem>>, vector<16xf32>,
          %broadcast_in_dim3A_931 = arith.constant 10 : i32
          %broadcast_in_dim3A_932 = vector.broadcast %broadcast_in_dim3A_931 : i32 to vector<16xi32>
          %reshape3A_933 = vector.shape_cast %broadcast_in_dim3A_932 : vector<16xi32> to vector<16x1xi32>
          %gather3A_934 = vector.shape_cast %reshape3A_933 : vector<16x1xi32> to vector<16xi32>
          %gather3A_935 = tpu.dynamic_gather %mul3A_301[%gather3A_934] in [0] : vector<16xi32>, vector<16xi32> -> vector<16xi32>
          %broadcast_in_dim3A_936 = arith.constant 10 : i32
          %broadcast_in_dim3A_937 = vector.broadcast %broadcast_in_dim3A_936 : i32 to vector<16xi32>
          %reshape3A_938 = vector.shape_cast %broadcast_in_dim3A_937 : vector<16xi32> to vector<16x1xi32>
          %gather3A_939 = vector.shape_cast %reshape3A_938 : vector<16x1xi32> to vector<16xi32>
          %gather3A_940 = tpu.dynamic_gather %mul3A_298[%gather3A_939] in [0] : vector<16xf32>, vector<16xi32> -> vector<16xf32>
          %broadcast_in_dim3A_941 = arith.constant 10 : i32
          %broadcast_in_dim3A_942 = vector.broadcast %broadcast_in_dim3A_941 : i32 to vector<16xi32>
          %reshape3A_943 = vector.shape_cast %broadcast_in_dim3A_942 : vector<16xi32> to vector<16x1xi32>
          %gather3A_944 = vector.shape_cast %reshape3A_943 : vector<16x1xi32> to vector<16xi32>
          %gather3A_945 = tpu.dynamic_gather %get3A_291[%gather3A_944] in [0] : vector<16xf32>, vector<16xi32> -> vector<16xf32>
          %add3A_946 = arith.constant 10 : i32
          %add3A_947 = arith.addi %mul3A_316, %add3A_946 : i32
          %get3A_948 = arith.index_cast %add3A_947 : i32 to index
          %get3A_949 = arith.constant 0 : index
          %get3A_950 = tpu.vector_load %arg15[%get3A_948, %get3A_949] {strides = array<i32>} : memref<512x64xf32, #tpu.memory_space<vmem>>, vector<16xf32>,
          %add3A_951 = arith.addi %gather3A_935, %add3A_5 : vector<16xi32>
          %gather3A_952 = tpu.vector_load_idx %arg16[%add3A_951] : memref<12800xf32, #tpu.memory_space<vmem>>[vector<16xi32>], vector<16xf32>,
          %mul3A_953 = arith.mulf %get3A_950, %gather3A_940 : vector<16xf32>
          %mul3A_954 = arith.mulf %gather3A_952, %gather3A_945 : vector<16xf32>
          %add3A_955 = arith.addf %mul3A_953, %mul3A_954 : vector<16xf32>
          %swap3A_956 = arith.index_cast %add3A_947 : i32 to index
          %swap3A_957 = arith.constant 0 : index
          %swap3A_958 = tpu.vector_load %arg15[%swap3A_956, %swap3A_957] {strides = array<i32>} : memref<512x64xf32, #tpu.memory_space<vmem>>, vector<16xf32>,
          tpu.vector_store %arg15[%swap3A_956, %swap3A_957], %add3A_955 {strides = array<i32>} : memref<512x64xf32, #tpu.memory_space<vmem>>, vector<16xf32>,
          %get3A_959 = arith.index_cast %add3A_947 : i32 to index
          %get3A_960 = arith.constant 16 : index
          %get3A_961 = tpu.vector_load %arg15[%get3A_959, %get3A_960] {strides = array<i32>} : memref<512x64xf32, #tpu.memory_space<vmem>>, vector<16xf32>,
          %add3A_962 = arith.addi %gather3A_935, %add3A_8 : vector<16xi32>
          %gather3A_963 = tpu.vector_load_idx %arg16[%add3A_962] : memref<12800xf32, #tpu.memory_space<vmem>>[vector<16xi32>], vector<16xf32>,
          %mul3A_964 = arith.mulf %get3A_961, %gather3A_940 : vector<16xf32>
          %mul3A_965 = arith.mulf %gather3A_963, %gather3A_945 : vector<16xf32>
          %add3A_966 = arith.addf %mul3A_964, %mul3A_965 : vector<16xf32>
          %swap3A_967 = arith.index_cast %add3A_947 : i32 to index
          %swap3A_968 = arith.constant 16 : index
          %swap3A_969 = tpu.vector_load %arg15[%swap3A_967, %swap3A_968] {strides = array<i32>} : memref<512x64xf32, #tpu.memory_space<vmem>>, vector<16xf32>,
          tpu.vector_store %arg15[%swap3A_967, %swap3A_968], %add3A_966 {strides = array<i32>} : memref<512x64xf32, #tpu.memory_space<vmem>>, vector<16xf32>,
          %get3A_970 = arith.index_cast %add3A_947 : i32 to index
          %get3A_971 = arith.constant 32 : index
          %get3A_972 = tpu.vector_load %arg15[%get3A_970, %get3A_971] {strides = array<i32>} : memref<512x64xf32, #tpu.memory_space<vmem>>, vector<16xf32>,
          %add3A_973 = arith.addi %gather3A_935, %add3A_11 : vector<16xi32>
          %gather3A_974 = tpu.vector_load_idx %arg16[%add3A_973] : memref<12800xf32, #tpu.memory_space<vmem>>[vector<16xi32>], vector<16xf32>,
          %mul3A_975 = arith.mulf %get3A_972, %gather3A_940 : vector<16xf32>
          %mul3A_976 = arith.mulf %gather3A_974, %gather3A_945 : vector<16xf32>
          %add3A_977 = arith.addf %mul3A_975, %mul3A_976 : vector<16xf32>
          %swap3A_978 = arith.index_cast %add3A_947 : i32 to index
          %swap3A_979 = arith.constant 32 : index
          %swap3A_980 = tpu.vector_load %arg15[%swap3A_978, %swap3A_979] {strides = array<i32>} : memref<512x64xf32, #tpu.memory_space<vmem>>, vector<16xf32>,
          tpu.vector_store %arg15[%swap3A_978, %swap3A_979], %add3A_977 {strides = array<i32>} : memref<512x64xf32, #tpu.memory_space<vmem>>, vector<16xf32>,
          %get3A_981 = arith.index_cast %add3A_947 : i32 to index
          %get3A_982 = arith.constant 48 : index
          %get3A_983 = tpu.vector_load %arg15[%get3A_981, %get3A_982] {strides = array<i32>} : memref<512x64xf32, #tpu.memory_space<vmem>>, vector<16xf32>,
          %add3A_984 = arith.addi %gather3A_935, %add3A_14 : vector<16xi32>
          %gather3A_985 = tpu.vector_load_idx %arg16[%add3A_984] : memref<12800xf32, #tpu.memory_space<vmem>>[vector<16xi32>], vector<16xf32>,
          %mul3A_986 = arith.mulf %get3A_983, %gather3A_940 : vector<16xf32>
          %mul3A_987 = arith.mulf %gather3A_985, %gather3A_945 : vector<16xf32>
          %add3A_988 = arith.addf %mul3A_986, %mul3A_987 : vector<16xf32>
          %swap3A_989 = arith.index_cast %add3A_947 : i32 to index
          %swap3A_990 = arith.constant 48 : index
          %swap3A_991 = tpu.vector_load %arg15[%swap3A_989, %swap3A_990] {strides = array<i32>} : memref<512x64xf32, #tpu.memory_space<vmem>>, vector<16xf32>,
          tpu.vector_store %arg15[%swap3A_989, %swap3A_990], %add3A_988 {strides = array<i32>} : memref<512x64xf32, #tpu.memory_space<vmem>>, vector<16xf32>,
          %broadcast_in_dim3A_992 = arith.constant 11 : i32
          %broadcast_in_dim3A_993 = vector.broadcast %broadcast_in_dim3A_992 : i32 to vector<16xi32>
          %reshape3A_994 = vector.shape_cast %broadcast_in_dim3A_993 : vector<16xi32> to vector<16x1xi32>
          %gather3A_995 = vector.shape_cast %reshape3A_994 : vector<16x1xi32> to vector<16xi32>
          %gather3A_996 = tpu.dynamic_gather %mul3A_301[%gather3A_995] in [0] : vector<16xi32>, vector<16xi32> -> vector<16xi32>
          %broadcast_in_dim3A_997 = arith.constant 11 : i32
          %broadcast_in_dim3A_998 = vector.broadcast %broadcast_in_dim3A_997 : i32 to vector<16xi32>
          %reshape3A_999 = vector.shape_cast %broadcast_in_dim3A_998 : vector<16xi32> to vector<16x1xi32>
          %gather3A_1000 = vector.shape_cast %reshape3A_999 : vector<16x1xi32> to vector<16xi32>
          %gather3A_1001 = tpu.dynamic_gather %mul3A_298[%gather3A_1000] in [0] : vector<16xf32>, vector<16xi32> -> vector<16xf32>
          %broadcast_in_dim3A_1002 = arith.constant 11 : i32
          %broadcast_in_dim3A_1003 = vector.broadcast %broadcast_in_dim3A_1002 : i32 to vector<16xi32>
          %reshape3A_1004 = vector.shape_cast %broadcast_in_dim3A_1003 : vector<16xi32> to vector<16x1xi32>
          %gather3A_1005 = vector.shape_cast %reshape3A_1004 : vector<16x1xi32> to vector<16xi32>
          %gather3A_1006 = tpu.dynamic_gather %get3A_291[%gather3A_1005] in [0] : vector<16xf32>, vector<16xi32> -> vector<16xf32>
          %add3A_1007 = arith.constant 11 : i32
          %add3A_1008 = arith.addi %mul3A_316, %add3A_1007 : i32
          %get3A_1009 = arith.index_cast %add3A_1008 : i32 to index
          %get3A_1010 = arith.constant 0 : index
          %get3A_1011 = tpu.vector_load %arg15[%get3A_1009, %get3A_1010] {strides = array<i32>} : memref<512x64xf32, #tpu.memory_space<vmem>>, vector<16xf32>,
          %add3A_1012 = arith.addi %gather3A_996, %add3A_5 : vector<16xi32>
          %gather3A_1013 = tpu.vector_load_idx %arg16[%add3A_1012] : memref<12800xf32, #tpu.memory_space<vmem>>[vector<16xi32>], vector<16xf32>,
          %mul3A_1014 = arith.mulf %get3A_1011, %gather3A_1001 : vector<16xf32>
          %mul3A_1015 = arith.mulf %gather3A_1013, %gather3A_1006 : vector<16xf32>
          %add3A_1016 = arith.addf %mul3A_1014, %mul3A_1015 : vector<16xf32>
          %swap3A_1017 = arith.index_cast %add3A_1008 : i32 to index
          %swap3A_1018 = arith.constant 0 : index
          %swap3A_1019 = tpu.vector_load %arg15[%swap3A_1017, %swap3A_1018] {strides = array<i32>} : memref<512x64xf32, #tpu.memory_space<vmem>>, vector<16xf32>,
          tpu.vector_store %arg15[%swap3A_1017, %swap3A_1018], %add3A_1016 {strides = array<i32>} : memref<512x64xf32, #tpu.memory_space<vmem>>, vector<16xf32>,
          %get3A_1020 = arith.index_cast %add3A_1008 : i32 to index
          %get3A_1021 = arith.constant 16 : index
          %get3A_1022 = tpu.vector_load %arg15[%get3A_1020, %get3A_1021] {strides = array<i32>} : memref<512x64xf32, #tpu.memory_space<vmem>>, vector<16xf32>,
          %add3A_1023 = arith.addi %gather3A_996, %add3A_8 : vector<16xi32>
          %gather3A_1024 = tpu.vector_load_idx %arg16[%add3A_1023] : memref<12800xf32, #tpu.memory_space<vmem>>[vector<16xi32>], vector<16xf32>,
          %mul3A_1025 = arith.mulf %get3A_1022, %gather3A_1001 : vector<16xf32>
          %mul3A_1026 = arith.mulf %gather3A_1024, %gather3A_1006 : vector<16xf32>
          %add3A_1027 = arith.addf %mul3A_1025, %mul3A_1026 : vector<16xf32>
          %swap3A_1028 = arith.index_cast %add3A_1008 : i32 to index
          %swap3A_1029 = arith.constant 16 : index
          %swap3A_1030 = tpu.vector_load %arg15[%swap3A_1028, %swap3A_1029] {strides = array<i32>} : memref<512x64xf32, #tpu.memory_space<vmem>>, vector<16xf32>,
          tpu.vector_store %arg15[%swap3A_1028, %swap3A_1029], %add3A_1027 {strides = array<i32>} : memref<512x64xf32, #tpu.memory_space<vmem>>, vector<16xf32>,
          %get3A_1031 = arith.index_cast %add3A_1008 : i32 to index
          %get3A_1032 = arith.constant 32 : index
          %get3A_1033 = tpu.vector_load %arg15[%get3A_1031, %get3A_1032] {strides = array<i32>} : memref<512x64xf32, #tpu.memory_space<vmem>>, vector<16xf32>,
          %add3A_1034 = arith.addi %gather3A_996, %add3A_11 : vector<16xi32>
          %gather3A_1035 = tpu.vector_load_idx %arg16[%add3A_1034] : memref<12800xf32, #tpu.memory_space<vmem>>[vector<16xi32>], vector<16xf32>,
          %mul3A_1036 = arith.mulf %get3A_1033, %gather3A_1001 : vector<16xf32>
          %mul3A_1037 = arith.mulf %gather3A_1035, %gather3A_1006 : vector<16xf32>
          %add3A_1038 = arith.addf %mul3A_1036, %mul3A_1037 : vector<16xf32>
          %swap3A_1039 = arith.index_cast %add3A_1008 : i32 to index
          %swap3A_1040 = arith.constant 32 : index
          %swap3A_1041 = tpu.vector_load %arg15[%swap3A_1039, %swap3A_1040] {strides = array<i32>} : memref<512x64xf32, #tpu.memory_space<vmem>>, vector<16xf32>,
          tpu.vector_store %arg15[%swap3A_1039, %swap3A_1040], %add3A_1038 {strides = array<i32>} : memref<512x64xf32, #tpu.memory_space<vmem>>, vector<16xf32>,
          %get3A_1042 = arith.index_cast %add3A_1008 : i32 to index
          %get3A_1043 = arith.constant 48 : index
          %get3A_1044 = tpu.vector_load %arg15[%get3A_1042, %get3A_1043] {strides = array<i32>} : memref<512x64xf32, #tpu.memory_space<vmem>>, vector<16xf32>,
          %add3A_1045 = arith.addi %gather3A_996, %add3A_14 : vector<16xi32>
          %gather3A_1046 = tpu.vector_load_idx %arg16[%add3A_1045] : memref<12800xf32, #tpu.memory_space<vmem>>[vector<16xi32>], vector<16xf32>,
          %mul3A_1047 = arith.mulf %get3A_1044, %gather3A_1001 : vector<16xf32>
          %mul3A_1048 = arith.mulf %gather3A_1046, %gather3A_1006 : vector<16xf32>
          %add3A_1049 = arith.addf %mul3A_1047, %mul3A_1048 : vector<16xf32>
          %swap3A_1050 = arith.index_cast %add3A_1008 : i32 to index
          %swap3A_1051 = arith.constant 48 : index
          %swap3A_1052 = tpu.vector_load %arg15[%swap3A_1050, %swap3A_1051] {strides = array<i32>} : memref<512x64xf32, #tpu.memory_space<vmem>>, vector<16xf32>,
          tpu.vector_store %arg15[%swap3A_1050, %swap3A_1051], %add3A_1049 {strides = array<i32>} : memref<512x64xf32, #tpu.memory_space<vmem>>, vector<16xf32>,
          %broadcast_in_dim3A_1053 = arith.constant 12 : i32
          %broadcast_in_dim3A_1054 = vector.broadcast %broadcast_in_dim3A_1053 : i32 to vector<16xi32>
          %reshape3A_1055 = vector.shape_cast %broadcast_in_dim3A_1054 : vector<16xi32> to vector<16x1xi32>
          %gather3A_1056 = vector.shape_cast %reshape3A_1055 : vector<16x1xi32> to vector<16xi32>
          %gather3A_1057 = tpu.dynamic_gather %mul3A_301[%gather3A_1056] in [0] : vector<16xi32>, vector<16xi32> -> vector<16xi32>
          %broadcast_in_dim3A_1058 = arith.constant 12 : i32
          %broadcast_in_dim3A_1059 = vector.broadcast %broadcast_in_dim3A_1058 : i32 to vector<16xi32>
          %reshape3A_1060 = vector.shape_cast %broadcast_in_dim3A_1059 : vector<16xi32> to vector<16x1xi32>
          %gather3A_1061 = vector.shape_cast %reshape3A_1060 : vector<16x1xi32> to vector<16xi32>
          %gather3A_1062 = tpu.dynamic_gather %mul3A_298[%gather3A_1061] in [0] : vector<16xf32>, vector<16xi32> -> vector<16xf32>
          %broadcast_in_dim3A_1063 = arith.constant 12 : i32
          %broadcast_in_dim3A_1064 = vector.broadcast %broadcast_in_dim3A_1063 : i32 to vector<16xi32>
          %reshape3A_1065 = vector.shape_cast %broadcast_in_dim3A_1064 : vector<16xi32> to vector<16x1xi32>
          %gather3A_1066 = vector.shape_cast %reshape3A_1065 : vector<16x1xi32> to vector<16xi32>
          %gather3A_1067 = tpu.dynamic_gather %get3A_291[%gather3A_1066] in [0] : vector<16xf32>, vector<16xi32> -> vector<16xf32>
          %add3A_1068 = arith.constant 12 : i32
          %add3A_1069 = arith.addi %mul3A_316, %add3A_1068 : i32
          %get3A_1070 = arith.index_cast %add3A_1069 : i32 to index
          %get3A_1071 = arith.constant 0 : index
          %get3A_1072 = tpu.vector_load %arg15[%get3A_1070, %get3A_1071] {strides = array<i32>} : memref<512x64xf32, #tpu.memory_space<vmem>>, vector<16xf32>,
          %add3A_1073 = arith.addi %gather3A_1057, %add3A_5 : vector<16xi32>
          %gather3A_1074 = tpu.vector_load_idx %arg16[%add3A_1073] : memref<12800xf32, #tpu.memory_space<vmem>>[vector<16xi32>], vector<16xf32>,
          %mul3A_1075 = arith.mulf %get3A_1072, %gather3A_1062 : vector<16xf32>
          %mul3A_1076 = arith.mulf %gather3A_1074, %gather3A_1067 : vector<16xf32>
          %add3A_1077 = arith.addf %mul3A_1075, %mul3A_1076 : vector<16xf32>
          %swap3A_1078 = arith.index_cast %add3A_1069 : i32 to index
          %swap3A_1079 = arith.constant 0 : index
          %swap3A_1080 = tpu.vector_load %arg15[%swap3A_1078, %swap3A_1079] {strides = array<i32>} : memref<512x64xf32, #tpu.memory_space<vmem>>, vector<16xf32>,
          tpu.vector_store %arg15[%swap3A_1078, %swap3A_1079], %add3A_1077 {strides = array<i32>} : memref<512x64xf32, #tpu.memory_space<vmem>>, vector<16xf32>,
          %get3A_1081 = arith.index_cast %add3A_1069 : i32 to index
          %get3A_1082 = arith.constant 16 : index
          %get3A_1083 = tpu.vector_load %arg15[%get3A_1081, %get3A_1082] {strides = array<i32>} : memref<512x64xf32, #tpu.memory_space<vmem>>, vector<16xf32>,
          %add3A_1084 = arith.addi %gather3A_1057, %add3A_8 : vector<16xi32>
          %gather3A_1085 = tpu.vector_load_idx %arg16[%add3A_1084] : memref<12800xf32, #tpu.memory_space<vmem>>[vector<16xi32>], vector<16xf32>,
          %mul3A_1086 = arith.mulf %get3A_1083, %gather3A_1062 : vector<16xf32>
          %mul3A_1087 = arith.mulf %gather3A_1085, %gather3A_1067 : vector<16xf32>
          %add3A_1088 = arith.addf %mul3A_1086, %mul3A_1087 : vector<16xf32>
          %swap3A_1089 = arith.index_cast %add3A_1069 : i32 to index
          %swap3A_1090 = arith.constant 16 : index
          %swap3A_1091 = tpu.vector_load %arg15[%swap3A_1089, %swap3A_1090] {strides = array<i32>} : memref<512x64xf32, #tpu.memory_space<vmem>>, vector<16xf32>,
          tpu.vector_store %arg15[%swap3A_1089, %swap3A_1090], %add3A_1088 {strides = array<i32>} : memref<512x64xf32, #tpu.memory_space<vmem>>, vector<16xf32>,
          %get3A_1092 = arith.index_cast %add3A_1069 : i32 to index
          %get3A_1093 = arith.constant 32 : index
          %get3A_1094 = tpu.vector_load %arg15[%get3A_1092, %get3A_1093] {strides = array<i32>} : memref<512x64xf32, #tpu.memory_space<vmem>>, vector<16xf32>,
          %add3A_1095 = arith.addi %gather3A_1057, %add3A_11 : vector<16xi32>
          %gather3A_1096 = tpu.vector_load_idx %arg16[%add3A_1095] : memref<12800xf32, #tpu.memory_space<vmem>>[vector<16xi32>], vector<16xf32>,
          %mul3A_1097 = arith.mulf %get3A_1094, %gather3A_1062 : vector<16xf32>
          %mul3A_1098 = arith.mulf %gather3A_1096, %gather3A_1067 : vector<16xf32>
          %add3A_1099 = arith.addf %mul3A_1097, %mul3A_1098 : vector<16xf32>
          %swap3A_1100 = arith.index_cast %add3A_1069 : i32 to index
          %swap3A_1101 = arith.constant 32 : index
          %swap3A_1102 = tpu.vector_load %arg15[%swap3A_1100, %swap3A_1101] {strides = array<i32>} : memref<512x64xf32, #tpu.memory_space<vmem>>, vector<16xf32>,
          tpu.vector_store %arg15[%swap3A_1100, %swap3A_1101], %add3A_1099 {strides = array<i32>} : memref<512x64xf32, #tpu.memory_space<vmem>>, vector<16xf32>,
          %get3A_1103 = arith.index_cast %add3A_1069 : i32 to index
          %get3A_1104 = arith.constant 48 : index
          %get3A_1105 = tpu.vector_load %arg15[%get3A_1103, %get3A_1104] {strides = array<i32>} : memref<512x64xf32, #tpu.memory_space<vmem>>, vector<16xf32>,
          %add3A_1106 = arith.addi %gather3A_1057, %add3A_14 : vector<16xi32>
          %gather3A_1107 = tpu.vector_load_idx %arg16[%add3A_1106] : memref<12800xf32, #tpu.memory_space<vmem>>[vector<16xi32>], vector<16xf32>,
          %mul3A_1108 = arith.mulf %get3A_1105, %gather3A_1062 : vector<16xf32>
          %mul3A_1109 = arith.mulf %gather3A_1107, %gather3A_1067 : vector<16xf32>
          %add3A_1110 = arith.addf %mul3A_1108, %mul3A_1109 : vector<16xf32>
          %swap3A_1111 = arith.index_cast %add3A_1069 : i32 to index
          %swap3A_1112 = arith.constant 48 : index
          %swap3A_1113 = tpu.vector_load %arg15[%swap3A_1111, %swap3A_1112] {strides = array<i32>} : memref<512x64xf32, #tpu.memory_space<vmem>>, vector<16xf32>,
          tpu.vector_store %arg15[%swap3A_1111, %swap3A_1112], %add3A_1110 {strides = array<i32>} : memref<512x64xf32, #tpu.memory_space<vmem>>, vector<16xf32>,
          %broadcast_in_dim3A_1114 = arith.constant 13 : i32
          %broadcast_in_dim3A_1115 = vector.broadcast %broadcast_in_dim3A_1114 : i32 to vector<16xi32>
          %reshape3A_1116 = vector.shape_cast %broadcast_in_dim3A_1115 : vector<16xi32> to vector<16x1xi32>
          %gather3A_1117 = vector.shape_cast %reshape3A_1116 : vector<16x1xi32> to vector<16xi32>
          %gather3A_1118 = tpu.dynamic_gather %mul3A_301[%gather3A_1117] in [0] : vector<16xi32>, vector<16xi32> -> vector<16xi32>
          %broadcast_in_dim3A_1119 = arith.constant 13 : i32
          %broadcast_in_dim3A_1120 = vector.broadcast %broadcast_in_dim3A_1119 : i32 to vector<16xi32>
          %reshape3A_1121 = vector.shape_cast %broadcast_in_dim3A_1120 : vector<16xi32> to vector<16x1xi32>
          %gather3A_1122 = vector.shape_cast %reshape3A_1121 : vector<16x1xi32> to vector<16xi32>
          %gather3A_1123 = tpu.dynamic_gather %mul3A_298[%gather3A_1122] in [0] : vector<16xf32>, vector<16xi32> -> vector<16xf32>
          %broadcast_in_dim3A_1124 = arith.constant 13 : i32
          %broadcast_in_dim3A_1125 = vector.broadcast %broadcast_in_dim3A_1124 : i32 to vector<16xi32>
          %reshape3A_1126 = vector.shape_cast %broadcast_in_dim3A_1125 : vector<16xi32> to vector<16x1xi32>
          %gather3A_1127 = vector.shape_cast %reshape3A_1126 : vector<16x1xi32> to vector<16xi32>
          %gather3A_1128 = tpu.dynamic_gather %get3A_291[%gather3A_1127] in [0] : vector<16xf32>, vector<16xi32> -> vector<16xf32>
          %add3A_1129 = arith.constant 13 : i32
          %add3A_1130 = arith.addi %mul3A_316, %add3A_1129 : i32
          %get3A_1131 = arith.index_cast %add3A_1130 : i32 to index
          %get3A_1132 = arith.constant 0 : index
          %get3A_1133 = tpu.vector_load %arg15[%get3A_1131, %get3A_1132] {strides = array<i32>} : memref<512x64xf32, #tpu.memory_space<vmem>>, vector<16xf32>,
          %add3A_1134 = arith.addi %gather3A_1118, %add3A_5 : vector<16xi32>
          %gather3A_1135 = tpu.vector_load_idx %arg16[%add3A_1134] : memref<12800xf32, #tpu.memory_space<vmem>>[vector<16xi32>], vector<16xf32>,
          %mul3A_1136 = arith.mulf %get3A_1133, %gather3A_1123 : vector<16xf32>
          %mul3A_1137 = arith.mulf %gather3A_1135, %gather3A_1128 : vector<16xf32>
          %add3A_1138 = arith.addf %mul3A_1136, %mul3A_1137 : vector<16xf32>
          %swap3A_1139 = arith.index_cast %add3A_1130 : i32 to index
          %swap3A_1140 = arith.constant 0 : index
          %swap3A_1141 = tpu.vector_load %arg15[%swap3A_1139, %swap3A_1140] {strides = array<i32>} : memref<512x64xf32, #tpu.memory_space<vmem>>, vector<16xf32>,
          tpu.vector_store %arg15[%swap3A_1139, %swap3A_1140], %add3A_1138 {strides = array<i32>} : memref<512x64xf32, #tpu.memory_space<vmem>>, vector<16xf32>,
          %get3A_1142 = arith.index_cast %add3A_1130 : i32 to index
          %get3A_1143 = arith.constant 16 : index
          %get3A_1144 = tpu.vector_load %arg15[%get3A_1142, %get3A_1143] {strides = array<i32>} : memref<512x64xf32, #tpu.memory_space<vmem>>, vector<16xf32>,
          %add3A_1145 = arith.addi %gather3A_1118, %add3A_8 : vector<16xi32>
          %gather3A_1146 = tpu.vector_load_idx %arg16[%add3A_1145] : memref<12800xf32, #tpu.memory_space<vmem>>[vector<16xi32>], vector<16xf32>,
          %mul3A_1147 = arith.mulf %get3A_1144, %gather3A_1123 : vector<16xf32>
          %mul3A_1148 = arith.mulf %gather3A_1146, %gather3A_1128 : vector<16xf32>
          %add3A_1149 = arith.addf %mul3A_1147, %mul3A_1148 : vector<16xf32>
          %swap3A_1150 = arith.index_cast %add3A_1130 : i32 to index
          %swap3A_1151 = arith.constant 16 : index
          %swap3A_1152 = tpu.vector_load %arg15[%swap3A_1150, %swap3A_1151] {strides = array<i32>} : memref<512x64xf32, #tpu.memory_space<vmem>>, vector<16xf32>,
          tpu.vector_store %arg15[%swap3A_1150, %swap3A_1151], %add3A_1149 {strides = array<i32>} : memref<512x64xf32, #tpu.memory_space<vmem>>, vector<16xf32>,
          %get3A_1153 = arith.index_cast %add3A_1130 : i32 to index
          %get3A_1154 = arith.constant 32 : index
          %get3A_1155 = tpu.vector_load %arg15[%get3A_1153, %get3A_1154] {strides = array<i32>} : memref<512x64xf32, #tpu.memory_space<vmem>>, vector<16xf32>,
          %add3A_1156 = arith.addi %gather3A_1118, %add3A_11 : vector<16xi32>
          %gather3A_1157 = tpu.vector_load_idx %arg16[%add3A_1156] : memref<12800xf32, #tpu.memory_space<vmem>>[vector<16xi32>], vector<16xf32>,
          %mul3A_1158 = arith.mulf %get3A_1155, %gather3A_1123 : vector<16xf32>
          %mul3A_1159 = arith.mulf %gather3A_1157, %gather3A_1128 : vector<16xf32>
          %add3A_1160 = arith.addf %mul3A_1158, %mul3A_1159 : vector<16xf32>
          %swap3A_1161 = arith.index_cast %add3A_1130 : i32 to index
          %swap3A_1162 = arith.constant 32 : index
          %swap3A_1163 = tpu.vector_load %arg15[%swap3A_1161, %swap3A_1162] {strides = array<i32>} : memref<512x64xf32, #tpu.memory_space<vmem>>, vector<16xf32>,
          tpu.vector_store %arg15[%swap3A_1161, %swap3A_1162], %add3A_1160 {strides = array<i32>} : memref<512x64xf32, #tpu.memory_space<vmem>>, vector<16xf32>,
          %get3A_1164 = arith.index_cast %add3A_1130 : i32 to index
          %get3A_1165 = arith.constant 48 : index
          %get3A_1166 = tpu.vector_load %arg15[%get3A_1164, %get3A_1165] {strides = array<i32>} : memref<512x64xf32, #tpu.memory_space<vmem>>, vector<16xf32>,
          %add3A_1167 = arith.addi %gather3A_1118, %add3A_14 : vector<16xi32>
          %gather3A_1168 = tpu.vector_load_idx %arg16[%add3A_1167] : memref<12800xf32, #tpu.memory_space<vmem>>[vector<16xi32>], vector<16xf32>,
          %mul3A_1169 = arith.mulf %get3A_1166, %gather3A_1123 : vector<16xf32>
          %mul3A_1170 = arith.mulf %gather3A_1168, %gather3A_1128 : vector<16xf32>
          %add3A_1171 = arith.addf %mul3A_1169, %mul3A_1170 : vector<16xf32>
          %swap3A_1172 = arith.index_cast %add3A_1130 : i32 to index
          %swap3A_1173 = arith.constant 48 : index
          %swap3A_1174 = tpu.vector_load %arg15[%swap3A_1172, %swap3A_1173] {strides = array<i32>} : memref<512x64xf32, #tpu.memory_space<vmem>>, vector<16xf32>,
          tpu.vector_store %arg15[%swap3A_1172, %swap3A_1173], %add3A_1171 {strides = array<i32>} : memref<512x64xf32, #tpu.memory_space<vmem>>, vector<16xf32>,
          %broadcast_in_dim3A_1175 = arith.constant 14 : i32
          %broadcast_in_dim3A_1176 = vector.broadcast %broadcast_in_dim3A_1175 : i32 to vector<16xi32>
          %reshape3A_1177 = vector.shape_cast %broadcast_in_dim3A_1176 : vector<16xi32> to vector<16x1xi32>
          %gather3A_1178 = vector.shape_cast %reshape3A_1177 : vector<16x1xi32> to vector<16xi32>
          %gather3A_1179 = tpu.dynamic_gather %mul3A_301[%gather3A_1178] in [0] : vector<16xi32>, vector<16xi32> -> vector<16xi32>
          %broadcast_in_dim3A_1180 = arith.constant 14 : i32
          %broadcast_in_dim3A_1181 = vector.broadcast %broadcast_in_dim3A_1180 : i32 to vector<16xi32>
          %reshape3A_1182 = vector.shape_cast %broadcast_in_dim3A_1181 : vector<16xi32> to vector<16x1xi32>
          %gather3A_1183 = vector.shape_cast %reshape3A_1182 : vector<16x1xi32> to vector<16xi32>
          %gather3A_1184 = tpu.dynamic_gather %mul3A_298[%gather3A_1183] in [0] : vector<16xf32>, vector<16xi32> -> vector<16xf32>
          %broadcast_in_dim3A_1185 = arith.constant 14 : i32
          %broadcast_in_dim3A_1186 = vector.broadcast %broadcast_in_dim3A_1185 : i32 to vector<16xi32>
          %reshape3A_1187 = vector.shape_cast %broadcast_in_dim3A_1186 : vector<16xi32> to vector<16x1xi32>
          %gather3A_1188 = vector.shape_cast %reshape3A_1187 : vector<16x1xi32> to vector<16xi32>
          %gather3A_1189 = tpu.dynamic_gather %get3A_291[%gather3A_1188] in [0] : vector<16xf32>, vector<16xi32> -> vector<16xf32>
          %add3A_1190 = arith.constant 14 : i32
          %add3A_1191 = arith.addi %mul3A_316, %add3A_1190 : i32
          %get3A_1192 = arith.index_cast %add3A_1191 : i32 to index
          %get3A_1193 = arith.constant 0 : index
          %get3A_1194 = tpu.vector_load %arg15[%get3A_1192, %get3A_1193] {strides = array<i32>} : memref<512x64xf32, #tpu.memory_space<vmem>>, vector<16xf32>,
          %add3A_1195 = arith.addi %gather3A_1179, %add3A_5 : vector<16xi32>
          %gather3A_1196 = tpu.vector_load_idx %arg16[%add3A_1195] : memref<12800xf32, #tpu.memory_space<vmem>>[vector<16xi32>], vector<16xf32>,
          %mul3A_1197 = arith.mulf %get3A_1194, %gather3A_1184 : vector<16xf32>
          %mul3A_1198 = arith.mulf %gather3A_1196, %gather3A_1189 : vector<16xf32>
          %add3A_1199 = arith.addf %mul3A_1197, %mul3A_1198 : vector<16xf32>
          %swap3A_1200 = arith.index_cast %add3A_1191 : i32 to index
          %swap3A_1201 = arith.constant 0 : index
          %swap3A_1202 = tpu.vector_load %arg15[%swap3A_1200, %swap3A_1201] {strides = array<i32>} : memref<512x64xf32, #tpu.memory_space<vmem>>, vector<16xf32>,
          tpu.vector_store %arg15[%swap3A_1200, %swap3A_1201], %add3A_1199 {strides = array<i32>} : memref<512x64xf32, #tpu.memory_space<vmem>>, vector<16xf32>,
          %get3A_1203 = arith.index_cast %add3A_1191 : i32 to index
          %get3A_1204 = arith.constant 16 : index
          %get3A_1205 = tpu.vector_load %arg15[%get3A_1203, %get3A_1204] {strides = array<i32>} : memref<512x64xf32, #tpu.memory_space<vmem>>, vector<16xf32>,
          %add3A_1206 = arith.addi %gather3A_1179, %add3A_8 : vector<16xi32>
          %gather3A_1207 = tpu.vector_load_idx %arg16[%add3A_1206] : memref<12800xf32, #tpu.memory_space<vmem>>[vector<16xi32>], vector<16xf32>,
          %mul3A_1208 = arith.mulf %get3A_1205, %gather3A_1184 : vector<16xf32>
          %mul3A_1209 = arith.mulf %gather3A_1207, %gather3A_1189 : vector<16xf32>
          %add3A_1210 = arith.addf %mul3A_1208, %mul3A_1209 : vector<16xf32>
          %swap3A_1211 = arith.index_cast %add3A_1191 : i32 to index
          %swap3A_1212 = arith.constant 16 : index
          %swap3A_1213 = tpu.vector_load %arg15[%swap3A_1211, %swap3A_1212] {strides = array<i32>} : memref<512x64xf32, #tpu.memory_space<vmem>>, vector<16xf32>,
          tpu.vector_store %arg15[%swap3A_1211, %swap3A_1212], %add3A_1210 {strides = array<i32>} : memref<512x64xf32, #tpu.memory_space<vmem>>, vector<16xf32>,
          %get3A_1214 = arith.index_cast %add3A_1191 : i32 to index
          %get3A_1215 = arith.constant 32 : index
          %get3A_1216 = tpu.vector_load %arg15[%get3A_1214, %get3A_1215] {strides = array<i32>} : memref<512x64xf32, #tpu.memory_space<vmem>>, vector<16xf32>,
          %add3A_1217 = arith.addi %gather3A_1179, %add3A_11 : vector<16xi32>
          %gather3A_1218 = tpu.vector_load_idx %arg16[%add3A_1217] : memref<12800xf32, #tpu.memory_space<vmem>>[vector<16xi32>], vector<16xf32>,
          %mul3A_1219 = arith.mulf %get3A_1216, %gather3A_1184 : vector<16xf32>
          %mul3A_1220 = arith.mulf %gather3A_1218, %gather3A_1189 : vector<16xf32>
          %add3A_1221 = arith.addf %mul3A_1219, %mul3A_1220 : vector<16xf32>
          %swap3A_1222 = arith.index_cast %add3A_1191 : i32 to index
          %swap3A_1223 = arith.constant 32 : index
          %swap3A_1224 = tpu.vector_load %arg15[%swap3A_1222, %swap3A_1223] {strides = array<i32>} : memref<512x64xf32, #tpu.memory_space<vmem>>, vector<16xf32>,
          tpu.vector_store %arg15[%swap3A_1222, %swap3A_1223], %add3A_1221 {strides = array<i32>} : memref<512x64xf32, #tpu.memory_space<vmem>>, vector<16xf32>,
          %get3A_1225 = arith.index_cast %add3A_1191 : i32 to index
          %get3A_1226 = arith.constant 48 : index
          %get3A_1227 = tpu.vector_load %arg15[%get3A_1225, %get3A_1226] {strides = array<i32>} : memref<512x64xf32, #tpu.memory_space<vmem>>, vector<16xf32>,
          %add3A_1228 = arith.addi %gather3A_1179, %add3A_14 : vector<16xi32>
          %gather3A_1229 = tpu.vector_load_idx %arg16[%add3A_1228] : memref<12800xf32, #tpu.memory_space<vmem>>[vector<16xi32>], vector<16xf32>,
          %mul3A_1230 = arith.mulf %get3A_1227, %gather3A_1184 : vector<16xf32>
          %mul3A_1231 = arith.mulf %gather3A_1229, %gather3A_1189 : vector<16xf32>
          %add3A_1232 = arith.addf %mul3A_1230, %mul3A_1231 : vector<16xf32>
          %swap3A_1233 = arith.index_cast %add3A_1191 : i32 to index
          %swap3A_1234 = arith.constant 48 : index
          %swap3A_1235 = tpu.vector_load %arg15[%swap3A_1233, %swap3A_1234] {strides = array<i32>} : memref<512x64xf32, #tpu.memory_space<vmem>>, vector<16xf32>,
          tpu.vector_store %arg15[%swap3A_1233, %swap3A_1234], %add3A_1232 {strides = array<i32>} : memref<512x64xf32, #tpu.memory_space<vmem>>, vector<16xf32>,
          %broadcast_in_dim3A_1236 = arith.constant 15 : i32
          %broadcast_in_dim3A_1237 = vector.broadcast %broadcast_in_dim3A_1236 : i32 to vector<16xi32>
          %reshape3A_1238 = vector.shape_cast %broadcast_in_dim3A_1237 : vector<16xi32> to vector<16x1xi32>
          %gather3A_1239 = vector.shape_cast %reshape3A_1238 : vector<16x1xi32> to vector<16xi32>
          %gather3A_1240 = tpu.dynamic_gather %mul3A_301[%gather3A_1239] in [0] : vector<16xi32>, vector<16xi32> -> vector<16xi32>
          %broadcast_in_dim3A_1241 = arith.constant 15 : i32
          %broadcast_in_dim3A_1242 = vector.broadcast %broadcast_in_dim3A_1241 : i32 to vector<16xi32>
          %reshape3A_1243 = vector.shape_cast %broadcast_in_dim3A_1242 : vector<16xi32> to vector<16x1xi32>
          %gather3A_1244 = vector.shape_cast %reshape3A_1243 : vector<16x1xi32> to vector<16xi32>
          %gather3A_1245 = tpu.dynamic_gather %mul3A_298[%gather3A_1244] in [0] : vector<16xf32>, vector<16xi32> -> vector<16xf32>
          %broadcast_in_dim3A_1246 = arith.constant 15 : i32
          %broadcast_in_dim3A_1247 = vector.broadcast %broadcast_in_dim3A_1246 : i32 to vector<16xi32>
          %reshape3A_1248 = vector.shape_cast %broadcast_in_dim3A_1247 : vector<16xi32> to vector<16x1xi32>
          %gather3A_1249 = vector.shape_cast %reshape3A_1248 : vector<16x1xi32> to vector<16xi32>
          %gather3A_1250 = tpu.dynamic_gather %get3A_291[%gather3A_1249] in [0] : vector<16xf32>, vector<16xi32> -> vector<16xf32>
          %add3A_1251 = arith.constant 15 : i32
          %add3A_1252 = arith.addi %mul3A_316, %add3A_1251 : i32
          %get3A_1253 = arith.index_cast %add3A_1252 : i32 to index
          %get3A_1254 = arith.constant 0 : index
          %get3A_1255 = tpu.vector_load %arg15[%get3A_1253, %get3A_1254] {strides = array<i32>} : memref<512x64xf32, #tpu.memory_space<vmem>>, vector<16xf32>,
          %add3A_1256 = arith.addi %gather3A_1240, %add3A_5 : vector<16xi32>
          %gather3A_1257 = tpu.vector_load_idx %arg16[%add3A_1256] : memref<12800xf32, #tpu.memory_space<vmem>>[vector<16xi32>], vector<16xf32>,
          %mul3A_1258 = arith.mulf %get3A_1255, %gather3A_1245 : vector<16xf32>
          %mul3A_1259 = arith.mulf %gather3A_1257, %gather3A_1250 : vector<16xf32>
          %add3A_1260 = arith.addf %mul3A_1258, %mul3A_1259 : vector<16xf32>
          %swap3A_1261 = arith.index_cast %add3A_1252 : i32 to index
          %swap3A_1262 = arith.constant 0 : index
          %swap3A_1263 = tpu.vector_load %arg15[%swap3A_1261, %swap3A_1262] {strides = array<i32>} : memref<512x64xf32, #tpu.memory_space<vmem>>, vector<16xf32>,
          tpu.vector_store %arg15[%swap3A_1261, %swap3A_1262], %add3A_1260 {strides = array<i32>} : memref<512x64xf32, #tpu.memory_space<vmem>>, vector<16xf32>,
          %get3A_1264 = arith.index_cast %add3A_1252 : i32 to index
          %get3A_1265 = arith.constant 16 : index
          %get3A_1266 = tpu.vector_load %arg15[%get3A_1264, %get3A_1265] {strides = array<i32>} : memref<512x64xf32, #tpu.memory_space<vmem>>, vector<16xf32>,
          %add3A_1267 = arith.addi %gather3A_1240, %add3A_8 : vector<16xi32>
          %gather3A_1268 = tpu.vector_load_idx %arg16[%add3A_1267] : memref<12800xf32, #tpu.memory_space<vmem>>[vector<16xi32>], vector<16xf32>,
          %mul3A_1269 = arith.mulf %get3A_1266, %gather3A_1245 : vector<16xf32>
          %mul3A_1270 = arith.mulf %gather3A_1268, %gather3A_1250 : vector<16xf32>
          %add3A_1271 = arith.addf %mul3A_1269, %mul3A_1270 : vector<16xf32>
          %swap3A_1272 = arith.index_cast %add3A_1252 : i32 to index
          %swap3A_1273 = arith.constant 16 : index
          %swap3A_1274 = tpu.vector_load %arg15[%swap3A_1272, %swap3A_1273] {strides = array<i32>} : memref<512x64xf32, #tpu.memory_space<vmem>>, vector<16xf32>,
          tpu.vector_store %arg15[%swap3A_1272, %swap3A_1273], %add3A_1271 {strides = array<i32>} : memref<512x64xf32, #tpu.memory_space<vmem>>, vector<16xf32>,
          %get3A_1275 = arith.index_cast %add3A_1252 : i32 to index
          %get3A_1276 = arith.constant 32 : index
          %get3A_1277 = tpu.vector_load %arg15[%get3A_1275, %get3A_1276] {strides = array<i32>} : memref<512x64xf32, #tpu.memory_space<vmem>>, vector<16xf32>,
          %add3A_1278 = arith.addi %gather3A_1240, %add3A_11 : vector<16xi32>
          %gather3A_1279 = tpu.vector_load_idx %arg16[%add3A_1278] : memref<12800xf32, #tpu.memory_space<vmem>>[vector<16xi32>], vector<16xf32>,
          %mul3A_1280 = arith.mulf %get3A_1277, %gather3A_1245 : vector<16xf32>
          %mul3A_1281 = arith.mulf %gather3A_1279, %gather3A_1250 : vector<16xf32>
          %add3A_1282 = arith.addf %mul3A_1280, %mul3A_1281 : vector<16xf32>
          %swap3A_1283 = arith.index_cast %add3A_1252 : i32 to index
          %swap3A_1284 = arith.constant 32 : index
          %swap3A_1285 = tpu.vector_load %arg15[%swap3A_1283, %swap3A_1284] {strides = array<i32>} : memref<512x64xf32, #tpu.memory_space<vmem>>, vector<16xf32>,
          tpu.vector_store %arg15[%swap3A_1283, %swap3A_1284], %add3A_1282 {strides = array<i32>} : memref<512x64xf32, #tpu.memory_space<vmem>>, vector<16xf32>,
          %get3A_1286 = arith.index_cast %add3A_1252 : i32 to index
          %get3A_1287 = arith.constant 48 : index
          %get3A_1288 = tpu.vector_load %arg15[%get3A_1286, %get3A_1287] {strides = array<i32>} : memref<512x64xf32, #tpu.memory_space<vmem>>, vector<16xf32>,
          %add3A_1289 = arith.addi %gather3A_1240, %add3A_14 : vector<16xi32>
          %gather3A_1290 = tpu.vector_load_idx %arg16[%add3A_1289] : memref<12800xf32, #tpu.memory_space<vmem>>[vector<16xi32>], vector<16xf32>,
          %mul3A_1291 = arith.mulf %get3A_1288, %gather3A_1245 : vector<16xf32>
          %mul3A_1292 = arith.mulf %gather3A_1290, %gather3A_1250 : vector<16xf32>
          %add3A_1293 = arith.addf %mul3A_1291, %mul3A_1292 : vector<16xf32>
          %swap3A_1294 = arith.index_cast %add3A_1252 : i32 to index
          %swap3A_1295 = arith.constant 48 : index
          %swap3A_1296 = tpu.vector_load %arg15[%swap3A_1294, %swap3A_1295] {strides = array<i32>} : memref<512x64xf32, #tpu.memory_space<vmem>>, vector<16xf32>,
          tpu.vector_store %arg15[%swap3A_1294, %swap3A_1295], %add3A_1293 {strides = array<i32>} : memref<512x64xf32, #tpu.memory_space<vmem>>, vector<16xf32>,
        } else {
        }
      }
      %scan3A_234 = arith.constant 32 : i32
      %mul3A_235 = arith.constant 4 : i32
      %mul3A_236 = arith.muli %add3A_188, %mul3A_235 : i32
      %add3A_237 = arith.addi %mul3A_2, %mul3A_236 : i32
      %mul3A_238 = arith.constant 128 : i32
      %mul3A_239 = arith.muli %add3A_237, %mul3A_238 : i32
      %dma_start3A_240 = arith.constant 0 : i32
      %dma_start3A_241 = tpu.memref_slice %arg7[%mul3A_239, %dma_start3A_240] : memref<819200x64xf32, #tpu.memory_space<hbm>> -> memref<512x64xf32, #tpu.memory_space<hbm>>
      %dma_start3A_242 = arith.constant 0 : i32
      %dma_start3A_243 = tpu.memref_slice %arg7[%mul3A_239, %dma_start3A_242] : memref<819200x64xf32, #tpu.memory_space<hbm>> -> memref<512x64xf32, #tpu.memory_space<hbm>>
      tpu.enqueue_dma source(%arg15 : memref<512x64xf32, #tpu.memory_space<vmem>>) target(%dma_start3A_243 : memref<512x64xf32, #tpu.memory_space<hbm>>) target_semaphore(%arg20 : memref<!tpu.dma_semaphore, #tpu.memory_space<semaphore_mem>>)
      %add3A_244 = arith.constant 2 : i32
      %add3A_245 = arith.addi %add3A_188, %add3A_244 : i32
      %lt3A_246 = arith.constant 50 : i32
      %lt3A_247 = arith.cmpi slt, %add3A_245, %lt3A_246 : i32
      %convert_element_type3A_248 = arith.extui %lt3A_247 : i1 to i32
      %cond3A_249 = arith.constant 0 : i32
      %cond3A_250 = arith.cmpi ne, %convert_element_type3A_248, %cond3A_249 : i32
      scf.if %cond3A_250 {
        %add3A_258 = arith.constant 2 : i32
        %add3A_259 = arith.addi %add3A_188, %add3A_258 : i32
        %mul3A_260 = arith.constant 4 : i32
        %mul3A_261 = arith.muli %add3A_259, %mul3A_260 : i32
        %add3A_262 = arith.addi %mul3A_2, %mul3A_261 : i32
        %dma_start3A_263 = arith.constant 0 : i32
        %dma_start3A_264 = tpu.memref_slice %arg2[%add3A_262, %dma_start3A_263] : memref<6400x128xi32, #tpu.memory_space<hbm>> -> memref<4x128xi32, #tpu.memory_space<hbm>>
        %dma_start3A_265 = arith.constant 0 : i32
        %dma_start3A_266 = tpu.memref_slice %arg2[%add3A_262, %dma_start3A_265] : memref<6400x128xi32, #tpu.memory_space<hbm>> -> memref<4x128xi32, #tpu.memory_space<hbm>>
        tpu.enqueue_dma source(%dma_start3A_266 : memref<4x128xi32, #tpu.memory_space<hbm>>) target(%arg9 : memref<4x128xi32, #tpu.memory_space<vmem>>) target_semaphore(%arg22 : memref<!tpu.dma_semaphore, #tpu.memory_space<semaphore_mem>>)
        %dma_start3A_267 = arith.constant 0 : i32
        %dma_start3A_268 = tpu.memref_slice %arg3[%add3A_262, %dma_start3A_267] : memref<6400x128xi32, #tpu.memory_space<hbm>> -> memref<4x128xi32, #tpu.memory_space<hbm>>
        %dma_start3A_269 = arith.constant 0 : i32
        %dma_start3A_270 = tpu.memref_slice %arg3[%add3A_262, %dma_start3A_269] : memref<6400x128xi32, #tpu.memory_space<hbm>> -> memref<4x128xi32, #tpu.memory_space<hbm>>
        tpu.enqueue_dma source(%dma_start3A_270 : memref<4x128xi32, #tpu.memory_space<hbm>>) target(%arg11 : memref<4x128xi32, #tpu.memory_space<vmem>>) target_semaphore(%arg22 : memref<!tpu.dma_semaphore, #tpu.memory_space<semaphore_mem>>)
        %dma_start3A_271 = arith.constant 0 : i32
        %dma_start3A_272 = tpu.memref_slice %arg4[%add3A_262, %dma_start3A_271] : memref<6400x128xf32, #tpu.memory_space<hbm>> -> memref<4x128xf32, #tpu.memory_space<hbm>>
        %dma_start3A_273 = arith.constant 0 : i32
        %dma_start3A_274 = tpu.memref_slice %arg4[%add3A_262, %dma_start3A_273] : memref<6400x128xf32, #tpu.memory_space<hbm>> -> memref<4x128xf32, #tpu.memory_space<hbm>>
        tpu.enqueue_dma source(%dma_start3A_274 : memref<4x128xf32, #tpu.memory_space<hbm>>) target(%arg13 : memref<4x128xf32, #tpu.memory_space<vmem>>) target_semaphore(%arg22 : memref<!tpu.dma_semaphore, #tpu.memory_space<semaphore_mem>>)
      } else {
      }
      %add3A_251 = arith.constant 1 : i32
      %add3A_252 = arith.addi %add3A_188, %add3A_251 : i32
      %lt3A_253 = arith.constant 50 : i32
      %lt3A_254 = arith.cmpi slt, %add3A_252, %lt3A_253 : i32
      %convert_element_type3A_255 = arith.extui %lt3A_254 : i1 to i32
      %cond3A_256 = arith.constant 0 : i32
      %cond3A_257 = arith.cmpi ne, %convert_element_type3A_255, %cond3A_256 : i32
      scf.if %cond3A_257 {
        %gt3A = arith.constant 0 : i32
        %gt3A_258 = arith.cmpi sgt, %add3A_188, %gt3A : i32
        %convert_element_type3A_259 = arith.extui %gt3A_258 : i1 to i32
        %cond3A_260 = arith.constant 0 : i32
        %cond3A_261 = arith.cmpi ne, %convert_element_type3A_259, %cond3A_260 : i32
        scf.if %cond3A_261 {
          %sub3A = arith.constant 1 : i32
          %sub3A_321 = arith.subi %add3A_188, %sub3A : i32
          %mul3A_322 = arith.constant 4 : i32
          %mul3A_323 = arith.muli %sub3A_321, %mul3A_322 : i32
          %add3A_324 = arith.addi %mul3A_2, %mul3A_323 : i32
          %mul3A_325 = arith.constant 128 : i32
          %mul3A_326 = arith.muli %add3A_324, %mul3A_325 : i32
          %dma_wait3A_327 = arith.constant 0 : i32
          %dma_wait3A_328 = tpu.memref_slice %arg7[%mul3A_326, %dma_wait3A_327] : memref<819200x64xf32, #tpu.memory_space<hbm>> -> memref<512x64xf32, #tpu.memory_space<hbm>>
          %dma_wait3A_329 = arith.constant 0 : i32
          %dma_wait3A_330 = tpu.memref_slice %arg7[%mul3A_326, %dma_wait3A_329] : memref<819200x64xf32, #tpu.memory_space<hbm>> -> memref<512x64xf32, #tpu.memory_space<hbm>>
          tpu.wait_dma2 semaphore(%arg19 : memref<!tpu.dma_semaphore, #tpu.memory_space<semaphore_mem>>) src(%arg14 : memref<512x64xf32, #tpu.memory_space<vmem>>) dst(%dma_wait3A_330 : memref<512x64xf32, #tpu.memory_space<hbm>>)
        } else {
        }
        %add3A_262 = arith.constant 1 : i32
        %add3A_263 = arith.addi %add3A_188, %add3A_262 : i32
        %mul3A_264 = arith.constant 4 : i32
        %mul3A_265 = arith.muli %add3A_263, %mul3A_264 : i32
        %add3A_266 = arith.addi %mul3A_2, %mul3A_265 : i32
        %dma_wait3A_267 = arith.constant 0 : i32
        %dma_wait3A_268 = tpu.memref_slice %arg2[%add3A_266, %dma_wait3A_267] : memref<6400x128xi32, #tpu.memory_space<hbm>> -> memref<4x128xi32, #tpu.memory_space<hbm>>
        %dma_wait3A_269 = arith.constant 0 : i32
        %dma_wait3A_270 = tpu.memref_slice %arg2[%add3A_266, %dma_wait3A_269] : memref<6400x128xi32, #tpu.memory_space<hbm>> -> memref<4x128xi32, #tpu.memory_space<hbm>>
        tpu.wait_dma2 semaphore(%arg21 : memref<!tpu.dma_semaphore, #tpu.memory_space<semaphore_mem>>) src(%dma_wait3A_270 : memref<4x128xi32, #tpu.memory_space<hbm>>) dst(%arg8 : memref<4x128xi32, #tpu.memory_space<vmem>>)
        %dma_wait3A_271 = arith.constant 0 : i32
        %dma_wait3A_272 = tpu.memref_slice %arg3[%add3A_266, %dma_wait3A_271] : memref<6400x128xi32, #tpu.memory_space<hbm>> -> memref<4x128xi32, #tpu.memory_space<hbm>>
        %dma_wait3A_273 = arith.constant 0 : i32
        %dma_wait3A_274 = tpu.memref_slice %arg3[%add3A_266, %dma_wait3A_273] : memref<6400x128xi32, #tpu.memory_space<hbm>> -> memref<4x128xi32, #tpu.memory_space<hbm>>
        tpu.wait_dma2 semaphore(%arg21 : memref<!tpu.dma_semaphore, #tpu.memory_space<semaphore_mem>>) src(%dma_wait3A_274 : memref<4x128xi32, #tpu.memory_space<hbm>>) dst(%arg10 : memref<4x128xi32, #tpu.memory_space<vmem>>)
        %dma_wait3A_275 = arith.constant 0 : i32
        %dma_wait3A_276 = tpu.memref_slice %arg4[%add3A_266, %dma_wait3A_275] : memref<6400x128xf32, #tpu.memory_space<hbm>> -> memref<4x128xf32, #tpu.memory_space<hbm>>
        %dma_wait3A_277 = arith.constant 0 : i32
        %dma_wait3A_278 = tpu.memref_slice %arg4[%add3A_266, %dma_wait3A_277] : memref<6400x128xf32, #tpu.memory_space<hbm>> -> memref<4x128xf32, #tpu.memory_space<hbm>>
        tpu.wait_dma2 semaphore(%arg21 : memref<!tpu.dma_semaphore, #tpu.memory_space<semaphore_mem>>) src(%dma_wait3A_278 : memref<4x128xf32, #tpu.memory_space<hbm>>) dst(%arg12 : memref<4x128xf32, #tpu.memory_space<vmem>>)
        %add3A_279 = arith.constant 1 : i32
        %add3A_280 = arith.addi %add3A_188, %add3A_279 : i32
        %dma_start3A_281 = arith.constant 0 : i32
        %dma_start3A_282 = arith.constant 0 : i32
        %dma_start3A_283 = arith.constant 0 : i32
        %dma_start3A_284 = tpu.memref_slice %arg14[%dma_start3A_282, %dma_start3A_283] : memref<512x64xf32, #tpu.memory_space<vmem>> -> memref<128x64xf32, #tpu.memory_space<vmem>>
        %dma_start3A_285 = arith.constant 0 : i32
        %dma_start3A_286 = tpu.memref_slice %arg8[%dma_start3A_281, %dma_start3A_285] : memref<4x128xi32, #tpu.memory_space<vmem>> -> memref<1x128xi32, #tpu.memory_space<vmem>>
        %dma_start3A_287 = tpu.memref_squeeze %dma_start3A_286 : memref<1x128xi32, #tpu.memory_space<vmem>> -> memref<128xi32, #tpu.memory_space<vmem>>
        %dma_start3A_288 = arith.constant 0 : i32
        %dma_start3A_289 = arith.constant 0 : i32
        %dma_start3A_290 = tpu.memref_slice %arg5[%dma_start3A_288, %dma_start3A_289] : memref<1000000x64xf32, #tpu.memory_space<hbm>> -> memref<1000000x64xf32, #tpu.memory_space<hbm>>
        tpu.enqueue_indirect_dma source(%dma_start3A_290 : memref<1000000x64xf32, #tpu.memory_space<hbm>>) target(%dma_start3A_284 : memref<128x64xf32, #tpu.memory_space<vmem>>) offsets(%dma_start3A_287 : memref<128xi32, #tpu.memory_space<vmem>>) semaphore(%arg17 : memref<!tpu.dma_semaphore, #tpu.memory_space<semaphore_mem>>)
        %dma_start3A_291 = arith.constant 1 : i32
        %dma_start3A_292 = arith.constant 128 : i32
        %dma_start3A_293 = arith.constant 0 : i32
        %dma_start3A_294 = tpu.memref_slice %arg14[%dma_start3A_292, %dma_start3A_293] : memref<512x64xf32, #tpu.memory_space<vmem>> -> memref<128x64xf32, #tpu.memory_space<vmem>>
        %dma_start3A_295 = arith.constant 0 : i32
        %dma_start3A_296 = tpu.memref_slice %arg8[%dma_start3A_291, %dma_start3A_295] : memref<4x128xi32, #tpu.memory_space<vmem>> -> memref<1x128xi32, #tpu.memory_space<vmem>>
        %dma_start3A_297 = tpu.memref_squeeze %dma_start3A_296 : memref<1x128xi32, #tpu.memory_space<vmem>> -> memref<128xi32, #tpu.memory_space<vmem>>
        %dma_start3A_298 = arith.constant 0 : i32
        %dma_start3A_299 = arith.constant 0 : i32
        %dma_start3A_300 = tpu.memref_slice %arg5[%dma_start3A_298, %dma_start3A_299] : memref<1000000x64xf32, #tpu.memory_space<hbm>> -> memref<1000000x64xf32, #tpu.memory_space<hbm>>
        tpu.enqueue_indirect_dma source(%dma_start3A_300 : memref<1000000x64xf32, #tpu.memory_space<hbm>>) target(%dma_start3A_294 : memref<128x64xf32, #tpu.memory_space<vmem>>) offsets(%dma_start3A_297 : memref<128xi32, #tpu.memory_space<vmem>>) semaphore(%arg17 : memref<!tpu.dma_semaphore, #tpu.memory_space<semaphore_mem>>)
        %dma_start3A_301 = arith.constant 2 : i32
        %dma_start3A_302 = arith.constant 256 : i32
        %dma_start3A_303 = arith.constant 0 : i32
        %dma_start3A_304 = tpu.memref_slice %arg14[%dma_start3A_302, %dma_start3A_303] : memref<512x64xf32, #tpu.memory_space<vmem>> -> memref<128x64xf32, #tpu.memory_space<vmem>>
        %dma_start3A_305 = arith.constant 0 : i32
        %dma_start3A_306 = tpu.memref_slice %arg8[%dma_start3A_301, %dma_start3A_305] : memref<4x128xi32, #tpu.memory_space<vmem>> -> memref<1x128xi32, #tpu.memory_space<vmem>>
        %dma_start3A_307 = tpu.memref_squeeze %dma_start3A_306 : memref<1x128xi32, #tpu.memory_space<vmem>> -> memref<128xi32, #tpu.memory_space<vmem>>
        %dma_start3A_308 = arith.constant 0 : i32
        %dma_start3A_309 = arith.constant 0 : i32
        %dma_start3A_310 = tpu.memref_slice %arg5[%dma_start3A_308, %dma_start3A_309] : memref<1000000x64xf32, #tpu.memory_space<hbm>> -> memref<1000000x64xf32, #tpu.memory_space<hbm>>
        tpu.enqueue_indirect_dma source(%dma_start3A_310 : memref<1000000x64xf32, #tpu.memory_space<hbm>>) target(%dma_start3A_304 : memref<128x64xf32, #tpu.memory_space<vmem>>) offsets(%dma_start3A_307 : memref<128xi32, #tpu.memory_space<vmem>>) semaphore(%arg17 : memref<!tpu.dma_semaphore, #tpu.memory_space<semaphore_mem>>)
        %dma_start3A_311 = arith.constant 3 : i32
        %dma_start3A_312 = arith.constant 384 : i32
        %dma_start3A_313 = arith.constant 0 : i32
        %dma_start3A_314 = tpu.memref_slice %arg14[%dma_start3A_312, %dma_start3A_313] : memref<512x64xf32, #tpu.memory_space<vmem>> -> memref<128x64xf32, #tpu.memory_space<vmem>>
        %dma_start3A_315 = arith.constant 0 : i32
        %dma_start3A_316 = tpu.memref_slice %arg8[%dma_start3A_311, %dma_start3A_315] : memref<4x128xi32, #tpu.memory_space<vmem>> -> memref<1x128xi32, #tpu.memory_space<vmem>>
        %dma_start3A_317 = tpu.memref_squeeze %dma_start3A_316 : memref<1x128xi32, #tpu.memory_space<vmem>> -> memref<128xi32, #tpu.memory_space<vmem>>
        %dma_start3A_318 = arith.constant 0 : i32
        %dma_start3A_319 = arith.constant 0 : i32
        %dma_start3A_320 = tpu.memref_slice %arg5[%dma_start3A_318, %dma_start3A_319] : memref<1000000x64xf32, #tpu.memory_space<hbm>> -> memref<1000000x64xf32, #tpu.memory_space<hbm>>
        tpu.enqueue_indirect_dma source(%dma_start3A_320 : memref<1000000x64xf32, #tpu.memory_space<hbm>>) target(%dma_start3A_314 : memref<128x64xf32, #tpu.memory_space<vmem>>) offsets(%dma_start3A_317 : memref<128xi32, #tpu.memory_space<vmem>>) semaphore(%arg17 : memref<!tpu.dma_semaphore, #tpu.memory_space<semaphore_mem>>)
      } else {
      }
    }
    %scan3A_99 = arith.constant 25 : i32
    %add3A_100 = arith.constant 192 : i32
    %add3A_101 = arith.addi %mul3A_2, %add3A_100 : i32
    %mul3A_102 = arith.constant 128 : i32
    %mul3A_103 = arith.muli %add3A_101, %mul3A_102 : i32
    %dma_wait3A_104 = arith.constant 0 : i32
    %dma_wait3A_105 = tpu.memref_slice %arg7[%mul3A_103, %dma_wait3A_104] : memref<819200x64xf32, #tpu.memory_space<hbm>> -> memref<512x64xf32, #tpu.memory_space<hbm>>
    %dma_wait3A_106 = arith.constant 0 : i32
    %dma_wait3A_107 = tpu.memref_slice %arg7[%mul3A_103, %dma_wait3A_106] : memref<819200x64xf32, #tpu.memory_space<hbm>> -> memref<512x64xf32, #tpu.memory_space<hbm>>
    tpu.wait_dma2 semaphore(%arg19 : memref<!tpu.dma_semaphore, #tpu.memory_space<semaphore_mem>>) src(%arg14 : memref<512x64xf32, #tpu.memory_space<vmem>>) dst(%dma_wait3A_107 : memref<512x64xf32, #tpu.memory_space<hbm>>)
    %add3A_108 = arith.constant 196 : i32
    %add3A_109 = arith.addi %mul3A_2, %add3A_108 : i32
    %mul3A_110 = arith.constant 128 : i32
    %mul3A_111 = arith.muli %add3A_109, %mul3A_110 : i32
    %dma_wait3A_112 = arith.constant 0 : i32
    %dma_wait3A_113 = tpu.memref_slice %arg7[%mul3A_111, %dma_wait3A_112] : memref<819200x64xf32, #tpu.memory_space<hbm>> -> memref<512x64xf32, #tpu.memory_space<hbm>>
    %dma_wait3A_114 = arith.constant 0 : i32
    %dma_wait3A_115 = tpu.memref_slice %arg7[%mul3A_111, %dma_wait3A_114] : memref<819200x64xf32, #tpu.memory_space<hbm>> -> memref<512x64xf32, #tpu.memory_space<hbm>>
    tpu.wait_dma2 semaphore(%arg20 : memref<!tpu.dma_semaphore, #tpu.memory_space<semaphore_mem>>) src(%arg15 : memref<512x64xf32, #tpu.memory_space<vmem>>) dst(%dma_wait3A_115 : memref<512x64xf32, #tpu.memory_space<hbm>>)
    return
  }
}

</mosaic_0001>

<sc_bundles>
// kernel: kernel.3.cloned.1.call-start
scs
__scs_entry_jumppad:
0x0: {  	(pc) =	sbr.rel $0x88, $3  }
0x1: {  	(tag) =	ssettag $0x0;
	lr =	simm.s32 $0x1  }
0x2: {  	[smem:$0x3F9C] =	sst lr;
	_ =	strace $0xD0000000  }
0x3: {  	_ = 	snop  }
0x4: {  	_ = 	snop  }
0x5: {  	_ = 	snop  }
0x6: {  	_ = 	snop  }
0x7: {  	_ = 	snop  }
__scs_overlays_trampoline_lowered:
0x8: {  	[smem:$0x3FAB] =	sst s0  }
0x9: {  	[smem:$0x3FAC] =	sst s1  }
0xa: {  	[smem:$0x3FAD] =	sst s2  }
0xb: {  	[smem:$0x3FAE] =	sst s3  }
0xc: {  	[smem:$0x3FAF] =	sst s4  }
0xd: {  	[smem:$0x3FB0] =	sst s5  }
0xe: {  	[smem:$0x3FB1] =	sst s6  }
0xf: {  	[smem:$0x3FB2] =	sst s7  }
0x10: {  	[smem:$0x3FB3] =	sst s8  }
0x11: {  	[smem:$0x3FB4] =	sst s9;
	s0 =	simm.s32 @!p0 $0x0  }
0x12: {  	s1 =	sld [smem:$0x3F9A];
	s0 =	simm.s32 @p0 $0x1  }
0x13: {  	[smem:$0x3FB5] =	sst s0;
	s0 =	simm.s32 @!p1 $0x0  }
0x14: {  	s2 =	sld [smem:$0x3F99];
	s0 =	simm.s32 @p1 $0x1  }
0x15: {  	[smem:$0x3FB6] =	sst s0;
	s0 =	simm.s32 @!p2 $0x0  }
0x16: {  	s3 =	sld [smem:$0x3FDB];
	s0 =	simm.s32 @p2 $0x1  }
0x17: {  	s4 =	simm.s32 $0x1BF5;
	[smem:$0x3FB8] =	sst s0  }
0x18: {  	s0 =	sld [smem:$0x3F9B];
	_ =	swait.ge [sflag:s4], $0x0  }
0x19: {  	s7 =	sld [smem:$0x3F9C]  }
0x1a: {  	s8 =	sadd.s32 $0xFFFFE003, lr  }
0x1b: {  	s9 =	sadd.s32 $0xFFFFFEF7, lr;
	s5 =	simm.s32 $0xFFFFFFFF;
	p2 =	slt.u32 s8, $0xFFFFF086  }
0x1c: {  	p1 =	slt.u32 s9, $0xF7A;
	s5 =	simm.s32 @!p2 $0x0  }
0x1d: {  	s5 =	simm.s32 @p1 $0x1;
	p0 =	seq.s32 s7, s2  }
0x1e: {  	s7 =	smul.u32 @!p0 $0xF7A, s2;
	p2 =	seq.s32 @!p0 s5, $0x0  }
0x1f: {  	s9 =	smul.u32 $0xF7A, s1;
	s8 =	simm.s32 @!p0 $0x1BF5;
	p2 =	por !p2, p0  }
0x20: {  	[sflag:s8] =	ssyncset.s32 @!p0 $0xFFFFF086;
	s6 =	sadd.s32 @!p0 s3, s7;
	s7 =	simm.s32 @!p0 $0x108  }
0x21: {  	s3 =	sadd.s32 s3, s9;
	s6 =	sadd.s32 @!p0 $0x88, s6;
	s7 =	simm.s32 @p2 $0x1082  }
0x22: {  	[simem:s7], [sflag:s8] =	dma.local @!p0 [hbm:s6], $0xF7A  }
0x23: {  	s9 =	sor.u32 $0xD0000000, s2;
	s6 =	simm.s32 $0x108;
	_ =	swait.ge @!p0 [sflag:s8], $0x0  }
0x24: {  	s3 =	sadd.s32 $0x88, s3;
	s6 =	simm.s32 @!p1 $0x1082;
	[sflag:s4] =	ssyncset.s32 $0xFFFFF086  }
0x25: {  	[simem:s6], [sflag:s4] =	dma.local [hbm:s3], $0xF7A  }
0x26: {  	[smem:$0x3F9C] =	sst s1;
	(tag) =	ssettag s2;
	_ =	strace s9  }
0x27: {  	s1 =	sld [smem:$0x3FAC]  }
0x28: {  	s2 =	sld [smem:$0x3FAD]  }
0x29: {  	s4 =	sld [smem:$0x3FAF]  }
0x2a: {  	p0 =	seq.s32 s5, $0x0;
	s5 =	sld [smem:$0x3FB0]  }
0x2b: {  	s6 =	sld [smem:$0x3FB1]  }
0x2c: {  	s7 =	sld [smem:$0x3FB2]  }
0x2d: {  	s3 =	simm.s32 $0x108;
	s8 =	sld [smem:$0x3FB3]  }
0x2e: {  	s3 =	simm.s32 @!p0 $0x1082;
	s9 =	sld [smem:$0x3FB4]  }
0x2f: {  	lr =	sadd.s32 s0, s3;
	s0 =	sld [smem:$0x3FAB]  }
0x30: {  	s3 =	sld [smem:$0x3FAE]  }
0x31: {  	[smem:$0x3FB7] =	sst s10  }
0x32: {  	s10 =	sld [smem:$0x3FB5];
	_ =	sdelay $0x3  }
0x33: {  	p0 =	seq.s32 s10, $0x1;
	s10 =	sld [smem:$0x3FB7];
	_ =	sdelay $0x3  }
0x34: {  	[smem:$0x3FB7] =	sst s10  }
0x35: {  	s10 =	sld [smem:$0x3FB6];
	_ =	sdelay $0x3  }
0x36: {  	p1 =	seq.s32 s10, $0x1;
	s10 =	sld [smem:$0x3FB7];
	_ =	sdelay $0x3  }
0x37: {  	[smem:$0x3FB7] =	sst s10  }
0x38: {  	s10 =	sld [smem:$0x3FB8]  }
0x39: {  	_ = 	snop;
	(pc) =	sbr.ind lr, $3  }
0x3a: {  	_ = 	snop  }
0x3b: {  	_ = 	snop  }
0x3c: {  	p2 =	seq.s32 s10, $0x1;
	s10 =	sld [smem:$0x3FB7]  }
0x3d: {  	_ =	shalt  }
0x3e: {  	_ =	shalt  }
0x3f: {  	_ =	shalt  }
0x40: {  	_ =	shalt  }
0x41: {  	_ =	shalt  }
0x42: {  	_ =	shalt  }
0x43: {  	_ =	shalt  }
0x44: {  	_ =	shalt  }
0x45: {  	_ =	shalt  }
0x46: {  	_ =	shalt  }
0x47: {  	_ =	shalt  }
0x48: {  	_ =	shalt  }
0x49: {  	_ =	shalt  }
0x4a: {  	_ =	shalt  }
0x4b: {  	_ =	shalt  }
0x4c: {  	_ =	shalt  }
0x4d: {  	_ =	shalt  }
0x4e: {  	_ =	shalt  }
0x4f: {  	_ =	shalt  }
0x50: {  	_ =	shalt  }
0x51: {  	_ =	shalt  }
0x52: {  	_ =	shalt  }
0x53: {  	_ =	shalt  }
0x54: {  	_ =	shalt  }
0x55: {  	_ =	shalt  }
0x56: {  	_ =	shalt  }
0x57: {  	_ =	shalt  }
0x58: {  	_ =	shalt  }
0x59: {  	_ =	shalt  }
0x5a: {  	_ =	shalt  }
0x5b: {  	_ =	shalt  }
0x5c: {  	_ =	shalt  }
0x5d: {  	_ =	shalt  }
0x5e: {  	_ =	shalt  }
0x5f: {  	_ =	shalt  }
0x60: {  	_ =	shalt  }
0x61: {  	_ =	shalt  }
0x62: {  	_ =	shalt  }
0x63: {  	_ =	shalt  }
0x64: {  	_ =	shalt  }
0x65: {  	_ =	shalt  }
0x66: {  	_ =	shalt  }
0x67: {  	_ =	shalt  }
0x68: {  	_ =	shalt  }
0x69: {  	_ =	shalt  }
0x6a: {  	_ =	shalt  }
0x6b: {  	_ =	shalt  }
0x6c: {  	_ =	shalt  }
0x6d: {  	_ =	shalt  }
0x6e: {  	_ =	shalt  }
0x6f: {  	_ =	shalt  }
0x70: {  	_ =	shalt  }
0x71: {  	_ =	shalt  }
0x72: {  	_ =	shalt  }
0x73: {  	_ =	shalt  }
0x74: {  	_ =	shalt  }
0x75: {  	_ =	shalt  }
0x76: {  	_ =	shalt  }
0x77: {  	_ =	shalt  }
0x78: {  	_ =	shalt  }
0x79: {  	_ =	shalt  }
0x7a: {  	_ =	shalt  }
0x7b: {  	_ =	shalt  }
0x7c: {  	_ =	shalt  }
0x7d: {  	_ =	shalt  }
0x7e: {  	_ =	shalt  }
0x7f: {  	_ =	shalt  }
0x80: {  	_ =	shalt  }
0x81: {  	_ =	shalt  }
0x82: {  	_ =	shalt  }
0x83: {  	_ =	shalt  }
0x84: {  	_ =	shalt  }
0x85: {  	_ =	shalt  }
0x86: {  	_ =	shalt  }
0x87: {  	_ =	shalt  }
.Lfunc_end0:
.L_simem_size_0:
called_computation.1_lowered:
.L_overlay_start_0:
0x88: {  	s2 =	sld [smem:$0x3FD9]  }
0x89: {  	s3 =	sld [smem:$0x3FFE];
	_ =	sdelay $0x1  }
0x8a: {  	s1 =	srdreg.scid  }
0x8b: {  	s0 =	sand.u32 $0x1, s1  }
0x8c: {  	s17 =	sshll.u32 s0, $0xA;
	s2 =	sadd.s32 s3, s2  }
0x8d: {  	s2 =	sadd.s32 s2, s17  }
0x8e: {  	[smem:$0x3FC3] =	sst s2  }
0x8f: {  	_ = 	snop  }
0x90: {  	s2 =	sld [smem:$0x3FD0];
	(tm) =	ssettm $0x1  }
0x91: {  	s18 =	sld [smem:$0x3FFB];
	_ =	sdelay $0x3  }
0x92: {  	_ =	strace s18  }
0x93: {  	s3 =	sld [smem:$0x3FFC];
	_ =	sdelay $0x3  }
0x94: {  	_ =	strace s3  }
0x95: {  	s3 =	sld [smem:$0x3FFD];
	_ =	sdelay $0x3  }
0x96: {  	_ =	strace s3  }
0x97: {  	_ =	strace $0x8FFFFFFF  }
0x98: {  	s19 =	sld [smem:$0x3FDB];
	_ =	sdelay $0x1  }
0x99: {  	s4 =	simm.s32 $_scs_section_size  }
0x9a: {  	s5 =	simm.s32 $_size__tile_overlayer_lowered;
	s6 =	simm.s32 $_tile_overlayer_lowered  }
0x9b: {  	s22 =	simm.s32 $0x1BFF;
	s21 =	sshll.u32 s6, $0x1;
	s3 =	sadd.s32 s4, s19  }
0x9c: {  	s7 =	simm.s32 $0x0;
	s20 =	sshll.u32 s5, $0x1;
	s5 =	sadd.s32 s21, s3  }
0x9d: {  	[timem:s7], [sflag:s22] =	dma.local [hbm:s5], s20  }
0x9e: {  	_ =	swait.ge [sflag:s22], s20  }
0x9f: {  	s4 =	ssub.s32 $0x0, s20;
	[sflag:s22] =	ssyncset.done $0x0  }
0xa0: {  	[sflag:s22] =	ssyncadd.s32 s4;
	_ =	sdelay $0x1  }
0xa1: {  	s23 =	simm.s32 $0x1B8B  }
0xa2: {  	_ =	swait.ge [sflag:s23], $0x1  }
0xa3: {  	[sflag:s23] =	ssyncset.done $0x0  }
0xa4: {  	s25 =	simm.s32 $0x1B8E;
	s24 =	sld [smem:$0x3FFE];
	[sflag:s23] =	ssyncadd.s32 $0xFFFFFFFF  }
0xa5: {  	s26 =	simm.s32 $execute0_lowered;
	[smem:$0x3FD2] =	sst s25  }
0xa6: {  	s5 =	sshll.u32 s26, $0x1;
	_ =	strace $0x80000046;
	[dreg:$0x1] =	wrdreg $0xFFFFFFFF  }
0xa7: {  	s28 =	simm.s32 $_size_execute0_lowered;
	s3 =	sadd.s32 s3, s5;
	[dreg:$0x0] =	wrdreg $0x0  }
0xa8: {  	s5 =	sshll.u32 s28, $0x1;
	[dreg:$0x2] =	wrdreg s3  }
0xa9: {  	[dreg:$0x3] =	wrdreg s5  }
0xaa: {  	[dreg:$0x4] =	wrdreg $0xC0  }
0xab: {  	_ =	task [dreg:s7], $0x5FFFF  }
0xac: {  	[dreg:$0x1] =	wrdreg $0xFFFFFFFF  }
0xad: {  	[dreg:$0x0] =	wrdreg $0x60  }
0xae: {  	[dreg:$0x2] =	wrdreg s24  }
0xaf: {  	[dreg:$0x3] =	wrdreg s2  }
0xb0: {  	[dreg:$0x4] =	wrdreg $0x9  }
0xb1: {  	_ =	task.clear_ibuf [dreg:s7], $0x5FFFF;
	_ =	strace $0x90000046  }
0xb2: {  	s29 =	simm.s32 $0x9;
	_ =	strace $0x80000048  }
0xb3: {  	_ =	swait.ge [sflag:s29], $0x1  }
0xb4: {  	[sflag:s29] =	ssyncadd.s32 $0xFFFFFFFF  }
0xb5: {  	_ =	strace $0x90000048  }
0xb6: {  	_ =	sfence  }
0xb7: {  	s30 =	sld [smem:$0x0];
	_ =	sdelay $0x2  }
0xb8: {  	s31 =	sshll.u32 s1, $0xD;
	s1 =	sshrl.u32 s1, $0x2  }
0xb9: {  	s3 =	sand.u32 $0x4000, s31;
	s1 =	sadd.s32 s1, s30  }
0xba: {  	s0 =	sor.u32 s3, s0;
	s1 =	sshll.u32 s1, $0x11  }
0xbb: {  	s0 =	sor.u32 s1, s0  }
0xbc: {  	s0 =	sadd.s32 $0x8F2B, s0  }
0xbd: {  	[sflag:s0] =	ssyncadd.remote.s32 $0x1  }
0xbe: {  	_ =	sfence.sel $0xFFFF  }
0xbf: {  	[dreg:$0x0] =	wrdreg $0xFFFFFFFF;
	(pc) =	sbr.abs _section_cstart, $3  }
0xc0: {  	[dreg:$0x1] =	wrdreg $0xFFFFFFFF  }
0xc1: {  	_ =	task.clear_ibuf [dreg:s7], $0x2FFFF;
	_ =	strace $0x9FFFFFFF  }
0xc2: {  	(tm) =	ssettm $0x7FFFFFFF  }
0xc3: {  	_ =	shalt  }
tec
execute0_lowered:
.L_overlay_start_1:
0x0: {  	(tag) =	ssettag $0x1  }
0x1: {  	s0 =	rddreg [dreg:$0x0]  }
0x2: {  	s1 =	rddreg [dreg:$0x1]  }
0x3: {  	s3 =	simm.s32 $0x0;
	s2 =	srdreg.scid;
	s4 =	stileid.u32  }
0x4: {  	s20 =	simm.s32 $0x10C00;
	s11 =	simm.s32 $0x8C00;
	s14 =	simm.s32 $0x300  }
0x5: {  	s15 =	simm.s32 $0xCC00;
	s19 =	simm.s32 $0x380;
	s21 =	simm.s32 $0xEC00  }
0x6: {  	s28 =	simm.s32 $0x2;
	s29 =	simm.s32 $0x3;
	s30 =	simm.s32 $0x4  }
0x7: {  	[smem:$0x7FF] =	sst s3;
	s2 =	sand.u32 $0x1, s2;
	s6 =	sshll.u32 s4, $0x1  }
0x8: {  	s4 =	sadd.s32 $0x33000, s0;
	s5 =	sadd.s32 $0x1A000, s0;
	s7 =	sadd.s32 $0xF43400, s0  }
0x9: {  	_ =	strace $0x80000047;
	s8 =	sor.u32 s2, s6;
	s6 =	sadd.s32 $0x1000, s0  }
0xa: {  	s2 =	ssub.s32 $0x2, s2;
	s0 =	sadd.s32 $0x4C000, s0;
	s9 =	smul.u32 $0xC80, s8  }
0xb: {  	[dreg:$0x3] =	wrdreg s0;
	s22 =	sshrl.u32 s2, $0x1;
	s10 =	smul.u32 $0x190000, s8  }
0xc: {  	s8 =	smul.u32 $0x6400, s8;
	s0 =	ssub.s32 s2, s22;
	s23 =	sadd.s32 s4, s9  }
0xd: {  	v0 =	vimm.f32 $1.000000000e+00;
	s24 =	sadd.s32 s5, s9;
	s25 =	sor.u32 $0x40, s9;
	s9 =	sadd.s32 s6, s9  }
0xe: {  	v1 =	vimm.f32 $0.0e+00;
	v2 =	vimm.s32 $0x0;
	v3 =	vlaneseq.u32;
	s16 =	sadd.s32 $0x400, s8;
	s17 =	sor.u32 $0x8000, s10;
	[dreg:$0x4] =	wrdreg s23  }
0xf: {  	v7 =	vimm.s32 $0x1;
	v8 =	vimm.s32 $0x2;
	v9 =	vimm.s32 $0x3;
	s18 =	sadd.s32 $0x600, s8;
	s0 =	smax.u32 s0, $0x1;
	[dreg:$0x5] =	wrdreg s24  }
.Ltmp0:
0x10: {  	v10 =	vimm.s32 $0x4;
	v11 =	vimm.s32 $0x5;
	v12 =	vimm.s32 $0x6;
	s8 =	simm.s32 $0x1;
	[dreg:$0x6] =	wrdreg s9;
	(pc) =	sbr.rel .LBB2_1-.Ltmp0, $4  }
0x11: {  	v13 =	vimm.s32 $0x7;
	v14 =	vimm.s32 $0x8;
	v15 =	vimm.s32 $0x9;
	s26 =	sadd.s32 s4, s25;
	s31 =	sadd.s32 s5, s25;
	[dreg:$0xa] =	wrdreg s0  }
0x12: {  	v16 =	vimm.s32 $0xA;
	v17 =	vimm.s32 $0xB;
	v18 =	vimm.s32 $0xC;
	s2 =	sadd.s32 s6, s25;
	s24 =	simm.s32 $0x5;
	[dreg:$0x7] =	wrdreg s26  }
0x13: {  	v19 =	vimm.s32 $0xD;
	v20 =	vimm.s32 $0xE;
	v21 =	vimm.s32 $0xF;
	s25 =	simm.s32 $0x80;
	s9 =	simm.s32 $0x6;
	[dreg:$0x8] =	wrdreg s31  }
0x14: {  	v4 =	vor.u32 $0x10, v3;
	v5 =	vor.u32 $0x20, v3;
	v6 =	vor.u32 $0x30, v3;
	[dreg:$0x9] =	wrdreg s2;
	s26 =	simm.s32 $0xC00;
	s2 =	simm.s32 $0x0  }
.LBB2_14:
0x15: {  	_ =	swait.ge [sflag:s29], $0x8000  }
0x16: {  	[sflag:s29] =	ssyncset.done $0x0  }
0x17: {  	[sflag:s29] =	ssyncadd.s32 $0xFFFF8000  }
0x18: {  	_ =	swait.ge [sflag:s30], $0x8000  }
0x19: {  	s2 =	rddreg [dreg:$0xb]  }
0x1a: {  	s0 =	rddreg [dreg:$0xa];
	s2 =	sadd.s32 $0x1, s2  }
0x1b: {  	p0 =	sne.s32 s2, s0  }
.Ltmp1:
0x1c: {  	_ = 	snop;
	(pc) =	sbr.rel @!p0 .LBB2_15-.Ltmp1, $3  }
0x1d: {  	_ =	sdelay $0x1  }
0x1e: {  	[sflag:s30] =	ssyncset.done $0x0  }
0x1f: {  	[sflag:s30] =	ssyncadd.s32 $0xFFFF8000  }
.LBB2_1:
0x20: {  	[dreg:$0xb] =	wrdreg s2  }
0x21: {  	s0 =	rddreg [dreg:$0x3];
	s12 =	simm.s32 $0x7  }
0x22: {  	[tilespmem:s20], [sflag:$0x7] =	stream.linear.gather [hbm4b:s0+s3], $0x3200, $0x38;
	[tilespmem:$0x13E00] =	vst v63  }
0x23: {  	_ =	swait.ge [sflag:s12], $0x3200  }
0x24: {  	[sflag:s12] =	ssyncset.done $0x0  }
0x25: {  	s13 =	rddreg [dreg:$0x4];
	[sflag:s12] =	ssyncadd.s32 $0xFFFFCE00  }
0x26: {  	[tilespmem:s3], [sflag:$0x5] =	stream.linear.gather [hbm4b:s13+s3], $0x200, $0x38;
	[tilespmem:$0x13E00] =	vst v63  }
0x27: {  	s23 =	simm.s32 $0x400;
	s22 =	rddreg [dreg:$0x5]  }
0x28: {  	[tilespmem:s23], [sflag:$0x5] =	stream.linear.gather [hbm4b:s22+s3], $0x200, $0x38;
	[tilespmem:$0x13E00] =	vst v63  }
0x29: {  	s2 =	rddreg [dreg:$0x6];
	s12 =	simm.s32 $0x800  }
0x2a: {  	[tilespmem:s12], [sflag:$0x5] =	stream.linear.gather [hbm4b:s2+s3], $0x200, $0x38;
	[tilespmem:$0x13E00] =	vst v63  }
0x2b: {  	_ =	swait.ge [sflag:s24], $0x200  }
0x2c: {  	[sflag:s24] =	ssyncset.done $0x0  }
0x2d: {  	[sflag:s24] =	ssyncadd.s32 $0xFFFFFE00  }
0x2e: {  	_ =	swait.ge [sflag:s24], $0x200  }
0x2f: {  	[sflag:s24] =	ssyncset.done $0x0  }
0x30: {  	[sflag:s24] =	ssyncadd.s32 $0xFFFFFE00  }
0x31: {  	_ =	swait.ge [sflag:s24], $0x200  }
0x32: {  	[sflag:s24] =	ssyncset.done $0x0  }
0x33: {  	[sflag:s24] =	ssyncadd.s32 $0xFFFFFE00  }
0x34: {  	[tilespmem:s26], [sflag:$0x1] =	stream.indirect.gather [hbm4b:s7+s25], $0x40, s3, s25, $0xb8;
	[tilespmem:$0x13E00] =	vst v63  }
0x35: {  	s13 =	simm.s32 $0x2C00  }
0x36: {  	[tilespmem:s13], [sflag:$0x1] =	stream.indirect.gather [hbm4b:s7+s25], $0x40, s25, s25, $0xb8;
	[tilespmem:$0x13E00] =	vst v63  }
0x37: {  	s22 =	simm.s32 $0x100;
	s23 =	simm.s32 $0x4C00  }
0x38: {  	[tilespmem:s23], [sflag:$0x1] =	stream.indirect.gather [hbm4b:s7+s25], $0x40, s22, s25, $0xb8;
	[tilespmem:$0x13E00] =	vst v63  }
0x39: {  	s12 =	simm.s32 $0x180;
	s13 =	simm.s32 $0x6C00  }
0x3a: {  	[tilespmem:s13], [sflag:$0x1] =	stream.indirect.gather [hbm4b:s7+s25], $0x40, s12, s25, $0xb8;
	[tilespmem:$0x13E00] =	vst v63  }
0x3b: {  	s22 =	rddreg [dreg:$0x7];
	s23 =	simm.s32 $0x200  }
0x3c: {  	[tilespmem:s23], [sflag:$0x6] =	stream.linear.gather [hbm4b:s22+s3], $0x200, $0x38;
	[tilespmem:$0x13E00] =	vst v63  }
0x3d: {  	s12 =	rddreg [dreg:$0x8];
	s13 =	simm.s32 $0x600  }
0x3e: {  	[tilespmem:s13], [sflag:$0x6] =	stream.linear.gather [hbm4b:s12+s3], $0x200, $0x38;
	[tilespmem:$0x13E00] =	vst v63  }
0x3f: {  	s31 =	simm.s32 $0x0;
	s22 =	rddreg [dreg:$0x9];
	s23 =	simm.s32 $0xA00  }
0x40: {  	[tilespmem:s23], [sflag:$0x6] =	stream.linear.gather [hbm4b:s22+s3], $0x200, $0x38;
	[tilespmem:$0x13E00] =	vst v63  }
.LBB2_2:
0x41: {  	_ =	swait.ge [sflag:s8], $0x2000  }
0x42: {  	[sflag:s8] =	ssyncset.done $0x0  }
0x43: {  	[sflag:s8] =	ssyncadd.s32 $0xFFFFE000  }
0x44: {  	_ =	swait.ge [sflag:s8], $0x2000  }
0x45: {  	[sflag:s8] =	ssyncset.done $0x0  }
0x46: {  	[sflag:s8] =	ssyncadd.s32 $0xFFFFE000  }
0x47: {  	_ =	swait.ge [sflag:s8], $0x2000  }
.Ltmp2:
0x48: {  	[sflag:s8] =	ssyncset.done $0x0;
	(pc) =	sbr.rel .LBB2_3-.Ltmp2, $4  }
0x49: {  	[sflag:s8] =	ssyncadd.s32 $0xFFFFE000  }
0x4a: {  	_ =	swait.ge [sflag:s8], $0x2000  }
0x4b: {  	s0 =	simm.s32 $0x0;
	s2 =	simm.s32 $0x400;
	[sflag:s8] =	ssyncset.done $0x0  }
0x4c: {  	s22 =	simm.s32 $0x800;
	s23 =	simm.s32 $0x0;
	[sflag:s8] =	ssyncadd.s32 $0xFFFFE000  }
.LBB2_5:
0x4d: {  	_ =	sdelay $0x2  }
0x4e: {  	v27 =	vld [tilespmem:s12+$0xC00]  }
0x4f: {  	v26 =	vld.idx.msk [tilespmem:v26+s20+$0x0], $0xffff;
	_ =	sdelay $0x2  }
0x50: {  	v28 =	vperm.xlane v24, v2;
	v29 =	vperm.xlane v23, v2;
	_ =	sdelay $0x1  }
0x51: {  	v30 =	vadd.s32 v4, v25;
	v27 =	vmul.f32 v27, v28;
	v26 =	vmul.f32 v26, v29;
	_ =	sdelay $0x1  }
0x52: {  	v26 =	vadd.f32 v26, v27;
	_ =	sdelay $0x1  }
0x53: {  	v46 =	vld [tilespmem:s12+$0xC10];
	[tilespmem:s12+$0xC00] =	vst v26  }
0x54: {  	v47 =	vld.idx.msk [tilespmem:v30+s20+$0x0], $0xffff;
	_ =	sdelay $0x4  }
0x55: {  	v48 =	vadd.s32 v5, v25;
	v26 =	vmul.f32 v46, v28;
	v27 =	vmul.f32 v47, v29;
	_ =	sdelay $0x1  }
0x56: {  	v26 =	vadd.f32 v27, v26;
	_ =	sdelay $0x1  }
0x57: {  	v49 =	vld [tilespmem:s12+$0xC20];
	[tilespmem:s12+$0xC10] =	vst v26  }
0x58: {  	v50 =	vld.idx.msk [tilespmem:v48+s20+$0x0], $0xffff;
	_ =	sdelay $0x4  }
0x59: {  	v51 =	vadd.s32 v6, v25;
	v26 =	vmul.f32 v49, v28;
	v27 =	vmul.f32 v50, v29;
	_ =	sdelay $0x1  }
0x5a: {  	v26 =	vadd.f32 v27, v26;
	_ =	sdelay $0x1  }
0x5b: {  	v52 =	vld [tilespmem:s12+$0xC30];
	[tilespmem:s12+$0xC20] =	vst v26  }
0x5c: {  	v25 =	vld.idx.msk [tilespmem:v51+s20+$0x0], $0xffff;
	_ =	sdelay $0x2  }
0x5d: {  	v53 =	vperm.xlane v22, v7;
	_ =	sdelay $0x1  }
0x5e: {  	v54 =	vadd.s32 v3, v53;
	v26 =	vmul.f32 v52, v28;
	v25 =	vmul.f32 v25, v29;
	_ =	sdelay $0x1  }
0x5f: {  	v25 =	vadd.f32 v25, v26;
	_ =	sdelay $0x1  }
0x60: {  	v55 =	vld [tilespmem:s12+$0xC40];
	[tilespmem:s12+$0xC30] =	vst v25  }
0x61: {  	v56 =	vld.idx.msk [tilespmem:v54+s20+$0x0], $0xffff;
	_ =	sdelay $0x2  }
0x62: {  	v57 =	vperm.xlane v24, v7;
	v58 =	vperm.xlane v23, v7;
	_ =	sdelay $0x1  }
0x63: {  	v59 =	vadd.s32 v4, v53;
	v25 =	vmul.f32 v55, v57;
	v26 =	vmul.f32 v56, v58;
	_ =	sdelay $0x1  }
0x64: {  	v25 =	vadd.f32 v26, v25;
	_ =	sdelay $0x1  }
0x65: {  	v60 =	vld [tilespmem:s12+$0xC50];
	[tilespmem:s12+$0xC40] =	vst v25  }
0x66: {  	v61 =	vld.idx.msk [tilespmem:v59+s20+$0x0], $0xffff;
	_ =	sdelay $0x4  }
0x67: {  	v62 =	vadd.s32 v5, v53;
	v25 =	vmul.f32 v60, v57;
	v26 =	vmul.f32 v61, v58;
	_ =	sdelay $0x1  }
0x68: {  	v25 =	vadd.f32 v26, v25;
	_ =	sdelay $0x1  }
0x69: {  	v63 =	vld [tilespmem:s12+$0xC60];
	[tilespmem:s12+$0xC50] =	vst v25  }
0x6a: {  	v30 =	vld.idx.msk [tilespmem:v62+s20+$0x0], $0xffff;
	_ =	sdelay $0x4  }
0x6b: {  	v27 =	vadd.s32 v6, v53;
	v25 =	vmul.f32 v63, v57;
	v26 =	vmul.f32 v30, v58;
	_ =	sdelay $0x1  }
0x6c: {  	v25 =	vadd.f32 v26, v25;
	_ =	sdelay $0x1  }
0x6d: {  	v31 =	vld [tilespmem:s12+$0xC70];
	[tilespmem:s12+$0xC60] =	vst v25  }
0x6e: {  	v32 =	vld.idx.msk [tilespmem:v27+s20+$0x0], $0xffff;
	_ =	sdelay $0x2  }
0x6f: {  	v33 =	vperm.xlane v22, v8;
	_ =	sdelay $0x1  }
0x70: {  	v34 =	vadd.s32 v3, v33;
	v25 =	vmul.f32 v31, v57;
	v26 =	vmul.f32 v32, v58;
	_ =	sdelay $0x1  }
0x71: {  	v25 =	vadd.f32 v26, v25;
	_ =	sdelay $0x1  }
0x72: {  	v35 =	vld [tilespmem:s12+$0xC80];
	[tilespmem:s12+$0xC70] =	vst v25  }
0x73: {  	v36 =	vld.idx.msk [tilespmem:v34+s20+$0x0], $0xffff;
	_ =	sdelay $0x2  }
0x74: {  	v37 =	vperm.xlane v24, v8;
	v38 =	vperm.xlane v23, v8;
	_ =	sdelay $0x1  }
0x75: {  	v39 =	vadd.s32 v4, v33;
	v25 =	vmul.f32 v35, v37;
	v26 =	vmul.f32 v36, v38;
	_ =	sdelay $0x1  }
0x76: {  	v25 =	vadd.f32 v26, v25;
	_ =	sdelay $0x1  }
0x77: {  	v40 =	vld [tilespmem:s12+$0xC90];
	[tilespmem:s12+$0xC80] =	vst v25  }
0x78: {  	v41 =	vld.idx.msk [tilespmem:v39+s20+$0x0], $0xffff;
	_ =	sdelay $0x4  }
0x79: {  	v42 =	vadd.s32 v5, v33;
	v25 =	vmul.f32 v40, v37;
	v26 =	vmul.f32 v41, v38;
	_ =	sdelay $0x1  }
0x7a: {  	v25 =	vadd.f32 v26, v25;
	_ =	sdelay $0x1  }
0x7b: {  	v43 =	vld [tilespmem:s12+$0xCA0];
	[tilespmem:s12+$0xC90] =	vst v25  }
0x7c: {  	v44 =	vld.idx.msk [tilespmem:v42+s20+$0x0], $0xffff;
	_ =	sdelay $0x4  }
0x7d: {  	v27 =	vadd.s32 v6, v33;
	v25 =	vmul.f32 v43, v37;
	v26 =	vmul.f32 v44, v38;
	_ =	sdelay $0x1  }
0x7e: {  	v25 =	vadd.f32 v26, v25;
	_ =	sdelay $0x1  }
0x7f: {  	v45 =	vld [tilespmem:s12+$0xCB0];
	[tilespmem:s12+$0xCA0] =	vst v25  }
0x80: {  	v46 =	vld.idx.msk [tilespmem:v27+s20+$0x0], $0xffff;
	_ =	sdelay $0x2  }
0x81: {  	v47 =	vperm.xlane v22, v9;
	_ =	sdelay $0x1  }
0x82: {  	v48 =	vadd.s32 v3, v47;
	v25 =	vmul.f32 v45, v37;
	v26 =	vmul.f32 v46, v38;
	_ =	sdelay $0x1  }
0x83: {  	v25 =	vadd.f32 v26, v25;
	_ =	sdelay $0x1  }
0x84: {  	v49 =	vld [tilespmem:s12+$0xCC0];
	[tilespmem:s12+$0xCB0] =	vst v25  }
0x85: {  	v50 =	vld.idx.msk [tilespmem:v48+s20+$0x0], $0xffff;
	_ =	sdelay $0x2  }
0x86: {  	v52 =	vperm.xlane v23, v9;
	v51 =	vperm.xlane v24, v9;
	_ =	sdelay $0x1  }
0x87: {  	v53 =	vadd.s32 v4, v47;
	v25 =	vmul.f32 v49, v51;
	v26 =	vmul.f32 v50, v52;
	_ =	sdelay $0x1  }
0x88: {  	v25 =	vadd.f32 v26, v25;
	_ =	sdelay $0x1  }
0x89: {  	v54 =	vld [tilespmem:s12+$0xCD0];
	[tilespmem:s12+$0xCC0] =	vst v25  }
0x8a: {  	v55 =	vld.idx.msk [tilespmem:v53+s20+$0x0], $0xffff;
	_ =	sdelay $0x4  }
0x8b: {  	v56 =	vadd.s32 v5, v47;
	v25 =	vmul.f32 v54, v51;
	v26 =	vmul.f32 v55, v52;
	_ =	sdelay $0x1  }
0x8c: {  	v25 =	vadd.f32 v26, v25;
	_ =	sdelay $0x1  }
0x8d: {  	v57 =	vld [tilespmem:s12+$0xCE0];
	[tilespmem:s12+$0xCD0] =	vst v25  }
0x8e: {  	v58 =	vld.idx.msk [tilespmem:v56+s20+$0x0], $0xffff;
	_ =	sdelay $0x4  }
0x8f: {  	v27 =	vadd.s32 v6, v47;
	v25 =	vmul.f32 v57, v51;
	v26 =	vmul.f32 v58, v52;
	_ =	sdelay $0x1  }
0x90: {  	v25 =	vadd.f32 v26, v25;
	_ =	sdelay $0x1  }
0x91: {  	v59 =	vld [tilespmem:s12+$0xCF0];
	[tilespmem:s12+$0xCE0] =	vst v25  }
0x92: {  	v60 =	vld.idx.msk [tilespmem:v27+s20+$0x0], $0xffff;
	_ =	sdelay $0x2  }
0x93: {  	v61 =	vperm.xlane v22, v10;
	_ =	sdelay $0x1  }
0x94: {  	v62 =	vadd.s32 v3, v61;
	v25 =	vmul.f32 v59, v51;
	v26 =	vmul.f32 v60, v52;
	_ =	sdelay $0x1  }
0x95: {  	v25 =	vadd.f32 v26, v25;
	_ =	sdelay $0x1  }
0x96: {  	v63 =	vld [tilespmem:s12+$0xD00];
	[tilespmem:s12+$0xCF0] =	vst v25  }
0x97: {  	v32 =	vld.idx.msk [tilespmem:v62+s20+$0x0], $0xffff;
	_ =	sdelay $0x2  }
0x98: {  	v33 =	vperm.xlane v24, v10;
	v34 =	vperm.xlane v23, v10;
	_ =	sdelay $0x1  }
0x99: {  	v35 =	vadd.s32 v4, v61;
	v25 =	vmul.f32 v63, v33;
	v26 =	vmul.f32 v32, v34;
	_ =	sdelay $0x1  }
0x9a: {  	v25 =	vadd.f32 v26, v25;
	_ =	sdelay $0x1  }
0x9b: {  	v36 =	vld [tilespmem:s12+$0xD10];
	[tilespmem:s12+$0xD00] =	vst v25  }
0x9c: {  	v37 =	vld.idx.msk [tilespmem:v35+s20+$0x0], $0xffff;
	_ =	sdelay $0x4  }
0x9d: {  	v38 =	vadd.s32 v5, v61;
	v25 =	vmul.f32 v36, v33;
	v26 =	vmul.f32 v37, v34;
	_ =	sdelay $0x1  }
0x9e: {  	v25 =	vadd.f32 v26, v25;
	_ =	sdelay $0x1  }
0x9f: {  	v39 =	vld [tilespmem:s12+$0xD20];
	[tilespmem:s12+$0xD10] =	vst v25  }
0xa0: {  	v40 =	vld.idx.msk [tilespmem:v38+s20+$0x0], $0xffff;
	_ =	sdelay $0x4  }
0xa1: {  	v27 =	vadd.s32 v6, v61;
	v25 =	vmul.f32 v39, v33;
	v26 =	vmul.f32 v40, v34;
	_ =	sdelay $0x1  }
0xa2: {  	v25 =	vadd.f32 v26, v25;
	_ =	sdelay $0x1  }
0xa3: {  	v41 =	vld [tilespmem:s12+$0xD30];
	[tilespmem:s12+$0xD20] =	vst v25  }
0xa4: {  	v42 =	vld.idx.msk [tilespmem:v27+s20+$0x0], $0xffff;
	_ =	sdelay $0x2  }
0xa5: {  	v43 =	vperm.xlane v22, v11;
	_ =	sdelay $0x1  }
0xa6: {  	v44 =	vadd.s32 v3, v43;
	v25 =	vmul.f32 v41, v33;
	v26 =	vmul.f32 v42, v34;
	_ =	sdelay $0x1  }
0xa7: {  	v25 =	vadd.f32 v26, v25;
	_ =	sdelay $0x1  }
0xa8: {  	v45 =	vld [tilespmem:s12+$0xD40];
	[tilespmem:s12+$0xD30] =	vst v25  }
0xa9: {  	v46 =	vld.idx.msk [tilespmem:v44+s20+$0x0], $0xffff;
	_ =	sdelay $0x2  }
0xaa: {  	v47 =	vperm.xlane v24, v11;
	v48 =	vperm.xlane v23, v11;
	_ =	sdelay $0x1  }
0xab: {  	v49 =	vadd.s32 v4, v43;
	v25 =	vmul.f32 v45, v47;
	v26 =	vmul.f32 v46, v48;
	_ =	sdelay $0x1  }
0xac: {  	v25 =	vadd.f32 v26, v25;
	_ =	sdelay $0x1  }
0xad: {  	v50 =	vld [tilespmem:s12+$0xD50];
	[tilespmem:s12+$0xD40] =	vst v25  }
0xae: {  	v51 =	vld.idx.msk [tilespmem:v49+s20+$0x0], $0xffff;
	_ =	sdelay $0x4  }
0xaf: {  	v52 =	vadd.s32 v5, v43;
	v25 =	vmul.f32 v50, v47;
	v26 =	vmul.f32 v51, v48;
	_ =	sdelay $0x1  }
0xb0: {  	v25 =	vadd.f32 v26, v25;
	_ =	sdelay $0x1  }
0xb1: {  	v53 =	vld [tilespmem:s12+$0xD60];
	[tilespmem:s12+$0xD50] =	vst v25  }
0xb2: {  	v54 =	vld.idx.msk [tilespmem:v52+s20+$0x0], $0xffff;
	_ =	sdelay $0x4  }
0xb3: {  	v27 =	vadd.s32 v6, v43;
	v25 =	vmul.f32 v53, v47;
	v26 =	vmul.f32 v54, v48;
	_ =	sdelay $0x1  }
0xb4: {  	v25 =	vadd.f32 v26, v25;
	_ =	sdelay $0x1  }
0xb5: {  	v55 =	vld [tilespmem:s12+$0xD70];
	[tilespmem:s12+$0xD60] =	vst v25  }
0xb6: {  	v56 =	vld.idx.msk [tilespmem:v27+s20+$0x0], $0xffff;
	_ =	sdelay $0x2  }
0xb7: {  	v57 =	vperm.xlane v22, v12;
	_ =	sdelay $0x1  }
0xb8: {  	v58 =	vadd.s32 v3, v57;
	v25 =	vmul.f32 v55, v47;
	v26 =	vmul.f32 v56, v48;
	_ =	sdelay $0x1  }
0xb9: {  	v25 =	vadd.f32 v26, v25;
	_ =	sdelay $0x1  }
0xba: {  	v59 =	vld [tilespmem:s12+$0xD80];
	[tilespmem:s12+$0xD70] =	vst v25  }
0xbb: {  	v60 =	vld.idx.msk [tilespmem:v58+s20+$0x0], $0xffff;
	_ =	sdelay $0x2  }
0xbc: {  	v61 =	vperm.xlane v24, v12;
	v62 =	vperm.xlane v23, v12;
	_ =	sdelay $0x1  }
0xbd: {  	v63 =	vadd.s32 v4, v57;
	v25 =	vmul.f32 v59, v61;
	v26 =	vmul.f32 v60, v62;
	_ =	sdelay $0x1  }
0xbe: {  	v25 =	vadd.f32 v26, v25;
	_ =	sdelay $0x1  }
0xbf: {  	v32 =	vld [tilespmem:s12+$0xD90];
	[tilespmem:s12+$0xD80] =	vst v25  }
0xc0: {  	v33 =	vld.idx.msk [tilespmem:v63+s20+$0x0], $0xffff;
	_ =	sdelay $0x4  }
0xc1: {  	v34 =	vadd.s32 v5, v57;
	v25 =	vmul.f32 v32, v61;
	v26 =	vmul.f32 v33, v62;
	_ =	sdelay $0x1  }
0xc2: {  	v25 =	vadd.f32 v26, v25;
	_ =	sdelay $0x1  }
0xc3: {  	v35 =	vld [tilespmem:s12+$0xDA0];
	[tilespmem:s12+$0xD90] =	vst v25  }
0xc4: {  	v36 =	vld.idx.msk [tilespmem:v34+s20+$0x0], $0xffff;
	_ =	sdelay $0x4  }
0xc5: {  	v27 =	vadd.s32 v6, v57;
	v25 =	vmul.f32 v35, v61;
	v26 =	vmul.f32 v36, v62;
	_ =	sdelay $0x1  }
0xc6: {  	v25 =	vadd.f32 v26, v25;
	_ =	sdelay $0x1  }
0xc7: {  	v37 =	vld [tilespmem:s12+$0xDB0];
	[tilespmem:s12+$0xDA0] =	vst v25  }
0xc8: {  	v38 =	vld.idx.msk [tilespmem:v27+s20+$0x0], $0xffff;
	_ =	sdelay $0x2  }
0xc9: {  	v39 =	vperm.xlane v22, v13;
	_ =	sdelay $0x1  }
0xca: {  	v40 =	vadd.s32 v3, v39;
	v25 =	vmul.f32 v37, v61;
	v26 =	vmul.f32 v38, v62;
	_ =	sdelay $0x1  }
0xcb: {  	v25 =	vadd.f32 v26, v25;
	_ =	sdelay $0x1  }
0xcc: {  	v41 =	vld [tilespmem:s12+$0xDC0];
	[tilespmem:s12+$0xDB0] =	vst v25  }
0xcd: {  	v42 =	vld.idx.msk [tilespmem:v40+s20+$0x0], $0xffff;
	_ =	sdelay $0x2  }
0xce: {  	v43 =	vperm.xlane v24, v13;
	v44 =	vperm.xlane v23, v13;
	_ =	sdelay $0x1  }
0xcf: {  	v45 =	vadd.s32 v4, v39;
	v25 =	vmul.f32 v41, v43;
	v26 =	vmul.f32 v42, v44;
	_ =	sdelay $0x1  }
0xd0: {  	v25 =	vadd.f32 v26, v25;
	_ =	sdelay $0x1  }
0xd1: {  	v46 =	vld [tilespmem:s12+$0xDD0];
	[tilespmem:s12+$0xDC0] =	vst v25  }
0xd2: {  	v47 =	vld.idx.msk [tilespmem:v45+s20+$0x0], $0xffff;
	_ =	sdelay $0x4  }
0xd3: {  	v48 =	vadd.s32 v5, v39;
	v25 =	vmul.f32 v46, v43;
	v26 =	vmul.f32 v47, v44;
	_ =	sdelay $0x1  }
0xd4: {  	v25 =	vadd.f32 v26, v25;
	_ =	sdelay $0x1  }
0xd5: {  	v49 =	vld [tilespmem:s12+$0xDE0];
	[tilespmem:s12+$0xDD0] =	vst v25  }
0xd6: {  	v50 =	vld.idx.msk [tilespmem:v48+s20+$0x0], $0xffff;
	_ =	sdelay $0x4  }
0xd7: {  	v27 =	vadd.s32 v6, v39;
	v25 =	vmul.f32 v49, v43;
	v26 =	vmul.f32 v50, v44;
	_ =	sdelay $0x1  }
0xd8: {  	v25 =	vadd.f32 v26, v25;
	_ =	sdelay $0x1  }
0xd9: {  	v51 =	vld [tilespmem:s12+$0xDF0];
	[tilespmem:s12+$0xDE0] =	vst v25  }
0xda: {  	v52 =	vld.idx.msk [tilespmem:v27+s20+$0x0], $0xffff;
	_ =	sdelay $0x2  }
0xdb: {  	v53 =	vperm.xlane v22, v14;
	_ =	sdelay $0x1  }
0xdc: {  	v54 =	vadd.s32 v3, v53;
	v25 =	vmul.f32 v51, v43;
	v26 =	vmul.f32 v52, v44;
	_ =	sdelay $0x1  }
0xdd: {  	v25 =	vadd.f32 v26, v25;
	_ =	sdelay $0x1  }
0xde: {  	v55 =	vld [tilespmem:s12+$0xE00];
	[tilespmem:s12+$0xDF0] =	vst v25  }
0xdf: {  	v56 =	vld.idx.msk [tilespmem:v54+s20+$0x0], $0xffff;
	_ =	sdelay $0x2  }
0xe0: {  	v57 =	vperm.xlane v24, v14;
	v58 =	vperm.xlane v23, v14;
	_ =	sdelay $0x1  }
0xe1: {  	v59 =	vadd.s32 v4, v53;
	v25 =	vmul.f32 v55, v57;
	v26 =	vmul.f32 v56, v58;
	_ =	sdelay $0x1  }
0xe2: {  	v25 =	vadd.f32 v26, v25;
	_ =	sdelay $0x1  }
0xe3: {  	v60 =	vld [tilespmem:s12+$0xE10];
	[tilespmem:s12+$0xE00] =	vst v25  }
0xe4: {  	v61 =	vld.idx.msk [tilespmem:v59+s20+$0x0], $0xffff;
	_ =	sdelay $0x4  }
0xe5: {  	v62 =	vadd.s32 v5, v53;
	v25 =	vmul.f32 v60, v57;
	v26 =	vmul.f32 v61, v58;
	_ =	sdelay $0x1  }
0xe6: {  	v25 =	vadd.f32 v26, v25;
	_ =	sdelay $0x1  }
0xe7: {  	v63 =	vld [tilespmem:s12+$0xE20];
	[tilespmem:s12+$0xE10] =	vst v25  }
0xe8: {  	v30 =	vld.idx.msk [tilespmem:v62+s20+$0x0], $0xffff;
	_ =	sdelay $0x4  }
0xe9: {  	v27 =	vadd.s32 v6, v53;
	v25 =	vmul.f32 v63, v57;
	v26 =	vmul.f32 v30, v58;
	_ =	sdelay $0x1  }
0xea: {  	v25 =	vadd.f32 v26, v25;
	_ =	sdelay $0x1  }
0xeb: {  	v31 =	vld [tilespmem:s12+$0xE30];
	[tilespmem:s12+$0xE20] =	vst v25  }
0xec: {  	v32 =	vld.idx.msk [tilespmem:v27+s20+$0x0], $0xffff;
	_ =	sdelay $0x2  }
0xed: {  	v33 =	vperm.xlane v22, v15;
	_ =	sdelay $0x1  }
0xee: {  	v34 =	vadd.s32 v3, v33;
	v25 =	vmul.f32 v31, v57;
	v26 =	vmul.f32 v32, v58;
	_ =	sdelay $0x1  }
0xef: {  	v25 =	vadd.f32 v26, v25;
	_ =	sdelay $0x1  }
0xf0: {  	v35 =	vld [tilespmem:s12+$0xE40];
	[tilespmem:s12+$0xE30] =	vst v25  }
0xf1: {  	v36 =	vld.idx.msk [tilespmem:v34+s20+$0x0], $0xffff;
	_ =	sdelay $0x2  }
0xf2: {  	v37 =	vperm.xlane v24, v15;
	v38 =	vperm.xlane v23, v15;
	_ =	sdelay $0x1  }
0xf3: {  	v39 =	vadd.s32 v4, v33;
	v25 =	vmul.f32 v35, v37;
	v26 =	vmul.f32 v36, v38;
	_ =	sdelay $0x1  }
0xf4: {  	v25 =	vadd.f32 v26, v25;
	_ =	sdelay $0x1  }
0xf5: {  	v40 =	vld [tilespmem:s12+$0xE50];
	[tilespmem:s12+$0xE40] =	vst v25  }
0xf6: {  	v41 =	vld.idx.msk [tilespmem:v39+s20+$0x0], $0xffff;
	_ =	sdelay $0x4  }
0xf7: {  	v42 =	vadd.s32 v5, v33;
	v25 =	vmul.f32 v40, v37;
	v26 =	vmul.f32 v41, v38;
	_ =	sdelay $0x1  }
0xf8: {  	v25 =	vadd.f32 v26, v25;
	_ =	sdelay $0x1  }
0xf9: {  	v43 =	vld [tilespmem:s12+$0xE60];
	[tilespmem:s12+$0xE50] =	vst v25  }
0xfa: {  	v44 =	vld.idx.msk [tilespmem:v42+s20+$0x0], $0xffff;
	_ =	sdelay $0x4  }
0xfb: {  	v27 =	vadd.s32 v6, v33;
	v25 =	vmul.f32 v43, v37;
	v26 =	vmul.f32 v44, v38;
	_ =	sdelay $0x1  }
0xfc: {  	v25 =	vadd.f32 v26, v25;
	_ =	sdelay $0x1  }
0xfd: {  	v45 =	vld [tilespmem:s12+$0xE70];
	[tilespmem:s12+$0xE60] =	vst v25  }
0xfe: {  	v46 =	vld.idx.msk [tilespmem:v27+s20+$0x0], $0xffff;
	_ =	sdelay $0x2  }
0xff: {  	v47 =	vperm.xlane v22, v16;
	_ =	sdelay $0x1  }
0x100: {  	v48 =	vadd.s32 v3, v47;
	v25 =	vmul.f32 v45, v37;
	v26 =	vmul.f32 v46, v38;
	_ =	sdelay $0x1  }
0x101: {  	v25 =	vadd.f32 v26, v25;
	_ =	sdelay $0x1  }
0x102: {  	v49 =	vld [tilespmem:s12+$0xE80];
	[tilespmem:s12+$0xE70] =	vst v25  }
0x103: {  	v50 =	vld.idx.msk [tilespmem:v48+s20+$0x0], $0xffff;
	_ =	sdelay $0x2  }
0x104: {  	v51 =	vperm.xlane v24, v16;
	v52 =	vperm.xlane v23, v16;
	_ =	sdelay $0x1  }
0x105: {  	v53 =	vadd.s32 v4, v47;
	v25 =	vmul.f32 v49, v51;
	v26 =	vmul.f32 v50, v52;
	_ =	sdelay $0x1  }
0x106: {  	v25 =	vadd.f32 v26, v25;
	_ =	sdelay $0x1  }
0x107: {  	v54 =	vld [tilespmem:s12+$0xE90];
	[tilespmem:s12+$0xE80] =	vst v25  }
0x108: {  	v55 =	vld.idx.msk [tilespmem:v53+s20+$0x0], $0xffff;
	_ =	sdelay $0x4  }
0x109: {  	v56 =	vadd.s32 v5, v47;
	v25 =	vmul.f32 v54, v51;
	v26 =	vmul.f32 v55, v52;
	_ =	sdelay $0x1  }
0x10a: {  	v25 =	vadd.f32 v26, v25;
	_ =	sdelay $0x1  }
0x10b: {  	v57 =	vld [tilespmem:s12+$0xEA0];
	[tilespmem:s12+$0xE90] =	vst v25  }
0x10c: {  	v58 =	vld.idx.msk [tilespmem:v56+s20+$0x0], $0xffff;
	_ =	sdelay $0x4  }
0x10d: {  	v27 =	vadd.s32 v6, v47;
	v25 =	vmul.f32 v57, v51;
	v26 =	vmul.f32 v58, v52;
	_ =	sdelay $0x1  }
0x10e: {  	v25 =	vadd.f32 v26, v25;
	_ =	sdelay $0x1  }
0x10f: {  	v59 =	vld [tilespmem:s12+$0xEB0];
	[tilespmem:s12+$0xEA0] =	vst v25  }
0x110: {  	v60 =	vld.idx.msk [tilespmem:v27+s20+$0x0], $0xffff;
	_ =	sdelay $0x2  }
0x111: {  	v61 =	vperm.xlane v22, v17;
	_ =	sdelay $0x1  }
0x112: {  	v62 =	vadd.s32 v3, v61;
	v25 =	vmul.f32 v59, v51;
	v26 =	vmul.f32 v60, v52;
	_ =	sdelay $0x1  }
0x113: {  	v25 =	vadd.f32 v26, v25;
	_ =	sdelay $0x1  }
0x114: {  	v63 =	vld [tilespmem:s12+$0xEC0];
	[tilespmem:s12+$0xEB0] =	vst v25  }
0x115: {  	v32 =	vld.idx.msk [tilespmem:v62+s20+$0x0], $0xffff;
	_ =	sdelay $0x2  }
0x116: {  	v33 =	vperm.xlane v24, v17;
	v34 =	vperm.xlane v23, v17;
	_ =	sdelay $0x1  }
0x117: {  	v35 =	vadd.s32 v4, v61;
	v25 =	vmul.f32 v63, v33;
	v26 =	vmul.f32 v32, v34;
	_ =	sdelay $0x1  }
0x118: {  	v25 =	vadd.f32 v26, v25;
	_ =	sdelay $0x1  }
0x119: {  	v36 =	vld [tilespmem:s12+$0xED0];
	[tilespmem:s12+$0xEC0] =	vst v25  }
0x11a: {  	v37 =	vld.idx.msk [tilespmem:v35+s20+$0x0], $0xffff;
	_ =	sdelay $0x4  }
0x11b: {  	v38 =	vadd.s32 v5, v61;
	v25 =	vmul.f32 v36, v33;
	v26 =	vmul.f32 v37, v34;
	_ =	sdelay $0x1  }
0x11c: {  	v25 =	vadd.f32 v26, v25;
	_ =	sdelay $0x1  }
0x11d: {  	v39 =	vld [tilespmem:s12+$0xEE0];
	[tilespmem:s12+$0xED0] =	vst v25  }
0x11e: {  	v40 =	vld.idx.msk [tilespmem:v38+s20+$0x0], $0xffff;
	_ =	sdelay $0x4  }
0x11f: {  	v27 =	vadd.s32 v6, v61;
	v25 =	vmul.f32 v39, v33;
	v26 =	vmul.f32 v40, v34;
	_ =	sdelay $0x1  }
0x120: {  	v25 =	vadd.f32 v26, v25;
	_ =	sdelay $0x1  }
0x121: {  	v41 =	vld [tilespmem:s12+$0xEF0];
	[tilespmem:s12+$0xEE0] =	vst v25  }
0x122: {  	v42 =	vld.idx.msk [tilespmem:v27+s20+$0x0], $0xffff;
	_ =	sdelay $0x2  }
0x123: {  	v43 =	vperm.xlane v22, v18;
	_ =	sdelay $0x1  }
0x124: {  	v44 =	vadd.s32 v3, v43;
	v25 =	vmul.f32 v41, v33;
	v26 =	vmul.f32 v42, v34;
	_ =	sdelay $0x1  }
0x125: {  	v25 =	vadd.f32 v26, v25;
	_ =	sdelay $0x1  }
0x126: {  	v45 =	vld [tilespmem:s12+$0xF00];
	[tilespmem:s12+$0xEF0] =	vst v25  }
0x127: {  	v46 =	vld.idx.msk [tilespmem:v44+s20+$0x0], $0xffff;
	_ =	sdelay $0x2  }
0x128: {  	v47 =	vperm.xlane v24, v18;
	v48 =	vperm.xlane v23, v18;
	_ =	sdelay $0x1  }
0x129: {  	v49 =	vadd.s32 v4, v43;
	v25 =	vmul.f32 v45, v47;
	v26 =	vmul.f32 v46, v48;
	_ =	sdelay $0x1  }
0x12a: {  	v25 =	vadd.f32 v26, v25;
	_ =	sdelay $0x1  }
0x12b: {  	v50 =	vld [tilespmem:s12+$0xF10];
	[tilespmem:s12+$0xF00] =	vst v25  }
0x12c: {  	v51 =	vld.idx.msk [tilespmem:v49+s20+$0x0], $0xffff;
	_ =	sdelay $0x4  }
0x12d: {  	v52 =	vadd.s32 v5, v43;
	v25 =	vmul.f32 v50, v47;
	v26 =	vmul.f32 v51, v48;
	_ =	sdelay $0x1  }
0x12e: {  	v25 =	vadd.f32 v26, v25;
	_ =	sdelay $0x1  }
0x12f: {  	v53 =	vld [tilespmem:s12+$0xF20];
	[tilespmem:s12+$0xF10] =	vst v25  }
0x130: {  	v54 =	vld.idx.msk [tilespmem:v52+s20+$0x0], $0xffff;
	_ =	sdelay $0x4  }
0x131: {  	v27 =	vadd.s32 v6, v43;
	v25 =	vmul.f32 v53, v47;
	v26 =	vmul.f32 v54, v48;
	_ =	sdelay $0x1  }
0x132: {  	v25 =	vadd.f32 v26, v25;
	_ =	sdelay $0x1  }
0x133: {  	v55 =	vld [tilespmem:s12+$0xF30];
	[tilespmem:s12+$0xF20] =	vst v25  }
0x134: {  	v56 =	vld.idx.msk [tilespmem:v27+s20+$0x0], $0xffff;
	_ =	sdelay $0x2  }
0x135: {  	v57 =	vperm.xlane v22, v19;
	_ =	sdelay $0x1  }
0x136: {  	v58 =	vadd.s32 v3, v57;
	v25 =	vmul.f32 v55, v47;
	v26 =	vmul.f32 v56, v48;
	_ =	sdelay $0x1  }
0x137: {  	v25 =	vadd.f32 v26, v25;
	_ =	sdelay $0x1  }
0x138: {  	v59 =	vld [tilespmem:s12+$0xF40];
	[tilespmem:s12+$0xF30] =	vst v25  }
0x139: {  	v60 =	vld.idx.msk [tilespmem:v58+s20+$0x0], $0xffff;
	_ =	sdelay $0x2  }
0x13a: {  	v61 =	vperm.xlane v24, v19;
	v62 =	vperm.xlane v23, v19;
	_ =	sdelay $0x1  }
0x13b: {  	v63 =	vadd.s32 v4, v57;
	v25 =	vmul.f32 v59, v61;
	v26 =	vmul.f32 v60, v62;
	_ =	sdelay $0x1  }
0x13c: {  	v25 =	vadd.f32 v26, v25;
	_ =	sdelay $0x1  }
0x13d: {  	v32 =	vld [tilespmem:s12+$0xF50];
	[tilespmem:s12+$0xF40] =	vst v25  }
0x13e: {  	v33 =	vld.idx.msk [tilespmem:v63+s20+$0x0], $0xffff;
	_ =	sdelay $0x4  }
0x13f: {  	v34 =	vadd.s32 v5, v57;
	v25 =	vmul.f32 v32, v61;
	v26 =	vmul.f32 v33, v62;
	_ =	sdelay $0x1  }
0x140: {  	v25 =	vadd.f32 v26, v25;
	_ =	sdelay $0x1  }
0x141: {  	v35 =	vld [tilespmem:s12+$0xF60];
	[tilespmem:s12+$0xF50] =	vst v25  }
0x142: {  	v36 =	vld.idx.msk [tilespmem:v34+s20+$0x0], $0xffff;
	_ =	sdelay $0x4  }
0x143: {  	v27 =	vadd.s32 v6, v57;
	v25 =	vmul.f32 v35, v61;
	v26 =	vmul.f32 v36, v62;
	_ =	sdelay $0x1  }
0x144: {  	v25 =	vadd.f32 v26, v25;
	_ =	sdelay $0x1  }
0x145: {  	v37 =	vld [tilespmem:s12+$0xF70];
	[tilespmem:s12+$0xF60] =	vst v25  }
0x146: {  	v38 =	vld.idx.msk [tilespmem:v27+s20+$0x0], $0xffff;
	_ =	sdelay $0x2  }
0x147: {  	v39 =	vperm.xlane v22, v20;
	_ =	sdelay $0x1  }
0x148: {  	v40 =	vadd.s32 v3, v39;
	v25 =	vmul.f32 v37, v61;
	v26 =	vmul.f32 v38, v62;
	_ =	sdelay $0x1  }
0x149: {  	v25 =	vadd.f32 v26, v25;
	_ =	sdelay $0x1  }
0x14a: {  	v41 =	vld [tilespmem:s12+$0xF80];
	[tilespmem:s12+$0xF70] =	vst v25  }
0x14b: {  	v42 =	vld.idx.msk [tilespmem:v40+s20+$0x0], $0xffff;
	_ =	sdelay $0x2  }
0x14c: {  	v43 =	vperm.xlane v24, v20;
	v44 =	vperm.xlane v23, v20;
	_ =	sdelay $0x1  }
0x14d: {  	v45 =	vadd.s32 v4, v39;
	v25 =	vmul.f32 v41, v43;
	v26 =	vmul.f32 v42, v44;
	_ =	sdelay $0x1  }
0x14e: {  	v25 =	vadd.f32 v26, v25;
	_ =	sdelay $0x1  }
0x14f: {  	v46 =	vld [tilespmem:s12+$0xF90];
	[tilespmem:s12+$0xF80] =	vst v25  }
0x150: {  	v47 =	vld.idx.msk [tilespmem:v45+s20+$0x0], $0xffff;
	_ =	sdelay $0x4  }
0x151: {  	v48 =	vadd.s32 v5, v39;
	v25 =	vmul.f32 v46, v43;
	v26 =	vmul.f32 v47, v44;
	_ =	sdelay $0x1  }
0x152: {  	v25 =	vadd.f32 v26, v25;
	_ =	sdelay $0x1  }
0x153: {  	v49 =	vld [tilespmem:s12+$0xFA0];
	[tilespmem:s12+$0xF90] =	vst v25  }
0x154: {  	v50 =	vld.idx.msk [tilespmem:v48+s20+$0x0], $0xffff;
	_ =	sdelay $0x4  }
0x155: {  	v27 =	vadd.s32 v6, v39;
	v25 =	vmul.f32 v49, v43;
	v26 =	vmul.f32 v50, v44;
	_ =	sdelay $0x1  }
0x156: {  	v25 =	vadd.f32 v26, v25;
	_ =	sdelay $0x1  }
0x157: {  	v51 =	vld [tilespmem:s12+$0xFB0];
	[tilespmem:s12+$0xFA0] =	vst v25  }
0x158: {  	v52 =	vld.idx.msk [tilespmem:v27+s20+$0x0], $0xffff;
	_ =	sdelay $0x2  }
0x159: {  	v22 =	vperm.xlane v22, v21;
	_ =	sdelay $0x1  }
0x15a: {  	v53 =	vadd.s32 v3, v22;
	v25 =	vmul.f32 v51, v43;
	v26 =	vmul.f32 v52, v44;
	_ =	sdelay $0x1  }
0x15b: {  	v25 =	vadd.f32 v26, v25;
	_ =	sdelay $0x1  }
0x15c: {  	v54 =	vld [tilespmem:s12+$0xFC0];
	[tilespmem:s12+$0xFB0] =	vst v25  }
0x15d: {  	v55 =	vld.idx.msk [tilespmem:v53+s20+$0x0], $0xffff;
	_ =	sdelay $0x2  }
0x15e: {  	v23 =	vperm.xlane v23, v21;
	v56 =	vperm.xlane v24, v21;
	_ =	sdelay $0x1  }
0x15f: {  	v57 =	vadd.s32 v4, v22;
	v25 =	vmul.f32 v54, v56;
	v26 =	vmul.f32 v55, v23;
	_ =	sdelay $0x1  }
0x160: {  	v25 =	vadd.f32 v26, v25;
	_ =	sdelay $0x1  }
0x161: {  	v58 =	vld [tilespmem:s12+$0xFD0];
	[tilespmem:s12+$0xFC0] =	vst v25  }
0x162: {  	v59 =	vld.idx.msk [tilespmem:v57+s20+$0x0], $0xffff;
	_ =	sdelay $0x4  }
0x163: {  	v60 =	vadd.s32 v5, v22;
	v25 =	vmul.f32 v58, v56;
	v26 =	vmul.f32 v59, v23;
	_ =	sdelay $0x1  }
0x164: {  	v25 =	vadd.f32 v26, v25;
	_ =	sdelay $0x1  }
0x165: {  	v61 =	vld [tilespmem:s12+$0xFE0];
	[tilespmem:s12+$0xFD0] =	vst v25  }
0x166: {  	v62 =	vld.idx.msk [tilespmem:v60+s20+$0x0], $0xffff;
	_ =	sdelay $0x4  }
0x167: {  	v22 =	vadd.s32 v6, v22;
	v25 =	vmul.f32 v61, v56;
	v26 =	vmul.f32 v62, v23;
	_ =	sdelay $0x1  }
0x168: {  	v25 =	vadd.f32 v26, v25;
	_ =	sdelay $0x1  }
0x169: {  	v63 =	vld [tilespmem:s12+$0xFF0];
	[tilespmem:s12+$0xFE0] =	vst v25  }
0x16a: {  	v22 =	vld.idx.msk [tilespmem:v22+s20+$0x0], $0xffff;
	_ =	sdelay $0x4  }
0x16b: {  	v24 =	vmul.f32 v63, v56;
	v22 =	vmul.f32 v22, v23;
	_ =	sdelay $0x1  }
0x16c: {  	v22 =	vadd.f32 v22, v24;
	_ =	sdelay $0x1  }
0x16d: {  	[tilespmem:s12+$0xFF0] =	vst v22  }
.LBB2_6:
0x16e: {  	s23 =	sadd.s32 $0x1000, s23  }
0x16f: {  	p0 =	sne.s32 s23, $0x20000  }
.Ltmp3:
0x170: {  	_ = 	snop;
	(pc) =	sbr.rel @!p0 .LBB2_7-.Ltmp3, $2  }
0x171: {  	_ =	sdelay $0x2  }
0x172: {  	s0 =	sadd.s32 $0x10, s0;
	s2 =	sadd.s32 $0x10, s2;
	s22 =	sadd.s32 $0x10, s22  }
.LBB2_3:
0x173: {  	v22 =	vld [tilespmem:s0+$0x0];
	_ =	sdelay $0x1  }
0x174: {  	v23 =	vld [tilespmem:s22+$0x0];
	_ =	sdelay $0x2  }
0x175: {  	vm0 =	veq.s32 v22, $0x2  }
0x176: {  	v22 =	vsel vm0, $0x0, v0  }
0x177: {  	v24 =	vmul.f32 v23, v22;
	_ =	sdelay $0x1  }
0x178: {  	vm15 =	veq.f32 v24, $1.000000000e+00  }
0x179: {  	v22 =	vsel vm15, $0x3F800000, v1  }
0x17a: {  	(xrf0) =	vmin.scan.msk.f32 $0xffff, v22;
	_ =	sdelay $0x5  }
0x17b: {  	v22, _, _ =	vpop (xrf0)  }
0x17c: {  	(v2sf) =	vpush v22, $0xF;
	_ =	sdelay $0xc  }
0x17d: {  	v22 =	vld [tilespmem:s2+$0x0];
	_ =	sdelay $0x1  }
0x17e: {  	s12 =	spop (v2sf)  }
0x17f: {  	p0 =	sne.f32 s12, $1.000000000e+00  }
.Ltmp4:
0x180: {  	_ = 	snop;
	(pc) =	sbr.rel @p0 .LBB2_5-.Ltmp4, $3  }
0x181: {  	v22 =	vshll.u32 v22, $0x6  }
0x182: {  	v25 =	vperm.xlane v22, v2;
	_ =	sdelay $0x1  }
0x183: {  	v26 =	vadd.s32 v3, v25;
	s12 =	sshra.s32 s23, $0x2  }
0x184: {  	v23 =	vadd.s32 v4, v25  }
0x185: {  	v24 =	vadd.s32 v5, v25;
	v27 =	vperm.xlane v22, v7  }
0x186: {  	v36 =	vadd.s32 v6, v25  }
0x187: {  	v28 =	vadd.s32 v3, v27  }
0x188: {  	v26 =	vld.idx.msk [tilespmem:v26+s20+$0x0], $0xffff  }
0x189: {  	v29 =	vadd.s32 v4, v27;
	v23 =	vld.idx.msk [tilespmem:v23+s20+$0x0], $0xffff  }
0x18a: {  	v24 =	vld.idx.msk [tilespmem:v24+s20+$0x0], $0xffff  }
0x18b: {  	v30 =	vadd.s32 v5, v27;
	v25 =	vld.idx.msk [tilespmem:v36+s20+$0x0], $0xffff  }
0x18c: {  	v28 =	vld.idx.msk [tilespmem:v28+s20+$0x0], $0xffff  }
0x18d: {  	v38 =	vperm.xlane v22, v8;
	v37 =	vadd.s32 v6, v27;
	[tilespmem:s12+$0xC00] =	vst.add.f32.msk $0xffff, v26  }
0x18e: {  	v29 =	vld.idx.msk [tilespmem:v29+s20+$0x0], $0xffff  }
0x18f: {  	[tilespmem:s12+$0xC10] =	vst.add.f32.msk $0xffff, v23;
	v23 =	vadd.s32 v3, v38  }
0x190: {  	v30 =	vld.idx.msk [tilespmem:v30+s20+$0x0], $0xffff  }
0x191: {  	v39 =	vadd.s32 v4, v38;
	[tilespmem:s12+$0xC20] =	vst.add.f32.msk $0xffff, v24  }
0x192: {  	v26 =	vld.idx.msk [tilespmem:v37+s20+$0x0], $0xffff  }
0x193: {  	v40 =	vadd.s32 v5, v38;
	[tilespmem:s12+$0xC30] =	vst.add.f32.msk $0xffff, v25  }
0x194: {  	v23 =	vld.idx.msk [tilespmem:v23+s20+$0x0], $0xffff  }
0x195: {  	v41 =	vperm.xlane v22, v9;
	v27 =	vadd.s32 v6, v38;
	[tilespmem:s12+$0xC40] =	vst.add.f32.msk $0xffff, v28  }
0x196: {  	v24 =	vld.idx.msk [tilespmem:v39+s20+$0x0], $0xffff  }
0x197: {  	v42 =	vadd.s32 v3, v41;
	[tilespmem:s12+$0xC50] =	vst.add.f32.msk $0xffff, v29  }
0x198: {  	v25 =	vld.idx.msk [tilespmem:v40+s20+$0x0], $0xffff  }
0x199: {  	v43 =	vadd.s32 v4, v41;
	[tilespmem:s12+$0xC60] =	vst.add.f32.msk $0xffff, v30  }
0x19a: {  	v27 =	vld.idx.msk [tilespmem:v27+s20+$0x0], $0xffff  }
0x19b: {  	v44 =	vadd.s32 v5, v41;
	[tilespmem:s12+$0xC70] =	vst.add.f32.msk $0xffff, v26  }
0x19c: {  	v29 =	vld.idx.msk [tilespmem:v42+s20+$0x0], $0xffff  }
0x19d: {  	v45 =	vperm.xlane v22, v10;
	[tilespmem:s12+$0xC80] =	vst.add.f32.msk $0xffff, v23;
	v23 =	vadd.s32 v6, v41  }
0x19e: {  	v30 =	vld.idx.msk [tilespmem:v43+s20+$0x0], $0xffff  }
0x19f: {  	v46 =	vadd.s32 v3, v45;
	[tilespmem:s12+$0xC90] =	vst.add.f32.msk $0xffff, v24  }
0x1a0: {  	v26 =	vld.idx.msk [tilespmem:v44+s20+$0x0], $0xffff  }
0x1a1: {  	v47 =	vadd.s32 v4, v45;
	[tilespmem:s12+$0xCA0] =	vst.add.f32.msk $0xffff, v25  }
0x1a2: {  	v23 =	vld.idx.msk [tilespmem:v23+s20+$0x0], $0xffff  }
0x1a3: {  	v48 =	vadd.s32 v5, v45;
	[tilespmem:s12+$0xCB0] =	vst.add.f32.msk $0xffff, v27  }
0x1a4: {  	v24 =	vld.idx.msk [tilespmem:v46+s20+$0x0], $0xffff  }
0x1a5: {  	v49 =	vperm.xlane v22, v11;
	v28 =	vadd.s32 v6, v45;
	[tilespmem:s12+$0xCC0] =	vst.add.f32.msk $0xffff, v29  }
0x1a6: {  	v25 =	vld.idx.msk [tilespmem:v47+s20+$0x0], $0xffff  }
0x1a7: {  	v50 =	vadd.s32 v3, v49;
	[tilespmem:s12+$0xCD0] =	vst.add.f32.msk $0xffff, v30  }
0x1a8: {  	v27 =	vld.idx.msk [tilespmem:v48+s20+$0x0], $0xffff  }
0x1a9: {  	v51 =	vadd.s32 v4, v49;
	[tilespmem:s12+$0xCE0] =	vst.add.f32.msk $0xffff, v26  }
0x1aa: {  	v28 =	vld.idx.msk [tilespmem:v28+s20+$0x0], $0xffff  }
0x1ab: {  	[tilespmem:s12+$0xCF0] =	vst.add.f32.msk $0xffff, v23;
	v23 =	vadd.s32 v5, v49  }
0x1ac: {  	v30 =	vld.idx.msk [tilespmem:v50+s20+$0x0], $0xffff  }
0x1ad: {  	v53 =	vperm.xlane v22, v12;
	v52 =	vadd.s32 v6, v49;
	[tilespmem:s12+$0xD00] =	vst.add.f32.msk $0xffff, v24  }
0x1ae: {  	v26 =	vld.idx.msk [tilespmem:v51+s20+$0x0], $0xffff  }
0x1af: {  	v54 =	vadd.s32 v3, v53;
	[tilespmem:s12+$0xD10] =	vst.add.f32.msk $0xffff, v25  }
0x1b0: {  	v23 =	vld.idx.msk [tilespmem:v23+s20+$0x0], $0xffff  }
0x1b1: {  	v55 =	vadd.s32 v4, v53;
	[tilespmem:s12+$0xD20] =	vst.add.f32.msk $0xffff, v27  }
0x1b2: {  	v24 =	vld.idx.msk [tilespmem:v52+s20+$0x0], $0xffff  }
0x1b3: {  	v56 =	vadd.s32 v5, v53;
	[tilespmem:s12+$0xD30] =	vst.add.f32.msk $0xffff, v28  }
0x1b4: {  	v25 =	vld.idx.msk [tilespmem:v54+s20+$0x0], $0xffff  }
0x1b5: {  	v57 =	vperm.xlane v22, v13;
	v29 =	vadd.s32 v6, v53;
	[tilespmem:s12+$0xD40] =	vst.add.f32.msk $0xffff, v30  }
0x1b6: {  	v27 =	vld.idx.msk [tilespmem:v55+s20+$0x0], $0xffff  }
0x1b7: {  	v58 =	vadd.s32 v3, v57;
	[tilespmem:s12+$0xD50] =	vst.add.f32.msk $0xffff, v26  }
0x1b8: {  	v28 =	vld.idx.msk [tilespmem:v56+s20+$0x0], $0xffff  }
0x1b9: {  	[tilespmem:s12+$0xD60] =	vst.add.f32.msk $0xffff, v23;
	v23 =	vadd.s32 v4, v57  }
0x1ba: {  	v29 =	vld.idx.msk [tilespmem:v29+s20+$0x0], $0xffff  }
0x1bb: {  	v59 =	vadd.s32 v5, v57;
	[tilespmem:s12+$0xD70] =	vst.add.f32.msk $0xffff, v24  }
0x1bc: {  	v26 =	vld.idx.msk [tilespmem:v58+s20+$0x0], $0xffff  }
0x1bd: {  	v61 =	vperm.xlane v22, v14;
	v60 =	vadd.s32 v6, v57;
	[tilespmem:s12+$0xD80] =	vst.add.f32.msk $0xffff, v25  }
0x1be: {  	v23 =	vld.idx.msk [tilespmem:v23+s20+$0x0], $0xffff  }
0x1bf: {  	v62 =	vadd.s32 v3, v61;
	[tilespmem:s12+$0xD90] =	vst.add.f32.msk $0xffff, v27  }
0x1c0: {  	v24 =	vld.idx.msk [tilespmem:v59+s20+$0x0], $0xffff  }
0x1c1: {  	v63 =	vadd.s32 v4, v61;
	[tilespmem:s12+$0xDA0] =	vst.add.f32.msk $0xffff, v28  }
0x1c2: {  	v25 =	vld.idx.msk [tilespmem:v60+s20+$0x0], $0xffff  }
0x1c3: {  	v33 =	vadd.s32 v5, v61;
	[tilespmem:s12+$0xDB0] =	vst.add.f32.msk $0xffff, v29  }
0x1c4: {  	v27 =	vld.idx.msk [tilespmem:v62+s20+$0x0], $0xffff  }
0x1c5: {  	v35 =	vperm.xlane v22, v15;
	v34 =	vadd.s32 v6, v61;
	[tilespmem:s12+$0xDC0] =	vst.add.f32.msk $0xffff, v26  }
0x1c6: {  	v28 =	vld.idx.msk [tilespmem:v63+s20+$0x0], $0xffff  }
0x1c7: {  	[tilespmem:s12+$0xDD0] =	vst.add.f32.msk $0xffff, v23;
	v23 =	vadd.s32 v3, v35  }
0x1c8: {  	v29 =	vld.idx.msk [tilespmem:v33+s20+$0x0], $0xffff  }
0x1c9: {  	v36 =	vadd.s32 v4, v35;
	[tilespmem:s12+$0xDE0] =	vst.add.f32.msk $0xffff, v24  }
0x1ca: {  	v26 =	vld.idx.msk [tilespmem:v34+s20+$0x0], $0xffff  }
0x1cb: {  	v37 =	vadd.s32 v5, v35;
	[tilespmem:s12+$0xDF0] =	vst.add.f32.msk $0xffff, v25  }
0x1cc: {  	v23 =	vld.idx.msk [tilespmem:v23+s20+$0x0], $0xffff  }
0x1cd: {  	v38 =	vadd.s32 v6, v35;
	v39 =	vperm.xlane v22, v16;
	[tilespmem:s12+$0xE00] =	vst.add.f32.msk $0xffff, v27  }
0x1ce: {  	v24 =	vld.idx.msk [tilespmem:v36+s20+$0x0], $0xffff  }
0x1cf: {  	v40 =	vadd.s32 v3, v39;
	[tilespmem:s12+$0xE10] =	vst.add.f32.msk $0xffff, v28  }
0x1d0: {  	v25 =	vld.idx.msk [tilespmem:v37+s20+$0x0], $0xffff  }
0x1d1: {  	v41 =	vadd.s32 v4, v39;
	[tilespmem:s12+$0xE20] =	vst.add.f32.msk $0xffff, v29  }
0x1d2: {  	v27 =	vld.idx.msk [tilespmem:v38+s20+$0x0], $0xffff  }
0x1d3: {  	v42 =	vadd.s32 v5, v39;
	[tilespmem:s12+$0xE30] =	vst.add.f32.msk $0xffff, v26  }
0x1d4: {  	v28 =	vld.idx.msk [tilespmem:v40+s20+$0x0], $0xffff  }
0x1d5: {  	v43 =	vperm.xlane v22, v17;
	[tilespmem:s12+$0xE40] =	vst.add.f32.msk $0xffff, v23;
	v23 =	vadd.s32 v6, v39  }
0x1d6: {  	v29 =	vld.idx.msk [tilespmem:v41+s20+$0x0], $0xffff  }
0x1d7: {  	v44 =	vadd.s32 v3, v43;
	[tilespmem:s12+$0xE50] =	vst.add.f32.msk $0xffff, v24  }
0x1d8: {  	v26 =	vld.idx.msk [tilespmem:v42+s20+$0x0], $0xffff  }
0x1d9: {  	v45 =	vadd.s32 v4, v43;
	[tilespmem:s12+$0xE60] =	vst.add.f32.msk $0xffff, v25  }
0x1da: {  	v23 =	vld.idx.msk [tilespmem:v23+s20+$0x0], $0xffff  }
0x1db: {  	v46 =	vadd.s32 v5, v43;
	[tilespmem:s12+$0xE70] =	vst.add.f32.msk $0xffff, v27  }
0x1dc: {  	v24 =	vld.idx.msk [tilespmem:v44+s20+$0x0], $0xffff  }
0x1dd: {  	v47 =	vadd.s32 v6, v43;
	v48 =	vperm.xlane v22, v18;
	[tilespmem:s12+$0xE80] =	vst.add.f32.msk $0xffff, v28  }
0x1de: {  	v25 =	vld.idx.msk [tilespmem:v45+s20+$0x0], $0xffff  }
0x1df: {  	v49 =	vadd.s32 v3, v48;
	[tilespmem:s12+$0xE90] =	vst.add.f32.msk $0xffff, v29  }
0x1e0: {  	v27 =	vld.idx.msk [tilespmem:v46+s20+$0x0], $0xffff  }
0x1e1: {  	v50 =	vadd.s32 v4, v48;
	[tilespmem:s12+$0xEA0] =	vst.add.f32.msk $0xffff, v26  }
0x1e2: {  	v28 =	vld.idx.msk [tilespmem:v47+s20+$0x0], $0xffff  }
0x1e3: {  	[tilespmem:s12+$0xEB0] =	vst.add.f32.msk $0xffff, v23;
	v23 =	vadd.s32 v5, v48  }
0x1e4: {  	v29 =	vld.idx.msk [tilespmem:v49+s20+$0x0], $0xffff  }
0x1e5: {  	v51 =	vadd.s32 v6, v48;
	v52 =	vperm.xlane v22, v19;
	[tilespmem:s12+$0xEC0] =	vst.add.f32.msk $0xffff, v24  }
0x1e6: {  	v26 =	vld.idx.msk [tilespmem:v50+s20+$0x0], $0xffff  }
0x1e7: {  	v53 =	vadd.s32 v3, v52;
	[tilespmem:s12+$0xED0] =	vst.add.f32.msk $0xffff, v25  }
0x1e8: {  	v23 =	vld.idx.msk [tilespmem:v23+s20+$0x0], $0xffff  }
0x1e9: {  	v54 =	vadd.s32 v4, v52;
	[tilespmem:s12+$0xEE0] =	vst.add.f32.msk $0xffff, v27  }
0x1ea: {  	v24 =	vld.idx.msk [tilespmem:v51+s20+$0x0], $0xffff  }
0x1eb: {  	v55 =	vadd.s32 v5, v52;
	[tilespmem:s12+$0xEF0] =	vst.add.f32.msk $0xffff, v28  }
0x1ec: {  	v25 =	vld.idx.msk [tilespmem:v53+s20+$0x0], $0xffff  }
0x1ed: {  	v56 =	vadd.s32 v6, v52;
	v57 =	vperm.xlane v22, v20;
	[tilespmem:s12+$0xF00] =	vst.add.f32.msk $0xffff, v29  }
0x1ee: {  	v27 =	vld.idx.msk [tilespmem:v54+s20+$0x0], $0xffff  }
0x1ef: {  	v58 =	vadd.s32 v3, v57;
	[tilespmem:s12+$0xF10] =	vst.add.f32.msk $0xffff, v26  }
0x1f0: {  	v28 =	vld.idx.msk [tilespmem:v55+s20+$0x0], $0xffff  }
0x1f1: {  	[tilespmem:s12+$0xF20] =	vst.add.f32.msk $0xffff, v23;
	v23 =	vadd.s32 v4, v57  }
0x1f2: {  	v29 =	vld.idx.msk [tilespmem:v56+s20+$0x0], $0xffff  }
0x1f3: {  	v59 =	vadd.s32 v5, v57;
	[tilespmem:s12+$0xF30] =	vst.add.f32.msk $0xffff, v24  }
0x1f4: {  	v26 =	vld.idx.msk [tilespmem:v58+s20+$0x0], $0xffff  }
0x1f5: {  	v22 =	vperm.xlane v22, v21;
	v60 =	vadd.s32 v6, v57;
	[tilespmem:s12+$0xF40] =	vst.add.f32.msk $0xffff, v25  }
0x1f6: {  	v23 =	vld.idx.msk [tilespmem:v23+s20+$0x0], $0xffff  }
0x1f7: {  	v61 =	vadd.s32 v3, v22;
	[tilespmem:s12+$0xF50] =	vst.add.f32.msk $0xffff, v27  }
0x1f8: {  	v24 =	vld.idx.msk [tilespmem:v59+s20+$0x0], $0xffff  }
0x1f9: {  	v62 =	vadd.s32 v4, v22;
	[tilespmem:s12+$0xF60] =	vst.add.f32.msk $0xffff, v28  }
0x1fa: {  	v25 =	vld.idx.msk [tilespmem:v60+s20+$0x0], $0xffff  }
0x1fb: {  	v63 =	vadd.s32 v5, v22;
	[tilespmem:s12+$0xF70] =	vst.add.f32.msk $0xffff, v29  }
0x1fc: {  	v27 =	vld.idx.msk [tilespmem:v61+s20+$0x0], $0xffff  }
0x1fd: {  	v22 =	vadd.s32 v6, v22;
	[tilespmem:s12+$0xF80] =	vst.add.f32.msk $0xffff, v26  }
0x1fe: {  	v26 =	vld.idx.msk [tilespmem:v62+s20+$0x0], $0xffff  }
0x1ff: {  	[tilespmem:s12+$0xF90] =	vst.add.f32.msk $0xffff, v23  }
0x200: {  	v23 =	vld.idx.msk [tilespmem:v63+s20+$0x0], $0xffff  }
0x201: {  	[tilespmem:s12+$0xFA0] =	vst.add.f32.msk $0xffff, v24  }
0x202: {  	v22 =	vld.idx.msk [tilespmem:v22+s20+$0x0], $0xffff  }
.Ltmp5:
0x203: {  	[tilespmem:s12+$0xFB0] =	vst.add.f32.msk $0xffff, v25;
	(pc) =	sbr.rel .LBB2_6-.Ltmp5, $4  }
0x204: {  	[tilespmem:s12+$0xFC0] =	vst.add.f32.msk $0xffff, v27  }
0x205: {  	[tilespmem:s12+$0xFD0] =	vst.add.f32.msk $0xffff, v26  }
0x206: {  	[tilespmem:s12+$0xFE0] =	vst.add.f32.msk $0xffff, v23  }
0x207: {  	[tilespmem:s12+$0xFF0] =	vst.add.f32.msk $0xffff, v22  }
.LBB2_7:
0x208: {  	s0 =	sshll.u32 s31, $0x10  }
0x209: {  	s2 =	sadd.s32 s10, s0  }
0x20a: {  	s2 =	sshrl.u32 s2, $0x3  }
0x20b: {  	p0 =	seq.s32 s31, $0x18;
	s2 =	sadd.s32 s1, s2  }
0x20c: {  	[hbm4b:s2+s3] =	stream.linear.scatter [tilespmem:s26], [sflag:$0x3], $0x8000, $0x38;
	[tilespmem:$0x13E00] =	vst v63  }
0x20d: {  	s2 =	sshll.u32 @!p0 s31, $0xA  }
0x20e: {  	s2 =	sadd.s32 @!p0 s2, s16  }
0x20f: {  	s2 =	sshrl.u32 @!p0 s2, $0x3  }
0x210: {  	s13 =	simm.s32 @!p0 $0x0;
	s12 =	sadd.s32 @!p0 s4, s2  }
0x211: {  	[tilespmem:s13], [sflag:$0x5] =	stream.linear.gather @!p0 [hbm4b:s12+s13], $0x200, $0x38;
	[tilespmem:$0x13E00] =	vst v63  }
0x212: {  	s22 =	simm.s32 @!p0 $0x400;
	p1 =	seq.s32 @!p0 s31, $0x0;
	s12 =	sadd.s32 @!p0 s5, s2  }
0x213: {  	[tilespmem:s22], [sflag:$0x5] =	stream.linear.gather @!p0 [hbm4b:s12+s13], $0x200, $0x38;
	[tilespmem:$0x13E00] =	vst v63  }
0x214: {  	p1 =	por p0, !p1;
	s2 =	sadd.s32 @!p0 s6, s2;
	s12 =	simm.s32 @!p0 $0x800  }
0x215: {  	[tilespmem:s12], [sflag:$0x5] =	stream.linear.gather @!p0 [hbm4b:s2+s13], $0x200, $0x38;
	[tilespmem:$0x13E00] =	vst v63  }
0x216: {  	_ =	swait.ge @p1 [sflag:s30], $0x8000  }
0x217: {  	[sflag:s30] =	ssyncset.done @p1 $0x0  }
0x218: {  	[sflag:s30] =	ssyncadd.s32 @p1 $0xFFFF8000  }
0x219: {  	_ =	swait.ge [sflag:s9], $0x200  }
0x21a: {  	[sflag:s9] =	ssyncset.done $0x0  }
0x21b: {  	[sflag:s9] =	ssyncadd.s32 $0xFFFFFE00  }
0x21c: {  	_ =	swait.ge [sflag:s9], $0x200  }
0x21d: {  	[sflag:s9] =	ssyncset.done $0x0  }
0x21e: {  	[sflag:s9] =	ssyncadd.s32 $0xFFFFFE00  }
0x21f: {  	_ =	swait.ge [sflag:s9], $0x200  }
0x220: {  	[sflag:s9] =	ssyncset.done $0x0  }
0x221: {  	s2 =	simm.s32 $0x200;
	[sflag:s9] =	ssyncadd.s32 $0xFFFFFE00  }
0x222: {  	[tilespmem:s11], [sflag:$0x2] =	stream.indirect.gather [hbm4b:s7+s25], $0x40, s2, s25, $0xb8;
	[tilespmem:$0x13E00] =	vst v63  }
0x223: {  	s23 =	simm.s32 $0xAC00;
	s22 =	simm.s32 $0x280  }
0x224: {  	[tilespmem:s23], [sflag:$0x2] =	stream.indirect.gather [hbm4b:s7+s25], $0x40, s22, s25, $0xb8;
	[tilespmem:$0x13E00] =	vst v63  }
0x225: {  	_ = 	snop  }
0x226: {  	[tilespmem:s15], [sflag:$0x2] =	stream.indirect.gather [hbm4b:s7+s25], $0x40, s14, s25, $0xb8;
	[tilespmem:$0x13E00] =	vst v63  }
0x227: {  	_ = 	snop  }
0x228: {  	[tilespmem:s21], [sflag:$0x2] =	stream.indirect.gather [hbm4b:s7+s25], $0x40, s19, s25, $0xb8;
	[tilespmem:$0x13E00] =	vst v63  }
0x229: {  	_ =	swait.ge [sflag:s28], $0x2000  }
0x22a: {  	[sflag:s28] =	ssyncset.done $0x0  }
0x22b: {  	[sflag:s28] =	ssyncadd.s32 $0xFFFFE000  }
0x22c: {  	_ =	swait.ge [sflag:s28], $0x2000  }
0x22d: {  	[sflag:s28] =	ssyncset.done $0x0  }
0x22e: {  	[sflag:s28] =	ssyncadd.s32 $0xFFFFE000  }
0x22f: {  	_ =	swait.ge [sflag:s28], $0x2000  }
.Ltmp6:
0x230: {  	[sflag:s28] =	ssyncset.done $0x0;
	(pc) =	sbr.rel .LBB2_8-.Ltmp6, $4  }
0x231: {  	[sflag:s28] =	ssyncadd.s32 $0xFFFFE000  }
0x232: {  	_ =	swait.ge [sflag:s28], $0x2000  }
0x233: {  	s12 =	simm.s32 $0xA00;
	[sflag:s28] =	ssyncset.done $0x0  }
0x234: {  	s22 =	simm.s32 $0x0;
	s23 =	simm.s32 $0x600;
	[sflag:s28] =	ssyncadd.s32 $0xFFFFE000  }
.LBB2_10:
0x235: {  	_ =	sdelay $0x2  }
0x236: {  	v27 =	vld [tilespmem:s13+$0x8C00]  }
0x237: {  	v26 =	vld.idx.msk [tilespmem:v26+s20+$0x0], $0xffff;
	_ =	sdelay $0x2  }
0x238: {  	v28 =	vperm.xlane v24, v2;
	v29 =	vperm.xlane v23, v2;
	_ =	sdelay $0x1  }
0x239: {  	v30 =	vadd.s32 v4, v25;
	v27 =	vmul.f32 v27, v28;
	v26 =	vmul.f32 v26, v29;
	_ =	sdelay $0x1  }
0x23a: {  	v26 =	vadd.f32 v26, v27;
	_ =	sdelay $0x1  }
0x23b: {  	v46 =	vld [tilespmem:s13+$0x8C10];
	[tilespmem:s13+$0x8C00] =	vst v26  }
0x23c: {  	v47 =	vld.idx.msk [tilespmem:v30+s20+$0x0], $0xffff;
	_ =	sdelay $0x4  }
0x23d: {  	v48 =	vadd.s32 v5, v25;
	v26 =	vmul.f32 v46, v28;
	v27 =	vmul.f32 v47, v29;
	_ =	sdelay $0x1  }
0x23e: {  	v26 =	vadd.f32 v27, v26;
	_ =	sdelay $0x1  }
0x23f: {  	v49 =	vld [tilespmem:s13+$0x8C20];
	[tilespmem:s13+$0x8C10] =	vst v26  }
0x240: {  	v50 =	vld.idx.msk [tilespmem:v48+s20+$0x0], $0xffff;
	_ =	sdelay $0x4  }
0x241: {  	v51 =	vadd.s32 v6, v25;
	v26 =	vmul.f32 v49, v28;
	v27 =	vmul.f32 v50, v29;
	_ =	sdelay $0x1  }
0x242: {  	v26 =	vadd.f32 v27, v26;
	_ =	sdelay $0x1  }
0x243: {  	v52 =	vld [tilespmem:s13+$0x8C30];
	[tilespmem:s13+$0x8C20] =	vst v26  }
0x244: {  	v25 =	vld.idx.msk [tilespmem:v51+s20+$0x0], $0xffff;
	_ =	sdelay $0x2  }
0x245: {  	v53 =	vperm.xlane v22, v7;
	_ =	sdelay $0x1  }
0x246: {  	v54 =	vadd.s32 v3, v53;
	v26 =	vmul.f32 v52, v28;
	v25 =	vmul.f32 v25, v29;
	_ =	sdelay $0x1  }
0x247: {  	v25 =	vadd.f32 v25, v26;
	_ =	sdelay $0x1  }
0x248: {  	v55 =	vld [tilespmem:s13+$0x8C40];
	[tilespmem:s13+$0x8C30] =	vst v25  }
0x249: {  	v56 =	vld.idx.msk [tilespmem:v54+s20+$0x0], $0xffff;
	_ =	sdelay $0x2  }
0x24a: {  	v57 =	vperm.xlane v24, v7;
	v58 =	vperm.xlane v23, v7;
	_ =	sdelay $0x1  }
0x24b: {  	v59 =	vadd.s32 v4, v53;
	v25 =	vmul.f32 v55, v57;
	v26 =	vmul.f32 v56, v58;
	_ =	sdelay $0x1  }
0x24c: {  	v25 =	vadd.f32 v26, v25;
	_ =	sdelay $0x1  }
0x24d: {  	v60 =	vld [tilespmem:s13+$0x8C50];
	[tilespmem:s13+$0x8C40] =	vst v25  }
0x24e: {  	v61 =	vld.idx.msk [tilespmem:v59+s20+$0x0], $0xffff;
	_ =	sdelay $0x4  }
0x24f: {  	v62 =	vadd.s32 v5, v53;
	v25 =	vmul.f32 v60, v57;
	v26 =	vmul.f32 v61, v58;
	_ =	sdelay $0x1  }
0x250: {  	v25 =	vadd.f32 v26, v25;
	_ =	sdelay $0x1  }
0x251: {  	v63 =	vld [tilespmem:s13+$0x8C60];
	[tilespmem:s13+$0x8C50] =	vst v25  }
0x252: {  	v30 =	vld.idx.msk [tilespmem:v62+s20+$0x0], $0xffff;
	_ =	sdelay $0x4  }
0x253: {  	v27 =	vadd.s32 v6, v53;
	v25 =	vmul.f32 v63, v57;
	v26 =	vmul.f32 v30, v58;
	_ =	sdelay $0x1  }
0x254: {  	v25 =	vadd.f32 v26, v25;
	_ =	sdelay $0x1  }
0x255: {  	v31 =	vld [tilespmem:s13+$0x8C70];
	[tilespmem:s13+$0x8C60] =	vst v25  }
0x256: {  	v32 =	vld.idx.msk [tilespmem:v27+s20+$0x0], $0xffff;
	_ =	sdelay $0x2  }
0x257: {  	v33 =	vperm.xlane v22, v8;
	_ =	sdelay $0x1  }
0x258: {  	v34 =	vadd.s32 v3, v33;
	v25 =	vmul.f32 v31, v57;
	v26 =	vmul.f32 v32, v58;
	_ =	sdelay $0x1  }
0x259: {  	v25 =	vadd.f32 v26, v25;
	_ =	sdelay $0x1  }
0x25a: {  	v35 =	vld [tilespmem:s13+$0x8C80];
	[tilespmem:s13+$0x8C70] =	vst v25  }
0x25b: {  	v36 =	vld.idx.msk [tilespmem:v34+s20+$0x0], $0xffff;
	_ =	sdelay $0x2  }
0x25c: {  	v37 =	vperm.xlane v24, v8;
	v38 =	vperm.xlane v23, v8;
	_ =	sdelay $0x1  }
0x25d: {  	v39 =	vadd.s32 v4, v33;
	v25 =	vmul.f32 v35, v37;
	v26 =	vmul.f32 v36, v38;
	_ =	sdelay $0x1  }
0x25e: {  	v25 =	vadd.f32 v26, v25;
	_ =	sdelay $0x1  }
0x25f: {  	v40 =	vld [tilespmem:s13+$0x8C90];
	[tilespmem:s13+$0x8C80] =	vst v25  }
0x260: {  	v41 =	vld.idx.msk [tilespmem:v39+s20+$0x0], $0xffff;
	_ =	sdelay $0x4  }
0x261: {  	v42 =	vadd.s32 v5, v33;
	v25 =	vmul.f32 v40, v37;
	v26 =	vmul.f32 v41, v38;
	_ =	sdelay $0x1  }
0x262: {  	v25 =	vadd.f32 v26, v25;
	_ =	sdelay $0x1  }
0x263: {  	v43 =	vld [tilespmem:s13+$0x8CA0];
	[tilespmem:s13+$0x8C90] =	vst v25  }
0x264: {  	v44 =	vld.idx.msk [tilespmem:v42+s20+$0x0], $0xffff;
	_ =	sdelay $0x4  }
0x265: {  	v27 =	vadd.s32 v6, v33;
	v25 =	vmul.f32 v43, v37;
	v26 =	vmul.f32 v44, v38;
	_ =	sdelay $0x1  }
0x266: {  	v25 =	vadd.f32 v26, v25;
	_ =	sdelay $0x1  }
0x267: {  	v45 =	vld [tilespmem:s13+$0x8CB0];
	[tilespmem:s13+$0x8CA0] =	vst v25  }
0x268: {  	v46 =	vld.idx.msk [tilespmem:v27+s20+$0x0], $0xffff;
	_ =	sdelay $0x2  }
0x269: {  	v47 =	vperm.xlane v22, v9;
	_ =	sdelay $0x1  }
0x26a: {  	v48 =	vadd.s32 v3, v47;
	v25 =	vmul.f32 v45, v37;
	v26 =	vmul.f32 v46, v38;
	_ =	sdelay $0x1  }
0x26b: {  	v25 =	vadd.f32 v26, v25;
	_ =	sdelay $0x1  }
0x26c: {  	v49 =	vld [tilespmem:s13+$0x8CC0];
	[tilespmem:s13+$0x8CB0] =	vst v25  }
0x26d: {  	v50 =	vld.idx.msk [tilespmem:v48+s20+$0x0], $0xffff;
	_ =	sdelay $0x2  }
0x26e: {  	v52 =	vperm.xlane v23, v9;
	v51 =	vperm.xlane v24, v9;
	_ =	sdelay $0x1  }
0x26f: {  	v53 =	vadd.s32 v4, v47;
	v25 =	vmul.f32 v49, v51;
	v26 =	vmul.f32 v50, v52;
	_ =	sdelay $0x1  }
0x270: {  	v25 =	vadd.f32 v26, v25;
	_ =	sdelay $0x1  }
0x271: {  	v54 =	vld [tilespmem:s13+$0x8CD0];
	[tilespmem:s13+$0x8CC0] =	vst v25  }
0x272: {  	v55 =	vld.idx.msk [tilespmem:v53+s20+$0x0], $0xffff;
	_ =	sdelay $0x4  }
0x273: {  	v56 =	vadd.s32 v5, v47;
	v25 =	vmul.f32 v54, v51;
	v26 =	vmul.f32 v55, v52;
	_ =	sdelay $0x1  }
0x274: {  	v25 =	vadd.f32 v26, v25;
	_ =	sdelay $0x1  }
0x275: {  	v57 =	vld [tilespmem:s13+$0x8CE0];
	[tilespmem:s13+$0x8CD0] =	vst v25  }
0x276: {  	v58 =	vld.idx.msk [tilespmem:v56+s20+$0x0], $0xffff;
	_ =	sdelay $0x4  }
0x277: {  	v27 =	vadd.s32 v6, v47;
	v25 =	vmul.f32 v57, v51;
	v26 =	vmul.f32 v58, v52;
	_ =	sdelay $0x1  }
0x278: {  	v25 =	vadd.f32 v26, v25;
	_ =	sdelay $0x1  }
0x279: {  	v59 =	vld [tilespmem:s13+$0x8CF0];
	[tilespmem:s13+$0x8CE0] =	vst v25  }
0x27a: {  	v60 =	vld.idx.msk [tilespmem:v27+s20+$0x0], $0xffff;
	_ =	sdelay $0x2  }
0x27b: {  	v61 =	vperm.xlane v22, v10;
	_ =	sdelay $0x1  }
0x27c: {  	v62 =	vadd.s32 v3, v61;
	v25 =	vmul.f32 v59, v51;
	v26 =	vmul.f32 v60, v52;
	_ =	sdelay $0x1  }
0x27d: {  	v25 =	vadd.f32 v26, v25;
	_ =	sdelay $0x1  }
0x27e: {  	v63 =	vld [tilespmem:s13+$0x8D00];
	[tilespmem:s13+$0x8CF0] =	vst v25  }
0x27f: {  	v32 =	vld.idx.msk [tilespmem:v62+s20+$0x0], $0xffff;
	_ =	sdelay $0x2  }
0x280: {  	v33 =	vperm.xlane v24, v10;
	v34 =	vperm.xlane v23, v10;
	_ =	sdelay $0x1  }
0x281: {  	v35 =	vadd.s32 v4, v61;
	v25 =	vmul.f32 v63, v33;
	v26 =	vmul.f32 v32, v34;
	_ =	sdelay $0x1  }
0x282: {  	v25 =	vadd.f32 v26, v25;
	_ =	sdelay $0x1  }
0x283: {  	v36 =	vld [tilespmem:s13+$0x8D10];
	[tilespmem:s13+$0x8D00] =	vst v25  }
0x284: {  	v37 =	vld.idx.msk [tilespmem:v35+s20+$0x0], $0xffff;
	_ =	sdelay $0x4  }
0x285: {  	v38 =	vadd.s32 v5, v61;
	v25 =	vmul.f32 v36, v33;
	v26 =	vmul.f32 v37, v34;
	_ =	sdelay $0x1  }
0x286: {  	v25 =	vadd.f32 v26, v25;
	_ =	sdelay $0x1  }
0x287: {  	v39 =	vld [tilespmem:s13+$0x8D20];
	[tilespmem:s13+$0x8D10] =	vst v25  }
0x288: {  	v40 =	vld.idx.msk [tilespmem:v38+s20+$0x0], $0xffff;
	_ =	sdelay $0x4  }
0x289: {  	v27 =	vadd.s32 v6, v61;
	v25 =	vmul.f32 v39, v33;
	v26 =	vmul.f32 v40, v34;
	_ =	sdelay $0x1  }
0x28a: {  	v25 =	vadd.f32 v26, v25;
	_ =	sdelay $0x1  }
0x28b: {  	v41 =	vld [tilespmem:s13+$0x8D30];
	[tilespmem:s13+$0x8D20] =	vst v25  }
0x28c: {  	v42 =	vld.idx.msk [tilespmem:v27+s20+$0x0], $0xffff;
	_ =	sdelay $0x2  }
0x28d: {  	v43 =	vperm.xlane v22, v11;
	_ =	sdelay $0x1  }
0x28e: {  	v44 =	vadd.s32 v3, v43;
	v25 =	vmul.f32 v41, v33;
	v26 =	vmul.f32 v42, v34;
	_ =	sdelay $0x1  }
0x28f: {  	v25 =	vadd.f32 v26, v25;
	_ =	sdelay $0x1  }
0x290: {  	v45 =	vld [tilespmem:s13+$0x8D40];
	[tilespmem:s13+$0x8D30] =	vst v25  }
0x291: {  	v46 =	vld.idx.msk [tilespmem:v44+s20+$0x0], $0xffff;
	_ =	sdelay $0x2  }
0x292: {  	v47 =	vperm.xlane v24, v11;
	v48 =	vperm.xlane v23, v11;
	_ =	sdelay $0x1  }
0x293: {  	v49 =	vadd.s32 v4, v43;
	v25 =	vmul.f32 v45, v47;
	v26 =	vmul.f32 v46, v48;
	_ =	sdelay $0x1  }
0x294: {  	v25 =	vadd.f32 v26, v25;
	_ =	sdelay $0x1  }
0x295: {  	v50 =	vld [tilespmem:s13+$0x8D50];
	[tilespmem:s13+$0x8D40] =	vst v25  }
0x296: {  	v51 =	vld.idx.msk [tilespmem:v49+s20+$0x0], $0xffff;
	_ =	sdelay $0x4  }
0x297: {  	v52 =	vadd.s32 v5, v43;
	v25 =	vmul.f32 v50, v47;
	v26 =	vmul.f32 v51, v48;
	_ =	sdelay $0x1  }
0x298: {  	v25 =	vadd.f32 v26, v25;
	_ =	sdelay $0x1  }
0x299: {  	v53 =	vld [tilespmem:s13+$0x8D60];
	[tilespmem:s13+$0x8D50] =	vst v25  }
0x29a: {  	v54 =	vld.idx.msk [tilespmem:v52+s20+$0x0], $0xffff;
	_ =	sdelay $0x4  }
0x29b: {  	v27 =	vadd.s32 v6, v43;
	v25 =	vmul.f32 v53, v47;
	v26 =	vmul.f32 v54, v48;
	_ =	sdelay $0x1  }
0x29c: {  	v25 =	vadd.f32 v26, v25;
	_ =	sdelay $0x1  }
0x29d: {  	v55 =	vld [tilespmem:s13+$0x8D70];
	[tilespmem:s13+$0x8D60] =	vst v25  }
0x29e: {  	v56 =	vld.idx.msk [tilespmem:v27+s20+$0x0], $0xffff;
	_ =	sdelay $0x2  }
0x29f: {  	v57 =	vperm.xlane v22, v12;
	_ =	sdelay $0x1  }
0x2a0: {  	v58 =	vadd.s32 v3, v57;
	v25 =	vmul.f32 v55, v47;
	v26 =	vmul.f32 v56, v48;
	_ =	sdelay $0x1  }
0x2a1: {  	v25 =	vadd.f32 v26, v25;
	_ =	sdelay $0x1  }
0x2a2: {  	v59 =	vld [tilespmem:s13+$0x8D80];
	[tilespmem:s13+$0x8D70] =	vst v25  }
0x2a3: {  	v60 =	vld.idx.msk [tilespmem:v58+s20+$0x0], $0xffff;
	_ =	sdelay $0x2  }
0x2a4: {  	v61 =	vperm.xlane v24, v12;
	v62 =	vperm.xlane v23, v12;
	_ =	sdelay $0x1  }
0x2a5: {  	v63 =	vadd.s32 v4, v57;
	v25 =	vmul.f32 v59, v61;
	v26 =	vmul.f32 v60, v62;
	_ =	sdelay $0x1  }
0x2a6: {  	v25 =	vadd.f32 v26, v25;
	_ =	sdelay $0x1  }
0x2a7: {  	v32 =	vld [tilespmem:s13+$0x8D90];
	[tilespmem:s13+$0x8D80] =	vst v25  }
0x2a8: {  	v33 =	vld.idx.msk [tilespmem:v63+s20+$0x0], $0xffff;
	_ =	sdelay $0x4  }
0x2a9: {  	v34 =	vadd.s32 v5, v57;
	v25 =	vmul.f32 v32, v61;
	v26 =	vmul.f32 v33, v62;
	_ =	sdelay $0x1  }
0x2aa: {  	v25 =	vadd.f32 v26, v25;
	_ =	sdelay $0x1  }
0x2ab: {  	v35 =	vld [tilespmem:s13+$0x8DA0];
	[tilespmem:s13+$0x8D90] =	vst v25  }
0x2ac: {  	v36 =	vld.idx.msk [tilespmem:v34+s20+$0x0], $0xffff;
	_ =	sdelay $0x4  }
0x2ad: {  	v27 =	vadd.s32 v6, v57;
	v25 =	vmul.f32 v35, v61;
	v26 =	vmul.f32 v36, v62;
	_ =	sdelay $0x1  }
0x2ae: {  	v25 =	vadd.f32 v26, v25;
	_ =	sdelay $0x1  }
0x2af: {  	v37 =	vld [tilespmem:s13+$0x8DB0];
	[tilespmem:s13+$0x8DA0] =	vst v25  }
0x2b0: {  	v38 =	vld.idx.msk [tilespmem:v27+s20+$0x0], $0xffff;
	_ =	sdelay $0x2  }
0x2b1: {  	v39 =	vperm.xlane v22, v13;
	_ =	sdelay $0x1  }
0x2b2: {  	v40 =	vadd.s32 v3, v39;
	v25 =	vmul.f32 v37, v61;
	v26 =	vmul.f32 v38, v62;
	_ =	sdelay $0x1  }
0x2b3: {  	v25 =	vadd.f32 v26, v25;
	_ =	sdelay $0x1  }
0x2b4: {  	v41 =	vld [tilespmem:s13+$0x8DC0];
	[tilespmem:s13+$0x8DB0] =	vst v25  }
0x2b5: {  	v42 =	vld.idx.msk [tilespmem:v40+s20+$0x0], $0xffff;
	_ =	sdelay $0x2  }
0x2b6: {  	v43 =	vperm.xlane v24, v13;
	v44 =	vperm.xlane v23, v13;
	_ =	sdelay $0x1  }
0x2b7: {  	v45 =	vadd.s32 v4, v39;
	v25 =	vmul.f32 v41, v43;
	v26 =	vmul.f32 v42, v44;
	_ =	sdelay $0x1  }
0x2b8: {  	v25 =	vadd.f32 v26, v25;
	_ =	sdelay $0x1  }
0x2b9: {  	v46 =	vld [tilespmem:s13+$0x8DD0];
	[tilespmem:s13+$0x8DC0] =	vst v25  }
0x2ba: {  	v47 =	vld.idx.msk [tilespmem:v45+s20+$0x0], $0xffff;
	_ =	sdelay $0x4  }
0x2bb: {  	v48 =	vadd.s32 v5, v39;
	v25 =	vmul.f32 v46, v43;
	v26 =	vmul.f32 v47, v44;
	_ =	sdelay $0x1  }
0x2bc: {  	v25 =	vadd.f32 v26, v25;
	_ =	sdelay $0x1  }
0x2bd: {  	v49 =	vld [tilespmem:s13+$0x8DE0];
	[tilespmem:s13+$0x8DD0] =	vst v25  }
0x2be: {  	v50 =	vld.idx.msk [tilespmem:v48+s20+$0x0], $0xffff;
	_ =	sdelay $0x4  }
0x2bf: {  	v27 =	vadd.s32 v6, v39;
	v25 =	vmul.f32 v49, v43;
	v26 =	vmul.f32 v50, v44;
	_ =	sdelay $0x1  }
0x2c0: {  	v25 =	vadd.f32 v26, v25;
	_ =	sdelay $0x1  }
0x2c1: {  	v51 =	vld [tilespmem:s13+$0x8DF0];
	[tilespmem:s13+$0x8DE0] =	vst v25  }
0x2c2: {  	v52 =	vld.idx.msk [tilespmem:v27+s20+$0x0], $0xffff;
	_ =	sdelay $0x2  }
0x2c3: {  	v53 =	vperm.xlane v22, v14;
	_ =	sdelay $0x1  }
0x2c4: {  	v54 =	vadd.s32 v3, v53;
	v25 =	vmul.f32 v51, v43;
	v26 =	vmul.f32 v52, v44;
	_ =	sdelay $0x1  }
0x2c5: {  	v25 =	vadd.f32 v26, v25;
	_ =	sdelay $0x1  }
0x2c6: {  	v55 =	vld [tilespmem:s13+$0x8E00];
	[tilespmem:s13+$0x8DF0] =	vst v25  }
0x2c7: {  	v56 =	vld.idx.msk [tilespmem:v54+s20+$0x0], $0xffff;
	_ =	sdelay $0x2  }
0x2c8: {  	v57 =	vperm.xlane v24, v14;
	v58 =	vperm.xlane v23, v14;
	_ =	sdelay $0x1  }
0x2c9: {  	v59 =	vadd.s32 v4, v53;
	v25 =	vmul.f32 v55, v57;
	v26 =	vmul.f32 v56, v58;
	_ =	sdelay $0x1  }
0x2ca: {  	v25 =	vadd.f32 v26, v25;
	_ =	sdelay $0x1  }
0x2cb: {  	v60 =	vld [tilespmem:s13+$0x8E10];
	[tilespmem:s13+$0x8E00] =	vst v25  }
0x2cc: {  	v61 =	vld.idx.msk [tilespmem:v59+s20+$0x0], $0xffff;
	_ =	sdelay $0x4  }
0x2cd: {  	v62 =	vadd.s32 v5, v53;
	v25 =	vmul.f32 v60, v57;
	v26 =	vmul.f32 v61, v58;
	_ =	sdelay $0x1  }
0x2ce: {  	v25 =	vadd.f32 v26, v25;
	_ =	sdelay $0x1  }
0x2cf: {  	v63 =	vld [tilespmem:s13+$0x8E20];
	[tilespmem:s13+$0x8E10] =	vst v25  }
0x2d0: {  	v30 =	vld.idx.msk [tilespmem:v62+s20+$0x0], $0xffff;
	_ =	sdelay $0x4  }
0x2d1: {  	v27 =	vadd.s32 v6, v53;
	v25 =	vmul.f32 v63, v57;
	v26 =	vmul.f32 v30, v58;
	_ =	sdelay $0x1  }
0x2d2: {  	v25 =	vadd.f32 v26, v25;
	_ =	sdelay $0x1  }
0x2d3: {  	v31 =	vld [tilespmem:s13+$0x8E30];
	[tilespmem:s13+$0x8E20] =	vst v25  }
0x2d4: {  	v32 =	vld.idx.msk [tilespmem:v27+s20+$0x0], $0xffff;
	_ =	sdelay $0x2  }
0x2d5: {  	v33 =	vperm.xlane v22, v15;
	_ =	sdelay $0x1  }
0x2d6: {  	v34 =	vadd.s32 v3, v33;
	v25 =	vmul.f32 v31, v57;
	v26 =	vmul.f32 v32, v58;
	_ =	sdelay $0x1  }
0x2d7: {  	v25 =	vadd.f32 v26, v25;
	_ =	sdelay $0x1  }
0x2d8: {  	v35 =	vld [tilespmem:s13+$0x8E40];
	[tilespmem:s13+$0x8E30] =	vst v25  }
0x2d9: {  	v36 =	vld.idx.msk [tilespmem:v34+s20+$0x0], $0xffff;
	_ =	sdelay $0x2  }
0x2da: {  	v37 =	vperm.xlane v24, v15;
	v38 =	vperm.xlane v23, v15;
	_ =	sdelay $0x1  }
0x2db: {  	v39 =	vadd.s32 v4, v33;
	v25 =	vmul.f32 v35, v37;
	v26 =	vmul.f32 v36, v38;
	_ =	sdelay $0x1  }
0x2dc: {  	v25 =	vadd.f32 v26, v25;
	_ =	sdelay $0x1  }
0x2dd: {  	v40 =	vld [tilespmem:s13+$0x8E50];
	[tilespmem:s13+$0x8E40] =	vst v25  }
0x2de: {  	v41 =	vld.idx.msk [tilespmem:v39+s20+$0x0], $0xffff;
	_ =	sdelay $0x4  }
0x2df: {  	v42 =	vadd.s32 v5, v33;
	v25 =	vmul.f32 v40, v37;
	v26 =	vmul.f32 v41, v38;
	_ =	sdelay $0x1  }
0x2e0: {  	v25 =	vadd.f32 v26, v25;
	_ =	sdelay $0x1  }
0x2e1: {  	v43 =	vld [tilespmem:s13+$0x8E60];
	[tilespmem:s13+$0x8E50] =	vst v25  }
0x2e2: {  	v44 =	vld.idx.msk [tilespmem:v42+s20+$0x0], $0xffff;
	_ =	sdelay $0x4  }
0x2e3: {  	v27 =	vadd.s32 v6, v33;
	v25 =	vmul.f32 v43, v37;
	v26 =	vmul.f32 v44, v38;
	_ =	sdelay $0x1  }
0x2e4: {  	v25 =	vadd.f32 v26, v25;
	_ =	sdelay $0x1  }
0x2e5: {  	v45 =	vld [tilespmem:s13+$0x8E70];
	[tilespmem:s13+$0x8E60] =	vst v25  }
0x2e6: {  	v46 =	vld.idx.msk [tilespmem:v27+s20+$0x0], $0xffff;
	_ =	sdelay $0x2  }
0x2e7: {  	v47 =	vperm.xlane v22, v16;
	_ =	sdelay $0x1  }
0x2e8: {  	v48 =	vadd.s32 v3, v47;
	v25 =	vmul.f32 v45, v37;
	v26 =	vmul.f32 v46, v38;
	_ =	sdelay $0x1  }
0x2e9: {  	v25 =	vadd.f32 v26, v25;
	_ =	sdelay $0x1  }
0x2ea: {  	v49 =	vld [tilespmem:s13+$0x8E80];
	[tilespmem:s13+$0x8E70] =	vst v25  }
0x2eb: {  	v50 =	vld.idx.msk [tilespmem:v48+s20+$0x0], $0xffff;
	_ =	sdelay $0x2  }
0x2ec: {  	v51 =	vperm.xlane v24, v16;
	v52 =	vperm.xlane v23, v16;
	_ =	sdelay $0x1  }
0x2ed: {  	v53 =	vadd.s32 v4, v47;
	v25 =	vmul.f32 v49, v51;
	v26 =	vmul.f32 v50, v52;
	_ =	sdelay $0x1  }
0x2ee: {  	v25 =	vadd.f32 v26, v25;
	_ =	sdelay $0x1  }
0x2ef: {  	v54 =	vld [tilespmem:s13+$0x8E90];
	[tilespmem:s13+$0x8E80] =	vst v25  }
0x2f0: {  	v55 =	vld.idx.msk [tilespmem:v53+s20+$0x0], $0xffff;
	_ =	sdelay $0x4  }
0x2f1: {  	v56 =	vadd.s32 v5, v47;
	v25 =	vmul.f32 v54, v51;
	v26 =	vmul.f32 v55, v52;
	_ =	sdelay $0x1  }
0x2f2: {  	v25 =	vadd.f32 v26, v25;
	_ =	sdelay $0x1  }
0x2f3: {  	v57 =	vld [tilespmem:s13+$0x8EA0];
	[tilespmem:s13+$0x8E90] =	vst v25  }
0x2f4: {  	v58 =	vld.idx.msk [tilespmem:v56+s20+$0x0], $0xffff;
	_ =	sdelay $0x4  }
0x2f5: {  	v27 =	vadd.s32 v6, v47;
	v25 =	vmul.f32 v57, v51;
	v26 =	vmul.f32 v58, v52;
	_ =	sdelay $0x1  }
0x2f6: {  	v25 =	vadd.f32 v26, v25;
	_ =	sdelay $0x1  }
0x2f7: {  	v59 =	vld [tilespmem:s13+$0x8EB0];
	[tilespmem:s13+$0x8EA0] =	vst v25  }
0x2f8: {  	v60 =	vld.idx.msk [tilespmem:v27+s20+$0x0], $0xffff;
	_ =	sdelay $0x2  }
0x2f9: {  	v61 =	vperm.xlane v22, v17;
	_ =	sdelay $0x1  }
0x2fa: {  	v62 =	vadd.s32 v3, v61;
	v25 =	vmul.f32 v59, v51;
	v26 =	vmul.f32 v60, v52;
	_ =	sdelay $0x1  }
0x2fb: {  	v25 =	vadd.f32 v26, v25;
	_ =	sdelay $0x1  }
0x2fc: {  	v63 =	vld [tilespmem:s13+$0x8EC0];
	[tilespmem:s13+$0x8EB0] =	vst v25  }
0x2fd: {  	v32 =	vld.idx.msk [tilespmem:v62+s20+$0x0], $0xffff;
	_ =	sdelay $0x2  }
0x2fe: {  	v33 =	vperm.xlane v24, v17;
	v34 =	vperm.xlane v23, v17;
	_ =	sdelay $0x1  }
0x2ff: {  	v35 =	vadd.s32 v4, v61;
	v25 =	vmul.f32 v63, v33;
	v26 =	vmul.f32 v32, v34;
	_ =	sdelay $0x1  }
0x300: {  	v25 =	vadd.f32 v26, v25;
	_ =	sdelay $0x1  }
0x301: {  	v36 =	vld [tilespmem:s13+$0x8ED0];
	[tilespmem:s13+$0x8EC0] =	vst v25  }
0x302: {  	v37 =	vld.idx.msk [tilespmem:v35+s20+$0x0], $0xffff;
	_ =	sdelay $0x4  }
0x303: {  	v38 =	vadd.s32 v5, v61;
	v25 =	vmul.f32 v36, v33;
	v26 =	vmul.f32 v37, v34;
	_ =	sdelay $0x1  }
0x304: {  	v25 =	vadd.f32 v26, v25;
	_ =	sdelay $0x1  }
0x305: {  	v39 =	vld [tilespmem:s13+$0x8EE0];
	[tilespmem:s13+$0x8ED0] =	vst v25  }
0x306: {  	v40 =	vld.idx.msk [tilespmem:v38+s20+$0x0], $0xffff;
	_ =	sdelay $0x4  }
0x307: {  	v27 =	vadd.s32 v6, v61;
	v25 =	vmul.f32 v39, v33;
	v26 =	vmul.f32 v40, v34;
	_ =	sdelay $0x1  }
0x308: {  	v25 =	vadd.f32 v26, v25;
	_ =	sdelay $0x1  }
0x309: {  	v41 =	vld [tilespmem:s13+$0x8EF0];
	[tilespmem:s13+$0x8EE0] =	vst v25  }
0x30a: {  	v42 =	vld.idx.msk [tilespmem:v27+s20+$0x0], $0xffff;
	_ =	sdelay $0x2  }
0x30b: {  	v43 =	vperm.xlane v22, v18;
	_ =	sdelay $0x1  }
0x30c: {  	v44 =	vadd.s32 v3, v43;
	v25 =	vmul.f32 v41, v33;
	v26 =	vmul.f32 v42, v34;
	_ =	sdelay $0x1  }
0x30d: {  	v25 =	vadd.f32 v26, v25;
	_ =	sdelay $0x1  }
0x30e: {  	v45 =	vld [tilespmem:s13+$0x8F00];
	[tilespmem:s13+$0x8EF0] =	vst v25  }
0x30f: {  	v46 =	vld.idx.msk [tilespmem:v44+s20+$0x0], $0xffff;
	_ =	sdelay $0x2  }
0x310: {  	v47 =	vperm.xlane v24, v18;
	v48 =	vperm.xlane v23, v18;
	_ =	sdelay $0x1  }
0x311: {  	v49 =	vadd.s32 v4, v43;
	v25 =	vmul.f32 v45, v47;
	v26 =	vmul.f32 v46, v48;
	_ =	sdelay $0x1  }
0x312: {  	v25 =	vadd.f32 v26, v25;
	_ =	sdelay $0x1  }
0x313: {  	v50 =	vld [tilespmem:s13+$0x8F10];
	[tilespmem:s13+$0x8F00] =	vst v25  }
0x314: {  	v51 =	vld.idx.msk [tilespmem:v49+s20+$0x0], $0xffff;
	_ =	sdelay $0x4  }
0x315: {  	v52 =	vadd.s32 v5, v43;
	v25 =	vmul.f32 v50, v47;
	v26 =	vmul.f32 v51, v48;
	_ =	sdelay $0x1  }
0x316: {  	v25 =	vadd.f32 v26, v25;
	_ =	sdelay $0x1  }
0x317: {  	v53 =	vld [tilespmem:s13+$0x8F20];
	[tilespmem:s13+$0x8F10] =	vst v25  }
0x318: {  	v54 =	vld.idx.msk [tilespmem:v52+s20+$0x0], $0xffff;
	_ =	sdelay $0x4  }
0x319: {  	v27 =	vadd.s32 v6, v43;
	v25 =	vmul.f32 v53, v47;
	v26 =	vmul.f32 v54, v48;
	_ =	sdelay $0x1  }
0x31a: {  	v25 =	vadd.f32 v26, v25;
	_ =	sdelay $0x1  }
0x31b: {  	v55 =	vld [tilespmem:s13+$0x8F30];
	[tilespmem:s13+$0x8F20] =	vst v25  }
0x31c: {  	v56 =	vld.idx.msk [tilespmem:v27+s20+$0x0], $0xffff;
	_ =	sdelay $0x2  }
0x31d: {  	v57 =	vperm.xlane v22, v19;
	_ =	sdelay $0x1  }
0x31e: {  	v58 =	vadd.s32 v3, v57;
	v25 =	vmul.f32 v55, v47;
	v26 =	vmul.f32 v56, v48;
	_ =	sdelay $0x1  }
0x31f: {  	v25 =	vadd.f32 v26, v25;
	_ =	sdelay $0x1  }
0x320: {  	v59 =	vld [tilespmem:s13+$0x8F40];
	[tilespmem:s13+$0x8F30] =	vst v25  }
0x321: {  	v60 =	vld.idx.msk [tilespmem:v58+s20+$0x0], $0xffff;
	_ =	sdelay $0x2  }
0x322: {  	v61 =	vperm.xlane v24, v19;
	v62 =	vperm.xlane v23, v19;
	_ =	sdelay $0x1  }
0x323: {  	v63 =	vadd.s32 v4, v57;
	v25 =	vmul.f32 v59, v61;
	v26 =	vmul.f32 v60, v62;
	_ =	sdelay $0x1  }
0x324: {  	v25 =	vadd.f32 v26, v25;
	_ =	sdelay $0x1  }
0x325: {  	v32 =	vld [tilespmem:s13+$0x8F50];
	[tilespmem:s13+$0x8F40] =	vst v25  }
0x326: {  	v33 =	vld.idx.msk [tilespmem:v63+s20+$0x0], $0xffff;
	_ =	sdelay $0x4  }
0x327: {  	v34 =	vadd.s32 v5, v57;
	v25 =	vmul.f32 v32, v61;
	v26 =	vmul.f32 v33, v62;
	_ =	sdelay $0x1  }
0x328: {  	v25 =	vadd.f32 v26, v25;
	_ =	sdelay $0x1  }
0x329: {  	v35 =	vld [tilespmem:s13+$0x8F60];
	[tilespmem:s13+$0x8F50] =	vst v25  }
0x32a: {  	v36 =	vld.idx.msk [tilespmem:v34+s20+$0x0], $0xffff;
	_ =	sdelay $0x4  }
0x32b: {  	v27 =	vadd.s32 v6, v57;
	v25 =	vmul.f32 v35, v61;
	v26 =	vmul.f32 v36, v62;
	_ =	sdelay $0x1  }
0x32c: {  	v25 =	vadd.f32 v26, v25;
	_ =	sdelay $0x1  }
0x32d: {  	v37 =	vld [tilespmem:s13+$0x8F70];
	[tilespmem:s13+$0x8F60] =	vst v25  }
0x32e: {  	v38 =	vld.idx.msk [tilespmem:v27+s20+$0x0], $0xffff;
	_ =	sdelay $0x2  }
0x32f: {  	v39 =	vperm.xlane v22, v20;
	_ =	sdelay $0x1  }
0x330: {  	v40 =	vadd.s32 v3, v39;
	v25 =	vmul.f32 v37, v61;
	v26 =	vmul.f32 v38, v62;
	_ =	sdelay $0x1  }
0x331: {  	v25 =	vadd.f32 v26, v25;
	_ =	sdelay $0x1  }
0x332: {  	v41 =	vld [tilespmem:s13+$0x8F80];
	[tilespmem:s13+$0x8F70] =	vst v25  }
0x333: {  	v42 =	vld.idx.msk [tilespmem:v40+s20+$0x0], $0xffff;
	_ =	sdelay $0x2  }
0x334: {  	v43 =	vperm.xlane v24, v20;
	v44 =	vperm.xlane v23, v20;
	_ =	sdelay $0x1  }
0x335: {  	v45 =	vadd.s32 v4, v39;
	v25 =	vmul.f32 v41, v43;
	v26 =	vmul.f32 v42, v44;
	_ =	sdelay $0x1  }
0x336: {  	v25 =	vadd.f32 v26, v25;
	_ =	sdelay $0x1  }
0x337: {  	v46 =	vld [tilespmem:s13+$0x8F90];
	[tilespmem:s13+$0x8F80] =	vst v25  }
0x338: {  	v47 =	vld.idx.msk [tilespmem:v45+s20+$0x0], $0xffff;
	_ =	sdelay $0x4  }
0x339: {  	v48 =	vadd.s32 v5, v39;
	v25 =	vmul.f32 v46, v43;
	v26 =	vmul.f32 v47, v44;
	_ =	sdelay $0x1  }
0x33a: {  	v25 =	vadd.f32 v26, v25;
	_ =	sdelay $0x1  }
0x33b: {  	v49 =	vld [tilespmem:s13+$0x8FA0];
	[tilespmem:s13+$0x8F90] =	vst v25  }
0x33c: {  	v50 =	vld.idx.msk [tilespmem:v48+s20+$0x0], $0xffff;
	_ =	sdelay $0x4  }
0x33d: {  	v27 =	vadd.s32 v6, v39;
	v25 =	vmul.f32 v49, v43;
	v26 =	vmul.f32 v50, v44;
	_ =	sdelay $0x1  }
0x33e: {  	v25 =	vadd.f32 v26, v25;
	_ =	sdelay $0x1  }
0x33f: {  	v51 =	vld [tilespmem:s13+$0x8FB0];
	[tilespmem:s13+$0x8FA0] =	vst v25  }
0x340: {  	v52 =	vld.idx.msk [tilespmem:v27+s20+$0x0], $0xffff;
	_ =	sdelay $0x2  }
0x341: {  	v22 =	vperm.xlane v22, v21;
	_ =	sdelay $0x1  }
0x342: {  	v53 =	vadd.s32 v3, v22;
	v25 =	vmul.f32 v51, v43;
	v26 =	vmul.f32 v52, v44;
	_ =	sdelay $0x1  }
0x343: {  	v25 =	vadd.f32 v26, v25;
	_ =	sdelay $0x1  }
0x344: {  	v54 =	vld [tilespmem:s13+$0x8FC0];
	[tilespmem:s13+$0x8FB0] =	vst v25  }
0x345: {  	v55 =	vld.idx.msk [tilespmem:v53+s20+$0x0], $0xffff;
	_ =	sdelay $0x2  }
0x346: {  	v23 =	vperm.xlane v23, v21;
	v56 =	vperm.xlane v24, v21;
	_ =	sdelay $0x1  }
0x347: {  	v57 =	vadd.s32 v4, v22;
	v25 =	vmul.f32 v54, v56;
	v26 =	vmul.f32 v55, v23;
	_ =	sdelay $0x1  }
0x348: {  	v25 =	vadd.f32 v26, v25;
	_ =	sdelay $0x1  }
0x349: {  	v58 =	vld [tilespmem:s13+$0x8FD0];
	[tilespmem:s13+$0x8FC0] =	vst v25  }
0x34a: {  	v59 =	vld.idx.msk [tilespmem:v57+s20+$0x0], $0xffff;
	_ =	sdelay $0x4  }
0x34b: {  	v60 =	vadd.s32 v5, v22;
	v25 =	vmul.f32 v58, v56;
	v26 =	vmul.f32 v59, v23;
	_ =	sdelay $0x1  }
0x34c: {  	v25 =	vadd.f32 v26, v25;
	_ =	sdelay $0x1  }
0x34d: {  	v61 =	vld [tilespmem:s13+$0x8FE0];
	[tilespmem:s13+$0x8FD0] =	vst v25  }
0x34e: {  	v62 =	vld.idx.msk [tilespmem:v60+s20+$0x0], $0xffff;
	_ =	sdelay $0x4  }
0x34f: {  	v22 =	vadd.s32 v6, v22;
	v25 =	vmul.f32 v61, v56;
	v26 =	vmul.f32 v62, v23;
	_ =	sdelay $0x1  }
0x350: {  	v25 =	vadd.f32 v26, v25;
	_ =	sdelay $0x1  }
0x351: {  	v63 =	vld [tilespmem:s13+$0x8FF0];
	[tilespmem:s13+$0x8FE0] =	vst v25  }
0x352: {  	v22 =	vld.idx.msk [tilespmem:v22+s20+$0x0], $0xffff;
	_ =	sdelay $0x4  }
0x353: {  	v24 =	vmul.f32 v63, v56;
	v22 =	vmul.f32 v22, v23;
	_ =	sdelay $0x1  }
0x354: {  	v22 =	vadd.f32 v22, v24;
	_ =	sdelay $0x1  }
0x355: {  	[tilespmem:s13+$0x8FF0] =	vst v22  }
.LBB2_11:
0x356: {  	s22 =	sadd.s32 $0x1000, s22  }
0x357: {  	p1 =	sne.s32 s22, $0x20000  }
.Ltmp7:
0x358: {  	_ = 	snop;
	(pc) =	sbr.rel @!p1 .LBB2_12-.Ltmp7, $2  }
0x359: {  	_ =	sdelay $0x2  }
0x35a: {  	s2 =	sadd.s32 $0x10, s2;
	s23 =	sadd.s32 $0x10, s23;
	s12 =	sadd.s32 $0x10, s12  }
.LBB2_8:
0x35b: {  	v22 =	vld [tilespmem:s2+$0x0];
	_ =	sdelay $0x1  }
0x35c: {  	v23 =	vld [tilespmem:s12+$0x0];
	_ =	sdelay $0x2  }
0x35d: {  	vm0 =	veq.s32 v22, $0x2  }
0x35e: {  	v22 =	vsel vm0, $0x0, v0  }
0x35f: {  	v24 =	vmul.f32 v23, v22;
	_ =	sdelay $0x1  }
0x360: {  	vm15 =	veq.f32 v24, $1.000000000e+00  }
0x361: {  	v22 =	vsel vm15, $0x3F800000, v1  }
0x362: {  	(xrf0) =	vmin.scan.msk.f32 $0xffff, v22;
	_ =	sdelay $0x5  }
0x363: {  	v22, _, _ =	vpop (xrf0)  }
0x364: {  	(v2sf) =	vpush v22, $0xF;
	_ =	sdelay $0xc  }
0x365: {  	v22 =	vld [tilespmem:s23+$0x0];
	_ =	sdelay $0x1  }
0x366: {  	s13 =	spop (v2sf)  }
0x367: {  	p1 =	sne.f32 s13, $1.000000000e+00  }
.Ltmp8:
0x368: {  	_ = 	snop;
	(pc) =	sbr.rel @p1 .LBB2_10-.Ltmp8, $3  }
0x369: {  	v22 =	vshll.u32 v22, $0x6  }
0x36a: {  	v25 =	vperm.xlane v22, v2;
	_ =	sdelay $0x1  }
0x36b: {  	v26 =	vadd.s32 v3, v25;
	s13 =	sshra.s32 s22, $0x2  }
0x36c: {  	v23 =	vadd.s32 v4, v25  }
0x36d: {  	v24 =	vadd.s32 v5, v25;
	v27 =	vperm.xlane v22, v7  }
0x36e: {  	v36 =	vadd.s32 v6, v25  }
0x36f: {  	v28 =	vadd.s32 v3, v27  }
0x370: {  	v26 =	vld.idx.msk [tilespmem:v26+s20+$0x0], $0xffff  }
0x371: {  	v29 =	vadd.s32 v4, v27;
	v23 =	vld.idx.msk [tilespmem:v23+s20+$0x0], $0xffff  }
0x372: {  	v24 =	vld.idx.msk [tilespmem:v24+s20+$0x0], $0xffff  }
0x373: {  	v30 =	vadd.s32 v5, v27;
	v25 =	vld.idx.msk [tilespmem:v36+s20+$0x0], $0xffff  }
0x374: {  	v28 =	vld.idx.msk [tilespmem:v28+s20+$0x0], $0xffff  }
0x375: {  	v38 =	vperm.xlane v22, v8;
	v37 =	vadd.s32 v6, v27;
	[tilespmem:s13+$0x8C00] =	vst.add.f32.msk $0xffff, v26  }
0x376: {  	v29 =	vld.idx.msk [tilespmem:v29+s20+$0x0], $0xffff  }
0x377: {  	[tilespmem:s13+$0x8C10] =	vst.add.f32.msk $0xffff, v23;
	v23 =	vadd.s32 v3, v38  }
0x378: {  	v30 =	vld.idx.msk [tilespmem:v30+s20+$0x0], $0xffff  }
0x379: {  	v39 =	vadd.s32 v4, v38;
	[tilespmem:s13+$0x8C20] =	vst.add.f32.msk $0xffff, v24  }
0x37a: {  	v26 =	vld.idx.msk [tilespmem:v37+s20+$0x0], $0xffff  }
0x37b: {  	v40 =	vadd.s32 v5, v38;
	[tilespmem:s13+$0x8C30] =	vst.add.f32.msk $0xffff, v25  }
0x37c: {  	v23 =	vld.idx.msk [tilespmem:v23+s20+$0x0], $0xffff  }
0x37d: {  	v41 =	vperm.xlane v22, v9;
	v27 =	vadd.s32 v6, v38;
	[tilespmem:s13+$0x8C40] =	vst.add.f32.msk $0xffff, v28  }
0x37e: {  	v24 =	vld.idx.msk [tilespmem:v39+s20+$0x0], $0xffff  }
0x37f: {  	v42 =	vadd.s32 v3, v41;
	[tilespmem:s13+$0x8C50] =	vst.add.f32.msk $0xffff, v29  }
0x380: {  	v25 =	vld.idx.msk [tilespmem:v40+s20+$0x0], $0xffff  }
0x381: {  	v43 =	vadd.s32 v4, v41;
	[tilespmem:s13+$0x8C60] =	vst.add.f32.msk $0xffff, v30  }
0x382: {  	v27 =	vld.idx.msk [tilespmem:v27+s20+$0x0], $0xffff  }
0x383: {  	v44 =	vadd.s32 v5, v41;
	[tilespmem:s13+$0x8C70] =	vst.add.f32.msk $0xffff, v26  }
0x384: {  	v29 =	vld.idx.msk [tilespmem:v42+s20+$0x0], $0xffff  }
0x385: {  	v45 =	vperm.xlane v22, v10;
	[tilespmem:s13+$0x8C80] =	vst.add.f32.msk $0xffff, v23;
	v23 =	vadd.s32 v6, v41  }
0x386: {  	v30 =	vld.idx.msk [tilespmem:v43+s20+$0x0], $0xffff  }
0x387: {  	v46 =	vadd.s32 v3, v45;
	[tilespmem:s13+$0x8C90] =	vst.add.f32.msk $0xffff, v24  }
0x388: {  	v26 =	vld.idx.msk [tilespmem:v44+s20+$0x0], $0xffff  }
0x389: {  	v47 =	vadd.s32 v4, v45;
	[tilespmem:s13+$0x8CA0] =	vst.add.f32.msk $0xffff, v25  }
0x38a: {  	v23 =	vld.idx.msk [tilespmem:v23+s20+$0x0], $0xffff  }
0x38b: {  	v48 =	vadd.s32 v5, v45;
	[tilespmem:s13+$0x8CB0] =	vst.add.f32.msk $0xffff, v27  }
0x38c: {  	v24 =	vld.idx.msk [tilespmem:v46+s20+$0x0], $0xffff  }
0x38d: {  	v49 =	vperm.xlane v22, v11;
	v28 =	vadd.s32 v6, v45;
	[tilespmem:s13+$0x8CC0] =	vst.add.f32.msk $0xffff, v29  }
0x38e: {  	v25 =	vld.idx.msk [tilespmem:v47+s20+$0x0], $0xffff  }
0x38f: {  	v50 =	vadd.s32 v3, v49;
	[tilespmem:s13+$0x8CD0] =	vst.add.f32.msk $0xffff, v30  }
0x390: {  	v27 =	vld.idx.msk [tilespmem:v48+s20+$0x0], $0xffff  }
0x391: {  	v51 =	vadd.s32 v4, v49;
	[tilespmem:s13+$0x8CE0] =	vst.add.f32.msk $0xffff, v26  }
0x392: {  	v28 =	vld.idx.msk [tilespmem:v28+s20+$0x0], $0xffff  }
0x393: {  	[tilespmem:s13+$0x8CF0] =	vst.add.f32.msk $0xffff, v23;
	v23 =	vadd.s32 v5, v49  }
0x394: {  	v30 =	vld.idx.msk [tilespmem:v50+s20+$0x0], $0xffff  }
0x395: {  	v53 =	vperm.xlane v22, v12;
	v52 =	vadd.s32 v6, v49;
	[tilespmem:s13+$0x8D00] =	vst.add.f32.msk $0xffff, v24  }
0x396: {  	v26 =	vld.idx.msk [tilespmem:v51+s20+$0x0], $0xffff  }
0x397: {  	v54 =	vadd.s32 v3, v53;
	[tilespmem:s13+$0x8D10] =	vst.add.f32.msk $0xffff, v25  }
0x398: {  	v23 =	vld.idx.msk [tilespmem:v23+s20+$0x0], $0xffff  }
0x399: {  	v55 =	vadd.s32 v4, v53;
	[tilespmem:s13+$0x8D20] =	vst.add.f32.msk $0xffff, v27  }
0x39a: {  	v24 =	vld.idx.msk [tilespmem:v52+s20+$0x0], $0xffff  }
0x39b: {  	v56 =	vadd.s32 v5, v53;
	[tilespmem:s13+$0x8D30] =	vst.add.f32.msk $0xffff, v28  }
0x39c: {  	v25 =	vld.idx.msk [tilespmem:v54+s20+$0x0], $0xffff  }
0x39d: {  	v57 =	vperm.xlane v22, v13;
	v29 =	vadd.s32 v6, v53;
	[tilespmem:s13+$0x8D40] =	vst.add.f32.msk $0xffff, v30  }
0x39e: {  	v27 =	vld.idx.msk [tilespmem:v55+s20+$0x0], $0xffff  }
0x39f: {  	v58 =	vadd.s32 v3, v57;
	[tilespmem:s13+$0x8D50] =	vst.add.f32.msk $0xffff, v26  }
0x3a0: {  	v28 =	vld.idx.msk [tilespmem:v56+s20+$0x0], $0xffff  }
0x3a1: {  	[tilespmem:s13+$0x8D60] =	vst.add.f32.msk $0xffff, v23;
	v23 =	vadd.s32 v4, v57  }
0x3a2: {  	v29 =	vld.idx.msk [tilespmem:v29+s20+$0x0], $0xffff  }
0x3a3: {  	v59 =	vadd.s32 v5, v57;
	[tilespmem:s13+$0x8D70] =	vst.add.f32.msk $0xffff, v24  }
0x3a4: {  	v26 =	vld.idx.msk [tilespmem:v58+s20+$0x0], $0xffff  }
0x3a5: {  	v61 =	vperm.xlane v22, v14;
	v60 =	vadd.s32 v6, v57;
	[tilespmem:s13+$0x8D80] =	vst.add.f32.msk $0xffff, v25  }
0x3a6: {  	v23 =	vld.idx.msk [tilespmem:v23+s20+$0x0], $0xffff  }
0x3a7: {  	v62 =	vadd.s32 v3, v61;
	[tilespmem:s13+$0x8D90] =	vst.add.f32.msk $0xffff, v27  }
0x3a8: {  	v24 =	vld.idx.msk [tilespmem:v59+s20+$0x0], $0xffff  }
0x3a9: {  	v63 =	vadd.s32 v4, v61;
	[tilespmem:s13+$0x8DA0] =	vst.add.f32.msk $0xffff, v28  }
0x3aa: {  	v25 =	vld.idx.msk [tilespmem:v60+s20+$0x0], $0xffff  }
0x3ab: {  	v33 =	vadd.s32 v5, v61;
	[tilespmem:s13+$0x8DB0] =	vst.add.f32.msk $0xffff, v29  }
0x3ac: {  	v27 =	vld.idx.msk [tilespmem:v62+s20+$0x0], $0xffff  }
0x3ad: {  	v35 =	vperm.xlane v22, v15;
	v34 =	vadd.s32 v6, v61;
	[tilespmem:s13+$0x8DC0] =	vst.add.f32.msk $0xffff, v26  }
0x3ae: {  	v28 =	vld.idx.msk [tilespmem:v63+s20+$0x0], $0xffff  }
0x3af: {  	[tilespmem:s13+$0x8DD0] =	vst.add.f32.msk $0xffff, v23;
	v23 =	vadd.s32 v3, v35  }
0x3b0: {  	v29 =	vld.idx.msk [tilespmem:v33+s20+$0x0], $0xffff  }
0x3b1: {  	v36 =	vadd.s32 v4, v35;
	[tilespmem:s13+$0x8DE0] =	vst.add.f32.msk $0xffff, v24  }
0x3b2: {  	v26 =	vld.idx.msk [tilespmem:v34+s20+$0x0], $0xffff  }
0x3b3: {  	v37 =	vadd.s32 v5, v35;
	[tilespmem:s13+$0x8DF0] =	vst.add.f32.msk $0xffff, v25  }
0x3b4: {  	v23 =	vld.idx.msk [tilespmem:v23+s20+$0x0], $0xffff  }
0x3b5: {  	v38 =	vadd.s32 v6, v35;
	v39 =	vperm.xlane v22, v16;
	[tilespmem:s13+$0x8E00] =	vst.add.f32.msk $0xffff, v27  }
0x3b6: {  	v24 =	vld.idx.msk [tilespmem:v36+s20+$0x0], $0xffff  }
0x3b7: {  	v40 =	vadd.s32 v3, v39;
	[tilespmem:s13+$0x8E10] =	vst.add.f32.msk $0xffff, v28  }
0x3b8: {  	v25 =	vld.idx.msk [tilespmem:v37+s20+$0x0], $0xffff  }
0x3b9: {  	v41 =	vadd.s32 v4, v39;
	[tilespmem:s13+$0x8E20] =	vst.add.f32.msk $0xffff, v29  }
0x3ba: {  	v27 =	vld.idx.msk [tilespmem:v38+s20+$0x0], $0xffff  }
0x3bb: {  	v42 =	vadd.s32 v5, v39;
	[tilespmem:s13+$0x8E30] =	vst.add.f32.msk $0xffff, v26  }
0x3bc: {  	v28 =	vld.idx.msk [tilespmem:v40+s20+$0x0], $0xffff  }
0x3bd: {  	v43 =	vperm.xlane v22, v17;
	[tilespmem:s13+$0x8E40] =	vst.add.f32.msk $0xffff, v23;
	v23 =	vadd.s32 v6, v39  }
0x3be: {  	v29 =	vld.idx.msk [tilespmem:v41+s20+$0x0], $0xffff  }
0x3bf: {  	v44 =	vadd.s32 v3, v43;
	[tilespmem:s13+$0x8E50] =	vst.add.f32.msk $0xffff, v24  }
0x3c0: {  	v26 =	vld.idx.msk [tilespmem:v42+s20+$0x0], $0xffff  }
0x3c1: {  	v45 =	vadd.s32 v4, v43;
	[tilespmem:s13+$0x8E60] =	vst.add.f32.msk $0xffff, v25  }
0x3c2: {  	v23 =	vld.idx.msk [tilespmem:v23+s20+$0x0], $0xffff  }
0x3c3: {  	v46 =	vadd.s32 v5, v43;
	[tilespmem:s13+$0x8E70] =	vst.add.f32.msk $0xffff, v27  }
0x3c4: {  	v24 =	vld.idx.msk [tilespmem:v44+s20+$0x0], $0xffff  }
0x3c5: {  	v47 =	vadd.s32 v6, v43;
	v48 =	vperm.xlane v22, v18;
	[tilespmem:s13+$0x8E80] =	vst.add.f32.msk $0xffff, v28  }
0x3c6: {  	v25 =	vld.idx.msk [tilespmem:v45+s20+$0x0], $0xffff  }
0x3c7: {  	v49 =	vadd.s32 v3, v48;
	[tilespmem:s13+$0x8E90] =	vst.add.f32.msk $0xffff, v29  }
0x3c8: {  	v27 =	vld.idx.msk [tilespmem:v46+s20+$0x0], $0xffff  }
0x3c9: {  	v50 =	vadd.s32 v4, v48;
	[tilespmem:s13+$0x8EA0] =	vst.add.f32.msk $0xffff, v26  }
0x3ca: {  	v28 =	vld.idx.msk [tilespmem:v47+s20+$0x0], $0xffff  }
0x3cb: {  	[tilespmem:s13+$0x8EB0] =	vst.add.f32.msk $0xffff, v23;
	v23 =	vadd.s32 v5, v48  }
0x3cc: {  	v29 =	vld.idx.msk [tilespmem:v49+s20+$0x0], $0xffff  }
0x3cd: {  	v51 =	vadd.s32 v6, v48;
	v52 =	vperm.xlane v22, v19;
	[tilespmem:s13+$0x8EC0] =	vst.add.f32.msk $0xffff, v24  }
0x3ce: {  	v26 =	vld.idx.msk [tilespmem:v50+s20+$0x0], $0xffff  }
0x3cf: {  	v53 =	vadd.s32 v3, v52;
	[tilespmem:s13+$0x8ED0] =	vst.add.f32.msk $0xffff, v25  }
0x3d0: {  	v23 =	vld.idx.msk [tilespmem:v23+s20+$0x0], $0xffff  }
0x3d1: {  	v54 =	vadd.s32 v4, v52;
	[tilespmem:s13+$0x8EE0] =	vst.add.f32.msk $0xffff, v27  }
0x3d2: {  	v24 =	vld.idx.msk [tilespmem:v51+s20+$0x0], $0xffff  }
0x3d3: {  	v55 =	vadd.s32 v5, v52;
	[tilespmem:s13+$0x8EF0] =	vst.add.f32.msk $0xffff, v28  }
0x3d4: {  	v25 =	vld.idx.msk [tilespmem:v53+s20+$0x0], $0xffff  }
0x3d5: {  	v56 =	vadd.s32 v6, v52;
	v57 =	vperm.xlane v22, v20;
	[tilespmem:s13+$0x8F00] =	vst.add.f32.msk $0xffff, v29  }
0x3d6: {  	v27 =	vld.idx.msk [tilespmem:v54+s20+$0x0], $0xffff  }
0x3d7: {  	v58 =	vadd.s32 v3, v57;
	[tilespmem:s13+$0x8F10] =	vst.add.f32.msk $0xffff, v26  }
0x3d8: {  	v28 =	vld.idx.msk [tilespmem:v55+s20+$0x0], $0xffff  }
0x3d9: {  	[tilespmem:s13+$0x8F20] =	vst.add.f32.msk $0xffff, v23;
	v23 =	vadd.s32 v4, v57  }
0x3da: {  	v29 =	vld.idx.msk [tilespmem:v56+s20+$0x0], $0xffff  }
0x3db: {  	v59 =	vadd.s32 v5, v57;
	[tilespmem:s13+$0x8F30] =	vst.add.f32.msk $0xffff, v24  }
0x3dc: {  	v26 =	vld.idx.msk [tilespmem:v58+s20+$0x0], $0xffff  }
0x3dd: {  	v22 =	vperm.xlane v22, v21;
	v60 =	vadd.s32 v6, v57;
	[tilespmem:s13+$0x8F40] =	vst.add.f32.msk $0xffff, v25  }
0x3de: {  	v23 =	vld.idx.msk [tilespmem:v23+s20+$0x0], $0xffff  }
0x3df: {  	v61 =	vadd.s32 v3, v22;
	[tilespmem:s13+$0x8F50] =	vst.add.f32.msk $0xffff, v27  }
0x3e0: {  	v24 =	vld.idx.msk [tilespmem:v59+s20+$0x0], $0xffff  }
0x3e1: {  	v62 =	vadd.s32 v4, v22;
	[tilespmem:s13+$0x8F60] =	vst.add.f32.msk $0xffff, v28  }
0x3e2: {  	v25 =	vld.idx.msk [tilespmem:v60+s20+$0x0], $0xffff  }
0x3e3: {  	v63 =	vadd.s32 v5, v22;
	[tilespmem:s13+$0x8F70] =	vst.add.f32.msk $0xffff, v29  }
0x3e4: {  	v27 =	vld.idx.msk [tilespmem:v61+s20+$0x0], $0xffff  }
0x3e5: {  	v22 =	vadd.s32 v6, v22;
	[tilespmem:s13+$0x8F80] =	vst.add.f32.msk $0xffff, v26  }
0x3e6: {  	v26 =	vld.idx.msk [tilespmem:v62+s20+$0x0], $0xffff  }
0x3e7: {  	[tilespmem:s13+$0x8F90] =	vst.add.f32.msk $0xffff, v23  }
0x3e8: {  	v23 =	vld.idx.msk [tilespmem:v63+s20+$0x0], $0xffff  }
0x3e9: {  	[tilespmem:s13+$0x8FA0] =	vst.add.f32.msk $0xffff, v24  }
0x3ea: {  	v22 =	vld.idx.msk [tilespmem:v22+s20+$0x0], $0xffff  }
.Ltmp9:
0x3eb: {  	[tilespmem:s13+$0x8FB0] =	vst.add.f32.msk $0xffff, v25;
	(pc) =	sbr.rel .LBB2_11-.Ltmp9, $4  }
0x3ec: {  	[tilespmem:s13+$0x8FC0] =	vst.add.f32.msk $0xffff, v27  }
0x3ed: {  	[tilespmem:s13+$0x8FD0] =	vst.add.f32.msk $0xffff, v26  }
0x3ee: {  	[tilespmem:s13+$0x8FE0] =	vst.add.f32.msk $0xffff, v23  }
0x3ef: {  	[tilespmem:s13+$0x8FF0] =	vst.add.f32.msk $0xffff, v22  }
.LBB2_12:
.Ltmp10:
0x3f0: {  	(pc) =	sbr.rel @p0 .LBB2_14-.Ltmp10, $4  }
0x3f1: {  	s0 =	sadd.s32 s0, s17  }
0x3f2: {  	s0 =	sshrl.u32 s0, $0x3  }
0x3f3: {  	s0 =	sadd.s32 s1, s0  }
0x3f4: {  	[hbm4b:s0+s3] =	stream.linear.scatter [tilespmem:s11], [sflag:$0x4], $0x8000, $0x38;
	[tilespmem:$0x13E00] =	vst v63  }
0x3f5: {  	s0 =	sshll.u32 s31, $0xA  }
0x3f6: {  	s0 =	sadd.s32 s0, s18  }
0x3f7: {  	s0 =	sshrl.u32 s0, $0x3  }
0x3f8: {  	s12 =	simm.s32 $0x200;
	s2 =	sadd.s32 s4, s0  }
0x3f9: {  	[tilespmem:s12], [sflag:$0x6] =	stream.linear.gather [hbm4b:s2+s3], $0x200, $0x38;
	[tilespmem:$0x13E00] =	vst v63  }
0x3fa: {  	s22 =	simm.s32 $0x600;
	s13 =	sadd.s32 s5, s0  }
0x3fb: {  	[tilespmem:s22], [sflag:$0x6] =	stream.linear.gather [hbm4b:s13+s3], $0x200, $0x38;
	[tilespmem:$0x13E00] =	vst v63  }
0x3fc: {  	s23 =	simm.s32 $0xA00;
	s0 =	sadd.s32 s6, s0  }
0x3fd: {  	[tilespmem:s23], [sflag:$0x6] =	stream.linear.gather [hbm4b:s0+s3], $0x200, $0x38;
	[tilespmem:$0x13E00] =	vst v63  }
0x3fe: {  	_ =	swait.ge [sflag:s29], $0x8000  }
0x3ff: {  	[sflag:s29] =	ssyncset.done $0x0  }
0x400: {  	[sflag:s29] =	ssyncadd.s32 $0xFFFF8000  }
0x401: {  	_ =	swait.ge [sflag:s24], $0x200  }
0x402: {  	[sflag:s24] =	ssyncset.done $0x0  }
0x403: {  	[sflag:s24] =	ssyncadd.s32 $0xFFFFFE00  }
0x404: {  	_ =	swait.ge [sflag:s24], $0x200  }
0x405: {  	[sflag:s24] =	ssyncset.done $0x0  }
0x406: {  	[sflag:s24] =	ssyncadd.s32 $0xFFFFFE00  }
0x407: {  	_ =	swait.ge [sflag:s24], $0x200  }
0x408: {  	[sflag:s24] =	ssyncset.done $0x0  }
0x409: {  	[sflag:s24] =	ssyncadd.s32 $0xFFFFFE00  }
0x40a: {  	[tilespmem:s26], [sflag:$0x1] =	stream.indirect.gather [hbm4b:s7+s25], $0x40, s3, s25, $0xb8;
	[tilespmem:$0x13E00] =	vst v63  }
0x40b: {  	s2 =	simm.s32 $0x2C00  }
0x40c: {  	[tilespmem:s2], [sflag:$0x1] =	stream.indirect.gather [hbm4b:s7+s25], $0x40, s25, s25, $0xb8;
	[tilespmem:$0x13E00] =	vst v63  }
.Ltmp11:
0x40d: {  	_ = 	snop;
	(pc) =	sbr.rel .LBB2_2-.Ltmp11, $4  }
0x40e: {  	s12 =	simm.s32 $0x100;
	s13 =	simm.s32 $0x4C00  }
0x40f: {  	[tilespmem:s13], [sflag:$0x1] =	stream.indirect.gather [hbm4b:s7+s25], $0x40, s12, s25, $0xb8;
	[tilespmem:$0x13E00] =	vst v63  }
0x410: {  	s31 =	sadd.s32 $0x1, s31;
	s22 =	simm.s32 $0x180;
	s23 =	simm.s32 $0x6C00  }
0x411: {  	[tilespmem:s23], [sflag:$0x1] =	stream.indirect.gather [hbm4b:s7+s25], $0x40, s22, s25, $0xb8;
	[tilespmem:$0x13E00] =	vst v63  }
.LBB2_15:
0x412: {  	_ =	sfence.sel $0x180000  }
0x413: {  	[bflag:$0x0] =	sbarrier.arrive $0xFFFF  }
0x414: {  	_ =	strace $0x90000047  }
0x415: {  	s0 =	stileid.u32;
	[bflag:$0x2] =	sbarrier.arrive $0xFFFF  }
0x416: {  	p0 =	sne.s32 s0, $0x0;
	s0 =	rddreg [dreg:$0x2]  }
0x417: {  	s0 =	sadd.s32 @!p0 $0x100000, s0  }
0x418: {  	[sflag:s0] =	ssyncadd.tile.s32 @!p0 $0x1;
	_ =	shalt  }
.Lfunc_end2:
_tile_overlayer_lowered:
.L_overlay_start_2:
0x419: {  	(tag) =	ssettag $0x2  }
0x41a: {  	s0 =	rddreg [dreg:$0x0];
	s2 =	stileid.u32  }
0x41b: {  	s1 =	rddreg [dreg:$0x1];
	p0 =	sne.s32 s2, $0x0  }
0x41c: {  	s3 =	rddreg [dreg:$0x2];
	[bflag:$0x3] =	sbarrier.arrive $0xFFFF;
	s2 =	simm.s32 @!p0 $0x1C07  }
0x41d: {  	[timem:s3], [sflag:s2] =	dma.local @!p0 [hbm:s0], s1  }
0x41e: {  	s0 =	simm.s32 @!p0 $0x7  }
0x41f: {  	_ =	swait.ge @!p0 [sflag:s0], s1  }
0x420: {  	s1 =	ssub.s32 @!p0 $0x0, s1;
	[sflag:s0] =	ssyncset.done @!p0 $0x0  }
0x421: {  	[sflag:s0] =	ssyncadd.s32 @!p0 s1  }
0x422: {  	[bflag:$0x3] =	sbarrier.arrive $0xFFFF  }
0x423: {  	_ =	shalt  }

// kernel: sparse-core-data-format-call.cloned.1.call-start
scs
called_computation_lowered:
.L_overlay_start_0:
0x0: {  	s2 =	sld [smem:$0x3FD9]  }
0x1: {  	s3 =	sld [smem:$0x3FFE];
	_ =	sdelay $0x1  }
0x2: {  	s1 =	srdreg.scid  }
0x3: {  	s0 =	sand.u32 $0x1, s1  }
0x4: {  	s18 =	sshll.u32 s0, $0xA;
	s2 =	sadd.s32 s3, s2  }
0x5: {  	s2 =	sadd.s32 s2, s18  }
0x6: {  	[smem:$0x3FC3] =	sst s2  }
0x7: {  	_ = 	snop  }
0x8: {  	s2 =	sld [smem:$0x3FD0];
	(tm) =	ssettm $0x1  }
0x9: {  	s19 =	sld [smem:$0x3FFB];
	_ =	sdelay $0x3  }
0xa: {  	_ =	strace s19  }
0xb: {  	s3 =	sld [smem:$0x3FFC];
	_ =	sdelay $0x3  }
0xc: {  	_ =	strace s3  }
0xd: {  	s3 =	sld [smem:$0x3FFD];
	_ =	sdelay $0x3  }
0xe: {  	_ =	strace s3  }
0xf: {  	_ =	strace $0x8FFFFFFF  }
0x10: {  	s20 =	sld [smem:$0x3FDB];
	_ =	sdelay $0x1  }
0x11: {  	s4 =	simm.s32 $_scs_section_size  }
0x12: {  	s5 =	simm.s32 $_size__tile_overlayer_lowered;
	s6 =	simm.s32 $_tile_overlayer_lowered  }
0x13: {  	s23 =	simm.s32 $0x1BFF;
	s22 =	sshll.u32 s6, $0x1;
	s3 =	sadd.s32 s4, s20  }
0x14: {  	s7 =	simm.s32 $0x0;
	s21 =	sshll.u32 s5, $0x1;
	s5 =	sadd.s32 s22, s3  }
0x15: {  	[timem:s7], [sflag:s23] =	dma.local [hbm:s5], s21  }
0x16: {  	_ =	swait.ge [sflag:s23], s21  }
0x17: {  	s4 =	ssub.s32 $0x0, s21;
	[sflag:s23] =	ssyncset.done $0x0  }
0x18: {  	[sflag:s23] =	ssyncadd.s32 s4;
	_ =	sdelay $0x1  }
0x19: {  	s24 =	simm.s32 $0x1B8B  }
0x1a: {  	_ =	swait.ge [sflag:s24], $0x1  }
0x1b: {  	[sflag:s24] =	ssyncset.done $0x0  }
0x1c: {  	s26 =	simm.s32 $0x1B8E;
	s25 =	sld [smem:$0x3FFE];
	[sflag:s24] =	ssyncadd.s32 $0xFFFFFFFF  }
0x1d: {  	s27 =	simm.s32 $execute0_lowered;
	[smem:$0x3FD2] =	sst s26  }
0x1e: {  	s5 =	sshll.u32 s27, $0x1;
	_ =	strace $0x80000049;
	[dreg:$0x1] =	wrdreg $0xFFFFFFFF  }
0x1f: {  	s28 =	simm.s32 $_size_execute0_lowered;
	s3 =	sadd.s32 s3, s5;
	[dreg:$0x0] =	wrdreg $0x0  }
0x20: {  	s5 =	sshll.u32 s28, $0x1;
	[dreg:$0x2] =	wrdreg s3  }
0x21: {  	[dreg:$0x3] =	wrdreg s5  }
0x22: {  	[dreg:$0x4] =	wrdreg $0xC0  }
0x23: {  	_ =	task [dreg:s7], $0x5FFFF  }
0x24: {  	[dreg:$0x1] =	wrdreg $0xFFFFFFFF  }
0x25: {  	[dreg:$0x0] =	wrdreg $0x60  }
0x26: {  	[dreg:$0x2] =	wrdreg s25  }
0x27: {  	[dreg:$0x3] =	wrdreg s2  }
0x28: {  	[dreg:$0x4] =	wrdreg $0x9  }
0x29: {  	_ =	task.clear_ibuf [dreg:s7], $0x5FFFF;
	_ =	strace $0x90000049  }
0x2a: {  	s29 =	simm.s32 $0x9;
	_ =	strace $0x8000004B  }
0x2b: {  	_ =	swait.ge [sflag:s29], $0x1  }
0x2c: {  	[sflag:s29] =	ssyncadd.s32 $0xFFFFFFFF  }
0x2d: {  	_ =	strace $0x9000004B  }
0x2e: {  	_ =	sfence  }
0x2f: {  	s30 =	sld [smem:$0x0];
	_ =	sdelay $0x2  }
0x30: {  	s31 =	sshll.u32 s1, $0xD;
	s1 =	sshrl.u32 s1, $0x2  }
0x31: {  	s3 =	sand.u32 $0x4000, s31;
	s1 =	sadd.s32 s1, s30  }
0x32: {  	s0 =	sor.u32 s3, s0;
	s1 =	sshll.u32 s1, $0x11  }
0x33: {  	s0 =	sor.u32 s1, s0  }
0x34: {  	s0 =	sadd.s32 $0x8F2B, s0  }
0x35: {  	[sflag:s0] =	ssyncadd.remote.s32 $0x1  }
0x36: {  	_ =	sfence.sel $0xFFFF  }
0x37: {  	[dreg:$0x0] =	wrdreg $0xFFFFFFFF;
	(pc) =	sbr.abs _section_cstart, $3  }
0x38: {  	[dreg:$0x1] =	wrdreg $0xFFFFFFFF  }
0x39: {  	_ =	task.clear_ibuf [dreg:s7], $0x2FFFF;
	_ =	strace $0x9FFFFFFF  }
0x3a: {  	(tm) =	ssettm $0x7FFFFFFF  }
0x3b: {  	_ =	shalt  }
tec
execute0_lowered:
.L_overlay_start_1:
0x0: {  	(tag) =	ssettag $0x1  }
0x1: {  	s0 =	srdreg.scid  }
0x2: {  	s1 =	sshll.u32 s0, $0x4  }
0x3: {  	s0 =	stileid.u32;
	s1 =	sand.u32 $0x10, s1  }
0x4: {  	s1 =	sor.u32 s0, s1  }
0x5: {  	s6 =	rddreg [dreg:$0x0];
	s4 =	simm.s32 $0x1;
	s2 =	sshll.u32 s1, $0x7  }
0x6: {  	s7 =	simm.s32 $0x2;
	s12 =	simm.s32 $0x0;
	s1 =	ssub.s32 $0x1000, s2  }
0x7: {  	s8 =	simm.s32 $0x8000;
	s13 =	simm.s32 $0x0;
	s3 =	sand.u32 $0xF80, s1  }
0x8: {  	s9 =	simm.s32 $0x0;
	s5 =	sshrl.u32 s1, $0xC;
	p0 =	sne.s32 s3, $0x0  }
.Ltmp0:
0x9: {  	s1 =	rddreg [dreg:$0x2];
	s4 =	simm.s32 @!p0 $0x0;
	(pc) =	sbr.rel .LBB1_1-.Ltmp0, $4  }
0xa: {  	s11 =	simm.s32 $0x0;
	s3 =	rddreg [dreg:$0x1];
	s5 =	sadd.s32 s4, s5  }
0xb: {  	_ =	strace $0x8000004A;
	s4 =	simm.s32 $0x1;
	s5 =	smul.u32 $0xC8, s5  }
0xc: {  	s6 =	sadd.s32 $0x1000, s6;
	s10 =	smov.u32 s2;
	[sflag:s4] =	ssyncpa.u1 $0x0  }
0xd: {  	p0 =	por $0x0, $0x0;
	[sflag:s7] =	ssyncpa.u1 $0x0;
	s7 =	sor.u32 $0x1, s5  }
.LBB1_4:
0xe: {  	s16 =	sshll.u32 s13, $0x3;
	s17 =	sand.u32 $0x78, s13  }
0xf: {  	s30 =	sand.u32 $0x7E00, s13;
	s12 =	sshll.u32 s12, $0xF;
	s16 =	sand.u32 $0xC00, s16  }
0x10: {  	[tilespmem:s15+$0x810 ss:$0x81] =	vst.msk $0xffff, v2;
	s31 =	sand.u32 $0x7, s13;
	s16 =	sor.u32 s17, s16;
	s17 =	sadd.s32 s3, s30  }
0x11: {  	[tilespmem:s15+$0x1020 ss:$0x81] =	vst.msk $0xffff, v0;
	s13 =	sshll.u32 s31, $0x12;
	s12 =	sadd.s32 s12, s17;
	s16 =	sshrl.u32 s16, $0x3  }
0x12: {  	[tilespmem:s15+$0x0 ss:$0x81] =	vst.msk $0xffff, v1;
	s13 =	sor.u32 $0x400, s13;
	s12 =	sadd.s32 s16, s12  }
0x13: {  	[hbm4b:s12+s13] =	stream.strided.scatter [tilespmem:s14], [sflag:$0x2], $0x2000, s8, s13, $0x20;
	[tilespmem:$0x8080] =	vst v63  }
.LBB1_5:
0x14: {  	s14 =	sadd.s32 $0x1, s9  }
0x15: {  	s12 =	sadd.s32 $0x1000, s10;
	s16 =	smov.u32 s10;
	p2 =	sgt.s32 s14, $0xC7  }
0x16: {  	s16 =	smov.u32 @p2 s12  }
0x17: {  	s14 =	simm.s32 @p2 $0x0;
	p2 =	sgt.s32 s16, $0xFFF  }
0x18: {  	s16 =	smov.u32 @p2 s2;
	p2 =	sne.s32 s11, s7  }
.Ltmp1:
0x19: {  	p1 =	slt.u32 s11, $0x2;
	(pc) =	sbr.rel @!p2 .LBB1_6-.Ltmp1, $4  }
0x1a: {  	s15 =	simm.s32 @!p1 $0x2  }
0x1b: {  	s13 =	smov.u32 s10;
	p0 =	por !p0, !p0;
	_ =	swait.ge @!p1 [sflag:s15], $0x2000  }
0x1c: {  	s12 =	smov.u32 s9;
	[sflag:s15] =	ssyncset.done @!p1 $0x0;
	s9 =	smov.u32 s14  }
0x1d: {  	s11 =	sadd.s32 $0x1, s11;
	[sflag:s15] =	ssyncadd.s32 @!p1 $0xFFFFE000;
	s10 =	smov.u32 s16  }
.LBB1_1:
0x1e: {  	p1 =	sge.u32 s11, s5  }
0x1f: {  	s14 =	sand.u32 @!p1 $0x1FFFFFF, s9  }
0x20: {  	s15 =	smulhi.u32 @!p1 $0x147AE15, s14;
	_ =	sdelay $0x1  }
0x21: {  	s15 =	smul.u32 @!p1 $0xC8, s15  }
0x22: {  	s16 =	sxor.u32 @!p1 $0xFFFFFFFF, s11;
	s17 =	smul.u32 @!p1 $0xC80, s10  }
0x23: {  	s31 =	sadd.s32 $0xFFFFFFFF, s11;
	s16 =	sshll.u32 @!p1 s16, $0xD;
	s14 =	ssub.s32 @!p1 s14, s15  }
0x24: {  	s15 =	sand.u32 @!p1 $0x2000, s16;
	s16 =	sadd.s32 @!p1 s6, s17;
	s14 =	sshll.u32 @!p1 s14, $0x4  }
0x25: {  	s17 =	simm.s32 @!p1 $0x6400;
	s14 =	sadd.s32 @!p1 s14, s16;
	s16 =	simm.s32 @!p1 $0x40  }
0x26: {  	[tilespmem:s15], [sflag:$0x1] =	stream.strided.gather @!p1 [hbm4b:s14+s16], $0x2000, s17, s16, $0x38;
	[tilespmem:$0x8080] =	vst v63  }
0x27: {  	p1 =	sge.u32 s31, s5  }
.Ltmp2:
0x28: {  	_ = 	snop;
	(pc) =	sbr.rel @p1 .LBB1_5-.Ltmp2, $1  }
0x29: {  	_ =	sdelay $0x3  }
0x2a: {  	s14 =	simm.s32 $0x1  }
0x2b: {  	_ =	swait.ge [sflag:s4], $0x2000;
	s14 =	simm.s32 @!p0 $0x0  }
0x2c: {  	[sflag:s4] =	ssyncset.done $0x0;
	s15 =	sshll.u32 s14, $0xD  }
0x2d: {  	[sflag:s4] =	ssyncadd.s32 $0xFFFFE000;
	s18 =	sor.u32 $0x20, s15  }
0x2e: {  	s14 =	smul.u32 $0x8100, s14;
	v3 =	vld [tilespmem:s18+$0x10]  }
0x2f: {  	s30 =	sand.u32 $0x1, s11;
	v2 =	vld [tilespmem:s18+$0xFFFFFFF0]  }
0x30: {  	s15 =	smul.u32 $0x8100, s30;
	s14 =	sshrl.u32 s14, $0x2;
	v0 =	vld [tilespmem:s18+$0x0]  }
0x31: {  	v1 =	vld [tilespmem:s18+$0xFFFFFFE0];
	s16 =	sor.u32 $0x4000, s14  }
0x32: {  	s31 =	sshrl.u32 s15, $0x2;
	s15 =	sadd.s32 $0x0, s16  }
0x33: {  	s17 =	simm.s32 $0x4;
	s18 =	sadd.s32 $0x40, s18;
	s14 =	sor.u32 $0x4000, s31;
	[tilespmem:s15+$0x1830 ss:$0x81] =	vst.msk $0xffff, v3  }
.LBB1_3:
0x34: {  	v3 =	vld [tilespmem:s18+$0x10];
	p1 =	sne.s32 s17, $0x1FC;
	[tilespmem:s15+$0x810 ss:$0x81] =	vst.msk $0xffff, v2;
	s19 =	smov.u32 s17;
	s17 =	sadd.s32 $0x4, s17  }
.Ltmp3:
0x35: {  	v2 =	vld [tilespmem:s18+$0xFFFFFFF0];
	[tilespmem:s15+$0x1020 ss:$0x81] =	vst.msk $0xffff, v0;
	(pc) =	sbr.rel @p1 .LBB1_3-.Ltmp3, $4  }
0x36: {  	v0 =	vld [tilespmem:s18+$0x0];
	[tilespmem:s15+$0x0 ss:$0x81] =	vst.msk $0xffff, v1  }
0x37: {  	s15 =	sshra.s32 s19, $0x2;
	v1 =	vld [tilespmem:s18+$0xFFFFFFE0]  }
0x38: {  	s15 =	sadd.s32 s15, s16  }
0x39: {  	s18 =	sadd.s32 $0x40, s18;
	[tilespmem:s15+$0x1830 ss:$0x81] =	vst.msk $0xffff, v3  }
.Ltmp4:
0x3a: {  	_ = 	snop;
	(pc) =	sbr.rel .LBB1_4-.Ltmp4, $1  }
0x3b: {  	_ =	sdelay $0x3  }
.LBB1_6:
0x3c: {  	_ =	sfence.sel $0x180000  }
0x3d: {  	s2 =	simm.s32 $0x1;
	[bflag:$0x0] =	sbarrier.arrive $0xFFFF  }
0x3e: {  	s31 =	simm.s32 $0x2;
	[sflag:s2] =	ssyncpa.u1 $0x1  }
0x3f: {  	[sflag:s31] =	ssyncpa.u1 $0x1  }
0x40: {  	p0 =	sne.s32 s0, $0x0;
	_ =	strace $0x9000004A  }
0x41: {  	s0 =	sadd.s32 @!p0 $0x100000, s1;
	[bflag:$0x2] =	sbarrier.arrive $0xFFFF  }
0x42: {  	[sflag:s0] =	ssyncadd.tile.s32 @!p0 $0x1;
	_ =	shalt  }
.Lfunc_end1:
_tile_overlayer_lowered:
.L_overlay_start_2:
0x43: {  	(tag) =	ssettag $0x2  }
0x44: {  	s0 =	rddreg [dreg:$0x0];
	s2 =	stileid.u32  }
0x45: {  	s1 =	rddreg [dreg:$0x1];
	p0 =	sne.s32 s2, $0x0  }
0x46: {  	s3 =	rddreg [dreg:$0x2];
	[bflag:$0x3] =	sbarrier.arrive $0xFFFF;
	s2 =	simm.s32 @!p0 $0x1C01  }
0x47: {  	[timem:s3], [sflag:s2] =	dma.local @!p0 [hbm:s0], s1  }
0x48: {  	s0 =	simm.s32 @!p0 $0x1  }
0x49: {  	_ =	swait.ge @!p0 [sflag:s0], s1  }
0x4a: {  	s1 =	ssub.s32 @!p0 $0x0, s1;
	[sflag:s0] =	ssyncset.done @!p0 $0x0  }
0x4b: {  	[sflag:s0] =	ssyncadd.s32 @!p0 s1  }
0x4c: {  	[bflag:$0x3] =	sbarrier.arrive $0xFFFF  }
0x4d: {  	_ =	shalt  }

</sc_bundles>
